<compile_context>
chip_gen: v7x
topology: tpu7x:2x2x1
jax: 0.10.2.dev20260603
libtpu: 0.0.44.dev20260713+nightly
codegen_flags: <defaults>
</compile_context>

<pallas_src>
import jax
import jax.numpy as jnp
from jax import lax
from jax._src.pallas import mpmd as _mpmd
from jax.experimental import pallas as pl
from jax.experimental.pallas import tpu as pltpu
from jax.experimental.pallas import tpu_sc as plsc

BUF_SIZE = 1000000
FEAT = 32
BATCH = 16384
NUM_CORES = 2
NUM_SUBCORES = 16
L = 16
NW = NUM_CORES * NUM_SUBCORES
RPW = BUF_SIZE // NW
NCHUNK = BATCH // L
CCAP = BATCH + 192
DUMP = CCAP - 1
DMA_B = 128
NSTAT = 6

_mesh = plsc.VectorSubcoreMesh(
    core_axis_name="c",
    subcore_axis_name="s",
    num_cores=NUM_CORES,
    num_subcores=NUM_SUBCORES,
)

_params = pltpu.CompilerParams(
    needs_layout_passes=False, use_tc_tiling_on_sc=False
)


def _worker_id():
    return lax.axis_index("s") * NUM_CORES + lax.axis_index("c")


def _lists_body(idx_hbm, fjh, fih, cnth, idx_v, jl, fj, fi, table, sem_out):
    wid = _worker_id()
    base = wid * RPW
    iota = lax.iota(jnp.int32, L)

    pltpu.sync_copy(idx_hbm, idx_v)

    def scan_body(c, cnt):
        v = idx_v[pl.ds(c * L, L)]
        loc = v - base
        m = (loc >= 0) & (loc < RPW)
        mi = jnp.where(m, 1, 0)
        pc = plsc.cumsum(mi)
        dest = jnp.where(m, cnt + pc - 1, DUMP)
        plsc.store_scatter(jl, [dest], iota + c * L)
        return cnt + jnp.sum(mi)

    cnt = lax.fori_loop(0, NCHUNK, scan_body, jnp.int32(0), unroll=4)
    nc = (cnt + L - 1) // L

    def dedup_mark(p, carry):
        lanep = iota + p * L
        lv = lanep < cnt
        jv = jl[pl.ds(p * L, L)]
        jvs = jnp.clip(jv, 0, BATCH - 1)
        av = plsc.load_gather(idx_v, [jvs])
        loc = av - base
        locs = jnp.where(lv, loc, -1 - iota)
        kill = jnp.zeros((L,), jnp.bool_)
        for s in range(1, L):
            perm = jnp.minimum(iota + s, L - 1)
            shifted = jnp.take_along_axis(
                locs, perm, axis=0, mode="promise_in_bounds"
            )
            kill = kill | ((locs == shifted) & (iota < (L - s)))
        keep = lv & ~kill
        dest = jnp.where(keep, locs, RPW)
        plsc.store_scatter(table, [dest], lanep)
        return carry

    lax.fori_loop(0, nc, dedup_mark, jnp.int32(0))

    def dedup_select(p, wcnt):
        lanep = iota + p * L
        lv = lanep < cnt
        jv = jl[pl.ds(p * L, L)]
        jvs = jnp.clip(jv, 0, BATCH - 1)
        av = plsc.load_gather(idx_v, [jvs])
        loc = jnp.where(lv, av - base, RPW)
        locs = jnp.clip(loc, 0, RPW)
        w = plsc.load_gather(table, [locs])
        win = lv & (w == lanep)
        wi = jnp.where(win, 1, 0)
        pc = plsc.cumsum(wi)
        dest = jnp.where(win, wcnt + pc - 1, DUMP)
        plsc.store_scatter(fj, [dest], jv)
        plsc.store_scatter(fi, [dest], av)
        return wcnt + jnp.sum(wi)

    wcnt = lax.fori_loop(0, nc, dedup_select, jnp.int32(0))

    @pl.when(wcnt > 0)
    def _():
        lastpos = jnp.full((L,), wcnt - 1, dtype=jnp.int32)
        lastj = plsc.load_gather(fj, [lastpos])
        lasti = plsc.load_gather(fi, [lastpos])
        for k in range(DMA_B // L):
            fj[pl.ds(wcnt + k * L, L)] = lastj
            fi[pl.ds(wcnt + k * L, L)] = lasti

    jl[pl.ds(0, L)] = jnp.full((L,), wcnt, dtype=jnp.int32)
    c1 = pltpu.async_copy(fj, fjh.at[wid], sem_out)
    c2 = pltpu.async_copy(fi, fih.at[wid], sem_out)
    c3 = pltpu.async_copy(jl.at[pl.ds(0, L)], cnth.at[pl.ds(wid * L, L)], sem_out)
    c1.wait()
    c2.wait()
    c3.wait()


_sc_lists = _mpmd._mpmd_map(
    [(_mesh, _lists_body)],
    out_types=(
        jax.ShapeDtypeStruct((NW, CCAP), jnp.int32),
        jax.ShapeDtypeStruct((NW, CCAP), jnp.int32),
        jax.ShapeDtypeStruct((NW * L,), jnp.int32),
    ),
    scratch_types=[
        pltpu.VMEM((BATCH,), jnp.int32),
        pltpu.VMEM((CCAP,), jnp.int32),
        pltpu.VMEM((CCAP,), jnp.int32),
        pltpu.VMEM((CCAP,), jnp.int32),
        pltpu.VMEM((RPW + 1,), jnp.int32),
        pltpu.SemaphoreType.DMA,
    ],
    compiler_params=_params,
)


def _apply_body(
    x_hbm,
    y_hbm,
    tvec_hbm,
    fjh,
    fih,
    cnth,
    data_in,
    tgt_in,
    task_in,
    data_ref,
    tgt_ref,
    task_ref,
    fj,
    fi,
    cv,
    jrow,
    irow,
    rows,
    yrow,
    trow,
    sem_in,
    sem_out,
):
    wid = _worker_id()

    g1 = pltpu.async_copy(fjh.at[wid], fj, sem_in)
    g2 = pltpu.async_copy(fih.at[wid], fi, sem_in)
    g3 = pltpu.async_copy(cnth.at[pl.ds(wid * L, L)], cv, sem_in)
    pltpu.sync_copy(tvec_hbm, trow.at[pl.ds(0, L)])
    tv = trow[pl.ds(0, L)]
    for k in range(1, DMA_B // L):
        trow[pl.ds(k * L, L)] = tv
    g1.wait()
    g2.wait()
    g3.wait()
    wcnt = jnp.max(cv[pl.ds(0, L)])

    @pl.when(wcnt > 0)
    def _():
        nchunks = (wcnt + DMA_B - 1) // DMA_B

        for c in range(NSTAT):

            @pl.when(c < nchunks)
            def _(c=c):
                for k in range(DMA_B // L):
                    jrow[c, pl.ds(k * L, L)] = fj[pl.ds(c * DMA_B + k * L, L)]
                    irow[c, pl.ds(k * L, L)] = fi[pl.ds(c * DMA_B + k * L, L)]
                pltpu.async_copy(x_hbm.at[jrow.at[c]], rows.at[c], sem_in)
                pltpu.async_copy(y_hbm.at[jrow.at[c]], yrow.at[c], sem_in)

        for c in range(NSTAT):

            @pl.when(c < nchunks)
            def _(c=c):
                pltpu.make_async_copy(
                    x_hbm.at[jrow.at[c]], rows.at[c], sem_in
                ).wait()
                pltpu.make_async_copy(
                    y_hbm.at[jrow.at[c]], yrow.at[c], sem_in
                ).wait()
                pltpu.async_copy(rows.at[c], data_ref.at[irow.at[c]], sem_out)
                pltpu.async_copy(yrow.at[c], tgt_ref.at[irow.at[c]], sem_out)
                pltpu.async_copy(trow, task_ref.at[irow.at[c]], sem_out)

        for c in range(NSTAT):

            @pl.when(c < nchunks)
            def _(c=c):
                pltpu.make_async_copy(
                    rows.at[c], data_ref.at[irow.at[c]], sem_out
                ).wait()
                pltpu.make_async_copy(
                    yrow.at[c], tgt_ref.at[irow.at[c]], sem_out
                ).wait()
                pltpu.make_async_copy(
                    trow, task_ref.at[irow.at[c]], sem_out
                ).wait()

        @pl.when(nchunks > NSTAT)
        def _():
            def dma_body(c, carry):
                for k in range(DMA_B // L):
                    jrow[0, pl.ds(k * L, L)] = fj[pl.ds(c * DMA_B + k * L, L)]
                    irow[0, pl.ds(k * L, L)] = fi[pl.ds(c * DMA_B + k * L, L)]
                gx = pltpu.async_copy(x_hbm.at[jrow.at[0]], rows.at[0], sem_in)
                gy = pltpu.async_copy(y_hbm.at[jrow.at[0]], yrow.at[0], sem_in)
                gx.wait()
                gy.wait()
                sx = pltpu.async_copy(
                    rows.at[0], data_ref.at[irow.at[0]], sem_out
                )
                sy = pltpu.async_copy(
                    yrow.at[0], tgt_ref.at[irow.at[0]], sem_out
                )
                st = pltpu.async_copy(trow, task_ref.at[irow.at[0]], sem_out)
                sx.wait()
                sy.wait()
                st.wait()
                return carry

            lax.fori_loop(NSTAT, nchunks, dma_body, jnp.int32(0))


_sc_apply = _mpmd._mpmd_map(
    [(_mesh, _apply_body)],
    out_types=(
        jax.ShapeDtypeStruct((BUF_SIZE, FEAT), jnp.float32),
        jax.ShapeDtypeStruct((BUF_SIZE,), jnp.int32),
        jax.ShapeDtypeStruct((BUF_SIZE,), jnp.int32),
    ),
    input_output_aliases={6: 0, 7: 1, 8: 2},
    scratch_types=[
        pltpu.VMEM((CCAP,), jnp.int32),
        pltpu.VMEM((CCAP,), jnp.int32),
        pltpu.VMEM((L,), jnp.int32),
        pltpu.VMEM((NSTAT, DMA_B), jnp.int32),
        pltpu.VMEM((NSTAT, DMA_B), jnp.int32),
        pltpu.VMEM((NSTAT, DMA_B, FEAT), jnp.float32),
        pltpu.VMEM((NSTAT, DMA_B), jnp.int32),
        pltpu.VMEM((DMA_B,), jnp.int32),
        pltpu.SemaphoreType.DMA,
        pltpu.SemaphoreType.DMA,
    ],
    compiler_params=_params,
)


def kernel(x, y, task, idx, buf_data, buf_targets, buf_tasks):
    task_vec = jnp.full((L,), task, dtype=jnp.int32)
    fjh, fih, cnth = _sc_lists(idx)
    return _sc_apply(
        x, y, task_vec, fjh, fih, cnth, buf_data, buf_targets, buf_tasks
    )

# --- scband reference (transcript-rebuilt; emitter-appended) ---
"""Pipeline reference for scband-online-buffer-2061584302877 (READ-ONLY COPY).

The authoritative reference and input builder live on the scoring server;
editing this copy changes nothing except your own understanding.
"""

import jax, jax.numpy as jnp
import numpy as np

BUFFER_SIZE = 1000000
FEAT = 32
BATCH = 16384


def setup_inputs(seed: int = 0) -> dict:
    key = jax.random.key(seed)
    k1, k2, k3 = jax.random.split(key, 3)
    x = jax.random.normal(k1, (BATCH, FEAT), dtype=jnp.float32)
    y = jax.random.randint(k2, (BATCH,), 0, 1000, dtype=jnp.int32)
    idx = jax.random.randint(k3, (BATCH,), 0, BUFFER_SIZE, dtype=jnp.int32)
    task = 3
    # registered buffers of the torch module (state, initialized to zero)
    buf_data = jnp.zeros((BUFFER_SIZE, FEAT), dtype=jnp.float32)
    buf_targets = jnp.zeros((BUFFER_SIZE,), dtype=jnp.int32)
    buf_tasks = jnp.zeros((BUFFER_SIZE,), dtype=jnp.int32)
    return {
        "x": x,
        "y": y,
        "task": task,
        "idx": idx,
        "buf_data": buf_data,
        "buf_targets": buf_targets,
        "buf_tasks": buf_tasks,
    }


def reference(x, y, task, idx, buf_data, buf_targets, buf_tasks):
    # Functional translation of OnlineBuffer.add_reservoir reservoir-write path
    # (buffer assumed full, so all samples go through the scatter-overwrite branch):
    #   self.buf_data[idx_buffer] = x[idx_new_data]
    #   self.buf_targets[idx_buffer] = y[idx_new_data]
    #   self.buf_tasks[idx_buffer] = task
    # Reservoir indices idx are precomputed (passed in) for determinism; with
    # fill_max == buffer_size every index is valid, matching the torch masking.
    new_buf_data = buf_data.at[idx].set(x)
    new_buf_targets = buf_targets.at[idx].set(y)
    new_buf_tasks = buf_tasks.at[idx].set(jnp.full(idx.shape, task, dtype=buf_tasks.dtype))
    return (new_buf_data, new_buf_targets, new_buf_tasks)

if __name__ == "__main__":
    import jax
    _d = setup_inputs()
    print(jax.jit(kernel)(*tuple(_d.values())))

</pallas_src>

<mosaic_0001>
#map = affine_map<(d0, d1) -> (0)>
#map1 = affine_map<(d0, d1) -> (0, 0)>
module attributes {stable_mosaic.version = 14 : i64} {
  func.func @_lists_body(%arg0: i32, %arg1: i32, %arg2: memref<16384xi32, #tpu.memory_space<hbm>>, %arg3: memref<32x16576xi32, #tpu.memory_space<hbm>>, %arg4: memref<32x16576xi32, #tpu.memory_space<hbm>>, %arg5: memref<512xi32, #tpu.memory_space<hbm>>, %arg6: memref<16384xi32, #tpu.memory_space<vmem>>, %arg7: memref<16576xi32, #tpu.memory_space<vmem>>, %arg8: memref<16576xi32, #tpu.memory_space<vmem>>, %arg9: memref<16576xi32, #tpu.memory_space<vmem>>, %arg10: memref<31251xi32, #tpu.memory_space<vmem>>, %arg11: memref<!tpu.dma_semaphore, #tpu.memory_space<semaphore_mem>>) attributes {dimension_semantics = [#tpu.dimension_semantics<core_parallel>, #tpu.dimension_semantics<subcore_parallel>], iteration_bounds = array<i64: 2, 16>, scalar_prefetch = 0 : i64, scratch_operands = 6 : i64, tpu.core_type = #tpu.core_type<sc_vector_subcore>, window_params = [{transform_indices = #map}, {transform_indices = #map1}, {transform_indices = #map1}, {transform_indices = #map}]} {
    %mul3A = arith.constant 2 : i32
    %mul3A_0 = arith.muli %arg1, %mul3A : i32
    %add3A = arith.addi %mul3A_0, %arg0 : i32
    %mul3A_1 = arith.constant 31250 : i32
    %mul3A_2 = arith.muli %add3A, %mul3A_1 : i32
    %iota3A = tpu.iota {dimensions = array<i32: 0>} : vector<16xi32>
    "tpu.region"() ({
      %run_scoped3A = tpu.sem_alloc : memref<!tpu.dma_semaphore, #tpu.memory_space<semaphore_mem>>
      tpu.enqueue_dma source(%arg2 : memref<16384xi32, #tpu.memory_space<hbm>>) target(%arg6 : memref<16384xi32, #tpu.memory_space<vmem>>) target_semaphore(%run_scoped3A : memref<!tpu.dma_semaphore, #tpu.memory_space<semaphore_mem>>)
      tpu.wait_dma2 semaphore(%run_scoped3A : memref<!tpu.dma_semaphore, #tpu.memory_space<semaphore_mem>>) src(%arg2 : memref<16384xi32, #tpu.memory_space<hbm>>) dst(%arg6 : memref<16384xi32, #tpu.memory_space<vmem>>)
      tpu.yield
    }) : () -> ()
    %scan3A = arith.constant 0 : i32
    %scan3A_3 = arith.constant 0 : i32
    %scan3A_4 = arith.constant 1024 : i32
    %scan3A_5 = arith.addi %scan3A_3, %scan3A_4 : i32
    %scan3A_6 = arith.constant 4 : i32
    %scan3A_7 = scf.for %scan3A_89 = %scan3A_3 to %scan3A_5 step %scan3A_6 iter_args(%scan3A_90 = %scan3A) -> (i32)  : i32 {
      %mul3A_91 = arith.constant 16 : i32
      %mul3A_92 = arith.muli %scan3A_89, %mul3A_91 : i32
      %get3A = arith.index_cast %mul3A_92 : i32 to index
      %get3A_93 = tpu.vector_load %arg6[%get3A] {strides = array<i32>} : memref<16384xi32, #tpu.memory_space<vmem>>, vector<16xi32>,
      %sub3A_94 = vector.broadcast %mul3A_2 : i32 to vector<16xi32>
      %sub3A_95 = arith.subi %get3A_93, %sub3A_94 : vector<16xi32>
      %ge3A = arith.constant 0 : i32
      %ge3A_96 = vector.broadcast %ge3A : i32 to vector<16xi32>
      %ge3A_97 = arith.cmpi sge, %sub3A_95, %ge3A_96 : vector<16xi32>
      %lt3A = arith.constant 31250 : i32
      %lt3A_98 = vector.broadcast %lt3A : i32 to vector<16xi32>
      %lt3A_99 = arith.cmpi slt, %sub3A_95, %lt3A_98 : vector<16xi32>
      %and3A_100 = arith.andi %ge3A_97, %lt3A_99 : vector<16xi1>
      %jit3A_101 = arith.constant 1 : i32
      %jit3A_102 = arith.constant 0 : i32
      %broadcast_in_dim3A_103 = vector.broadcast %jit3A_101 : i32 to vector<16xi32>
      %broadcast_in_dim3A_104 = vector.broadcast %jit3A_102 : i32 to vector<16xi32>
      %select_n3A_105 = arith.select %and3A_100, %broadcast_in_dim3A_103, %broadcast_in_dim3A_104 : vector<16xi1>, vector<16xi32>
      %broadcast_in_dim3A_106 = arith.constant true
      %broadcast_in_dim3A_107 = vector.broadcast %broadcast_in_dim3A_106 : i1 to vector<16xi1>
      %masked_cumsum3A = tpu.scan <sum>, %select_n3A_105 masked %broadcast_in_dim3A_107 : vector<16xi32>, vector<16xi1> -> vector<16xi32>
      %add3A_108 = vector.broadcast %scan3A_90 : i32 to vector<16xi32>
      %add3A_109 = arith.addi %add3A_108, %masked_cumsum3A : vector<16xi32>
      %sub3A_110 = arith.constant 1 : i32
      %sub3A_111 = vector.broadcast %sub3A_110 : i32 to vector<16xi32>
      %sub3A_112 = arith.subi %add3A_109, %sub3A_111 : vector<16xi32>
      %jit3A_113 = arith.constant 16575 : i32
      %broadcast_in_dim3A_114 = vector.broadcast %jit3A_113 : i32 to vector<16xi32>
      %select_n3A_115 = arith.select %and3A_100, %sub3A_112, %broadcast_in_dim3A_114 : vector<16xi1>, vector<16xi32>
      %mul3A_116 = arith.constant 16 : i32
      %mul3A_117 = arith.muli %scan3A_89, %mul3A_116 : i32
      %add3A_118 = vector.broadcast %mul3A_117 : i32 to vector<16xi32>
      %add3A_119 = arith.addi %iota3A, %add3A_118 : vector<16xi32>
      tpu.vector_store_idx %arg7[%select_n3A_115], %add3A_119 : memref<16576xi32, #tpu.memory_space<vmem>>[vector<16xi32>], vector<16xi32>,
      %reduce_sum3A = arith.constant true
      %reduce_sum3A_120 = vector.broadcast %reduce_sum3A : i1 to vector<16xi1>
      %reduce_sum3A_121 = tpu.scan <sum>, %select_n3A_105 masked %reduce_sum3A_120 : vector<16xi32>, vector<16xi1> -> vector<16xi32>
      %reduce_sum3A_122 = vector.extract %reduce_sum3A_121[15] : i32 from vector<16xi32>
      %add3A_123 = arith.addi %scan3A_90, %reduce_sum3A_122 : i32
      %scan3A_124 = arith.constant 1 : i32
      %scan3A_125 = arith.addi %scan3A_89, %scan3A_124 : i32
      %mul3A_126 = arith.constant 16 : i32
      %mul3A_127 = arith.muli %scan3A_125, %mul3A_126 : i32
      %get3A_128 = arith.index_cast %mul3A_127 : i32 to index
      %get3A_129 = tpu.vector_load %arg6[%get3A_128] {strides = array<i32>} : memref<16384xi32, #tpu.memory_space<vmem>>, vector<16xi32>,
      %sub3A_130 = vector.broadcast %mul3A_2 : i32 to vector<16xi32>
      %sub3A_131 = arith.subi %get3A_129, %sub3A_130 : vector<16xi32>
      %ge3A_132 = arith.constant 0 : i32
      %ge3A_133 = vector.broadcast %ge3A_132 : i32 to vector<16xi32>
      %ge3A_134 = arith.cmpi sge, %sub3A_131, %ge3A_133 : vector<16xi32>
      %lt3A_135 = arith.constant 31250 : i32
      %lt3A_136 = vector.broadcast %lt3A_135 : i32 to vector<16xi32>
      %lt3A_137 = arith.cmpi slt, %sub3A_131, %lt3A_136 : vector<16xi32>
      %and3A_138 = arith.andi %ge3A_134, %lt3A_137 : vector<16xi1>
      %jit3A_139 = arith.constant 1 : i32
      %jit3A_140 = arith.constant 0 : i32
      %broadcast_in_dim3A_141 = vector.broadcast %jit3A_139 : i32 to vector<16xi32>
      %broadcast_in_dim3A_142 = vector.broadcast %jit3A_140 : i32 to vector<16xi32>
      %select_n3A_143 = arith.select %and3A_138, %broadcast_in_dim3A_141, %broadcast_in_dim3A_142 : vector<16xi1>, vector<16xi32>
      %broadcast_in_dim3A_144 = arith.constant true
      %broadcast_in_dim3A_145 = vector.broadcast %broadcast_in_dim3A_144 : i1 to vector<16xi1>
      %masked_cumsum3A_146 = tpu.scan <sum>, %select_n3A_143 masked %broadcast_in_dim3A_145 : vector<16xi32>, vector<16xi1> -> vector<16xi32>
      %add3A_147 = vector.broadcast %add3A_123 : i32 to vector<16xi32>
      %add3A_148 = arith.addi %add3A_147, %masked_cumsum3A_146 : vector<16xi32>
      %sub3A_149 = arith.constant 1 : i32
      %sub3A_150 = vector.broadcast %sub3A_149 : i32 to vector<16xi32>
      %sub3A_151 = arith.subi %add3A_148, %sub3A_150 : vector<16xi32>
      %jit3A_152 = arith.constant 16575 : i32
      %broadcast_in_dim3A_153 = vector.broadcast %jit3A_152 : i32 to vector<16xi32>
      %select_n3A_154 = arith.select %and3A_138, %sub3A_151, %broadcast_in_dim3A_153 : vector<16xi1>, vector<16xi32>
      %mul3A_155 = arith.constant 16 : i32
      %mul3A_156 = arith.muli %scan3A_125, %mul3A_155 : i32
      %add3A_157 = vector.broadcast %mul3A_156 : i32 to vector<16xi32>
      %add3A_158 = arith.addi %iota3A, %add3A_157 : vector<16xi32>
      tpu.vector_store_idx %arg7[%select_n3A_154], %add3A_158 : memref<16576xi32, #tpu.memory_space<vmem>>[vector<16xi32>], vector<16xi32>,
      %reduce_sum3A_159 = arith.constant true
      %reduce_sum3A_160 = vector.broadcast %reduce_sum3A_159 : i1 to vector<16xi1>
      %reduce_sum3A_161 = tpu.scan <sum>, %select_n3A_143 masked %reduce_sum3A_160 : vector<16xi32>, vector<16xi1> -> vector<16xi32>
      %reduce_sum3A_162 = vector.extract %reduce_sum3A_161[15] : i32 from vector<16xi32>
      %add3A_163 = arith.addi %add3A_123, %reduce_sum3A_162 : i32
      %scan3A_164 = arith.constant 2 : i32
      %scan3A_165 = arith.addi %scan3A_89, %scan3A_164 : i32
      %mul3A_166 = arith.constant 16 : i32
      %mul3A_167 = arith.muli %scan3A_165, %mul3A_166 : i32
      %get3A_168 = arith.index_cast %mul3A_167 : i32 to index
      %get3A_169 = tpu.vector_load %arg6[%get3A_168] {strides = array<i32>} : memref<16384xi32, #tpu.memory_space<vmem>>, vector<16xi32>,
      %sub3A_170 = vector.broadcast %mul3A_2 : i32 to vector<16xi32>
      %sub3A_171 = arith.subi %get3A_169, %sub3A_170 : vector<16xi32>
      %ge3A_172 = arith.constant 0 : i32
      %ge3A_173 = vector.broadcast %ge3A_172 : i32 to vector<16xi32>
      %ge3A_174 = arith.cmpi sge, %sub3A_171, %ge3A_173 : vector<16xi32>
      %lt3A_175 = arith.constant 31250 : i32
      %lt3A_176 = vector.broadcast %lt3A_175 : i32 to vector<16xi32>
      %lt3A_177 = arith.cmpi slt, %sub3A_171, %lt3A_176 : vector<16xi32>
      %and3A_178 = arith.andi %ge3A_174, %lt3A_177 : vector<16xi1>
      %jit3A_179 = arith.constant 1 : i32
      %jit3A_180 = arith.constant 0 : i32
      %broadcast_in_dim3A_181 = vector.broadcast %jit3A_179 : i32 to vector<16xi32>
      %broadcast_in_dim3A_182 = vector.broadcast %jit3A_180 : i32 to vector<16xi32>
      %select_n3A_183 = arith.select %and3A_178, %broadcast_in_dim3A_181, %broadcast_in_dim3A_182 : vector<16xi1>, vector<16xi32>
      %broadcast_in_dim3A_184 = arith.constant true
      %broadcast_in_dim3A_185 = vector.broadcast %broadcast_in_dim3A_184 : i1 to vector<16xi1>
      %masked_cumsum3A_186 = tpu.scan <sum>, %select_n3A_183 masked %broadcast_in_dim3A_185 : vector<16xi32>, vector<16xi1> -> vector<16xi32>
      %add3A_187 = vector.broadcast %add3A_163 : i32 to vector<16xi32>
      %add3A_188 = arith.addi %add3A_187, %masked_cumsum3A_186 : vector<16xi32>
      %sub3A_189 = arith.constant 1 : i32
      %sub3A_190 = vector.broadcast %sub3A_189 : i32 to vector<16xi32>
      %sub3A_191 = arith.subi %add3A_188, %sub3A_190 : vector<16xi32>
      %jit3A_192 = arith.constant 16575 : i32
      %broadcast_in_dim3A_193 = vector.broadcast %jit3A_192 : i32 to vector<16xi32>
      %select_n3A_194 = arith.select %and3A_178, %sub3A_191, %broadcast_in_dim3A_193 : vector<16xi1>, vector<16xi32>
      %mul3A_195 = arith.constant 16 : i32
      %mul3A_196 = arith.muli %scan3A_165, %mul3A_195 : i32
      %add3A_197 = vector.broadcast %mul3A_196 : i32 to vector<16xi32>
      %add3A_198 = arith.addi %iota3A, %add3A_197 : vector<16xi32>
      tpu.vector_store_idx %arg7[%select_n3A_194], %add3A_198 : memref<16576xi32, #tpu.memory_space<vmem>>[vector<16xi32>], vector<16xi32>,
      %reduce_sum3A_199 = arith.constant true
      %reduce_sum3A_200 = vector.broadcast %reduce_sum3A_199 : i1 to vector<16xi1>
      %reduce_sum3A_201 = tpu.scan <sum>, %select_n3A_183 masked %reduce_sum3A_200 : vector<16xi32>, vector<16xi1> -> vector<16xi32>
      %reduce_sum3A_202 = vector.extract %reduce_sum3A_201[15] : i32 from vector<16xi32>
      %add3A_203 = arith.addi %add3A_163, %reduce_sum3A_202 : i32
      %scan3A_204 = arith.constant 3 : i32
      %scan3A_205 = arith.addi %scan3A_89, %scan3A_204 : i32
      %mul3A_206 = arith.constant 16 : i32
      %mul3A_207 = arith.muli %scan3A_205, %mul3A_206 : i32
      %get3A_208 = arith.index_cast %mul3A_207 : i32 to index
      %get3A_209 = tpu.vector_load %arg6[%get3A_208] {strides = array<i32>} : memref<16384xi32, #tpu.memory_space<vmem>>, vector<16xi32>,
      %sub3A_210 = vector.broadcast %mul3A_2 : i32 to vector<16xi32>
      %sub3A_211 = arith.subi %get3A_209, %sub3A_210 : vector<16xi32>
      %ge3A_212 = arith.constant 0 : i32
      %ge3A_213 = vector.broadcast %ge3A_212 : i32 to vector<16xi32>
      %ge3A_214 = arith.cmpi sge, %sub3A_211, %ge3A_213 : vector<16xi32>
      %lt3A_215 = arith.constant 31250 : i32
      %lt3A_216 = vector.broadcast %lt3A_215 : i32 to vector<16xi32>
      %lt3A_217 = arith.cmpi slt, %sub3A_211, %lt3A_216 : vector<16xi32>
      %and3A_218 = arith.andi %ge3A_214, %lt3A_217 : vector<16xi1>
      %jit3A_219 = arith.constant 1 : i32
      %jit3A_220 = arith.constant 0 : i32
      %broadcast_in_dim3A_221 = vector.broadcast %jit3A_219 : i32 to vector<16xi32>
      %broadcast_in_dim3A_222 = vector.broadcast %jit3A_220 : i32 to vector<16xi32>
      %select_n3A_223 = arith.select %and3A_218, %broadcast_in_dim3A_221, %broadcast_in_dim3A_222 : vector<16xi1>, vector<16xi32>
      %broadcast_in_dim3A_224 = arith.constant true
      %broadcast_in_dim3A_225 = vector.broadcast %broadcast_in_dim3A_224 : i1 to vector<16xi1>
      %masked_cumsum3A_226 = tpu.scan <sum>, %select_n3A_223 masked %broadcast_in_dim3A_225 : vector<16xi32>, vector<16xi1> -> vector<16xi32>
      %add3A_227 = vector.broadcast %add3A_203 : i32 to vector<16xi32>
      %add3A_228 = arith.addi %add3A_227, %masked_cumsum3A_226 : vector<16xi32>
      %sub3A_229 = arith.constant 1 : i32
      %sub3A_230 = vector.broadcast %sub3A_229 : i32 to vector<16xi32>
      %sub3A_231 = arith.subi %add3A_228, %sub3A_230 : vector<16xi32>
      %jit3A_232 = arith.constant 16575 : i32
      %broadcast_in_dim3A_233 = vector.broadcast %jit3A_232 : i32 to vector<16xi32>
      %select_n3A_234 = arith.select %and3A_218, %sub3A_231, %broadcast_in_dim3A_233 : vector<16xi1>, vector<16xi32>
      %mul3A_235 = arith.constant 16 : i32
      %mul3A_236 = arith.muli %scan3A_205, %mul3A_235 : i32
      %add3A_237 = vector.broadcast %mul3A_236 : i32 to vector<16xi32>
      %add3A_238 = arith.addi %iota3A, %add3A_237 : vector<16xi32>
      tpu.vector_store_idx %arg7[%select_n3A_234], %add3A_238 : memref<16576xi32, #tpu.memory_space<vmem>>[vector<16xi32>], vector<16xi32>,
      %reduce_sum3A_239 = arith.constant true
      %reduce_sum3A_240 = vector.broadcast %reduce_sum3A_239 : i1 to vector<16xi1>
      %reduce_sum3A_241 = tpu.scan <sum>, %select_n3A_223 masked %reduce_sum3A_240 : vector<16xi32>, vector<16xi1> -> vector<16xi32>
      %reduce_sum3A_242 = vector.extract %reduce_sum3A_241[15] : i32 from vector<16xi32>
      %add3A_243 = arith.addi %add3A_203, %reduce_sum3A_242 : i32
      scf.yield %add3A_243 : i32
    }
    %scan3A_8 = arith.constant 1024 : i32
    %add3A_9 = arith.constant 16 : i32
    %add3A_10 = arith.addi %scan3A_7, %add3A_9 : i32
    %sub3A = arith.constant 1 : i32
    %sub3A_11 = arith.subi %add3A_10, %sub3A : i32
    %jit3A = arith.constant 16 : i32
    %div3A = arith.divsi %sub3A_11, %jit3A : i32
    %sign3A = arith.constant 0 : i32
    %sign3A_12 = arith.cmpi sgt, %sub3A_11, %sign3A : i32
    %sign3A_13 = arith.extui %sign3A_12 : i1 to i32
    %sign3A_14 = arith.constant 0 : i32
    %sign3A_15 = arith.cmpi slt, %sub3A_11, %sign3A_14 : i32
    %sign3A_16 = arith.extui %sign3A_15 : i1 to i32
    %sign3A_17 = arith.subi %sign3A_13, %sign3A_16 : i32
    %sign3A_18 = arith.constant 0 : i32
    %sign3A_19 = arith.cmpi sgt, %jit3A, %sign3A_18 : i32
    %sign3A_20 = arith.extui %sign3A_19 : i1 to i32
    %sign3A_21 = arith.constant 0 : i32
    %sign3A_22 = arith.cmpi slt, %jit3A, %sign3A_21 : i32
    %sign3A_23 = arith.extui %sign3A_22 : i1 to i32
    %sign3A_24 = arith.subi %sign3A_20, %sign3A_23 : i32
    %ne3A = arith.cmpi ne, %sign3A_17, %sign3A_24 : i32
    %rem3A = arith.remsi %sub3A_11, %jit3A : i32
    %ne3A_25 = arith.constant 0 : i32
    %ne3A_26 = arith.cmpi ne, %rem3A, %ne3A_25 : i32
    %and3A = arith.andi %ne3A, %ne3A_26 : i1
    %sub3A_27 = arith.constant 1 : i32
    %sub3A_28 = arith.subi %div3A, %sub3A_27 : i32
    %select_n3A = arith.select %and3A, %sub3A_28, %div3A : i32
    %while3A = arith.constant 0 : i32
    %while3A_29 = arith.constant 0 : i32
    %while3A_30 = arith.subi %select_n3A, %while3A_29 : i32
    %while3A_31 = arith.addi %while3A_29, %while3A_30 : i32
    %while3A_32 = arith.constant 1 : i32
    %while3A_33 = arith.divsi %while3A_30, %while3A_32 : i32
    %while3A_34 = arith.muli %while3A_33, %while3A_32 : i32
    %while3A_35 = arith.addi %while3A_29, %while3A_34 : i32
    %while3A_36 = arith.constant 1 : i32
    scf.for %while3A_89 = %while3A_29 to %while3A_35 step %while3A_36  : i32 {
      %mul3A_90 = arith.constant 16 : i32
      %mul3A_91 = arith.muli %while3A_89, %mul3A_90 : i32
      %add3A_92 = vector.broadcast %mul3A_91 : i32 to vector<16xi32>
      %add3A_93 = arith.addi %iota3A, %add3A_92 : vector<16xi32>
      %lt3A = vector.broadcast %scan3A_7 : i32 to vector<16xi32>
      %lt3A_94 = arith.cmpi slt, %add3A_93, %lt3A : vector<16xi32>
      %mul3A_95 = arith.constant 16 : i32
      %mul3A_96 = arith.muli %while3A_89, %mul3A_95 : i32
      %get3A = arith.index_cast %mul3A_96 : i32 to index
      %get3A_97 = tpu.vector_load %arg7[%get3A] {strides = array<i32>} : memref<16576xi32, #tpu.memory_space<vmem>>, vector<16xi32>,
      %jit3A_98 = arith.constant 0 : i32
      %jit3A_99 = arith.constant 16383 : i32
      %max3A = vector.broadcast %jit3A_98 : i32 to vector<16xi32>
      %max3A_100 = arith.maxsi %max3A, %get3A_97 : vector<16xi32>
      %min3A = vector.broadcast %jit3A_99 : i32 to vector<16xi32>
      %min3A_101 = arith.minsi %min3A, %max3A_100 : vector<16xi32>
      %gather3A = tpu.vector_load_idx %arg6[%min3A_101] : memref<16384xi32, #tpu.memory_space<vmem>>[vector<16xi32>], vector<16xi32>,
      %sub3A_102 = vector.broadcast %mul3A_2 : i32 to vector<16xi32>
      %sub3A_103 = arith.subi %gather3A, %sub3A_102 : vector<16xi32>
      %sub3A_104 = arith.constant -1 : i32
      %sub3A_105 = vector.broadcast %sub3A_104 : i32 to vector<16xi32>
      %sub3A_106 = arith.subi %sub3A_105, %iota3A : vector<16xi32>
      %select_n3A_107 = arith.select %lt3A_94, %sub3A_103, %sub3A_106 : vector<16xi1>, vector<16xi32>
      %broadcast_in_dim3A_108 = arith.constant false
      %broadcast_in_dim3A_109 = vector.broadcast %broadcast_in_dim3A_108 : i1 to vector<16xi1>
      %add3A_110 = arith.constant 1 : i32
      %add3A_111 = vector.broadcast %add3A_110 : i32 to vector<16xi32>
      %add3A_112 = arith.addi %iota3A, %add3A_111 : vector<16xi32>
      %min3A_113 = arith.constant 15 : i32
      %min3A_114 = vector.broadcast %min3A_113 : i32 to vector<16xi32>
      %min3A_115 = arith.minsi %add3A_112, %min3A_114 : vector<16xi32>
      %reshape3A = vector.shape_cast %min3A_115 : vector<16xi32> to vector<16x1xi32>
      %gather3A_116 = vector.shape_cast %reshape3A : vector<16x1xi32> to vector<16xi32>
      %gather3A_117 = tpu.dynamic_gather %select_n3A_107[%gather3A_116] in [0] : vector<16xi32>, vector<16xi32> -> vector<16xi32>
      %eq3A = arith.cmpi eq, %select_n3A_107, %gather3A_117 : vector<16xi32>
      %lt3A_118 = arith.constant 15 : i32
      %lt3A_119 = vector.broadcast %lt3A_118 : i32 to vector<16xi32>
      %lt3A_120 = arith.cmpi slt, %iota3A, %lt3A_119 : vector<16xi32>
      %and3A_121 = arith.andi %eq3A, %lt3A_120 : vector<16xi1>
      %or3A = arith.ori %broadcast_in_dim3A_109, %and3A_121 : vector<16xi1>
      %add3A_122 = arith.constant 2 : i32
      %add3A_123 = vector.broadcast %add3A_122 : i32 to vector<16xi32>
      %add3A_124 = arith.addi %iota3A, %add3A_123 : vector<16xi32>
      %min3A_125 = arith.constant 15 : i32
      %min3A_126 = vector.broadcast %min3A_125 : i32 to vector<16xi32>
      %min3A_127 = arith.minsi %add3A_124, %min3A_126 : vector<16xi32>
      %reshape3A_128 = vector.shape_cast %min3A_127 : vector<16xi32> to vector<16x1xi32>
      %gather3A_129 = vector.shape_cast %reshape3A_128 : vector<16x1xi32> to vector<16xi32>
      %gather3A_130 = tpu.dynamic_gather %select_n3A_107[%gather3A_129] in [0] : vector<16xi32>, vector<16xi32> -> vector<16xi32>
      %eq3A_131 = arith.cmpi eq, %select_n3A_107, %gather3A_130 : vector<16xi32>
      %lt3A_132 = arith.constant 14 : i32
      %lt3A_133 = vector.broadcast %lt3A_132 : i32 to vector<16xi32>
      %lt3A_134 = arith.cmpi slt, %iota3A, %lt3A_133 : vector<16xi32>
      %and3A_135 = arith.andi %eq3A_131, %lt3A_134 : vector<16xi1>
      %or3A_136 = arith.ori %or3A, %and3A_135 : vector<16xi1>
      %add3A_137 = arith.constant 3 : i32
      %add3A_138 = vector.broadcast %add3A_137 : i32 to vector<16xi32>
      %add3A_139 = arith.addi %iota3A, %add3A_138 : vector<16xi32>
      %min3A_140 = arith.constant 15 : i32
      %min3A_141 = vector.broadcast %min3A_140 : i32 to vector<16xi32>
      %min3A_142 = arith.minsi %add3A_139, %min3A_141 : vector<16xi32>
      %reshape3A_143 = vector.shape_cast %min3A_142 : vector<16xi32> to vector<16x1xi32>
      %gather3A_144 = vector.shape_cast %reshape3A_143 : vector<16x1xi32> to vector<16xi32>
      %gather3A_145 = tpu.dynamic_gather %select_n3A_107[%gather3A_144] in [0] : vector<16xi32>, vector<16xi32> -> vector<16xi32>
      %eq3A_146 = arith.cmpi eq, %select_n3A_107, %gather3A_145 : vector<16xi32>
      %lt3A_147 = arith.constant 13 : i32
      %lt3A_148 = vector.broadcast %lt3A_147 : i32 to vector<16xi32>
      %lt3A_149 = arith.cmpi slt, %iota3A, %lt3A_148 : vector<16xi32>
      %and3A_150 = arith.andi %eq3A_146, %lt3A_149 : vector<16xi1>
      %or3A_151 = arith.ori %or3A_136, %and3A_150 : vector<16xi1>
      %add3A_152 = arith.constant 4 : i32
      %add3A_153 = vector.broadcast %add3A_152 : i32 to vector<16xi32>
      %add3A_154 = arith.addi %iota3A, %add3A_153 : vector<16xi32>
      %min3A_155 = arith.constant 15 : i32
      %min3A_156 = vector.broadcast %min3A_155 : i32 to vector<16xi32>
      %min3A_157 = arith.minsi %add3A_154, %min3A_156 : vector<16xi32>
      %reshape3A_158 = vector.shape_cast %min3A_157 : vector<16xi32> to vector<16x1xi32>
      %gather3A_159 = vector.shape_cast %reshape3A_158 : vector<16x1xi32> to vector<16xi32>
      %gather3A_160 = tpu.dynamic_gather %select_n3A_107[%gather3A_159] in [0] : vector<16xi32>, vector<16xi32> -> vector<16xi32>
      %eq3A_161 = arith.cmpi eq, %select_n3A_107, %gather3A_160 : vector<16xi32>
      %lt3A_162 = arith.constant 12 : i32
      %lt3A_163 = vector.broadcast %lt3A_162 : i32 to vector<16xi32>
      %lt3A_164 = arith.cmpi slt, %iota3A, %lt3A_163 : vector<16xi32>
      %and3A_165 = arith.andi %eq3A_161, %lt3A_164 : vector<16xi1>
      %or3A_166 = arith.ori %or3A_151, %and3A_165 : vector<16xi1>
      %add3A_167 = arith.constant 5 : i32
      %add3A_168 = vector.broadcast %add3A_167 : i32 to vector<16xi32>
      %add3A_169 = arith.addi %iota3A, %add3A_168 : vector<16xi32>
      %min3A_170 = arith.constant 15 : i32
      %min3A_171 = vector.broadcast %min3A_170 : i32 to vector<16xi32>
      %min3A_172 = arith.minsi %add3A_169, %min3A_171 : vector<16xi32>
      %reshape3A_173 = vector.shape_cast %min3A_172 : vector<16xi32> to vector<16x1xi32>
      %gather3A_174 = vector.shape_cast %reshape3A_173 : vector<16x1xi32> to vector<16xi32>
      %gather3A_175 = tpu.dynamic_gather %select_n3A_107[%gather3A_174] in [0] : vector<16xi32>, vector<16xi32> -> vector<16xi32>
      %eq3A_176 = arith.cmpi eq, %select_n3A_107, %gather3A_175 : vector<16xi32>
      %lt3A_177 = arith.constant 11 : i32
      %lt3A_178 = vector.broadcast %lt3A_177 : i32 to vector<16xi32>
      %lt3A_179 = arith.cmpi slt, %iota3A, %lt3A_178 : vector<16xi32>
      %and3A_180 = arith.andi %eq3A_176, %lt3A_179 : vector<16xi1>
      %or3A_181 = arith.ori %or3A_166, %and3A_180 : vector<16xi1>
      %add3A_182 = arith.constant 6 : i32
      %add3A_183 = vector.broadcast %add3A_182 : i32 to vector<16xi32>
      %add3A_184 = arith.addi %iota3A, %add3A_183 : vector<16xi32>
      %min3A_185 = arith.constant 15 : i32
      %min3A_186 = vector.broadcast %min3A_185 : i32 to vector<16xi32>
      %min3A_187 = arith.minsi %add3A_184, %min3A_186 : vector<16xi32>
      %reshape3A_188 = vector.shape_cast %min3A_187 : vector<16xi32> to vector<16x1xi32>
      %gather3A_189 = vector.shape_cast %reshape3A_188 : vector<16x1xi32> to vector<16xi32>
      %gather3A_190 = tpu.dynamic_gather %select_n3A_107[%gather3A_189] in [0] : vector<16xi32>, vector<16xi32> -> vector<16xi32>
      %eq3A_191 = arith.cmpi eq, %select_n3A_107, %gather3A_190 : vector<16xi32>
      %lt3A_192 = arith.constant 10 : i32
      %lt3A_193 = vector.broadcast %lt3A_192 : i32 to vector<16xi32>
      %lt3A_194 = arith.cmpi slt, %iota3A, %lt3A_193 : vector<16xi32>
      %and3A_195 = arith.andi %eq3A_191, %lt3A_194 : vector<16xi1>
      %or3A_196 = arith.ori %or3A_181, %and3A_195 : vector<16xi1>
      %add3A_197 = arith.constant 7 : i32
      %add3A_198 = vector.broadcast %add3A_197 : i32 to vector<16xi32>
      %add3A_199 = arith.addi %iota3A, %add3A_198 : vector<16xi32>
      %min3A_200 = arith.constant 15 : i32
      %min3A_201 = vector.broadcast %min3A_200 : i32 to vector<16xi32>
      %min3A_202 = arith.minsi %add3A_199, %min3A_201 : vector<16xi32>
      %reshape3A_203 = vector.shape_cast %min3A_202 : vector<16xi32> to vector<16x1xi32>
      %gather3A_204 = vector.shape_cast %reshape3A_203 : vector<16x1xi32> to vector<16xi32>
      %gather3A_205 = tpu.dynamic_gather %select_n3A_107[%gather3A_204] in [0] : vector<16xi32>, vector<16xi32> -> vector<16xi32>
      %eq3A_206 = arith.cmpi eq, %select_n3A_107, %gather3A_205 : vector<16xi32>
      %lt3A_207 = arith.constant 9 : i32
      %lt3A_208 = vector.broadcast %lt3A_207 : i32 to vector<16xi32>
      %lt3A_209 = arith.cmpi slt, %iota3A, %lt3A_208 : vector<16xi32>
      %and3A_210 = arith.andi %eq3A_206, %lt3A_209 : vector<16xi1>
      %or3A_211 = arith.ori %or3A_196, %and3A_210 : vector<16xi1>
      %add3A_212 = arith.constant 8 : i32
      %add3A_213 = vector.broadcast %add3A_212 : i32 to vector<16xi32>
      %add3A_214 = arith.addi %iota3A, %add3A_213 : vector<16xi32>
      %min3A_215 = arith.constant 15 : i32
      %min3A_216 = vector.broadcast %min3A_215 : i32 to vector<16xi32>
      %min3A_217 = arith.minsi %add3A_214, %min3A_216 : vector<16xi32>
      %reshape3A_218 = vector.shape_cast %min3A_217 : vector<16xi32> to vector<16x1xi32>
      %gather3A_219 = vector.shape_cast %reshape3A_218 : vector<16x1xi32> to vector<16xi32>
      %gather3A_220 = tpu.dynamic_gather %select_n3A_107[%gather3A_219] in [0] : vector<16xi32>, vector<16xi32> -> vector<16xi32>
      %eq3A_221 = arith.cmpi eq, %select_n3A_107, %gather3A_220 : vector<16xi32>
      %lt3A_222 = arith.constant 8 : i32
      %lt3A_223 = vector.broadcast %lt3A_222 : i32 to vector<16xi32>
      %lt3A_224 = arith.cmpi slt, %iota3A, %lt3A_223 : vector<16xi32>
      %and3A_225 = arith.andi %eq3A_221, %lt3A_224 : vector<16xi1>
      %or3A_226 = arith.ori %or3A_211, %and3A_225 : vector<16xi1>
      %add3A_227 = arith.constant 9 : i32
      %add3A_228 = vector.broadcast %add3A_227 : i32 to vector<16xi32>
      %add3A_229 = arith.addi %iota3A, %add3A_228 : vector<16xi32>
      %min3A_230 = arith.constant 15 : i32
      %min3A_231 = vector.broadcast %min3A_230 : i32 to vector<16xi32>
      %min3A_232 = arith.minsi %add3A_229, %min3A_231 : vector<16xi32>
      %reshape3A_233 = vector.shape_cast %min3A_232 : vector<16xi32> to vector<16x1xi32>
      %gather3A_234 = vector.shape_cast %reshape3A_233 : vector<16x1xi32> to vector<16xi32>
      %gather3A_235 = tpu.dynamic_gather %select_n3A_107[%gather3A_234] in [0] : vector<16xi32>, vector<16xi32> -> vector<16xi32>
      %eq3A_236 = arith.cmpi eq, %select_n3A_107, %gather3A_235 : vector<16xi32>
      %lt3A_237 = arith.constant 7 : i32
      %lt3A_238 = vector.broadcast %lt3A_237 : i32 to vector<16xi32>
      %lt3A_239 = arith.cmpi slt, %iota3A, %lt3A_238 : vector<16xi32>
      %and3A_240 = arith.andi %eq3A_236, %lt3A_239 : vector<16xi1>
      %or3A_241 = arith.ori %or3A_226, %and3A_240 : vector<16xi1>
      %add3A_242 = arith.constant 10 : i32
      %add3A_243 = vector.broadcast %add3A_242 : i32 to vector<16xi32>
      %add3A_244 = arith.addi %iota3A, %add3A_243 : vector<16xi32>
      %min3A_245 = arith.constant 15 : i32
      %min3A_246 = vector.broadcast %min3A_245 : i32 to vector<16xi32>
      %min3A_247 = arith.minsi %add3A_244, %min3A_246 : vector<16xi32>
      %reshape3A_248 = vector.shape_cast %min3A_247 : vector<16xi32> to vector<16x1xi32>
      %gather3A_249 = vector.shape_cast %reshape3A_248 : vector<16x1xi32> to vector<16xi32>
      %gather3A_250 = tpu.dynamic_gather %select_n3A_107[%gather3A_249] in [0] : vector<16xi32>, vector<16xi32> -> vector<16xi32>
      %eq3A_251 = arith.cmpi eq, %select_n3A_107, %gather3A_250 : vector<16xi32>
      %lt3A_252 = arith.constant 6 : i32
      %lt3A_253 = vector.broadcast %lt3A_252 : i32 to vector<16xi32>
      %lt3A_254 = arith.cmpi slt, %iota3A, %lt3A_253 : vector<16xi32>
      %and3A_255 = arith.andi %eq3A_251, %lt3A_254 : vector<16xi1>
      %or3A_256 = arith.ori %or3A_241, %and3A_255 : vector<16xi1>
      %add3A_257 = arith.constant 11 : i32
      %add3A_258 = vector.broadcast %add3A_257 : i32 to vector<16xi32>
      %add3A_259 = arith.addi %iota3A, %add3A_258 : vector<16xi32>
      %min3A_260 = arith.constant 15 : i32
      %min3A_261 = vector.broadcast %min3A_260 : i32 to vector<16xi32>
      %min3A_262 = arith.minsi %add3A_259, %min3A_261 : vector<16xi32>
      %reshape3A_263 = vector.shape_cast %min3A_262 : vector<16xi32> to vector<16x1xi32>
      %gather3A_264 = vector.shape_cast %reshape3A_263 : vector<16x1xi32> to vector<16xi32>
      %gather3A_265 = tpu.dynamic_gather %select_n3A_107[%gather3A_264] in [0] : vector<16xi32>, vector<16xi32> -> vector<16xi32>
      %eq3A_266 = arith.cmpi eq, %select_n3A_107, %gather3A_265 : vector<16xi32>
      %lt3A_267 = arith.constant 5 : i32
      %lt3A_268 = vector.broadcast %lt3A_267 : i32 to vector<16xi32>
      %lt3A_269 = arith.cmpi slt, %iota3A, %lt3A_268 : vector<16xi32>
      %and3A_270 = arith.andi %eq3A_266, %lt3A_269 : vector<16xi1>
      %or3A_271 = arith.ori %or3A_256, %and3A_270 : vector<16xi1>
      %add3A_272 = arith.constant 12 : i32
      %add3A_273 = vector.broadcast %add3A_272 : i32 to vector<16xi32>
      %add3A_274 = arith.addi %iota3A, %add3A_273 : vector<16xi32>
      %min3A_275 = arith.constant 15 : i32
      %min3A_276 = vector.broadcast %min3A_275 : i32 to vector<16xi32>
      %min3A_277 = arith.minsi %add3A_274, %min3A_276 : vector<16xi32>
      %reshape3A_278 = vector.shape_cast %min3A_277 : vector<16xi32> to vector<16x1xi32>
      %gather3A_279 = vector.shape_cast %reshape3A_278 : vector<16x1xi32> to vector<16xi32>
      %gather3A_280 = tpu.dynamic_gather %select_n3A_107[%gather3A_279] in [0] : vector<16xi32>, vector<16xi32> -> vector<16xi32>
      %eq3A_281 = arith.cmpi eq, %select_n3A_107, %gather3A_280 : vector<16xi32>
      %lt3A_282 = arith.constant 4 : i32
      %lt3A_283 = vector.broadcast %lt3A_282 : i32 to vector<16xi32>
      %lt3A_284 = arith.cmpi slt, %iota3A, %lt3A_283 : vector<16xi32>
      %and3A_285 = arith.andi %eq3A_281, %lt3A_284 : vector<16xi1>
      %or3A_286 = arith.ori %or3A_271, %and3A_285 : vector<16xi1>
      %add3A_287 = arith.constant 13 : i32
      %add3A_288 = vector.broadcast %add3A_287 : i32 to vector<16xi32>
      %add3A_289 = arith.addi %iota3A, %add3A_288 : vector<16xi32>
      %min3A_290 = arith.constant 15 : i32
      %min3A_291 = vector.broadcast %min3A_290 : i32 to vector<16xi32>
      %min3A_292 = arith.minsi %add3A_289, %min3A_291 : vector<16xi32>
      %reshape3A_293 = vector.shape_cast %min3A_292 : vector<16xi32> to vector<16x1xi32>
      %gather3A_294 = vector.shape_cast %reshape3A_293 : vector<16x1xi32> to vector<16xi32>
      %gather3A_295 = tpu.dynamic_gather %select_n3A_107[%gather3A_294] in [0] : vector<16xi32>, vector<16xi32> -> vector<16xi32>
      %eq3A_296 = arith.cmpi eq, %select_n3A_107, %gather3A_295 : vector<16xi32>
      %lt3A_297 = arith.constant 3 : i32
      %lt3A_298 = vector.broadcast %lt3A_297 : i32 to vector<16xi32>
      %lt3A_299 = arith.cmpi slt, %iota3A, %lt3A_298 : vector<16xi32>
      %and3A_300 = arith.andi %eq3A_296, %lt3A_299 : vector<16xi1>
      %or3A_301 = arith.ori %or3A_286, %and3A_300 : vector<16xi1>
      %add3A_302 = arith.constant 14 : i32
      %add3A_303 = vector.broadcast %add3A_302 : i32 to vector<16xi32>
      %add3A_304 = arith.addi %iota3A, %add3A_303 : vector<16xi32>
      %min3A_305 = arith.constant 15 : i32
      %min3A_306 = vector.broadcast %min3A_305 : i32 to vector<16xi32>
      %min3A_307 = arith.minsi %add3A_304, %min3A_306 : vector<16xi32>
      %reshape3A_308 = vector.shape_cast %min3A_307 : vector<16xi32> to vector<16x1xi32>
      %gather3A_309 = vector.shape_cast %reshape3A_308 : vector<16x1xi32> to vector<16xi32>
      %gather3A_310 = tpu.dynamic_gather %select_n3A_107[%gather3A_309] in [0] : vector<16xi32>, vector<16xi32> -> vector<16xi32>
      %eq3A_311 = arith.cmpi eq, %select_n3A_107, %gather3A_310 : vector<16xi32>
      %lt3A_312 = arith.constant 2 : i32
      %lt3A_313 = vector.broadcast %lt3A_312 : i32 to vector<16xi32>
      %lt3A_314 = arith.cmpi slt, %iota3A, %lt3A_313 : vector<16xi32>
      %and3A_315 = arith.andi %eq3A_311, %lt3A_314 : vector<16xi1>
      %or3A_316 = arith.ori %or3A_301, %and3A_315 : vector<16xi1>
      %add3A_317 = arith.constant 15 : i32
      %add3A_318 = vector.broadcast %add3A_317 : i32 to vector<16xi32>
      %add3A_319 = arith.addi %iota3A, %add3A_318 : vector<16xi32>
      %min3A_320 = arith.constant 15 : i32
      %min3A_321 = vector.broadcast %min3A_320 : i32 to vector<16xi32>
      %min3A_322 = arith.minsi %add3A_319, %min3A_321 : vector<16xi32>
      %reshape3A_323 = vector.shape_cast %min3A_322 : vector<16xi32> to vector<16x1xi32>
      %gather3A_324 = vector.shape_cast %reshape3A_323 : vector<16x1xi32> to vector<16xi32>
      %gather3A_325 = tpu.dynamic_gather %select_n3A_107[%gather3A_324] in [0] : vector<16xi32>, vector<16xi32> -> vector<16xi32>
      %eq3A_326 = arith.cmpi eq, %select_n3A_107, %gather3A_325 : vector<16xi32>
      %lt3A_327 = arith.constant 1 : i32
      %lt3A_328 = vector.broadcast %lt3A_327 : i32 to vector<16xi32>
      %lt3A_329 = arith.cmpi slt, %iota3A, %lt3A_328 : vector<16xi32>
      %and3A_330 = arith.andi %eq3A_326, %lt3A_329 : vector<16xi1>
      %or3A_331 = arith.ori %or3A_316, %and3A_330 : vector<16xi1>
      %not3A = arith.constant dense<true> : vector<16xi1>
      %not3A_332 = arith.xori %or3A_331, %not3A : vector<16xi1>
      %and3A_333 = arith.andi %lt3A_94, %not3A_332 : vector<16xi1>
      %jit3A_334 = arith.constant 31250 : i32
      %broadcast_in_dim3A_335 = vector.broadcast %jit3A_334 : i32 to vector<16xi32>
      %select_n3A_336 = arith.select %and3A_333, %select_n3A_107, %broadcast_in_dim3A_335 : vector<16xi1>, vector<16xi32>
      tpu.vector_store_idx %arg10[%select_n3A_336], %add3A_93 : memref<31251xi32, #tpu.memory_space<vmem>>[vector<16xi32>], vector<16xi32>,
    }
    %while3A_37 = arith.constant 1 : i32
    scf.for %while3A_89 = %while3A_35 to %while3A_31 step %while3A_37  : i32 {
      %mul3A_90 = arith.constant 16 : i32
      %mul3A_91 = arith.muli %while3A_89, %mul3A_90 : i32
      %add3A_92 = vector.broadcast %mul3A_91 : i32 to vector<16xi32>
      %add3A_93 = arith.addi %iota3A, %add3A_92 : vector<16xi32>
      %lt3A = vector.broadcast %scan3A_7 : i32 to vector<16xi32>
      %lt3A_94 = arith.cmpi slt, %add3A_93, %lt3A : vector<16xi32>
      %mul3A_95 = arith.constant 16 : i32
      %mul3A_96 = arith.muli %while3A_89, %mul3A_95 : i32
      %get3A = arith.index_cast %mul3A_96 : i32 to index
      %get3A_97 = tpu.vector_load %arg7[%get3A] {strides = array<i32>} : memref<16576xi32, #tpu.memory_space<vmem>>, vector<16xi32>,
      %jit3A_98 = arith.constant 0 : i32
      %jit3A_99 = arith.constant 16383 : i32
      %max3A = vector.broadcast %jit3A_98 : i32 to vector<16xi32>
      %max3A_100 = arith.maxsi %max3A, %get3A_97 : vector<16xi32>
      %min3A = vector.broadcast %jit3A_99 : i32 to vector<16xi32>
      %min3A_101 = arith.minsi %min3A, %max3A_100 : vector<16xi32>
      %gather3A = tpu.vector_load_idx %arg6[%min3A_101] : memref<16384xi32, #tpu.memory_space<vmem>>[vector<16xi32>], vector<16xi32>,
      %sub3A_102 = vector.broadcast %mul3A_2 : i32 to vector<16xi32>
      %sub3A_103 = arith.subi %gather3A, %sub3A_102 : vector<16xi32>
      %sub3A_104 = arith.constant -1 : i32
      %sub3A_105 = vector.broadcast %sub3A_104 : i32 to vector<16xi32>
      %sub3A_106 = arith.subi %sub3A_105, %iota3A : vector<16xi32>
      %select_n3A_107 = arith.select %lt3A_94, %sub3A_103, %sub3A_106 : vector<16xi1>, vector<16xi32>
      %broadcast_in_dim3A_108 = arith.constant false
      %broadcast_in_dim3A_109 = vector.broadcast %broadcast_in_dim3A_108 : i1 to vector<16xi1>
      %add3A_110 = arith.constant 1 : i32
      %add3A_111 = vector.broadcast %add3A_110 : i32 to vector<16xi32>
      %add3A_112 = arith.addi %iota3A, %add3A_111 : vector<16xi32>
      %min3A_113 = arith.constant 15 : i32
      %min3A_114 = vector.broadcast %min3A_113 : i32 to vector<16xi32>
      %min3A_115 = arith.minsi %add3A_112, %min3A_114 : vector<16xi32>
      %reshape3A = vector.shape_cast %min3A_115 : vector<16xi32> to vector<16x1xi32>
      %gather3A_116 = vector.shape_cast %reshape3A : vector<16x1xi32> to vector<16xi32>
      %gather3A_117 = tpu.dynamic_gather %select_n3A_107[%gather3A_116] in [0] : vector<16xi32>, vector<16xi32> -> vector<16xi32>
      %eq3A = arith.cmpi eq, %select_n3A_107, %gather3A_117 : vector<16xi32>
      %lt3A_118 = arith.constant 15 : i32
      %lt3A_119 = vector.broadcast %lt3A_118 : i32 to vector<16xi32>
      %lt3A_120 = arith.cmpi slt, %iota3A, %lt3A_119 : vector<16xi32>
      %and3A_121 = arith.andi %eq3A, %lt3A_120 : vector<16xi1>
      %or3A = arith.ori %broadcast_in_dim3A_109, %and3A_121 : vector<16xi1>
      %add3A_122 = arith.constant 2 : i32
      %add3A_123 = vector.broadcast %add3A_122 : i32 to vector<16xi32>
      %add3A_124 = arith.addi %iota3A, %add3A_123 : vector<16xi32>
      %min3A_125 = arith.constant 15 : i32
      %min3A_126 = vector.broadcast %min3A_125 : i32 to vector<16xi32>
      %min3A_127 = arith.minsi %add3A_124, %min3A_126 : vector<16xi32>
      %reshape3A_128 = vector.shape_cast %min3A_127 : vector<16xi32> to vector<16x1xi32>
      %gather3A_129 = vector.shape_cast %reshape3A_128 : vector<16x1xi32> to vector<16xi32>
      %gather3A_130 = tpu.dynamic_gather %select_n3A_107[%gather3A_129] in [0] : vector<16xi32>, vector<16xi32> -> vector<16xi32>
      %eq3A_131 = arith.cmpi eq, %select_n3A_107, %gather3A_130 : vector<16xi32>
      %lt3A_132 = arith.constant 14 : i32
      %lt3A_133 = vector.broadcast %lt3A_132 : i32 to vector<16xi32>
      %lt3A_134 = arith.cmpi slt, %iota3A, %lt3A_133 : vector<16xi32>
      %and3A_135 = arith.andi %eq3A_131, %lt3A_134 : vector<16xi1>
      %or3A_136 = arith.ori %or3A, %and3A_135 : vector<16xi1>
      %add3A_137 = arith.constant 3 : i32
      %add3A_138 = vector.broadcast %add3A_137 : i32 to vector<16xi32>
      %add3A_139 = arith.addi %iota3A, %add3A_138 : vector<16xi32>
      %min3A_140 = arith.constant 15 : i32
      %min3A_141 = vector.broadcast %min3A_140 : i32 to vector<16xi32>
      %min3A_142 = arith.minsi %add3A_139, %min3A_141 : vector<16xi32>
      %reshape3A_143 = vector.shape_cast %min3A_142 : vector<16xi32> to vector<16x1xi32>
      %gather3A_144 = vector.shape_cast %reshape3A_143 : vector<16x1xi32> to vector<16xi32>
      %gather3A_145 = tpu.dynamic_gather %select_n3A_107[%gather3A_144] in [0] : vector<16xi32>, vector<16xi32> -> vector<16xi32>
      %eq3A_146 = arith.cmpi eq, %select_n3A_107, %gather3A_145 : vector<16xi32>
      %lt3A_147 = arith.constant 13 : i32
      %lt3A_148 = vector.broadcast %lt3A_147 : i32 to vector<16xi32>
      %lt3A_149 = arith.cmpi slt, %iota3A, %lt3A_148 : vector<16xi32>
      %and3A_150 = arith.andi %eq3A_146, %lt3A_149 : vector<16xi1>
      %or3A_151 = arith.ori %or3A_136, %and3A_150 : vector<16xi1>
      %add3A_152 = arith.constant 4 : i32
      %add3A_153 = vector.broadcast %add3A_152 : i32 to vector<16xi32>
      %add3A_154 = arith.addi %iota3A, %add3A_153 : vector<16xi32>
      %min3A_155 = arith.constant 15 : i32
      %min3A_156 = vector.broadcast %min3A_155 : i32 to vector<16xi32>
      %min3A_157 = arith.minsi %add3A_154, %min3A_156 : vector<16xi32>
      %reshape3A_158 = vector.shape_cast %min3A_157 : vector<16xi32> to vector<16x1xi32>
      %gather3A_159 = vector.shape_cast %reshape3A_158 : vector<16x1xi32> to vector<16xi32>
      %gather3A_160 = tpu.dynamic_gather %select_n3A_107[%gather3A_159] in [0] : vector<16xi32>, vector<16xi32> -> vector<16xi32>
      %eq3A_161 = arith.cmpi eq, %select_n3A_107, %gather3A_160 : vector<16xi32>
      %lt3A_162 = arith.constant 12 : i32
      %lt3A_163 = vector.broadcast %lt3A_162 : i32 to vector<16xi32>
      %lt3A_164 = arith.cmpi slt, %iota3A, %lt3A_163 : vector<16xi32>
      %and3A_165 = arith.andi %eq3A_161, %lt3A_164 : vector<16xi1>
      %or3A_166 = arith.ori %or3A_151, %and3A_165 : vector<16xi1>
      %add3A_167 = arith.constant 5 : i32
      %add3A_168 = vector.broadcast %add3A_167 : i32 to vector<16xi32>
      %add3A_169 = arith.addi %iota3A, %add3A_168 : vector<16xi32>
      %min3A_170 = arith.constant 15 : i32
      %min3A_171 = vector.broadcast %min3A_170 : i32 to vector<16xi32>
      %min3A_172 = arith.minsi %add3A_169, %min3A_171 : vector<16xi32>
      %reshape3A_173 = vector.shape_cast %min3A_172 : vector<16xi32> to vector<16x1xi32>
      %gather3A_174 = vector.shape_cast %reshape3A_173 : vector<16x1xi32> to vector<16xi32>
      %gather3A_175 = tpu.dynamic_gather %select_n3A_107[%gather3A_174] in [0] : vector<16xi32>, vector<16xi32> -> vector<16xi32>
      %eq3A_176 = arith.cmpi eq, %select_n3A_107, %gather3A_175 : vector<16xi32>
      %lt3A_177 = arith.constant 11 : i32
      %lt3A_178 = vector.broadcast %lt3A_177 : i32 to vector<16xi32>
      %lt3A_179 = arith.cmpi slt, %iota3A, %lt3A_178 : vector<16xi32>
      %and3A_180 = arith.andi %eq3A_176, %lt3A_179 : vector<16xi1>
      %or3A_181 = arith.ori %or3A_166, %and3A_180 : vector<16xi1>
      %add3A_182 = arith.constant 6 : i32
      %add3A_183 = vector.broadcast %add3A_182 : i32 to vector<16xi32>
      %add3A_184 = arith.addi %iota3A, %add3A_183 : vector<16xi32>
      %min3A_185 = arith.constant 15 : i32
      %min3A_186 = vector.broadcast %min3A_185 : i32 to vector<16xi32>
      %min3A_187 = arith.minsi %add3A_184, %min3A_186 : vector<16xi32>
      %reshape3A_188 = vector.shape_cast %min3A_187 : vector<16xi32> to vector<16x1xi32>
      %gather3A_189 = vector.shape_cast %reshape3A_188 : vector<16x1xi32> to vector<16xi32>
      %gather3A_190 = tpu.dynamic_gather %select_n3A_107[%gather3A_189] in [0] : vector<16xi32>, vector<16xi32> -> vector<16xi32>
      %eq3A_191 = arith.cmpi eq, %select_n3A_107, %gather3A_190 : vector<16xi32>
      %lt3A_192 = arith.constant 10 : i32
      %lt3A_193 = vector.broadcast %lt3A_192 : i32 to vector<16xi32>
      %lt3A_194 = arith.cmpi slt, %iota3A, %lt3A_193 : vector<16xi32>
      %and3A_195 = arith.andi %eq3A_191, %lt3A_194 : vector<16xi1>
      %or3A_196 = arith.ori %or3A_181, %and3A_195 : vector<16xi1>
      %add3A_197 = arith.constant 7 : i32
      %add3A_198 = vector.broadcast %add3A_197 : i32 to vector<16xi32>
      %add3A_199 = arith.addi %iota3A, %add3A_198 : vector<16xi32>
      %min3A_200 = arith.constant 15 : i32
      %min3A_201 = vector.broadcast %min3A_200 : i32 to vector<16xi32>
      %min3A_202 = arith.minsi %add3A_199, %min3A_201 : vector<16xi32>
      %reshape3A_203 = vector.shape_cast %min3A_202 : vector<16xi32> to vector<16x1xi32>
      %gather3A_204 = vector.shape_cast %reshape3A_203 : vector<16x1xi32> to vector<16xi32>
      %gather3A_205 = tpu.dynamic_gather %select_n3A_107[%gather3A_204] in [0] : vector<16xi32>, vector<16xi32> -> vector<16xi32>
      %eq3A_206 = arith.cmpi eq, %select_n3A_107, %gather3A_205 : vector<16xi32>
      %lt3A_207 = arith.constant 9 : i32
      %lt3A_208 = vector.broadcast %lt3A_207 : i32 to vector<16xi32>
      %lt3A_209 = arith.cmpi slt, %iota3A, %lt3A_208 : vector<16xi32>
      %and3A_210 = arith.andi %eq3A_206, %lt3A_209 : vector<16xi1>
      %or3A_211 = arith.ori %or3A_196, %and3A_210 : vector<16xi1>
      %add3A_212 = arith.constant 8 : i32
      %add3A_213 = vector.broadcast %add3A_212 : i32 to vector<16xi32>
      %add3A_214 = arith.addi %iota3A, %add3A_213 : vector<16xi32>
      %min3A_215 = arith.constant 15 : i32
      %min3A_216 = vector.broadcast %min3A_215 : i32 to vector<16xi32>
      %min3A_217 = arith.minsi %add3A_214, %min3A_216 : vector<16xi32>
      %reshape3A_218 = vector.shape_cast %min3A_217 : vector<16xi32> to vector<16x1xi32>
      %gather3A_219 = vector.shape_cast %reshape3A_218 : vector<16x1xi32> to vector<16xi32>
      %gather3A_220 = tpu.dynamic_gather %select_n3A_107[%gather3A_219] in [0] : vector<16xi32>, vector<16xi32> -> vector<16xi32>
      %eq3A_221 = arith.cmpi eq, %select_n3A_107, %gather3A_220 : vector<16xi32>
      %lt3A_222 = arith.constant 8 : i32
      %lt3A_223 = vector.broadcast %lt3A_222 : i32 to vector<16xi32>
      %lt3A_224 = arith.cmpi slt, %iota3A, %lt3A_223 : vector<16xi32>
      %and3A_225 = arith.andi %eq3A_221, %lt3A_224 : vector<16xi1>
      %or3A_226 = arith.ori %or3A_211, %and3A_225 : vector<16xi1>
      %add3A_227 = arith.constant 9 : i32
      %add3A_228 = vector.broadcast %add3A_227 : i32 to vector<16xi32>
      %add3A_229 = arith.addi %iota3A, %add3A_228 : vector<16xi32>
      %min3A_230 = arith.constant 15 : i32
      %min3A_231 = vector.broadcast %min3A_230 : i32 to vector<16xi32>
      %min3A_232 = arith.minsi %add3A_229, %min3A_231 : vector<16xi32>
      %reshape3A_233 = vector.shape_cast %min3A_232 : vector<16xi32> to vector<16x1xi32>
      %gather3A_234 = vector.shape_cast %reshape3A_233 : vector<16x1xi32> to vector<16xi32>
      %gather3A_235 = tpu.dynamic_gather %select_n3A_107[%gather3A_234] in [0] : vector<16xi32>, vector<16xi32> -> vector<16xi32>
      %eq3A_236 = arith.cmpi eq, %select_n3A_107, %gather3A_235 : vector<16xi32>
      %lt3A_237 = arith.constant 7 : i32
      %lt3A_238 = vector.broadcast %lt3A_237 : i32 to vector<16xi32>
      %lt3A_239 = arith.cmpi slt, %iota3A, %lt3A_238 : vector<16xi32>
      %and3A_240 = arith.andi %eq3A_236, %lt3A_239 : vector<16xi1>
      %or3A_241 = arith.ori %or3A_226, %and3A_240 : vector<16xi1>
      %add3A_242 = arith.constant 10 : i32
      %add3A_243 = vector.broadcast %add3A_242 : i32 to vector<16xi32>
      %add3A_244 = arith.addi %iota3A, %add3A_243 : vector<16xi32>
      %min3A_245 = arith.constant 15 : i32
      %min3A_246 = vector.broadcast %min3A_245 : i32 to vector<16xi32>
      %min3A_247 = arith.minsi %add3A_244, %min3A_246 : vector<16xi32>
      %reshape3A_248 = vector.shape_cast %min3A_247 : vector<16xi32> to vector<16x1xi32>
      %gather3A_249 = vector.shape_cast %reshape3A_248 : vector<16x1xi32> to vector<16xi32>
      %gather3A_250 = tpu.dynamic_gather %select_n3A_107[%gather3A_249] in [0] : vector<16xi32>, vector<16xi32> -> vector<16xi32>
      %eq3A_251 = arith.cmpi eq, %select_n3A_107, %gather3A_250 : vector<16xi32>
      %lt3A_252 = arith.constant 6 : i32
      %lt3A_253 = vector.broadcast %lt3A_252 : i32 to vector<16xi32>
      %lt3A_254 = arith.cmpi slt, %iota3A, %lt3A_253 : vector<16xi32>
      %and3A_255 = arith.andi %eq3A_251, %lt3A_254 : vector<16xi1>
      %or3A_256 = arith.ori %or3A_241, %and3A_255 : vector<16xi1>
      %add3A_257 = arith.constant 11 : i32
      %add3A_258 = vector.broadcast %add3A_257 : i32 to vector<16xi32>
      %add3A_259 = arith.addi %iota3A, %add3A_258 : vector<16xi32>
      %min3A_260 = arith.constant 15 : i32
      %min3A_261 = vector.broadcast %min3A_260 : i32 to vector<16xi32>
      %min3A_262 = arith.minsi %add3A_259, %min3A_261 : vector<16xi32>
      %reshape3A_263 = vector.shape_cast %min3A_262 : vector<16xi32> to vector<16x1xi32>
      %gather3A_264 = vector.shape_cast %reshape3A_263 : vector<16x1xi32> to vector<16xi32>
      %gather3A_265 = tpu.dynamic_gather %select_n3A_107[%gather3A_264] in [0] : vector<16xi32>, vector<16xi32> -> vector<16xi32>
      %eq3A_266 = arith.cmpi eq, %select_n3A_107, %gather3A_265 : vector<16xi32>
      %lt3A_267 = arith.constant 5 : i32
      %lt3A_268 = vector.broadcast %lt3A_267 : i32 to vector<16xi32>
      %lt3A_269 = arith.cmpi slt, %iota3A, %lt3A_268 : vector<16xi32>
      %and3A_270 = arith.andi %eq3A_266, %lt3A_269 : vector<16xi1>
      %or3A_271 = arith.ori %or3A_256, %and3A_270 : vector<16xi1>
      %add3A_272 = arith.constant 12 : i32
      %add3A_273 = vector.broadcast %add3A_272 : i32 to vector<16xi32>
      %add3A_274 = arith.addi %iota3A, %add3A_273 : vector<16xi32>
      %min3A_275 = arith.constant 15 : i32
      %min3A_276 = vector.broadcast %min3A_275 : i32 to vector<16xi32>
      %min3A_277 = arith.minsi %add3A_274, %min3A_276 : vector<16xi32>
      %reshape3A_278 = vector.shape_cast %min3A_277 : vector<16xi32> to vector<16x1xi32>
      %gather3A_279 = vector.shape_cast %reshape3A_278 : vector<16x1xi32> to vector<16xi32>
      %gather3A_280 = tpu.dynamic_gather %select_n3A_107[%gather3A_279] in [0] : vector<16xi32>, vector<16xi32> -> vector<16xi32>
      %eq3A_281 = arith.cmpi eq, %select_n3A_107, %gather3A_280 : vector<16xi32>
      %lt3A_282 = arith.constant 4 : i32
      %lt3A_283 = vector.broadcast %lt3A_282 : i32 to vector<16xi32>
      %lt3A_284 = arith.cmpi slt, %iota3A, %lt3A_283 : vector<16xi32>
      %and3A_285 = arith.andi %eq3A_281, %lt3A_284 : vector<16xi1>
      %or3A_286 = arith.ori %or3A_271, %and3A_285 : vector<16xi1>
      %add3A_287 = arith.constant 13 : i32
      %add3A_288 = vector.broadcast %add3A_287 : i32 to vector<16xi32>
      %add3A_289 = arith.addi %iota3A, %add3A_288 : vector<16xi32>
      %min3A_290 = arith.constant 15 : i32
      %min3A_291 = vector.broadcast %min3A_290 : i32 to vector<16xi32>
      %min3A_292 = arith.minsi %add3A_289, %min3A_291 : vector<16xi32>
      %reshape3A_293 = vector.shape_cast %min3A_292 : vector<16xi32> to vector<16x1xi32>
      %gather3A_294 = vector.shape_cast %reshape3A_293 : vector<16x1xi32> to vector<16xi32>
      %gather3A_295 = tpu.dynamic_gather %select_n3A_107[%gather3A_294] in [0] : vector<16xi32>, vector<16xi32> -> vector<16xi32>
      %eq3A_296 = arith.cmpi eq, %select_n3A_107, %gather3A_295 : vector<16xi32>
      %lt3A_297 = arith.constant 3 : i32
      %lt3A_298 = vector.broadcast %lt3A_297 : i32 to vector<16xi32>
      %lt3A_299 = arith.cmpi slt, %iota3A, %lt3A_298 : vector<16xi32>
      %and3A_300 = arith.andi %eq3A_296, %lt3A_299 : vector<16xi1>
      %or3A_301 = arith.ori %or3A_286, %and3A_300 : vector<16xi1>
      %add3A_302 = arith.constant 14 : i32
      %add3A_303 = vector.broadcast %add3A_302 : i32 to vector<16xi32>
      %add3A_304 = arith.addi %iota3A, %add3A_303 : vector<16xi32>
      %min3A_305 = arith.constant 15 : i32
      %min3A_306 = vector.broadcast %min3A_305 : i32 to vector<16xi32>
      %min3A_307 = arith.minsi %add3A_304, %min3A_306 : vector<16xi32>
      %reshape3A_308 = vector.shape_cast %min3A_307 : vector<16xi32> to vector<16x1xi32>
      %gather3A_309 = vector.shape_cast %reshape3A_308 : vector<16x1xi32> to vector<16xi32>
      %gather3A_310 = tpu.dynamic_gather %select_n3A_107[%gather3A_309] in [0] : vector<16xi32>, vector<16xi32> -> vector<16xi32>
      %eq3A_311 = arith.cmpi eq, %select_n3A_107, %gather3A_310 : vector<16xi32>
      %lt3A_312 = arith.constant 2 : i32
      %lt3A_313 = vector.broadcast %lt3A_312 : i32 to vector<16xi32>
      %lt3A_314 = arith.cmpi slt, %iota3A, %lt3A_313 : vector<16xi32>
      %and3A_315 = arith.andi %eq3A_311, %lt3A_314 : vector<16xi1>
      %or3A_316 = arith.ori %or3A_301, %and3A_315 : vector<16xi1>
      %add3A_317 = arith.constant 15 : i32
      %add3A_318 = vector.broadcast %add3A_317 : i32 to vector<16xi32>
      %add3A_319 = arith.addi %iota3A, %add3A_318 : vector<16xi32>
      %min3A_320 = arith.constant 15 : i32
      %min3A_321 = vector.broadcast %min3A_320 : i32 to vector<16xi32>
      %min3A_322 = arith.minsi %add3A_319, %min3A_321 : vector<16xi32>
      %reshape3A_323 = vector.shape_cast %min3A_322 : vector<16xi32> to vector<16x1xi32>
      %gather3A_324 = vector.shape_cast %reshape3A_323 : vector<16x1xi32> to vector<16xi32>
      %gather3A_325 = tpu.dynamic_gather %select_n3A_107[%gather3A_324] in [0] : vector<16xi32>, vector<16xi32> -> vector<16xi32>
      %eq3A_326 = arith.cmpi eq, %select_n3A_107, %gather3A_325 : vector<16xi32>
      %lt3A_327 = arith.constant 1 : i32
      %lt3A_328 = vector.broadcast %lt3A_327 : i32 to vector<16xi32>
      %lt3A_329 = arith.cmpi slt, %iota3A, %lt3A_328 : vector<16xi32>
      %and3A_330 = arith.andi %eq3A_326, %lt3A_329 : vector<16xi1>
      %or3A_331 = arith.ori %or3A_316, %and3A_330 : vector<16xi1>
      %not3A = arith.constant dense<true> : vector<16xi1>
      %not3A_332 = arith.xori %or3A_331, %not3A : vector<16xi1>
      %and3A_333 = arith.andi %lt3A_94, %not3A_332 : vector<16xi1>
      %jit3A_334 = arith.constant 31250 : i32
      %broadcast_in_dim3A_335 = vector.broadcast %jit3A_334 : i32 to vector<16xi32>
      %select_n3A_336 = arith.select %and3A_333, %select_n3A_107, %broadcast_in_dim3A_335 : vector<16xi1>, vector<16xi32>
      tpu.vector_store_idx %arg10[%select_n3A_336], %add3A_93 : memref<31251xi32, #tpu.memory_space<vmem>>[vector<16xi32>], vector<16xi32>,
    }
    %while3A_38 = arith.constant 0 : i32
    %while3A_39 = arith.constant 0 : i32
    %while3A_40 = arith.subi %select_n3A, %while3A_38 : i32
    %while3A_41 = arith.addi %while3A_38, %while3A_40 : i32
    %while3A_42 = arith.constant 1 : i32
    %while3A_43 = arith.divsi %while3A_40, %while3A_42 : i32
    %while3A_44 = arith.muli %while3A_43, %while3A_42 : i32
    %while3A_45 = arith.addi %while3A_38, %while3A_44 : i32
    %while3A_46 = arith.constant 1 : i32
    %while3A_47 = scf.for %while3A_89 = %while3A_38 to %while3A_45 step %while3A_46 iter_args(%while3A_90 = %while3A_39) -> (i32)  : i32 {
      %mul3A_91 = arith.constant 16 : i32
      %mul3A_92 = arith.muli %while3A_89, %mul3A_91 : i32
      %add3A_93 = vector.broadcast %mul3A_92 : i32 to vector<16xi32>
      %add3A_94 = arith.addi %iota3A, %add3A_93 : vector<16xi32>
      %lt3A = vector.broadcast %scan3A_7 : i32 to vector<16xi32>
      %lt3A_95 = arith.cmpi slt, %add3A_94, %lt3A : vector<16xi32>
      %mul3A_96 = arith.constant 16 : i32
      %mul3A_97 = arith.muli %while3A_89, %mul3A_96 : i32
      %get3A = arith.index_cast %mul3A_97 : i32 to index
      %get3A_98 = tpu.vector_load %arg7[%get3A] {strides = array<i32>} : memref<16576xi32, #tpu.memory_space<vmem>>, vector<16xi32>,
      %jit3A_99 = arith.constant 0 : i32
      %jit3A_100 = arith.constant 16383 : i32
      %max3A = vector.broadcast %jit3A_99 : i32 to vector<16xi32>
      %max3A_101 = arith.maxsi %max3A, %get3A_98 : vector<16xi32>
      %min3A = vector.broadcast %jit3A_100 : i32 to vector<16xi32>
      %min3A_102 = arith.minsi %min3A, %max3A_101 : vector<16xi32>
      %gather3A = tpu.vector_load_idx %arg6[%min3A_102] : memref<16384xi32, #tpu.memory_space<vmem>>[vector<16xi32>], vector<16xi32>,
      %sub3A_103 = vector.broadcast %mul3A_2 : i32 to vector<16xi32>
      %sub3A_104 = arith.subi %gather3A, %sub3A_103 : vector<16xi32>
      %jit3A_105 = arith.constant 31250 : i32
      %broadcast_in_dim3A_106 = vector.broadcast %jit3A_105 : i32 to vector<16xi32>
      %select_n3A_107 = arith.select %lt3A_95, %sub3A_104, %broadcast_in_dim3A_106 : vector<16xi1>, vector<16xi32>
      %jit3A_108 = arith.constant 0 : i32
      %jit3A_109 = arith.constant 31250 : i32
      %max3A_110 = vector.broadcast %jit3A_108 : i32 to vector<16xi32>
      %max3A_111 = arith.maxsi %max3A_110, %select_n3A_107 : vector<16xi32>
      %min3A_112 = vector.broadcast %jit3A_109 : i32 to vector<16xi32>
      %min3A_113 = arith.minsi %min3A_112, %max3A_111 : vector<16xi32>
      %gather3A_114 = tpu.vector_load_idx %arg10[%min3A_113] : memref<31251xi32, #tpu.memory_space<vmem>>[vector<16xi32>], vector<16xi32>,
      %eq3A = arith.cmpi eq, %gather3A_114, %add3A_94 : vector<16xi32>
      %and3A_115 = arith.andi %lt3A_95, %eq3A : vector<16xi1>
      %jit3A_116 = arith.constant 1 : i32
      %jit3A_117 = arith.constant 0 : i32
      %broadcast_in_dim3A_118 = vector.broadcast %jit3A_116 : i32 to vector<16xi32>
      %broadcast_in_dim3A_119 = vector.broadcast %jit3A_117 : i32 to vector<16xi32>
      %select_n3A_120 = arith.select %and3A_115, %broadcast_in_dim3A_118, %broadcast_in_dim3A_119 : vector<16xi1>, vector<16xi32>
      %broadcast_in_dim3A_121 = arith.constant true
      %broadcast_in_dim3A_122 = vector.broadcast %broadcast_in_dim3A_121 : i1 to vector<16xi1>
      %masked_cumsum3A = tpu.scan <sum>, %select_n3A_120 masked %broadcast_in_dim3A_122 : vector<16xi32>, vector<16xi1> -> vector<16xi32>
      %add3A_123 = vector.broadcast %while3A_90 : i32 to vector<16xi32>
      %add3A_124 = arith.addi %add3A_123, %masked_cumsum3A : vector<16xi32>
      %sub3A_125 = arith.constant 1 : i32
      %sub3A_126 = vector.broadcast %sub3A_125 : i32 to vector<16xi32>
      %sub3A_127 = arith.subi %add3A_124, %sub3A_126 : vector<16xi32>
      %jit3A_128 = arith.constant 16575 : i32
      %broadcast_in_dim3A_129 = vector.broadcast %jit3A_128 : i32 to vector<16xi32>
      %select_n3A_130 = arith.select %and3A_115, %sub3A_127, %broadcast_in_dim3A_129 : vector<16xi1>, vector<16xi32>
      tpu.vector_store_idx %arg8[%select_n3A_130], %get3A_98 : memref<16576xi32, #tpu.memory_space<vmem>>[vector<16xi32>], vector<16xi32>,
      tpu.vector_store_idx %arg9[%select_n3A_130], %gather3A : memref<16576xi32, #tpu.memory_space<vmem>>[vector<16xi32>], vector<16xi32>,
      %reduce_sum3A = arith.constant true
      %reduce_sum3A_131 = vector.broadcast %reduce_sum3A : i1 to vector<16xi1>
      %reduce_sum3A_132 = tpu.scan <sum>, %select_n3A_120 masked %reduce_sum3A_131 : vector<16xi32>, vector<16xi1> -> vector<16xi32>
      %reduce_sum3A_133 = vector.extract %reduce_sum3A_132[15] : i32 from vector<16xi32>
      %add3A_134 = arith.addi %while3A_90, %reduce_sum3A_133 : i32
      scf.yield %add3A_134 : i32
    }
    %while3A_48 = arith.constant 1 : i32
    %while3A_49 = scf.for %while3A_89 = %while3A_45 to %while3A_41 step %while3A_48 iter_args(%while3A_90 = %while3A_47) -> (i32)  : i32 {
      %mul3A_91 = arith.constant 16 : i32
      %mul3A_92 = arith.muli %while3A_89, %mul3A_91 : i32
      %add3A_93 = vector.broadcast %mul3A_92 : i32 to vector<16xi32>
      %add3A_94 = arith.addi %iota3A, %add3A_93 : vector<16xi32>
      %lt3A = vector.broadcast %scan3A_7 : i32 to vector<16xi32>
      %lt3A_95 = arith.cmpi slt, %add3A_94, %lt3A : vector<16xi32>
      %mul3A_96 = arith.constant 16 : i32
      %mul3A_97 = arith.muli %while3A_89, %mul3A_96 : i32
      %get3A = arith.index_cast %mul3A_97 : i32 to index
      %get3A_98 = tpu.vector_load %arg7[%get3A] {strides = array<i32>} : memref<16576xi32, #tpu.memory_space<vmem>>, vector<16xi32>,
      %jit3A_99 = arith.constant 0 : i32
      %jit3A_100 = arith.constant 16383 : i32
      %max3A = vector.broadcast %jit3A_99 : i32 to vector<16xi32>
      %max3A_101 = arith.maxsi %max3A, %get3A_98 : vector<16xi32>
      %min3A = vector.broadcast %jit3A_100 : i32 to vector<16xi32>
      %min3A_102 = arith.minsi %min3A, %max3A_101 : vector<16xi32>
      %gather3A = tpu.vector_load_idx %arg6[%min3A_102] : memref<16384xi32, #tpu.memory_space<vmem>>[vector<16xi32>], vector<16xi32>,
      %sub3A_103 = vector.broadcast %mul3A_2 : i32 to vector<16xi32>
      %sub3A_104 = arith.subi %gather3A, %sub3A_103 : vector<16xi32>
      %jit3A_105 = arith.constant 31250 : i32
      %broadcast_in_dim3A_106 = vector.broadcast %jit3A_105 : i32 to vector<16xi32>
      %select_n3A_107 = arith.select %lt3A_95, %sub3A_104, %broadcast_in_dim3A_106 : vector<16xi1>, vector<16xi32>
      %jit3A_108 = arith.constant 0 : i32
      %jit3A_109 = arith.constant 31250 : i32
      %max3A_110 = vector.broadcast %jit3A_108 : i32 to vector<16xi32>
      %max3A_111 = arith.maxsi %max3A_110, %select_n3A_107 : vector<16xi32>
      %min3A_112 = vector.broadcast %jit3A_109 : i32 to vector<16xi32>
      %min3A_113 = arith.minsi %min3A_112, %max3A_111 : vector<16xi32>
      %gather3A_114 = tpu.vector_load_idx %arg10[%min3A_113] : memref<31251xi32, #tpu.memory_space<vmem>>[vector<16xi32>], vector<16xi32>,
      %eq3A = arith.cmpi eq, %gather3A_114, %add3A_94 : vector<16xi32>
      %and3A_115 = arith.andi %lt3A_95, %eq3A : vector<16xi1>
      %jit3A_116 = arith.constant 1 : i32
      %jit3A_117 = arith.constant 0 : i32
      %broadcast_in_dim3A_118 = vector.broadcast %jit3A_116 : i32 to vector<16xi32>
      %broadcast_in_dim3A_119 = vector.broadcast %jit3A_117 : i32 to vector<16xi32>
      %select_n3A_120 = arith.select %and3A_115, %broadcast_in_dim3A_118, %broadcast_in_dim3A_119 : vector<16xi1>, vector<16xi32>
      %broadcast_in_dim3A_121 = arith.constant true
      %broadcast_in_dim3A_122 = vector.broadcast %broadcast_in_dim3A_121 : i1 to vector<16xi1>
      %masked_cumsum3A = tpu.scan <sum>, %select_n3A_120 masked %broadcast_in_dim3A_122 : vector<16xi32>, vector<16xi1> -> vector<16xi32>
      %add3A_123 = vector.broadcast %while3A_90 : i32 to vector<16xi32>
      %add3A_124 = arith.addi %add3A_123, %masked_cumsum3A : vector<16xi32>
      %sub3A_125 = arith.constant 1 : i32
      %sub3A_126 = vector.broadcast %sub3A_125 : i32 to vector<16xi32>
      %sub3A_127 = arith.subi %add3A_124, %sub3A_126 : vector<16xi32>
      %jit3A_128 = arith.constant 16575 : i32
      %broadcast_in_dim3A_129 = vector.broadcast %jit3A_128 : i32 to vector<16xi32>
      %select_n3A_130 = arith.select %and3A_115, %sub3A_127, %broadcast_in_dim3A_129 : vector<16xi1>, vector<16xi32>
      tpu.vector_store_idx %arg8[%select_n3A_130], %get3A_98 : memref<16576xi32, #tpu.memory_space<vmem>>[vector<16xi32>], vector<16xi32>,
      tpu.vector_store_idx %arg9[%select_n3A_130], %gather3A : memref<16576xi32, #tpu.memory_space<vmem>>[vector<16xi32>], vector<16xi32>,
      %reduce_sum3A = arith.constant true
      %reduce_sum3A_131 = vector.broadcast %reduce_sum3A : i1 to vector<16xi1>
      %reduce_sum3A_132 = tpu.scan <sum>, %select_n3A_120 masked %reduce_sum3A_131 : vector<16xi32>, vector<16xi1> -> vector<16xi32>
      %reduce_sum3A_133 = vector.extract %reduce_sum3A_132[15] : i32 from vector<16xi32>
      %add3A_134 = arith.addi %while3A_90, %reduce_sum3A_133 : i32
      scf.yield %add3A_134 : i32
    }
    %gt3A = arith.constant 0 : i32
    %gt3A_50 = arith.cmpi sgt, %while3A_49, %gt3A : i32
    %convert_element_type3A = arith.extui %gt3A_50 : i1 to i32
    %cond3A = arith.constant 0 : i32
    %cond3A_51 = arith.cmpi ne, %convert_element_type3A, %cond3A : i32
    scf.if %cond3A_51 {
      %sub3A_89 = arith.constant 1 : i32
      %sub3A_90 = arith.subi %while3A_49, %sub3A_89 : i32
      %broadcast_in_dim3A_91 = vector.broadcast %sub3A_90 : i32 to vector<16xi32>
      %gather3A = tpu.vector_load_idx %arg8[%broadcast_in_dim3A_91] : memref<16576xi32, #tpu.memory_space<vmem>>[vector<16xi32>], vector<16xi32>,
      %gather3A_92 = tpu.vector_load_idx %arg9[%broadcast_in_dim3A_91] : memref<16576xi32, #tpu.memory_space<vmem>>[vector<16xi32>], vector<16xi32>,
      %add3A_93 = arith.constant 0 : i32
      %add3A_94 = arith.addi %while3A_49, %add3A_93 : i32
      %swap3A_95 = arith.index_cast %add3A_94 : i32 to index
      %swap3A_96 = tpu.vector_load %arg8[%swap3A_95] {strides = array<i32>} : memref<16576xi32, #tpu.memory_space<vmem>>, vector<16xi32>,
      tpu.vector_store %arg8[%swap3A_95], %gather3A {strides = array<i32>} : memref<16576xi32, #tpu.memory_space<vmem>>, vector<16xi32>,
      %add3A_97 = arith.constant 0 : i32
      %add3A_98 = arith.addi %while3A_49, %add3A_97 : i32
      %swap3A_99 = arith.index_cast %add3A_98 : i32 to index
      %swap3A_100 = tpu.vector_load %arg9[%swap3A_99] {strides = array<i32>} : memref<16576xi32, #tpu.memory_space<vmem>>, vector<16xi32>,
      tpu.vector_store %arg9[%swap3A_99], %gather3A_92 {strides = array<i32>} : memref<16576xi32, #tpu.memory_space<vmem>>, vector<16xi32>,
      %add3A_101 = arith.constant 16 : i32
      %add3A_102 = arith.addi %while3A_49, %add3A_101 : i32
      %swap3A_103 = arith.index_cast %add3A_102 : i32 to index
      %swap3A_104 = tpu.vector_load %arg8[%swap3A_103] {strides = array<i32>} : memref<16576xi32, #tpu.memory_space<vmem>>, vector<16xi32>,
      tpu.vector_store %arg8[%swap3A_103], %gather3A {strides = array<i32>} : memref<16576xi32, #tpu.memory_space<vmem>>, vector<16xi32>,
      %add3A_105 = arith.constant 16 : i32
      %add3A_106 = arith.addi %while3A_49, %add3A_105 : i32
      %swap3A_107 = arith.index_cast %add3A_106 : i32 to index
      %swap3A_108 = tpu.vector_load %arg9[%swap3A_107] {strides = array<i32>} : memref<16576xi32, #tpu.memory_space<vmem>>, vector<16xi32>,
      tpu.vector_store %arg9[%swap3A_107], %gather3A_92 {strides = array<i32>} : memref<16576xi32, #tpu.memory_space<vmem>>, vector<16xi32>,
      %add3A_109 = arith.constant 32 : i32
      %add3A_110 = arith.addi %while3A_49, %add3A_109 : i32
      %swap3A_111 = arith.index_cast %add3A_110 : i32 to index
      %swap3A_112 = tpu.vector_load %arg8[%swap3A_111] {strides = array<i32>} : memref<16576xi32, #tpu.memory_space<vmem>>, vector<16xi32>,
      tpu.vector_store %arg8[%swap3A_111], %gather3A {strides = array<i32>} : memref<16576xi32, #tpu.memory_space<vmem>>, vector<16xi32>,
      %add3A_113 = arith.constant 32 : i32
      %add3A_114 = arith.addi %while3A_49, %add3A_113 : i32
      %swap3A_115 = arith.index_cast %add3A_114 : i32 to index
      %swap3A_116 = tpu.vector_load %arg9[%swap3A_115] {strides = array<i32>} : memref<16576xi32, #tpu.memory_space<vmem>>, vector<16xi32>,
      tpu.vector_store %arg9[%swap3A_115], %gather3A_92 {strides = array<i32>} : memref<16576xi32, #tpu.memory_space<vmem>>, vector<16xi32>,
      %add3A_117 = arith.constant 48 : i32
      %add3A_118 = arith.addi %while3A_49, %add3A_117 : i32
      %swap3A_119 = arith.index_cast %add3A_118 : i32 to index
      %swap3A_120 = tpu.vector_load %arg8[%swap3A_119] {strides = array<i32>} : memref<16576xi32, #tpu.memory_space<vmem>>, vector<16xi32>,
      tpu.vector_store %arg8[%swap3A_119], %gather3A {strides = array<i32>} : memref<16576xi32, #tpu.memory_space<vmem>>, vector<16xi32>,
      %add3A_121 = arith.constant 48 : i32
      %add3A_122 = arith.addi %while3A_49, %add3A_121 : i32
      %swap3A_123 = arith.index_cast %add3A_122 : i32 to index
      %swap3A_124 = tpu.vector_load %arg9[%swap3A_123] {strides = array<i32>} : memref<16576xi32, #tpu.memory_space<vmem>>, vector<16xi32>,
      tpu.vector_store %arg9[%swap3A_123], %gather3A_92 {strides = array<i32>} : memref<16576xi32, #tpu.memory_space<vmem>>, vector<16xi32>,
      %add3A_125 = arith.constant 64 : i32
      %add3A_126 = arith.addi %while3A_49, %add3A_125 : i32
      %swap3A_127 = arith.index_cast %add3A_126 : i32 to index
      %swap3A_128 = tpu.vector_load %arg8[%swap3A_127] {strides = array<i32>} : memref<16576xi32, #tpu.memory_space<vmem>>, vector<16xi32>,
      tpu.vector_store %arg8[%swap3A_127], %gather3A {strides = array<i32>} : memref<16576xi32, #tpu.memory_space<vmem>>, vector<16xi32>,
      %add3A_129 = arith.constant 64 : i32
      %add3A_130 = arith.addi %while3A_49, %add3A_129 : i32
      %swap3A_131 = arith.index_cast %add3A_130 : i32 to index
      %swap3A_132 = tpu.vector_load %arg9[%swap3A_131] {strides = array<i32>} : memref<16576xi32, #tpu.memory_space<vmem>>, vector<16xi32>,
      tpu.vector_store %arg9[%swap3A_131], %gather3A_92 {strides = array<i32>} : memref<16576xi32, #tpu.memory_space<vmem>>, vector<16xi32>,
      %add3A_133 = arith.constant 80 : i32
      %add3A_134 = arith.addi %while3A_49, %add3A_133 : i32
      %swap3A_135 = arith.index_cast %add3A_134 : i32 to index
      %swap3A_136 = tpu.vector_load %arg8[%swap3A_135] {strides = array<i32>} : memref<16576xi32, #tpu.memory_space<vmem>>, vector<16xi32>,
      tpu.vector_store %arg8[%swap3A_135], %gather3A {strides = array<i32>} : memref<16576xi32, #tpu.memory_space<vmem>>, vector<16xi32>,
      %add3A_137 = arith.constant 80 : i32
      %add3A_138 = arith.addi %while3A_49, %add3A_137 : i32
      %swap3A_139 = arith.index_cast %add3A_138 : i32 to index
      %swap3A_140 = tpu.vector_load %arg9[%swap3A_139] {strides = array<i32>} : memref<16576xi32, #tpu.memory_space<vmem>>, vector<16xi32>,
      tpu.vector_store %arg9[%swap3A_139], %gather3A_92 {strides = array<i32>} : memref<16576xi32, #tpu.memory_space<vmem>>, vector<16xi32>,
      %add3A_141 = arith.constant 96 : i32
      %add3A_142 = arith.addi %while3A_49, %add3A_141 : i32
      %swap3A_143 = arith.index_cast %add3A_142 : i32 to index
      %swap3A_144 = tpu.vector_load %arg8[%swap3A_143] {strides = array<i32>} : memref<16576xi32, #tpu.memory_space<vmem>>, vector<16xi32>,
      tpu.vector_store %arg8[%swap3A_143], %gather3A {strides = array<i32>} : memref<16576xi32, #tpu.memory_space<vmem>>, vector<16xi32>,
      %add3A_145 = arith.constant 96 : i32
      %add3A_146 = arith.addi %while3A_49, %add3A_145 : i32
      %swap3A_147 = arith.index_cast %add3A_146 : i32 to index
      %swap3A_148 = tpu.vector_load %arg9[%swap3A_147] {strides = array<i32>} : memref<16576xi32, #tpu.memory_space<vmem>>, vector<16xi32>,
      tpu.vector_store %arg9[%swap3A_147], %gather3A_92 {strides = array<i32>} : memref<16576xi32, #tpu.memory_space<vmem>>, vector<16xi32>,
      %add3A_149 = arith.constant 112 : i32
      %add3A_150 = arith.addi %while3A_49, %add3A_149 : i32
      %swap3A_151 = arith.index_cast %add3A_150 : i32 to index
      %swap3A_152 = tpu.vector_load %arg8[%swap3A_151] {strides = array<i32>} : memref<16576xi32, #tpu.memory_space<vmem>>, vector<16xi32>,
      tpu.vector_store %arg8[%swap3A_151], %gather3A {strides = array<i32>} : memref<16576xi32, #tpu.memory_space<vmem>>, vector<16xi32>,
      %add3A_153 = arith.constant 112 : i32
      %add3A_154 = arith.addi %while3A_49, %add3A_153 : i32
      %swap3A_155 = arith.index_cast %add3A_154 : i32 to index
      %swap3A_156 = tpu.vector_load %arg9[%swap3A_155] {strides = array<i32>} : memref<16576xi32, #tpu.memory_space<vmem>>, vector<16xi32>,
      tpu.vector_store %arg9[%swap3A_155], %gather3A_92 {strides = array<i32>} : memref<16576xi32, #tpu.memory_space<vmem>>, vector<16xi32>,
    } else {
    }
    %broadcast_in_dim3A = vector.broadcast %while3A_49 : i32 to vector<16xi32>
    %swap3A = arith.constant 0 : index
    %swap3A_52 = tpu.vector_load %arg7[%swap3A] {strides = array<i32>} : memref<16576xi32, #tpu.memory_space<vmem>>, vector<16xi32>,
    tpu.vector_store %arg7[%swap3A], %broadcast_in_dim3A {strides = array<i32>} : memref<16576xi32, #tpu.memory_space<vmem>>, vector<16xi32>,
    %dma_start3A = arith.constant 0 : i32
    %dma_start3A_53 = tpu.memref_slice %arg3[%add3A, %dma_start3A] : memref<32x16576xi32, #tpu.memory_space<hbm>> -> memref<1x16576xi32, #tpu.memory_space<hbm>>
    %dma_start3A_54 = tpu.memref_squeeze %dma_start3A_53 : memref<1x16576xi32, #tpu.memory_space<hbm>> -> memref<16576xi32, #tpu.memory_space<hbm>>
    %dma_start3A_55 = arith.constant 0 : i32
    %dma_start3A_56 = tpu.memref_slice %arg3[%add3A, %dma_start3A_55] : memref<32x16576xi32, #tpu.memory_space<hbm>> -> memref<1x16576xi32, #tpu.memory_space<hbm>>
    %dma_start3A_57 = tpu.memref_squeeze %dma_start3A_56 : memref<1x16576xi32, #tpu.memory_space<hbm>> -> memref<16576xi32, #tpu.memory_space<hbm>>
    tpu.enqueue_dma source(%arg8 : memref<16576xi32, #tpu.memory_space<vmem>>) target(%dma_start3A_57 : memref<16576xi32, #tpu.memory_space<hbm>>) target_semaphore(%arg11 : memref<!tpu.dma_semaphore, #tpu.memory_space<semaphore_mem>>)
    %dma_start3A_58 = arith.constant 0 : i32
    %dma_start3A_59 = tpu.memref_slice %arg4[%add3A, %dma_start3A_58] : memref<32x16576xi32, #tpu.memory_space<hbm>> -> memref<1x16576xi32, #tpu.memory_space<hbm>>
    %dma_start3A_60 = tpu.memref_squeeze %dma_start3A_59 : memref<1x16576xi32, #tpu.memory_space<hbm>> -> memref<16576xi32, #tpu.memory_space<hbm>>
    %dma_start3A_61 = arith.constant 0 : i32
    %dma_start3A_62 = tpu.memref_slice %arg4[%add3A, %dma_start3A_61] : memref<32x16576xi32, #tpu.memory_space<hbm>> -> memref<1x16576xi32, #tpu.memory_space<hbm>>
    %dma_start3A_63 = tpu.memref_squeeze %dma_start3A_62 : memref<1x16576xi32, #tpu.memory_space<hbm>> -> memref<16576xi32, #tpu.memory_space<hbm>>
    tpu.enqueue_dma source(%arg9 : memref<16576xi32, #tpu.memory_space<vmem>>) target(%dma_start3A_63 : memref<16576xi32, #tpu.memory_space<hbm>>) target_semaphore(%arg11 : memref<!tpu.dma_semaphore, #tpu.memory_space<semaphore_mem>>)
    %mul3A_64 = arith.constant 16 : i32
    %mul3A_65 = arith.muli %add3A, %mul3A_64 : i32
    %dma_start3A_66 = arith.constant 0 : i32
    %dma_start3A_67 = tpu.memref_slice %arg7[%dma_start3A_66] : memref<16576xi32, #tpu.memory_space<vmem>> -> memref<16xi32, #tpu.memory_space<vmem>>
    %dma_start3A_68 = tpu.memref_slice %arg5[%mul3A_65] : memref<512xi32, #tpu.memory_space<hbm>> -> memref<16xi32, #tpu.memory_space<hbm>>
    %dma_start3A_69 = tpu.memref_slice %arg5[%mul3A_65] : memref<512xi32, #tpu.memory_space<hbm>> -> memref<16xi32, #tpu.memory_space<hbm>>
    %dma_start3A_70 = arith.constant 0 : i32
    %dma_start3A_71 = tpu.memref_slice %arg7[%dma_start3A_70] : memref<16576xi32, #tpu.memory_space<vmem>> -> memref<16xi32, #tpu.memory_space<vmem>>
    tpu.enqueue_dma source(%dma_start3A_71 : memref<16xi32, #tpu.memory_space<vmem>>) target(%dma_start3A_69 : memref<16xi32, #tpu.memory_space<hbm>>) target_semaphore(%arg11 : memref<!tpu.dma_semaphore, #tpu.memory_space<semaphore_mem>>)
    %dma_wait3A = arith.constant 0 : i32
    %dma_wait3A_72 = tpu.memref_slice %arg3[%add3A, %dma_wait3A] : memref<32x16576xi32, #tpu.memory_space<hbm>> -> memref<1x16576xi32, #tpu.memory_space<hbm>>
    %dma_wait3A_73 = tpu.memref_squeeze %dma_wait3A_72 : memref<1x16576xi32, #tpu.memory_space<hbm>> -> memref<16576xi32, #tpu.memory_space<hbm>>
    %dma_wait3A_74 = arith.constant 0 : i32
    %dma_wait3A_75 = tpu.memref_slice %arg3[%add3A, %dma_wait3A_74] : memref<32x16576xi32, #tpu.memory_space<hbm>> -> memref<1x16576xi32, #tpu.memory_space<hbm>>
    %dma_wait3A_76 = tpu.memref_squeeze %dma_wait3A_75 : memref<1x16576xi32, #tpu.memory_space<hbm>> -> memref<16576xi32, #tpu.memory_space<hbm>>
    tpu.wait_dma2 semaphore(%arg11 : memref<!tpu.dma_semaphore, #tpu.memory_space<semaphore_mem>>) src(%arg8 : memref<16576xi32, #tpu.memory_space<vmem>>) dst(%dma_wait3A_76 : memref<16576xi32, #tpu.memory_space<hbm>>)
    %dma_wait3A_77 = arith.constant 0 : i32
    %dma_wait3A_78 = tpu.memref_slice %arg4[%add3A, %dma_wait3A_77] : memref<32x16576xi32, #tpu.memory_space<hbm>> -> memref<1x16576xi32, #tpu.memory_space<hbm>>
    %dma_wait3A_79 = tpu.memref_squeeze %dma_wait3A_78 : memref<1x16576xi32, #tpu.memory_space<hbm>> -> memref<16576xi32, #tpu.memory_space<hbm>>
    %dma_wait3A_80 = arith.constant 0 : i32
    %dma_wait3A_81 = tpu.memref_slice %arg4[%add3A, %dma_wait3A_80] : memref<32x16576xi32, #tpu.memory_space<hbm>> -> memref<1x16576xi32, #tpu.memory_space<hbm>>
    %dma_wait3A_82 = tpu.memref_squeeze %dma_wait3A_81 : memref<1x16576xi32, #tpu.memory_space<hbm>> -> memref<16576xi32, #tpu.memory_space<hbm>>
    tpu.wait_dma2 semaphore(%arg11 : memref<!tpu.dma_semaphore, #tpu.memory_space<semaphore_mem>>) src(%arg9 : memref<16576xi32, #tpu.memory_space<vmem>>) dst(%dma_wait3A_82 : memref<16576xi32, #tpu.memory_space<hbm>>)
    %dma_wait3A_83 = arith.constant 0 : i32
    %dma_wait3A_84 = tpu.memref_slice %arg7[%dma_wait3A_83] : memref<16576xi32, #tpu.memory_space<vmem>> -> memref<16xi32, #tpu.memory_space<vmem>>
    %dma_wait3A_85 = tpu.memref_slice %arg5[%mul3A_65] : memref<512xi32, #tpu.memory_space<hbm>> -> memref<16xi32, #tpu.memory_space<hbm>>
    %dma_wait3A_86 = tpu.memref_slice %arg5[%mul3A_65] : memref<512xi32, #tpu.memory_space<hbm>> -> memref<16xi32, #tpu.memory_space<hbm>>
    %dma_wait3A_87 = arith.constant 0 : i32
    %dma_wait3A_88 = tpu.memref_slice %arg7[%dma_wait3A_87] : memref<16576xi32, #tpu.memory_space<vmem>> -> memref<16xi32, #tpu.memory_space<vmem>>
    tpu.wait_dma2 semaphore(%arg11 : memref<!tpu.dma_semaphore, #tpu.memory_space<semaphore_mem>>) src(%dma_wait3A_88 : memref<16xi32, #tpu.memory_space<vmem>>) dst(%dma_wait3A_86 : memref<16xi32, #tpu.memory_space<hbm>>)
    return
  }
}

#map = affine_map<(d0, d1) -> (0, 0)>
#map1 = affine_map<(d0, d1) -> (0)>
module attributes {stable_mosaic.version = 14 : i64} {
  func.func @_apply_body(%arg0: i32, %arg1: i32, %arg2: memref<16384x32xf32, #tpu.memory_space<hbm>>, %arg3: memref<16384xi32, #tpu.memory_space<hbm>>, %arg4: memref<16xi32, #tpu.memory_space<hbm>>, %arg5: memref<32x16576xi32, #tpu.memory_space<hbm>>, %arg6: memref<32x16576xi32, #tpu.memory_space<hbm>>, %arg7: memref<512xi32, #tpu.memory_space<hbm>>, %arg8: memref<1000000x32xf32, #tpu.memory_space<hbm>>, %arg9: memref<1000000xi32, #tpu.memory_space<hbm>>, %arg10: memref<1000000xi32, #tpu.memory_space<hbm>>, %arg11: memref<1000000x32xf32, #tpu.memory_space<hbm>>, %arg12: memref<1000000xi32, #tpu.memory_space<hbm>>, %arg13: memref<1000000xi32, #tpu.memory_space<hbm>>, %arg14: memref<16576xi32, #tpu.memory_space<vmem>>, %arg15: memref<16576xi32, #tpu.memory_space<vmem>>, %arg16: memref<16xi32, #tpu.memory_space<vmem>>, %arg17: memref<6x128xi32, #tpu.memory_space<vmem>>, %arg18: memref<6x128xi32, #tpu.memory_space<vmem>>, %arg19: memref<6x128x32xf32, #tpu.memory_space<vmem>>, %arg20: memref<6x128xi32, #tpu.memory_space<vmem>>, %arg21: memref<128xi32, #tpu.memory_space<vmem>>, %arg22: memref<!tpu.dma_semaphore, #tpu.memory_space<semaphore_mem>>, %arg23: memref<!tpu.dma_semaphore, #tpu.memory_space<semaphore_mem>>) attributes {dimension_semantics = [#tpu.dimension_semantics<core_parallel>, #tpu.dimension_semantics<subcore_parallel>], iteration_bounds = array<i64: 2, 16>, scalar_prefetch = 0 : i64, scratch_operands = 10 : i64, tpu.core_type = #tpu.core_type<sc_vector_subcore>, window_params = [{transform_indices = #map}, {transform_indices = #map1}, {transform_indices = #map1}, {transform_indices = #map}, {transform_indices = #map}, {transform_indices = #map1}, {transform_indices = #map}, {transform_indices = #map1}, {transform_indices = #map1}, {transform_indices = #map}, {transform_indices = #map1}, {transform_indices = #map1}]} {
    %mul3A = arith.constant 2 : i32
    %mul3A_0 = arith.muli %arg1, %mul3A : i32
    %add3A = arith.addi %mul3A_0, %arg0 : i32
    %dma_start3A = arith.constant 0 : i32
    %dma_start3A_1 = tpu.memref_slice %arg5[%add3A, %dma_start3A] : memref<32x16576xi32, #tpu.memory_space<hbm>> -> memref<1x16576xi32, #tpu.memory_space<hbm>>
    %dma_start3A_2 = tpu.memref_squeeze %dma_start3A_1 : memref<1x16576xi32, #tpu.memory_space<hbm>> -> memref<16576xi32, #tpu.memory_space<hbm>>
    %dma_start3A_3 = arith.constant 0 : i32
    %dma_start3A_4 = tpu.memref_slice %arg5[%add3A, %dma_start3A_3] : memref<32x16576xi32, #tpu.memory_space<hbm>> -> memref<1x16576xi32, #tpu.memory_space<hbm>>
    %dma_start3A_5 = tpu.memref_squeeze %dma_start3A_4 : memref<1x16576xi32, #tpu.memory_space<hbm>> -> memref<16576xi32, #tpu.memory_space<hbm>>
    tpu.enqueue_dma source(%dma_start3A_5 : memref<16576xi32, #tpu.memory_space<hbm>>) target(%arg14 : memref<16576xi32, #tpu.memory_space<vmem>>) target_semaphore(%arg22 : memref<!tpu.dma_semaphore, #tpu.memory_space<semaphore_mem>>)
    %dma_start3A_6 = arith.constant 0 : i32
    %dma_start3A_7 = tpu.memref_slice %arg6[%add3A, %dma_start3A_6] : memref<32x16576xi32, #tpu.memory_space<hbm>> -> memref<1x16576xi32, #tpu.memory_space<hbm>>
    %dma_start3A_8 = tpu.memref_squeeze %dma_start3A_7 : memref<1x16576xi32, #tpu.memory_space<hbm>> -> memref<16576xi32, #tpu.memory_space<hbm>>
    %dma_start3A_9 = arith.constant 0 : i32
    %dma_start3A_10 = tpu.memref_slice %arg6[%add3A, %dma_start3A_9] : memref<32x16576xi32, #tpu.memory_space<hbm>> -> memref<1x16576xi32, #tpu.memory_space<hbm>>
    %dma_start3A_11 = tpu.memref_squeeze %dma_start3A_10 : memref<1x16576xi32, #tpu.memory_space<hbm>> -> memref<16576xi32, #tpu.memory_space<hbm>>
    tpu.enqueue_dma source(%dma_start3A_11 : memref<16576xi32, #tpu.memory_space<hbm>>) target(%arg15 : memref<16576xi32, #tpu.memory_space<vmem>>) target_semaphore(%arg22 : memref<!tpu.dma_semaphore, #tpu.memory_space<semaphore_mem>>)
    %mul3A_12 = arith.constant 16 : i32
    %mul3A_13 = arith.muli %add3A, %mul3A_12 : i32
    %dma_start3A_14 = tpu.memref_slice %arg7[%mul3A_13] : memref<512xi32, #tpu.memory_space<hbm>> -> memref<16xi32, #tpu.memory_space<hbm>>
    %dma_start3A_15 = tpu.memref_slice %arg7[%mul3A_13] : memref<512xi32, #tpu.memory_space<hbm>> -> memref<16xi32, #tpu.memory_space<hbm>>
    tpu.enqueue_dma source(%dma_start3A_15 : memref<16xi32, #tpu.memory_space<hbm>>) target(%arg16 : memref<16xi32, #tpu.memory_space<vmem>>) target_semaphore(%arg22 : memref<!tpu.dma_semaphore, #tpu.memory_space<semaphore_mem>>)
    "tpu.region"() ({
      %run_scoped3A = tpu.sem_alloc : memref<!tpu.dma_semaphore, #tpu.memory_space<semaphore_mem>>
      %dma_start3A_54 = arith.constant 0 : i32
      %dma_start3A_55 = tpu.memref_slice %arg21[%dma_start3A_54] : memref<128xi32, #tpu.memory_space<vmem>> -> memref<16xi32, #tpu.memory_space<vmem>>
      %dma_start3A_56 = arith.constant 0 : i32
      %dma_start3A_57 = tpu.memref_slice %arg21[%dma_start3A_56] : memref<128xi32, #tpu.memory_space<vmem>> -> memref<16xi32, #tpu.memory_space<vmem>>
      tpu.enqueue_dma source(%arg4 : memref<16xi32, #tpu.memory_space<hbm>>) target(%dma_start3A_57 : memref<16xi32, #tpu.memory_space<vmem>>) target_semaphore(%run_scoped3A : memref<!tpu.dma_semaphore, #tpu.memory_space<semaphore_mem>>)
      %dma_wait3A_58 = arith.constant 0 : i32
      %dma_wait3A_59 = tpu.memref_slice %arg21[%dma_wait3A_58] : memref<128xi32, #tpu.memory_space<vmem>> -> memref<16xi32, #tpu.memory_space<vmem>>
      %dma_wait3A_60 = arith.constant 0 : i32
      %dma_wait3A_61 = tpu.memref_slice %arg21[%dma_wait3A_60] : memref<128xi32, #tpu.memory_space<vmem>> -> memref<16xi32, #tpu.memory_space<vmem>>
      tpu.wait_dma2 semaphore(%run_scoped3A : memref<!tpu.dma_semaphore, #tpu.memory_space<semaphore_mem>>) src(%arg4 : memref<16xi32, #tpu.memory_space<hbm>>) dst(%dma_wait3A_61 : memref<16xi32, #tpu.memory_space<vmem>>)
      tpu.yield
    }) : () -> ()
    %get3A = arith.constant 0 : index
    %get3A_16 = tpu.vector_load %arg21[%get3A] {strides = array<i32>} : memref<128xi32, #tpu.memory_space<vmem>>, vector<16xi32>,
    %swap3A = arith.constant 16 : index
    %swap3A_17 = tpu.vector_load %arg21[%swap3A] {strides = array<i32>} : memref<128xi32, #tpu.memory_space<vmem>>, vector<16xi32>,
    tpu.vector_store %arg21[%swap3A], %get3A_16 {strides = array<i32>} : memref<128xi32, #tpu.memory_space<vmem>>, vector<16xi32>,
    %swap3A_18 = arith.constant 32 : index
    %swap3A_19 = tpu.vector_load %arg21[%swap3A_18] {strides = array<i32>} : memref<128xi32, #tpu.memory_space<vmem>>, vector<16xi32>,
    tpu.vector_store %arg21[%swap3A_18], %get3A_16 {strides = array<i32>} : memref<128xi32, #tpu.memory_space<vmem>>, vector<16xi32>,
    %swap3A_20 = arith.constant 48 : index
    %swap3A_21 = tpu.vector_load %arg21[%swap3A_20] {strides = array<i32>} : memref<128xi32, #tpu.memory_space<vmem>>, vector<16xi32>,
    tpu.vector_store %arg21[%swap3A_20], %get3A_16 {strides = array<i32>} : memref<128xi32, #tpu.memory_space<vmem>>, vector<16xi32>,
    %swap3A_22 = arith.constant 64 : index
    %swap3A_23 = tpu.vector_load %arg21[%swap3A_22] {strides = array<i32>} : memref<128xi32, #tpu.memory_space<vmem>>, vector<16xi32>,
    tpu.vector_store %arg21[%swap3A_22], %get3A_16 {strides = array<i32>} : memref<128xi32, #tpu.memory_space<vmem>>, vector<16xi32>,
    %swap3A_24 = arith.constant 80 : index
    %swap3A_25 = tpu.vector_load %arg21[%swap3A_24] {strides = array<i32>} : memref<128xi32, #tpu.memory_space<vmem>>, vector<16xi32>,
    tpu.vector_store %arg21[%swap3A_24], %get3A_16 {strides = array<i32>} : memref<128xi32, #tpu.memory_space<vmem>>, vector<16xi32>,
    %swap3A_26 = arith.constant 96 : index
    %swap3A_27 = tpu.vector_load %arg21[%swap3A_26] {strides = array<i32>} : memref<128xi32, #tpu.memory_space<vmem>>, vector<16xi32>,
    tpu.vector_store %arg21[%swap3A_26], %get3A_16 {strides = array<i32>} : memref<128xi32, #tpu.memory_space<vmem>>, vector<16xi32>,
    %swap3A_28 = arith.constant 112 : index
    %swap3A_29 = tpu.vector_load %arg21[%swap3A_28] {strides = array<i32>} : memref<128xi32, #tpu.memory_space<vmem>>, vector<16xi32>,
    tpu.vector_store %arg21[%swap3A_28], %get3A_16 {strides = array<i32>} : memref<128xi32, #tpu.memory_space<vmem>>, vector<16xi32>,
    %dma_wait3A = arith.constant 0 : i32
    %dma_wait3A_30 = tpu.memref_slice %arg5[%add3A, %dma_wait3A] : memref<32x16576xi32, #tpu.memory_space<hbm>> -> memref<1x16576xi32, #tpu.memory_space<hbm>>
    %dma_wait3A_31 = tpu.memref_squeeze %dma_wait3A_30 : memref<1x16576xi32, #tpu.memory_space<hbm>> -> memref<16576xi32, #tpu.memory_space<hbm>>
    %dma_wait3A_32 = arith.constant 0 : i32
    %dma_wait3A_33 = tpu.memref_slice %arg5[%add3A, %dma_wait3A_32] : memref<32x16576xi32, #tpu.memory_space<hbm>> -> memref<1x16576xi32, #tpu.memory_space<hbm>>
    %dma_wait3A_34 = tpu.memref_squeeze %dma_wait3A_33 : memref<1x16576xi32, #tpu.memory_space<hbm>> -> memref<16576xi32, #tpu.memory_space<hbm>>
    tpu.wait_dma2 semaphore(%arg22 : memref<!tpu.dma_semaphore, #tpu.memory_space<semaphore_mem>>) src(%dma_wait3A_34 : memref<16576xi32, #tpu.memory_space<hbm>>) dst(%arg14 : memref<16576xi32, #tpu.memory_space<vmem>>)
    %dma_wait3A_35 = arith.constant 0 : i32
    %dma_wait3A_36 = tpu.memref_slice %arg6[%add3A, %dma_wait3A_35] : memref<32x16576xi32, #tpu.memory_space<hbm>> -> memref<1x16576xi32, #tpu.memory_space<hbm>>
    %dma_wait3A_37 = tpu.memref_squeeze %dma_wait3A_36 : memref<1x16576xi32, #tpu.memory_space<hbm>> -> memref<16576xi32, #tpu.memory_space<hbm>>
    %dma_wait3A_38 = arith.constant 0 : i32
    %dma_wait3A_39 = tpu.memref_slice %arg6[%add3A, %dma_wait3A_38] : memref<32x16576xi32, #tpu.memory_space<hbm>> -> memref<1x16576xi32, #tpu.memory_space<hbm>>
    %dma_wait3A_40 = tpu.memref_squeeze %dma_wait3A_39 : memref<1x16576xi32, #tpu.memory_space<hbm>> -> memref<16576xi32, #tpu.memory_space<hbm>>
    tpu.wait_dma2 semaphore(%arg22 : memref<!tpu.dma_semaphore, #tpu.memory_space<semaphore_mem>>) src(%dma_wait3A_40 : memref<16576xi32, #tpu.memory_space<hbm>>) dst(%arg15 : memref<16576xi32, #tpu.memory_space<vmem>>)
    %dma_wait3A_41 = tpu.memref_slice %arg7[%mul3A_13] : memref<512xi32, #tpu.memory_space<hbm>> -> memref<16xi32, #tpu.memory_space<hbm>>
    %dma_wait3A_42 = tpu.memref_slice %arg7[%mul3A_13] : memref<512xi32, #tpu.memory_space<hbm>> -> memref<16xi32, #tpu.memory_space<hbm>>
    tpu.wait_dma2 semaphore(%arg22 : memref<!tpu.dma_semaphore, #tpu.memory_space<semaphore_mem>>) src(%dma_wait3A_42 : memref<16xi32, #tpu.memory_space<hbm>>) dst(%arg16 : memref<16xi32, #tpu.memory_space<vmem>>)
    %get3A_43 = arith.constant 0 : index
    %get3A_44 = tpu.vector_load %arg16[%get3A_43] {strides = array<i32>} : memref<16xi32, #tpu.memory_space<vmem>>, vector<16xi32>,
    %reduce_max3A = arith.constant true
    %reduce_max3A_45 = vector.broadcast %reduce_max3A : i1 to vector<16xi1>
    %reduce_max3A_46 = arith.constant -2147483648 : i32
    %reduce_max3A_47 = vector.broadcast %reduce_max3A_46 : i32 to vector<16xi32>
    %reduce_max3A_48 = arith.xori %get3A_44, %reduce_max3A_47 : vector<16xi32>
    %reduce_max3A_49 = tpu.scan <max>, %reduce_max3A_48 masked %reduce_max3A_45 : vector<16xi32>, vector<16xi1> -> vector<16xi32>
    %reduce_max3A_50 = arith.xori %reduce_max3A_49, %reduce_max3A_47 : vector<16xi32>
    %reduce_max3A_51 = vector.extract %reduce_max3A_50[15] : i32 from vector<16xi32>
    %gt3A = arith.constant 0 : i32
    %gt3A_52 = arith.cmpi sgt, %reduce_max3A_51, %gt3A : i32
    %convert_element_type3A = arith.extui %gt3A_52 : i1 to i32
    %cond3A = arith.constant 0 : i32
    %cond3A_53 = arith.cmpi ne, %convert_element_type3A, %cond3A : i32
    scf.if %cond3A_53 {
      %add3A_54 = arith.constant 128 : i32
      %add3A_55 = arith.addi %reduce_max3A_51, %add3A_54 : i32
      %sub3A = arith.constant 1 : i32
      %sub3A_56 = arith.subi %add3A_55, %sub3A : i32
      %jit3A = arith.constant 128 : i32
      %div3A = arith.divsi %sub3A_56, %jit3A : i32
      %sign3A = arith.constant 0 : i32
      %sign3A_57 = arith.cmpi sgt, %sub3A_56, %sign3A : i32
      %sign3A_58 = arith.extui %sign3A_57 : i1 to i32
      %sign3A_59 = arith.constant 0 : i32
      %sign3A_60 = arith.cmpi slt, %sub3A_56, %sign3A_59 : i32
      %sign3A_61 = arith.extui %sign3A_60 : i1 to i32
      %sign3A_62 = arith.subi %sign3A_58, %sign3A_61 : i32
      %sign3A_63 = arith.constant 0 : i32
      %sign3A_64 = arith.cmpi sgt, %jit3A, %sign3A_63 : i32
      %sign3A_65 = arith.extui %sign3A_64 : i1 to i32
      %sign3A_66 = arith.constant 0 : i32
      %sign3A_67 = arith.cmpi slt, %jit3A, %sign3A_66 : i32
      %sign3A_68 = arith.extui %sign3A_67 : i1 to i32
      %sign3A_69 = arith.subi %sign3A_65, %sign3A_68 : i32
      %ne3A = arith.cmpi ne, %sign3A_62, %sign3A_69 : i32
      %rem3A = arith.remsi %sub3A_56, %jit3A : i32
      %ne3A_70 = arith.constant 0 : i32
      %ne3A_71 = arith.cmpi ne, %rem3A, %ne3A_70 : i32
      %and3A = arith.andi %ne3A, %ne3A_71 : i1
      %sub3A_72 = arith.constant 1 : i32
      %sub3A_73 = arith.subi %div3A, %sub3A_72 : i32
      %select_n3A = arith.select %and3A, %sub3A_73, %div3A : i32
      %gt3A_74 = arith.constant 0 : i32
      %gt3A_75 = arith.cmpi sgt, %select_n3A, %gt3A_74 : i32
      %convert_element_type3A_76 = arith.extui %gt3A_75 : i1 to i32
      %cond3A_77 = arith.constant 0 : i32
      %cond3A_78 = arith.cmpi ne, %convert_element_type3A_76, %cond3A_77 : i32
      scf.if %cond3A_78 {
        %get3A_169 = arith.constant 0 : index
        %get3A_170 = tpu.vector_load %arg14[%get3A_169] {strides = array<i32>} : memref<16576xi32, #tpu.memory_space<vmem>>, vector<16xi32>,
        %swap3A_171 = arith.constant 0 : i32
        %swap3A_172 = arith.index_cast %swap3A_171 : i32 to index
        %swap3A_173 = arith.constant 0 : index
        %swap3A_174 = tpu.vector_load %arg17[%swap3A_172, %swap3A_173] {strides = array<i32>} : memref<6x128xi32, #tpu.memory_space<vmem>>, vector<16xi32>,
        tpu.vector_store %arg17[%swap3A_172, %swap3A_173], %get3A_170 {strides = array<i32>} : memref<6x128xi32, #tpu.memory_space<vmem>>, vector<16xi32>,
        %get3A_175 = arith.constant 0 : index
        %get3A_176 = tpu.vector_load %arg15[%get3A_175] {strides = array<i32>} : memref<16576xi32, #tpu.memory_space<vmem>>, vector<16xi32>,
        %swap3A_177 = arith.constant 0 : i32
        %swap3A_178 = arith.index_cast %swap3A_177 : i32 to index
        %swap3A_179 = arith.constant 0 : index
        %swap3A_180 = tpu.vector_load %arg18[%swap3A_178, %swap3A_179] {strides = array<i32>} : memref<6x128xi32, #tpu.memory_space<vmem>>, vector<16xi32>,
        tpu.vector_store %arg18[%swap3A_178, %swap3A_179], %get3A_176 {strides = array<i32>} : memref<6x128xi32, #tpu.memory_space<vmem>>, vector<16xi32>,
        %get3A_181 = arith.constant 16 : index
        %get3A_182 = tpu.vector_load %arg14[%get3A_181] {strides = array<i32>} : memref<16576xi32, #tpu.memory_space<vmem>>, vector<16xi32>,
        %swap3A_183 = arith.constant 0 : i32
        %swap3A_184 = arith.index_cast %swap3A_183 : i32 to index
        %swap3A_185 = arith.constant 16 : index
        %swap3A_186 = tpu.vector_load %arg17[%swap3A_184, %swap3A_185] {strides = array<i32>} : memref<6x128xi32, #tpu.memory_space<vmem>>, vector<16xi32>,
        tpu.vector_store %arg17[%swap3A_184, %swap3A_185], %get3A_182 {strides = array<i32>} : memref<6x128xi32, #tpu.memory_space<vmem>>, vector<16xi32>,
        %get3A_187 = arith.constant 16 : index
        %get3A_188 = tpu.vector_load %arg15[%get3A_187] {strides = array<i32>} : memref<16576xi32, #tpu.memory_space<vmem>>, vector<16xi32>,
        %swap3A_189 = arith.constant 0 : i32
        %swap3A_190 = arith.index_cast %swap3A_189 : i32 to index
        %swap3A_191 = arith.constant 16 : index
        %swap3A_192 = tpu.vector_load %arg18[%swap3A_190, %swap3A_191] {strides = array<i32>} : memref<6x128xi32, #tpu.memory_space<vmem>>, vector<16xi32>,
        tpu.vector_store %arg18[%swap3A_190, %swap3A_191], %get3A_188 {strides = array<i32>} : memref<6x128xi32, #tpu.memory_space<vmem>>, vector<16xi32>,
        %get3A_193 = arith.constant 32 : index
        %get3A_194 = tpu.vector_load %arg14[%get3A_193] {strides = array<i32>} : memref<16576xi32, #tpu.memory_space<vmem>>, vector<16xi32>,
        %swap3A_195 = arith.constant 0 : i32
        %swap3A_196 = arith.index_cast %swap3A_195 : i32 to index
        %swap3A_197 = arith.constant 32 : index
        %swap3A_198 = tpu.vector_load %arg17[%swap3A_196, %swap3A_197] {strides = array<i32>} : memref<6x128xi32, #tpu.memory_space<vmem>>, vector<16xi32>,
        tpu.vector_store %arg17[%swap3A_196, %swap3A_197], %get3A_194 {strides = array<i32>} : memref<6x128xi32, #tpu.memory_space<vmem>>, vector<16xi32>,
        %get3A_199 = arith.constant 32 : index
        %get3A_200 = tpu.vector_load %arg15[%get3A_199] {strides = array<i32>} : memref<16576xi32, #tpu.memory_space<vmem>>, vector<16xi32>,
        %swap3A_201 = arith.constant 0 : i32
        %swap3A_202 = arith.index_cast %swap3A_201 : i32 to index
        %swap3A_203 = arith.constant 32 : index
        %swap3A_204 = tpu.vector_load %arg18[%swap3A_202, %swap3A_203] {strides = array<i32>} : memref<6x128xi32, #tpu.memory_space<vmem>>, vector<16xi32>,
        tpu.vector_store %arg18[%swap3A_202, %swap3A_203], %get3A_200 {strides = array<i32>} : memref<6x128xi32, #tpu.memory_space<vmem>>, vector<16xi32>,
        %get3A_205 = arith.constant 48 : index
        %get3A_206 = tpu.vector_load %arg14[%get3A_205] {strides = array<i32>} : memref<16576xi32, #tpu.memory_space<vmem>>, vector<16xi32>,
        %swap3A_207 = arith.constant 0 : i32
        %swap3A_208 = arith.index_cast %swap3A_207 : i32 to index
        %swap3A_209 = arith.constant 48 : index
        %swap3A_210 = tpu.vector_load %arg17[%swap3A_208, %swap3A_209] {strides = array<i32>} : memref<6x128xi32, #tpu.memory_space<vmem>>, vector<16xi32>,
        tpu.vector_store %arg17[%swap3A_208, %swap3A_209], %get3A_206 {strides = array<i32>} : memref<6x128xi32, #tpu.memory_space<vmem>>, vector<16xi32>,
        %get3A_211 = arith.constant 48 : index
        %get3A_212 = tpu.vector_load %arg15[%get3A_211] {strides = array<i32>} : memref<16576xi32, #tpu.memory_space<vmem>>, vector<16xi32>,
        %swap3A_213 = arith.constant 0 : i32
        %swap3A_214 = arith.index_cast %swap3A_213 : i32 to index
        %swap3A_215 = arith.constant 48 : index
        %swap3A_216 = tpu.vector_load %arg18[%swap3A_214, %swap3A_215] {strides = array<i32>} : memref<6x128xi32, #tpu.memory_space<vmem>>, vector<16xi32>,
        tpu.vector_store %arg18[%swap3A_214, %swap3A_215], %get3A_212 {strides = array<i32>} : memref<6x128xi32, #tpu.memory_space<vmem>>, vector<16xi32>,
        %get3A_217 = arith.constant 64 : index
        %get3A_218 = tpu.vector_load %arg14[%get3A_217] {strides = array<i32>} : memref<16576xi32, #tpu.memory_space<vmem>>, vector<16xi32>,
        %swap3A_219 = arith.constant 0 : i32
        %swap3A_220 = arith.index_cast %swap3A_219 : i32 to index
        %swap3A_221 = arith.constant 64 : index
        %swap3A_222 = tpu.vector_load %arg17[%swap3A_220, %swap3A_221] {strides = array<i32>} : memref<6x128xi32, #tpu.memory_space<vmem>>, vector<16xi32>,
        tpu.vector_store %arg17[%swap3A_220, %swap3A_221], %get3A_218 {strides = array<i32>} : memref<6x128xi32, #tpu.memory_space<vmem>>, vector<16xi32>,
        %get3A_223 = arith.constant 64 : index
        %get3A_224 = tpu.vector_load %arg15[%get3A_223] {strides = array<i32>} : memref<16576xi32, #tpu.memory_space<vmem>>, vector<16xi32>,
        %swap3A_225 = arith.constant 0 : i32
        %swap3A_226 = arith.index_cast %swap3A_225 : i32 to index
        %swap3A_227 = arith.constant 64 : index
        %swap3A_228 = tpu.vector_load %arg18[%swap3A_226, %swap3A_227] {strides = array<i32>} : memref<6x128xi32, #tpu.memory_space<vmem>>, vector<16xi32>,
        tpu.vector_store %arg18[%swap3A_226, %swap3A_227], %get3A_224 {strides = array<i32>} : memref<6x128xi32, #tpu.memory_space<vmem>>, vector<16xi32>,
        %get3A_229 = arith.constant 80 : index
        %get3A_230 = tpu.vector_load %arg14[%get3A_229] {strides = array<i32>} : memref<16576xi32, #tpu.memory_space<vmem>>, vector<16xi32>,
        %swap3A_231 = arith.constant 0 : i32
        %swap3A_232 = arith.index_cast %swap3A_231 : i32 to index
        %swap3A_233 = arith.constant 80 : index
        %swap3A_234 = tpu.vector_load %arg17[%swap3A_232, %swap3A_233] {strides = array<i32>} : memref<6x128xi32, #tpu.memory_space<vmem>>, vector<16xi32>,
        tpu.vector_store %arg17[%swap3A_232, %swap3A_233], %get3A_230 {strides = array<i32>} : memref<6x128xi32, #tpu.memory_space<vmem>>, vector<16xi32>,
        %get3A_235 = arith.constant 80 : index
        %get3A_236 = tpu.vector_load %arg15[%get3A_235] {strides = array<i32>} : memref<16576xi32, #tpu.memory_space<vmem>>, vector<16xi32>,
        %swap3A_237 = arith.constant 0 : i32
        %swap3A_238 = arith.index_cast %swap3A_237 : i32 to index
        %swap3A_239 = arith.constant 80 : index
        %swap3A_240 = tpu.vector_load %arg18[%swap3A_238, %swap3A_239] {strides = array<i32>} : memref<6x128xi32, #tpu.memory_space<vmem>>, vector<16xi32>,
        tpu.vector_store %arg18[%swap3A_238, %swap3A_239], %get3A_236 {strides = array<i32>} : memref<6x128xi32, #tpu.memory_space<vmem>>, vector<16xi32>,
        %get3A_241 = arith.constant 96 : index
        %get3A_242 = tpu.vector_load %arg14[%get3A_241] {strides = array<i32>} : memref<16576xi32, #tpu.memory_space<vmem>>, vector<16xi32>,
        %swap3A_243 = arith.constant 0 : i32
        %swap3A_244 = arith.index_cast %swap3A_243 : i32 to index
        %swap3A_245 = arith.constant 96 : index
        %swap3A_246 = tpu.vector_load %arg17[%swap3A_244, %swap3A_245] {strides = array<i32>} : memref<6x128xi32, #tpu.memory_space<vmem>>, vector<16xi32>,
        tpu.vector_store %arg17[%swap3A_244, %swap3A_245], %get3A_242 {strides = array<i32>} : memref<6x128xi32, #tpu.memory_space<vmem>>, vector<16xi32>,
        %get3A_247 = arith.constant 96 : index
        %get3A_248 = tpu.vector_load %arg15[%get3A_247] {strides = array<i32>} : memref<16576xi32, #tpu.memory_space<vmem>>, vector<16xi32>,
        %swap3A_249 = arith.constant 0 : i32
        %swap3A_250 = arith.index_cast %swap3A_249 : i32 to index
        %swap3A_251 = arith.constant 96 : index
        %swap3A_252 = tpu.vector_load %arg18[%swap3A_250, %swap3A_251] {strides = array<i32>} : memref<6x128xi32, #tpu.memory_space<vmem>>, vector<16xi32>,
        tpu.vector_store %arg18[%swap3A_250, %swap3A_251], %get3A_248 {strides = array<i32>} : memref<6x128xi32, #tpu.memory_space<vmem>>, vector<16xi32>,
        %get3A_253 = arith.constant 112 : index
        %get3A_254 = tpu.vector_load %arg14[%get3A_253] {strides = array<i32>} : memref<16576xi32, #tpu.memory_space<vmem>>, vector<16xi32>,
        %swap3A_255 = arith.constant 0 : i32
        %swap3A_256 = arith.index_cast %swap3A_255 : i32 to index
        %swap3A_257 = arith.constant 112 : index
        %swap3A_258 = tpu.vector_load %arg17[%swap3A_256, %swap3A_257] {strides = array<i32>} : memref<6x128xi32, #tpu.memory_space<vmem>>, vector<16xi32>,
        tpu.vector_store %arg17[%swap3A_256, %swap3A_257], %get3A_254 {strides = array<i32>} : memref<6x128xi32, #tpu.memory_space<vmem>>, vector<16xi32>,
        %get3A_259 = arith.constant 112 : index
        %get3A_260 = tpu.vector_load %arg15[%get3A_259] {strides = array<i32>} : memref<16576xi32, #tpu.memory_space<vmem>>, vector<16xi32>,
        %swap3A_261 = arith.constant 0 : i32
        %swap3A_262 = arith.index_cast %swap3A_261 : i32 to index
        %swap3A_263 = arith.constant 112 : index
        %swap3A_264 = tpu.vector_load %arg18[%swap3A_262, %swap3A_263] {strides = array<i32>} : memref<6x128xi32, #tpu.memory_space<vmem>>, vector<16xi32>,
        tpu.vector_store %arg18[%swap3A_262, %swap3A_263], %get3A_260 {strides = array<i32>} : memref<6x128xi32, #tpu.memory_space<vmem>>, vector<16xi32>,
        %dma_start3A_265 = arith.constant 0 : i32
        %dma_start3A_266 = arith.constant 0 : i32
        %dma_start3A_267 = arith.constant 0 : i32
        %dma_start3A_268 = arith.constant 0 : i32
        %dma_start3A_269 = tpu.memref_slice %arg19[%dma_start3A_266, %dma_start3A_267, %dma_start3A_268] : memref<6x128x32xf32, #tpu.memory_space<vmem>> -> memref<1x128x32xf32, #tpu.memory_space<vmem>>
        %dma_start3A_270 = tpu.memref_squeeze %dma_start3A_269 : memref<1x128x32xf32, #tpu.memory_space<vmem>> -> memref<128x32xf32, #tpu.memory_space<vmem>>
        %dma_start3A_271 = arith.constant 0 : i32
        %dma_start3A_272 = tpu.memref_slice %arg17[%dma_start3A_265, %dma_start3A_271] : memref<6x128xi32, #tpu.memory_space<vmem>> -> memref<1x128xi32, #tpu.memory_space<vmem>>
        %dma_start3A_273 = tpu.memref_squeeze %dma_start3A_272 : memref<1x128xi32, #tpu.memory_space<vmem>> -> memref<128xi32, #tpu.memory_space<vmem>>
        %dma_start3A_274 = arith.constant 0 : i32
        %dma_start3A_275 = arith.constant 0 : i32
        %dma_start3A_276 = tpu.memref_slice %arg2[%dma_start3A_274, %dma_start3A_275] : memref<16384x32xf32, #tpu.memory_space<hbm>> -> memref<16384x32xf32, #tpu.memory_space<hbm>>
        tpu.enqueue_indirect_dma source(%dma_start3A_276 : memref<16384x32xf32, #tpu.memory_space<hbm>>) target(%dma_start3A_270 : memref<128x32xf32, #tpu.memory_space<vmem>>) offsets(%dma_start3A_273 : memref<128xi32, #tpu.memory_space<vmem>>) semaphore(%arg22 : memref<!tpu.dma_semaphore, #tpu.memory_space<semaphore_mem>>)
        %dma_start3A_277 = arith.constant 0 : i32
        %dma_start3A_278 = arith.constant 0 : i32
        %dma_start3A_279 = arith.constant 0 : i32
        %dma_start3A_280 = tpu.memref_slice %arg20[%dma_start3A_278, %dma_start3A_279] : memref<6x128xi32, #tpu.memory_space<vmem>> -> memref<1x128xi32, #tpu.memory_space<vmem>>
        %dma_start3A_281 = tpu.memref_squeeze %dma_start3A_280 : memref<1x128xi32, #tpu.memory_space<vmem>> -> memref<128xi32, #tpu.memory_space<vmem>>
        %dma_start3A_282 = arith.constant 0 : i32
        %dma_start3A_283 = tpu.memref_slice %arg17[%dma_start3A_277, %dma_start3A_282] : memref<6x128xi32, #tpu.memory_space<vmem>> -> memref<1x128xi32, #tpu.memory_space<vmem>>
        %dma_start3A_284 = tpu.memref_squeeze %dma_start3A_283 : memref<1x128xi32, #tpu.memory_space<vmem>> -> memref<128xi32, #tpu.memory_space<vmem>>
        %dma_start3A_285 = arith.constant 0 : i32
        %dma_start3A_286 = tpu.memref_slice %arg3[%dma_start3A_285] : memref<16384xi32, #tpu.memory_space<hbm>> -> memref<16384xi32, #tpu.memory_space<hbm>>
        tpu.enqueue_indirect_dma source(%dma_start3A_286 : memref<16384xi32, #tpu.memory_space<hbm>>) target(%dma_start3A_281 : memref<128xi32, #tpu.memory_space<vmem>>) offsets(%dma_start3A_284 : memref<128xi32, #tpu.memory_space<vmem>>) semaphore(%arg22 : memref<!tpu.dma_semaphore, #tpu.memory_space<semaphore_mem>>)
      } else {
      }
      %gt3A_79 = arith.constant 1 : i32
      %gt3A_80 = arith.cmpi sgt, %select_n3A, %gt3A_79 : i32
      %convert_element_type3A_81 = arith.extui %gt3A_80 : i1 to i32
      %cond3A_82 = arith.constant 0 : i32
      %cond3A_83 = arith.cmpi ne, %convert_element_type3A_81, %cond3A_82 : i32
      scf.if %cond3A_83 {
        %get3A_169 = arith.constant 128 : index
        %get3A_170 = tpu.vector_load %arg14[%get3A_169] {strides = array<i32>} : memref<16576xi32, #tpu.memory_space<vmem>>, vector<16xi32>,
        %swap3A_171 = arith.constant 1 : i32
        %swap3A_172 = arith.index_cast %swap3A_171 : i32 to index
        %swap3A_173 = arith.constant 0 : index
        %swap3A_174 = tpu.vector_load %arg17[%swap3A_172, %swap3A_173] {strides = array<i32>} : memref<6x128xi32, #tpu.memory_space<vmem>>, vector<16xi32>,
        tpu.vector_store %arg17[%swap3A_172, %swap3A_173], %get3A_170 {strides = array<i32>} : memref<6x128xi32, #tpu.memory_space<vmem>>, vector<16xi32>,
        %get3A_175 = arith.constant 128 : index
        %get3A_176 = tpu.vector_load %arg15[%get3A_175] {strides = array<i32>} : memref<16576xi32, #tpu.memory_space<vmem>>, vector<16xi32>,
        %swap3A_177 = arith.constant 1 : i32
        %swap3A_178 = arith.index_cast %swap3A_177 : i32 to index
        %swap3A_179 = arith.constant 0 : index
        %swap3A_180 = tpu.vector_load %arg18[%swap3A_178, %swap3A_179] {strides = array<i32>} : memref<6x128xi32, #tpu.memory_space<vmem>>, vector<16xi32>,
        tpu.vector_store %arg18[%swap3A_178, %swap3A_179], %get3A_176 {strides = array<i32>} : memref<6x128xi32, #tpu.memory_space<vmem>>, vector<16xi32>,
        %get3A_181 = arith.constant 144 : index
        %get3A_182 = tpu.vector_load %arg14[%get3A_181] {strides = array<i32>} : memref<16576xi32, #tpu.memory_space<vmem>>, vector<16xi32>,
        %swap3A_183 = arith.constant 1 : i32
        %swap3A_184 = arith.index_cast %swap3A_183 : i32 to index
        %swap3A_185 = arith.constant 16 : index
        %swap3A_186 = tpu.vector_load %arg17[%swap3A_184, %swap3A_185] {strides = array<i32>} : memref<6x128xi32, #tpu.memory_space<vmem>>, vector<16xi32>,
        tpu.vector_store %arg17[%swap3A_184, %swap3A_185], %get3A_182 {strides = array<i32>} : memref<6x128xi32, #tpu.memory_space<vmem>>, vector<16xi32>,
        %get3A_187 = arith.constant 144 : index
        %get3A_188 = tpu.vector_load %arg15[%get3A_187] {strides = array<i32>} : memref<16576xi32, #tpu.memory_space<vmem>>, vector<16xi32>,
        %swap3A_189 = arith.constant 1 : i32
        %swap3A_190 = arith.index_cast %swap3A_189 : i32 to index
        %swap3A_191 = arith.constant 16 : index
        %swap3A_192 = tpu.vector_load %arg18[%swap3A_190, %swap3A_191] {strides = array<i32>} : memref<6x128xi32, #tpu.memory_space<vmem>>, vector<16xi32>,
        tpu.vector_store %arg18[%swap3A_190, %swap3A_191], %get3A_188 {strides = array<i32>} : memref<6x128xi32, #tpu.memory_space<vmem>>, vector<16xi32>,
        %get3A_193 = arith.constant 160 : index
        %get3A_194 = tpu.vector_load %arg14[%get3A_193] {strides = array<i32>} : memref<16576xi32, #tpu.memory_space<vmem>>, vector<16xi32>,
        %swap3A_195 = arith.constant 1 : i32
        %swap3A_196 = arith.index_cast %swap3A_195 : i32 to index
        %swap3A_197 = arith.constant 32 : index
        %swap3A_198 = tpu.vector_load %arg17[%swap3A_196, %swap3A_197] {strides = array<i32>} : memref<6x128xi32, #tpu.memory_space<vmem>>, vector<16xi32>,
        tpu.vector_store %arg17[%swap3A_196, %swap3A_197], %get3A_194 {strides = array<i32>} : memref<6x128xi32, #tpu.memory_space<vmem>>, vector<16xi32>,
        %get3A_199 = arith.constant 160 : index
        %get3A_200 = tpu.vector_load %arg15[%get3A_199] {strides = array<i32>} : memref<16576xi32, #tpu.memory_space<vmem>>, vector<16xi32>,
        %swap3A_201 = arith.constant 1 : i32
        %swap3A_202 = arith.index_cast %swap3A_201 : i32 to index
        %swap3A_203 = arith.constant 32 : index
        %swap3A_204 = tpu.vector_load %arg18[%swap3A_202, %swap3A_203] {strides = array<i32>} : memref<6x128xi32, #tpu.memory_space<vmem>>, vector<16xi32>,
        tpu.vector_store %arg18[%swap3A_202, %swap3A_203], %get3A_200 {strides = array<i32>} : memref<6x128xi32, #tpu.memory_space<vmem>>, vector<16xi32>,
        %get3A_205 = arith.constant 176 : index
        %get3A_206 = tpu.vector_load %arg14[%get3A_205] {strides = array<i32>} : memref<16576xi32, #tpu.memory_space<vmem>>, vector<16xi32>,
        %swap3A_207 = arith.constant 1 : i32
        %swap3A_208 = arith.index_cast %swap3A_207 : i32 to index
        %swap3A_209 = arith.constant 48 : index
        %swap3A_210 = tpu.vector_load %arg17[%swap3A_208, %swap3A_209] {strides = array<i32>} : memref<6x128xi32, #tpu.memory_space<vmem>>, vector<16xi32>,
        tpu.vector_store %arg17[%swap3A_208, %swap3A_209], %get3A_206 {strides = array<i32>} : memref<6x128xi32, #tpu.memory_space<vmem>>, vector<16xi32>,
        %get3A_211 = arith.constant 176 : index
        %get3A_212 = tpu.vector_load %arg15[%get3A_211] {strides = array<i32>} : memref<16576xi32, #tpu.memory_space<vmem>>, vector<16xi32>,
        %swap3A_213 = arith.constant 1 : i32
        %swap3A_214 = arith.index_cast %swap3A_213 : i32 to index
        %swap3A_215 = arith.constant 48 : index
        %swap3A_216 = tpu.vector_load %arg18[%swap3A_214, %swap3A_215] {strides = array<i32>} : memref<6x128xi32, #tpu.memory_space<vmem>>, vector<16xi32>,
        tpu.vector_store %arg18[%swap3A_214, %swap3A_215], %get3A_212 {strides = array<i32>} : memref<6x128xi32, #tpu.memory_space<vmem>>, vector<16xi32>,
        %get3A_217 = arith.constant 192 : index
        %get3A_218 = tpu.vector_load %arg14[%get3A_217] {strides = array<i32>} : memref<16576xi32, #tpu.memory_space<vmem>>, vector<16xi32>,
        %swap3A_219 = arith.constant 1 : i32
        %swap3A_220 = arith.index_cast %swap3A_219 : i32 to index
        %swap3A_221 = arith.constant 64 : index
        %swap3A_222 = tpu.vector_load %arg17[%swap3A_220, %swap3A_221] {strides = array<i32>} : memref<6x128xi32, #tpu.memory_space<vmem>>, vector<16xi32>,
        tpu.vector_store %arg17[%swap3A_220, %swap3A_221], %get3A_218 {strides = array<i32>} : memref<6x128xi32, #tpu.memory_space<vmem>>, vector<16xi32>,
        %get3A_223 = arith.constant 192 : index
        %get3A_224 = tpu.vector_load %arg15[%get3A_223] {strides = array<i32>} : memref<16576xi32, #tpu.memory_space<vmem>>, vector<16xi32>,
        %swap3A_225 = arith.constant 1 : i32
        %swap3A_226 = arith.index_cast %swap3A_225 : i32 to index
        %swap3A_227 = arith.constant 64 : index
        %swap3A_228 = tpu.vector_load %arg18[%swap3A_226, %swap3A_227] {strides = array<i32>} : memref<6x128xi32, #tpu.memory_space<vmem>>, vector<16xi32>,
        tpu.vector_store %arg18[%swap3A_226, %swap3A_227], %get3A_224 {strides = array<i32>} : memref<6x128xi32, #tpu.memory_space<vmem>>, vector<16xi32>,
        %get3A_229 = arith.constant 208 : index
        %get3A_230 = tpu.vector_load %arg14[%get3A_229] {strides = array<i32>} : memref<16576xi32, #tpu.memory_space<vmem>>, vector<16xi32>,
        %swap3A_231 = arith.constant 1 : i32
        %swap3A_232 = arith.index_cast %swap3A_231 : i32 to index
        %swap3A_233 = arith.constant 80 : index
        %swap3A_234 = tpu.vector_load %arg17[%swap3A_232, %swap3A_233] {strides = array<i32>} : memref<6x128xi32, #tpu.memory_space<vmem>>, vector<16xi32>,
        tpu.vector_store %arg17[%swap3A_232, %swap3A_233], %get3A_230 {strides = array<i32>} : memref<6x128xi32, #tpu.memory_space<vmem>>, vector<16xi32>,
        %get3A_235 = arith.constant 208 : index
        %get3A_236 = tpu.vector_load %arg15[%get3A_235] {strides = array<i32>} : memref<16576xi32, #tpu.memory_space<vmem>>, vector<16xi32>,
        %swap3A_237 = arith.constant 1 : i32
        %swap3A_238 = arith.index_cast %swap3A_237 : i32 to index
        %swap3A_239 = arith.constant 80 : index
        %swap3A_240 = tpu.vector_load %arg18[%swap3A_238, %swap3A_239] {strides = array<i32>} : memref<6x128xi32, #tpu.memory_space<vmem>>, vector<16xi32>,
        tpu.vector_store %arg18[%swap3A_238, %swap3A_239], %get3A_236 {strides = array<i32>} : memref<6x128xi32, #tpu.memory_space<vmem>>, vector<16xi32>,
        %get3A_241 = arith.constant 224 : index
        %get3A_242 = tpu.vector_load %arg14[%get3A_241] {strides = array<i32>} : memref<16576xi32, #tpu.memory_space<vmem>>, vector<16xi32>,
        %swap3A_243 = arith.constant 1 : i32
        %swap3A_244 = arith.index_cast %swap3A_243 : i32 to index
        %swap3A_245 = arith.constant 96 : index
        %swap3A_246 = tpu.vector_load %arg17[%swap3A_244, %swap3A_245] {strides = array<i32>} : memref<6x128xi32, #tpu.memory_space<vmem>>, vector<16xi32>,
        tpu.vector_store %arg17[%swap3A_244, %swap3A_245], %get3A_242 {strides = array<i32>} : memref<6x128xi32, #tpu.memory_space<vmem>>, vector<16xi32>,
        %get3A_247 = arith.constant 224 : index
        %get3A_248 = tpu.vector_load %arg15[%get3A_247] {strides = array<i32>} : memref<16576xi32, #tpu.memory_space<vmem>>, vector<16xi32>,
        %swap3A_249 = arith.constant 1 : i32
        %swap3A_250 = arith.index_cast %swap3A_249 : i32 to index
        %swap3A_251 = arith.constant 96 : index
        %swap3A_252 = tpu.vector_load %arg18[%swap3A_250, %swap3A_251] {strides = array<i32>} : memref<6x128xi32, #tpu.memory_space<vmem>>, vector<16xi32>,
        tpu.vector_store %arg18[%swap3A_250, %swap3A_251], %get3A_248 {strides = array<i32>} : memref<6x128xi32, #tpu.memory_space<vmem>>, vector<16xi32>,
        %get3A_253 = arith.constant 240 : index
        %get3A_254 = tpu.vector_load %arg14[%get3A_253] {strides = array<i32>} : memref<16576xi32, #tpu.memory_space<vmem>>, vector<16xi32>,
        %swap3A_255 = arith.constant 1 : i32
        %swap3A_256 = arith.index_cast %swap3A_255 : i32 to index
        %swap3A_257 = arith.constant 112 : index
        %swap3A_258 = tpu.vector_load %arg17[%swap3A_256, %swap3A_257] {strides = array<i32>} : memref<6x128xi32, #tpu.memory_space<vmem>>, vector<16xi32>,
        tpu.vector_store %arg17[%swap3A_256, %swap3A_257], %get3A_254 {strides = array<i32>} : memref<6x128xi32, #tpu.memory_space<vmem>>, vector<16xi32>,
        %get3A_259 = arith.constant 240 : index
        %get3A_260 = tpu.vector_load %arg15[%get3A_259] {strides = array<i32>} : memref<16576xi32, #tpu.memory_space<vmem>>, vector<16xi32>,
        %swap3A_261 = arith.constant 1 : i32
        %swap3A_262 = arith.index_cast %swap3A_261 : i32 to index
        %swap3A_263 = arith.constant 112 : index
        %swap3A_264 = tpu.vector_load %arg18[%swap3A_262, %swap3A_263] {strides = array<i32>} : memref<6x128xi32, #tpu.memory_space<vmem>>, vector<16xi32>,
        tpu.vector_store %arg18[%swap3A_262, %swap3A_263], %get3A_260 {strides = array<i32>} : memref<6x128xi32, #tpu.memory_space<vmem>>, vector<16xi32>,
        %dma_start3A_265 = arith.constant 1 : i32
        %dma_start3A_266 = arith.constant 1 : i32
        %dma_start3A_267 = arith.constant 0 : i32
        %dma_start3A_268 = arith.constant 0 : i32
        %dma_start3A_269 = tpu.memref_slice %arg19[%dma_start3A_266, %dma_start3A_267, %dma_start3A_268] : memref<6x128x32xf32, #tpu.memory_space<vmem>> -> memref<1x128x32xf32, #tpu.memory_space<vmem>>
        %dma_start3A_270 = tpu.memref_squeeze %dma_start3A_269 : memref<1x128x32xf32, #tpu.memory_space<vmem>> -> memref<128x32xf32, #tpu.memory_space<vmem>>
        %dma_start3A_271 = arith.constant 0 : i32
        %dma_start3A_272 = tpu.memref_slice %arg17[%dma_start3A_265, %dma_start3A_271] : memref<6x128xi32, #tpu.memory_space<vmem>> -> memref<1x128xi32, #tpu.memory_space<vmem>>
        %dma_start3A_273 = tpu.memref_squeeze %dma_start3A_272 : memref<1x128xi32, #tpu.memory_space<vmem>> -> memref<128xi32, #tpu.memory_space<vmem>>
        %dma_start3A_274 = arith.constant 0 : i32
        %dma_start3A_275 = arith.constant 0 : i32
        %dma_start3A_276 = tpu.memref_slice %arg2[%dma_start3A_274, %dma_start3A_275] : memref<16384x32xf32, #tpu.memory_space<hbm>> -> memref<16384x32xf32, #tpu.memory_space<hbm>>
        tpu.enqueue_indirect_dma source(%dma_start3A_276 : memref<16384x32xf32, #tpu.memory_space<hbm>>) target(%dma_start3A_270 : memref<128x32xf32, #tpu.memory_space<vmem>>) offsets(%dma_start3A_273 : memref<128xi32, #tpu.memory_space<vmem>>) semaphore(%arg22 : memref<!tpu.dma_semaphore, #tpu.memory_space<semaphore_mem>>)
        %dma_start3A_277 = arith.constant 1 : i32
        %dma_start3A_278 = arith.constant 1 : i32
        %dma_start3A_279 = arith.constant 0 : i32
        %dma_start3A_280 = tpu.memref_slice %arg20[%dma_start3A_278, %dma_start3A_279] : memref<6x128xi32, #tpu.memory_space<vmem>> -> memref<1x128xi32, #tpu.memory_space<vmem>>
        %dma_start3A_281 = tpu.memref_squeeze %dma_start3A_280 : memref<1x128xi32, #tpu.memory_space<vmem>> -> memref<128xi32, #tpu.memory_space<vmem>>
        %dma_start3A_282 = arith.constant 0 : i32
        %dma_start3A_283 = tpu.memref_slice %arg17[%dma_start3A_277, %dma_start3A_282] : memref<6x128xi32, #tpu.memory_space<vmem>> -> memref<1x128xi32, #tpu.memory_space<vmem>>
        %dma_start3A_284 = tpu.memref_squeeze %dma_start3A_283 : memref<1x128xi32, #tpu.memory_space<vmem>> -> memref<128xi32, #tpu.memory_space<vmem>>
        %dma_start3A_285 = arith.constant 0 : i32
        %dma_start3A_286 = tpu.memref_slice %arg3[%dma_start3A_285] : memref<16384xi32, #tpu.memory_space<hbm>> -> memref<16384xi32, #tpu.memory_space<hbm>>
        tpu.enqueue_indirect_dma source(%dma_start3A_286 : memref<16384xi32, #tpu.memory_space<hbm>>) target(%dma_start3A_281 : memref<128xi32, #tpu.memory_space<vmem>>) offsets(%dma_start3A_284 : memref<128xi32, #tpu.memory_space<vmem>>) semaphore(%arg22 : memref<!tpu.dma_semaphore, #tpu.memory_space<semaphore_mem>>)
      } else {
      }
      %gt3A_84 = arith.constant 2 : i32
      %gt3A_85 = arith.cmpi sgt, %select_n3A, %gt3A_84 : i32
      %convert_element_type3A_86 = arith.extui %gt3A_85 : i1 to i32
      %cond3A_87 = arith.constant 0 : i32
      %cond3A_88 = arith.cmpi ne, %convert_element_type3A_86, %cond3A_87 : i32
      scf.if %cond3A_88 {
        %get3A_169 = arith.constant 256 : index
        %get3A_170 = tpu.vector_load %arg14[%get3A_169] {strides = array<i32>} : memref<16576xi32, #tpu.memory_space<vmem>>, vector<16xi32>,
        %swap3A_171 = arith.constant 2 : i32
        %swap3A_172 = arith.index_cast %swap3A_171 : i32 to index
        %swap3A_173 = arith.constant 0 : index
        %swap3A_174 = tpu.vector_load %arg17[%swap3A_172, %swap3A_173] {strides = array<i32>} : memref<6x128xi32, #tpu.memory_space<vmem>>, vector<16xi32>,
        tpu.vector_store %arg17[%swap3A_172, %swap3A_173], %get3A_170 {strides = array<i32>} : memref<6x128xi32, #tpu.memory_space<vmem>>, vector<16xi32>,
        %get3A_175 = arith.constant 256 : index
        %get3A_176 = tpu.vector_load %arg15[%get3A_175] {strides = array<i32>} : memref<16576xi32, #tpu.memory_space<vmem>>, vector<16xi32>,
        %swap3A_177 = arith.constant 2 : i32
        %swap3A_178 = arith.index_cast %swap3A_177 : i32 to index
        %swap3A_179 = arith.constant 0 : index
        %swap3A_180 = tpu.vector_load %arg18[%swap3A_178, %swap3A_179] {strides = array<i32>} : memref<6x128xi32, #tpu.memory_space<vmem>>, vector<16xi32>,
        tpu.vector_store %arg18[%swap3A_178, %swap3A_179], %get3A_176 {strides = array<i32>} : memref<6x128xi32, #tpu.memory_space<vmem>>, vector<16xi32>,
        %get3A_181 = arith.constant 272 : index
        %get3A_182 = tpu.vector_load %arg14[%get3A_181] {strides = array<i32>} : memref<16576xi32, #tpu.memory_space<vmem>>, vector<16xi32>,
        %swap3A_183 = arith.constant 2 : i32
        %swap3A_184 = arith.index_cast %swap3A_183 : i32 to index
        %swap3A_185 = arith.constant 16 : index
        %swap3A_186 = tpu.vector_load %arg17[%swap3A_184, %swap3A_185] {strides = array<i32>} : memref<6x128xi32, #tpu.memory_space<vmem>>, vector<16xi32>,
        tpu.vector_store %arg17[%swap3A_184, %swap3A_185], %get3A_182 {strides = array<i32>} : memref<6x128xi32, #tpu.memory_space<vmem>>, vector<16xi32>,
        %get3A_187 = arith.constant 272 : index
        %get3A_188 = tpu.vector_load %arg15[%get3A_187] {strides = array<i32>} : memref<16576xi32, #tpu.memory_space<vmem>>, vector<16xi32>,
        %swap3A_189 = arith.constant 2 : i32
        %swap3A_190 = arith.index_cast %swap3A_189 : i32 to index
        %swap3A_191 = arith.constant 16 : index
        %swap3A_192 = tpu.vector_load %arg18[%swap3A_190, %swap3A_191] {strides = array<i32>} : memref<6x128xi32, #tpu.memory_space<vmem>>, vector<16xi32>,
        tpu.vector_store %arg18[%swap3A_190, %swap3A_191], %get3A_188 {strides = array<i32>} : memref<6x128xi32, #tpu.memory_space<vmem>>, vector<16xi32>,
        %get3A_193 = arith.constant 288 : index
        %get3A_194 = tpu.vector_load %arg14[%get3A_193] {strides = array<i32>} : memref<16576xi32, #tpu.memory_space<vmem>>, vector<16xi32>,
        %swap3A_195 = arith.constant 2 : i32
        %swap3A_196 = arith.index_cast %swap3A_195 : i32 to index
        %swap3A_197 = arith.constant 32 : index
        %swap3A_198 = tpu.vector_load %arg17[%swap3A_196, %swap3A_197] {strides = array<i32>} : memref<6x128xi32, #tpu.memory_space<vmem>>, vector<16xi32>,
        tpu.vector_store %arg17[%swap3A_196, %swap3A_197], %get3A_194 {strides = array<i32>} : memref<6x128xi32, #tpu.memory_space<vmem>>, vector<16xi32>,
        %get3A_199 = arith.constant 288 : index
        %get3A_200 = tpu.vector_load %arg15[%get3A_199] {strides = array<i32>} : memref<16576xi32, #tpu.memory_space<vmem>>, vector<16xi32>,
        %swap3A_201 = arith.constant 2 : i32
        %swap3A_202 = arith.index_cast %swap3A_201 : i32 to index
        %swap3A_203 = arith.constant 32 : index
        %swap3A_204 = tpu.vector_load %arg18[%swap3A_202, %swap3A_203] {strides = array<i32>} : memref<6x128xi32, #tpu.memory_space<vmem>>, vector<16xi32>,
        tpu.vector_store %arg18[%swap3A_202, %swap3A_203], %get3A_200 {strides = array<i32>} : memref<6x128xi32, #tpu.memory_space<vmem>>, vector<16xi32>,
        %get3A_205 = arith.constant 304 : index
        %get3A_206 = tpu.vector_load %arg14[%get3A_205] {strides = array<i32>} : memref<16576xi32, #tpu.memory_space<vmem>>, vector<16xi32>,
        %swap3A_207 = arith.constant 2 : i32
        %swap3A_208 = arith.index_cast %swap3A_207 : i32 to index
        %swap3A_209 = arith.constant 48 : index
        %swap3A_210 = tpu.vector_load %arg17[%swap3A_208, %swap3A_209] {strides = array<i32>} : memref<6x128xi32, #tpu.memory_space<vmem>>, vector<16xi32>,
        tpu.vector_store %arg17[%swap3A_208, %swap3A_209], %get3A_206 {strides = array<i32>} : memref<6x128xi32, #tpu.memory_space<vmem>>, vector<16xi32>,
        %get3A_211 = arith.constant 304 : index
        %get3A_212 = tpu.vector_load %arg15[%get3A_211] {strides = array<i32>} : memref<16576xi32, #tpu.memory_space<vmem>>, vector<16xi32>,
        %swap3A_213 = arith.constant 2 : i32
        %swap3A_214 = arith.index_cast %swap3A_213 : i32 to index
        %swap3A_215 = arith.constant 48 : index
        %swap3A_216 = tpu.vector_load %arg18[%swap3A_214, %swap3A_215] {strides = array<i32>} : memref<6x128xi32, #tpu.memory_space<vmem>>, vector<16xi32>,
        tpu.vector_store %arg18[%swap3A_214, %swap3A_215], %get3A_212 {strides = array<i32>} : memref<6x128xi32, #tpu.memory_space<vmem>>, vector<16xi32>,
        %get3A_217 = arith.constant 320 : index
        %get3A_218 = tpu.vector_load %arg14[%get3A_217] {strides = array<i32>} : memref<16576xi32, #tpu.memory_space<vmem>>, vector<16xi32>,
        %swap3A_219 = arith.constant 2 : i32
        %swap3A_220 = arith.index_cast %swap3A_219 : i32 to index
        %swap3A_221 = arith.constant 64 : index
        %swap3A_222 = tpu.vector_load %arg17[%swap3A_220, %swap3A_221] {strides = array<i32>} : memref<6x128xi32, #tpu.memory_space<vmem>>, vector<16xi32>,
        tpu.vector_store %arg17[%swap3A_220, %swap3A_221], %get3A_218 {strides = array<i32>} : memref<6x128xi32, #tpu.memory_space<vmem>>, vector<16xi32>,
        %get3A_223 = arith.constant 320 : index
        %get3A_224 = tpu.vector_load %arg15[%get3A_223] {strides = array<i32>} : memref<16576xi32, #tpu.memory_space<vmem>>, vector<16xi32>,
        %swap3A_225 = arith.constant 2 : i32
        %swap3A_226 = arith.index_cast %swap3A_225 : i32 to index
        %swap3A_227 = arith.constant 64 : index
        %swap3A_228 = tpu.vector_load %arg18[%swap3A_226, %swap3A_227] {strides = array<i32>} : memref<6x128xi32, #tpu.memory_space<vmem>>, vector<16xi32>,
        tpu.vector_store %arg18[%swap3A_226, %swap3A_227], %get3A_224 {strides = array<i32>} : memref<6x128xi32, #tpu.memory_space<vmem>>, vector<16xi32>,
        %get3A_229 = arith.constant 336 : index
        %get3A_230 = tpu.vector_load %arg14[%get3A_229] {strides = array<i32>} : memref<16576xi32, #tpu.memory_space<vmem>>, vector<16xi32>,
        %swap3A_231 = arith.constant 2 : i32
        %swap3A_232 = arith.index_cast %swap3A_231 : i32 to index
        %swap3A_233 = arith.constant 80 : index
        %swap3A_234 = tpu.vector_load %arg17[%swap3A_232, %swap3A_233] {strides = array<i32>} : memref<6x128xi32, #tpu.memory_space<vmem>>, vector<16xi32>,
        tpu.vector_store %arg17[%swap3A_232, %swap3A_233], %get3A_230 {strides = array<i32>} : memref<6x128xi32, #tpu.memory_space<vmem>>, vector<16xi32>,
        %get3A_235 = arith.constant 336 : index
        %get3A_236 = tpu.vector_load %arg15[%get3A_235] {strides = array<i32>} : memref<16576xi32, #tpu.memory_space<vmem>>, vector<16xi32>,
        %swap3A_237 = arith.constant 2 : i32
        %swap3A_238 = arith.index_cast %swap3A_237 : i32 to index
        %swap3A_239 = arith.constant 80 : index
        %swap3A_240 = tpu.vector_load %arg18[%swap3A_238, %swap3A_239] {strides = array<i32>} : memref<6x128xi32, #tpu.memory_space<vmem>>, vector<16xi32>,
        tpu.vector_store %arg18[%swap3A_238, %swap3A_239], %get3A_236 {strides = array<i32>} : memref<6x128xi32, #tpu.memory_space<vmem>>, vector<16xi32>,
        %get3A_241 = arith.constant 352 : index
        %get3A_242 = tpu.vector_load %arg14[%get3A_241] {strides = array<i32>} : memref<16576xi32, #tpu.memory_space<vmem>>, vector<16xi32>,
        %swap3A_243 = arith.constant 2 : i32
        %swap3A_244 = arith.index_cast %swap3A_243 : i32 to index
        %swap3A_245 = arith.constant 96 : index
        %swap3A_246 = tpu.vector_load %arg17[%swap3A_244, %swap3A_245] {strides = array<i32>} : memref<6x128xi32, #tpu.memory_space<vmem>>, vector<16xi32>,
        tpu.vector_store %arg17[%swap3A_244, %swap3A_245], %get3A_242 {strides = array<i32>} : memref<6x128xi32, #tpu.memory_space<vmem>>, vector<16xi32>,
        %get3A_247 = arith.constant 352 : index
        %get3A_248 = tpu.vector_load %arg15[%get3A_247] {strides = array<i32>} : memref<16576xi32, #tpu.memory_space<vmem>>, vector<16xi32>,
        %swap3A_249 = arith.constant 2 : i32
        %swap3A_250 = arith.index_cast %swap3A_249 : i32 to index
        %swap3A_251 = arith.constant 96 : index
        %swap3A_252 = tpu.vector_load %arg18[%swap3A_250, %swap3A_251] {strides = array<i32>} : memref<6x128xi32, #tpu.memory_space<vmem>>, vector<16xi32>,
        tpu.vector_store %arg18[%swap3A_250, %swap3A_251], %get3A_248 {strides = array<i32>} : memref<6x128xi32, #tpu.memory_space<vmem>>, vector<16xi32>,
        %get3A_253 = arith.constant 368 : index
        %get3A_254 = tpu.vector_load %arg14[%get3A_253] {strides = array<i32>} : memref<16576xi32, #tpu.memory_space<vmem>>, vector<16xi32>,
        %swap3A_255 = arith.constant 2 : i32
        %swap3A_256 = arith.index_cast %swap3A_255 : i32 to index
        %swap3A_257 = arith.constant 112 : index
        %swap3A_258 = tpu.vector_load %arg17[%swap3A_256, %swap3A_257] {strides = array<i32>} : memref<6x128xi32, #tpu.memory_space<vmem>>, vector<16xi32>,
        tpu.vector_store %arg17[%swap3A_256, %swap3A_257], %get3A_254 {strides = array<i32>} : memref<6x128xi32, #tpu.memory_space<vmem>>, vector<16xi32>,
        %get3A_259 = arith.constant 368 : index
        %get3A_260 = tpu.vector_load %arg15[%get3A_259] {strides = array<i32>} : memref<16576xi32, #tpu.memory_space<vmem>>, vector<16xi32>,
        %swap3A_261 = arith.constant 2 : i32
        %swap3A_262 = arith.index_cast %swap3A_261 : i32 to index
        %swap3A_263 = arith.constant 112 : index
        %swap3A_264 = tpu.vector_load %arg18[%swap3A_262, %swap3A_263] {strides = array<i32>} : memref<6x128xi32, #tpu.memory_space<vmem>>, vector<16xi32>,
        tpu.vector_store %arg18[%swap3A_262, %swap3A_263], %get3A_260 {strides = array<i32>} : memref<6x128xi32, #tpu.memory_space<vmem>>, vector<16xi32>,
        %dma_start3A_265 = arith.constant 2 : i32
        %dma_start3A_266 = arith.constant 2 : i32
        %dma_start3A_267 = arith.constant 0 : i32
        %dma_start3A_268 = arith.constant 0 : i32
        %dma_start3A_269 = tpu.memref_slice %arg19[%dma_start3A_266, %dma_start3A_267, %dma_start3A_268] : memref<6x128x32xf32, #tpu.memory_space<vmem>> -> memref<1x128x32xf32, #tpu.memory_space<vmem>>
        %dma_start3A_270 = tpu.memref_squeeze %dma_start3A_269 : memref<1x128x32xf32, #tpu.memory_space<vmem>> -> memref<128x32xf32, #tpu.memory_space<vmem>>
        %dma_start3A_271 = arith.constant 0 : i32
        %dma_start3A_272 = tpu.memref_slice %arg17[%dma_start3A_265, %dma_start3A_271] : memref<6x128xi32, #tpu.memory_space<vmem>> -> memref<1x128xi32, #tpu.memory_space<vmem>>
        %dma_start3A_273 = tpu.memref_squeeze %dma_start3A_272 : memref<1x128xi32, #tpu.memory_space<vmem>> -> memref<128xi32, #tpu.memory_space<vmem>>
        %dma_start3A_274 = arith.constant 0 : i32
        %dma_start3A_275 = arith.constant 0 : i32
        %dma_start3A_276 = tpu.memref_slice %arg2[%dma_start3A_274, %dma_start3A_275] : memref<16384x32xf32, #tpu.memory_space<hbm>> -> memref<16384x32xf32, #tpu.memory_space<hbm>>
        tpu.enqueue_indirect_dma source(%dma_start3A_276 : memref<16384x32xf32, #tpu.memory_space<hbm>>) target(%dma_start3A_270 : memref<128x32xf32, #tpu.memory_space<vmem>>) offsets(%dma_start3A_273 : memref<128xi32, #tpu.memory_space<vmem>>) semaphore(%arg22 : memref<!tpu.dma_semaphore, #tpu.memory_space<semaphore_mem>>)
        %dma_start3A_277 = arith.constant 2 : i32
        %dma_start3A_278 = arith.constant 2 : i32
        %dma_start3A_279 = arith.constant 0 : i32
        %dma_start3A_280 = tpu.memref_slice %arg20[%dma_start3A_278, %dma_start3A_279] : memref<6x128xi32, #tpu.memory_space<vmem>> -> memref<1x128xi32, #tpu.memory_space<vmem>>
        %dma_start3A_281 = tpu.memref_squeeze %dma_start3A_280 : memref<1x128xi32, #tpu.memory_space<vmem>> -> memref<128xi32, #tpu.memory_space<vmem>>
        %dma_start3A_282 = arith.constant 0 : i32
        %dma_start3A_283 = tpu.memref_slice %arg17[%dma_start3A_277, %dma_start3A_282] : memref<6x128xi32, #tpu.memory_space<vmem>> -> memref<1x128xi32, #tpu.memory_space<vmem>>
        %dma_start3A_284 = tpu.memref_squeeze %dma_start3A_283 : memref<1x128xi32, #tpu.memory_space<vmem>> -> memref<128xi32, #tpu.memory_space<vmem>>
        %dma_start3A_285 = arith.constant 0 : i32
        %dma_start3A_286 = tpu.memref_slice %arg3[%dma_start3A_285] : memref<16384xi32, #tpu.memory_space<hbm>> -> memref<16384xi32, #tpu.memory_space<hbm>>
        tpu.enqueue_indirect_dma source(%dma_start3A_286 : memref<16384xi32, #tpu.memory_space<hbm>>) target(%dma_start3A_281 : memref<128xi32, #tpu.memory_space<vmem>>) offsets(%dma_start3A_284 : memref<128xi32, #tpu.memory_space<vmem>>) semaphore(%arg22 : memref<!tpu.dma_semaphore, #tpu.memory_space<semaphore_mem>>)
      } else {
      }
      %gt3A_89 = arith.constant 3 : i32
      %gt3A_90 = arith.cmpi sgt, %select_n3A, %gt3A_89 : i32
      %convert_element_type3A_91 = arith.extui %gt3A_90 : i1 to i32
      %cond3A_92 = arith.constant 0 : i32
      %cond3A_93 = arith.cmpi ne, %convert_element_type3A_91, %cond3A_92 : i32
      scf.if %cond3A_93 {
        %get3A_169 = arith.constant 384 : index
        %get3A_170 = tpu.vector_load %arg14[%get3A_169] {strides = array<i32>} : memref<16576xi32, #tpu.memory_space<vmem>>, vector<16xi32>,
        %swap3A_171 = arith.constant 3 : i32
        %swap3A_172 = arith.index_cast %swap3A_171 : i32 to index
        %swap3A_173 = arith.constant 0 : index
        %swap3A_174 = tpu.vector_load %arg17[%swap3A_172, %swap3A_173] {strides = array<i32>} : memref<6x128xi32, #tpu.memory_space<vmem>>, vector<16xi32>,
        tpu.vector_store %arg17[%swap3A_172, %swap3A_173], %get3A_170 {strides = array<i32>} : memref<6x128xi32, #tpu.memory_space<vmem>>, vector<16xi32>,
        %get3A_175 = arith.constant 384 : index
        %get3A_176 = tpu.vector_load %arg15[%get3A_175] {strides = array<i32>} : memref<16576xi32, #tpu.memory_space<vmem>>, vector<16xi32>,
        %swap3A_177 = arith.constant 3 : i32
        %swap3A_178 = arith.index_cast %swap3A_177 : i32 to index
        %swap3A_179 = arith.constant 0 : index
        %swap3A_180 = tpu.vector_load %arg18[%swap3A_178, %swap3A_179] {strides = array<i32>} : memref<6x128xi32, #tpu.memory_space<vmem>>, vector<16xi32>,
        tpu.vector_store %arg18[%swap3A_178, %swap3A_179], %get3A_176 {strides = array<i32>} : memref<6x128xi32, #tpu.memory_space<vmem>>, vector<16xi32>,
        %get3A_181 = arith.constant 400 : index
        %get3A_182 = tpu.vector_load %arg14[%get3A_181] {strides = array<i32>} : memref<16576xi32, #tpu.memory_space<vmem>>, vector<16xi32>,
        %swap3A_183 = arith.constant 3 : i32
        %swap3A_184 = arith.index_cast %swap3A_183 : i32 to index
        %swap3A_185 = arith.constant 16 : index
        %swap3A_186 = tpu.vector_load %arg17[%swap3A_184, %swap3A_185] {strides = array<i32>} : memref<6x128xi32, #tpu.memory_space<vmem>>, vector<16xi32>,
        tpu.vector_store %arg17[%swap3A_184, %swap3A_185], %get3A_182 {strides = array<i32>} : memref<6x128xi32, #tpu.memory_space<vmem>>, vector<16xi32>,
        %get3A_187 = arith.constant 400 : index
        %get3A_188 = tpu.vector_load %arg15[%get3A_187] {strides = array<i32>} : memref<16576xi32, #tpu.memory_space<vmem>>, vector<16xi32>,
        %swap3A_189 = arith.constant 3 : i32
        %swap3A_190 = arith.index_cast %swap3A_189 : i32 to index
        %swap3A_191 = arith.constant 16 : index
        %swap3A_192 = tpu.vector_load %arg18[%swap3A_190, %swap3A_191] {strides = array<i32>} : memref<6x128xi32, #tpu.memory_space<vmem>>, vector<16xi32>,
        tpu.vector_store %arg18[%swap3A_190, %swap3A_191], %get3A_188 {strides = array<i32>} : memref<6x128xi32, #tpu.memory_space<vmem>>, vector<16xi32>,
        %get3A_193 = arith.constant 416 : index
        %get3A_194 = tpu.vector_load %arg14[%get3A_193] {strides = array<i32>} : memref<16576xi32, #tpu.memory_space<vmem>>, vector<16xi32>,
        %swap3A_195 = arith.constant 3 : i32
        %swap3A_196 = arith.index_cast %swap3A_195 : i32 to index
        %swap3A_197 = arith.constant 32 : index
        %swap3A_198 = tpu.vector_load %arg17[%swap3A_196, %swap3A_197] {strides = array<i32>} : memref<6x128xi32, #tpu.memory_space<vmem>>, vector<16xi32>,
        tpu.vector_store %arg17[%swap3A_196, %swap3A_197], %get3A_194 {strides = array<i32>} : memref<6x128xi32, #tpu.memory_space<vmem>>, vector<16xi32>,
        %get3A_199 = arith.constant 416 : index
        %get3A_200 = tpu.vector_load %arg15[%get3A_199] {strides = array<i32>} : memref<16576xi32, #tpu.memory_space<vmem>>, vector<16xi32>,
        %swap3A_201 = arith.constant 3 : i32
        %swap3A_202 = arith.index_cast %swap3A_201 : i32 to index
        %swap3A_203 = arith.constant 32 : index
        %swap3A_204 = tpu.vector_load %arg18[%swap3A_202, %swap3A_203] {strides = array<i32>} : memref<6x128xi32, #tpu.memory_space<vmem>>, vector<16xi32>,
        tpu.vector_store %arg18[%swap3A_202, %swap3A_203], %get3A_200 {strides = array<i32>} : memref<6x128xi32, #tpu.memory_space<vmem>>, vector<16xi32>,
        %get3A_205 = arith.constant 432 : index
        %get3A_206 = tpu.vector_load %arg14[%get3A_205] {strides = array<i32>} : memref<16576xi32, #tpu.memory_space<vmem>>, vector<16xi32>,
        %swap3A_207 = arith.constant 3 : i32
        %swap3A_208 = arith.index_cast %swap3A_207 : i32 to index
        %swap3A_209 = arith.constant 48 : index
        %swap3A_210 = tpu.vector_load %arg17[%swap3A_208, %swap3A_209] {strides = array<i32>} : memref<6x128xi32, #tpu.memory_space<vmem>>, vector<16xi32>,
        tpu.vector_store %arg17[%swap3A_208, %swap3A_209], %get3A_206 {strides = array<i32>} : memref<6x128xi32, #tpu.memory_space<vmem>>, vector<16xi32>,
        %get3A_211 = arith.constant 432 : index
        %get3A_212 = tpu.vector_load %arg15[%get3A_211] {strides = array<i32>} : memref<16576xi32, #tpu.memory_space<vmem>>, vector<16xi32>,
        %swap3A_213 = arith.constant 3 : i32
        %swap3A_214 = arith.index_cast %swap3A_213 : i32 to index
        %swap3A_215 = arith.constant 48 : index
        %swap3A_216 = tpu.vector_load %arg18[%swap3A_214, %swap3A_215] {strides = array<i32>} : memref<6x128xi32, #tpu.memory_space<vmem>>, vector<16xi32>,
        tpu.vector_store %arg18[%swap3A_214, %swap3A_215], %get3A_212 {strides = array<i32>} : memref<6x128xi32, #tpu.memory_space<vmem>>, vector<16xi32>,
        %get3A_217 = arith.constant 448 : index
        %get3A_218 = tpu.vector_load %arg14[%get3A_217] {strides = array<i32>} : memref<16576xi32, #tpu.memory_space<vmem>>, vector<16xi32>,
        %swap3A_219 = arith.constant 3 : i32
        %swap3A_220 = arith.index_cast %swap3A_219 : i32 to index
        %swap3A_221 = arith.constant 64 : index
        %swap3A_222 = tpu.vector_load %arg17[%swap3A_220, %swap3A_221] {strides = array<i32>} : memref<6x128xi32, #tpu.memory_space<vmem>>, vector<16xi32>,
        tpu.vector_store %arg17[%swap3A_220, %swap3A_221], %get3A_218 {strides = array<i32>} : memref<6x128xi32, #tpu.memory_space<vmem>>, vector<16xi32>,
        %get3A_223 = arith.constant 448 : index
        %get3A_224 = tpu.vector_load %arg15[%get3A_223] {strides = array<i32>} : memref<16576xi32, #tpu.memory_space<vmem>>, vector<16xi32>,
        %swap3A_225 = arith.constant 3 : i32
        %swap3A_226 = arith.index_cast %swap3A_225 : i32 to index
        %swap3A_227 = arith.constant 64 : index
        %swap3A_228 = tpu.vector_load %arg18[%swap3A_226, %swap3A_227] {strides = array<i32>} : memref<6x128xi32, #tpu.memory_space<vmem>>, vector<16xi32>,
        tpu.vector_store %arg18[%swap3A_226, %swap3A_227], %get3A_224 {strides = array<i32>} : memref<6x128xi32, #tpu.memory_space<vmem>>, vector<16xi32>,
        %get3A_229 = arith.constant 464 : index
        %get3A_230 = tpu.vector_load %arg14[%get3A_229] {strides = array<i32>} : memref<16576xi32, #tpu.memory_space<vmem>>, vector<16xi32>,
        %swap3A_231 = arith.constant 3 : i32
        %swap3A_232 = arith.index_cast %swap3A_231 : i32 to index
        %swap3A_233 = arith.constant 80 : index
        %swap3A_234 = tpu.vector_load %arg17[%swap3A_232, %swap3A_233] {strides = array<i32>} : memref<6x128xi32, #tpu.memory_space<vmem>>, vector<16xi32>,
        tpu.vector_store %arg17[%swap3A_232, %swap3A_233], %get3A_230 {strides = array<i32>} : memref<6x128xi32, #tpu.memory_space<vmem>>, vector<16xi32>,
        %get3A_235 = arith.constant 464 : index
        %get3A_236 = tpu.vector_load %arg15[%get3A_235] {strides = array<i32>} : memref<16576xi32, #tpu.memory_space<vmem>>, vector<16xi32>,
        %swap3A_237 = arith.constant 3 : i32
        %swap3A_238 = arith.index_cast %swap3A_237 : i32 to index
        %swap3A_239 = arith.constant 80 : index
        %swap3A_240 = tpu.vector_load %arg18[%swap3A_238, %swap3A_239] {strides = array<i32>} : memref<6x128xi32, #tpu.memory_space<vmem>>, vector<16xi32>,
        tpu.vector_store %arg18[%swap3A_238, %swap3A_239], %get3A_236 {strides = array<i32>} : memref<6x128xi32, #tpu.memory_space<vmem>>, vector<16xi32>,
        %get3A_241 = arith.constant 480 : index
        %get3A_242 = tpu.vector_load %arg14[%get3A_241] {strides = array<i32>} : memref<16576xi32, #tpu.memory_space<vmem>>, vector<16xi32>,
        %swap3A_243 = arith.constant 3 : i32
        %swap3A_244 = arith.index_cast %swap3A_243 : i32 to index
        %swap3A_245 = arith.constant 96 : index
        %swap3A_246 = tpu.vector_load %arg17[%swap3A_244, %swap3A_245] {strides = array<i32>} : memref<6x128xi32, #tpu.memory_space<vmem>>, vector<16xi32>,
        tpu.vector_store %arg17[%swap3A_244, %swap3A_245], %get3A_242 {strides = array<i32>} : memref<6x128xi32, #tpu.memory_space<vmem>>, vector<16xi32>,
        %get3A_247 = arith.constant 480 : index
        %get3A_248 = tpu.vector_load %arg15[%get3A_247] {strides = array<i32>} : memref<16576xi32, #tpu.memory_space<vmem>>, vector<16xi32>,
        %swap3A_249 = arith.constant 3 : i32
        %swap3A_250 = arith.index_cast %swap3A_249 : i32 to index
        %swap3A_251 = arith.constant 96 : index
        %swap3A_252 = tpu.vector_load %arg18[%swap3A_250, %swap3A_251] {strides = array<i32>} : memref<6x128xi32, #tpu.memory_space<vmem>>, vector<16xi32>,
        tpu.vector_store %arg18[%swap3A_250, %swap3A_251], %get3A_248 {strides = array<i32>} : memref<6x128xi32, #tpu.memory_space<vmem>>, vector<16xi32>,
        %get3A_253 = arith.constant 496 : index
        %get3A_254 = tpu.vector_load %arg14[%get3A_253] {strides = array<i32>} : memref<16576xi32, #tpu.memory_space<vmem>>, vector<16xi32>,
        %swap3A_255 = arith.constant 3 : i32
        %swap3A_256 = arith.index_cast %swap3A_255 : i32 to index
        %swap3A_257 = arith.constant 112 : index
        %swap3A_258 = tpu.vector_load %arg17[%swap3A_256, %swap3A_257] {strides = array<i32>} : memref<6x128xi32, #tpu.memory_space<vmem>>, vector<16xi32>,
        tpu.vector_store %arg17[%swap3A_256, %swap3A_257], %get3A_254 {strides = array<i32>} : memref<6x128xi32, #tpu.memory_space<vmem>>, vector<16xi32>,
        %get3A_259 = arith.constant 496 : index
        %get3A_260 = tpu.vector_load %arg15[%get3A_259] {strides = array<i32>} : memref<16576xi32, #tpu.memory_space<vmem>>, vector<16xi32>,
        %swap3A_261 = arith.constant 3 : i32
        %swap3A_262 = arith.index_cast %swap3A_261 : i32 to index
        %swap3A_263 = arith.constant 112 : index
        %swap3A_264 = tpu.vector_load %arg18[%swap3A_262, %swap3A_263] {strides = array<i32>} : memref<6x128xi32, #tpu.memory_space<vmem>>, vector<16xi32>,
        tpu.vector_store %arg18[%swap3A_262, %swap3A_263], %get3A_260 {strides = array<i32>} : memref<6x128xi32, #tpu.memory_space<vmem>>, vector<16xi32>,
        %dma_start3A_265 = arith.constant 3 : i32
        %dma_start3A_266 = arith.constant 3 : i32
        %dma_start3A_267 = arith.constant 0 : i32
        %dma_start3A_268 = arith.constant 0 : i32
        %dma_start3A_269 = tpu.memref_slice %arg19[%dma_start3A_266, %dma_start3A_267, %dma_start3A_268] : memref<6x128x32xf32, #tpu.memory_space<vmem>> -> memref<1x128x32xf32, #tpu.memory_space<vmem>>
        %dma_start3A_270 = tpu.memref_squeeze %dma_start3A_269 : memref<1x128x32xf32, #tpu.memory_space<vmem>> -> memref<128x32xf32, #tpu.memory_space<vmem>>
        %dma_start3A_271 = arith.constant 0 : i32
        %dma_start3A_272 = tpu.memref_slice %arg17[%dma_start3A_265, %dma_start3A_271] : memref<6x128xi32, #tpu.memory_space<vmem>> -> memref<1x128xi32, #tpu.memory_space<vmem>>
        %dma_start3A_273 = tpu.memref_squeeze %dma_start3A_272 : memref<1x128xi32, #tpu.memory_space<vmem>> -> memref<128xi32, #tpu.memory_space<vmem>>
        %dma_start3A_274 = arith.constant 0 : i32
        %dma_start3A_275 = arith.constant 0 : i32
        %dma_start3A_276 = tpu.memref_slice %arg2[%dma_start3A_274, %dma_start3A_275] : memref<16384x32xf32, #tpu.memory_space<hbm>> -> memref<16384x32xf32, #tpu.memory_space<hbm>>
        tpu.enqueue_indirect_dma source(%dma_start3A_276 : memref<16384x32xf32, #tpu.memory_space<hbm>>) target(%dma_start3A_270 : memref<128x32xf32, #tpu.memory_space<vmem>>) offsets(%dma_start3A_273 : memref<128xi32, #tpu.memory_space<vmem>>) semaphore(%arg22 : memref<!tpu.dma_semaphore, #tpu.memory_space<semaphore_mem>>)
        %dma_start3A_277 = arith.constant 3 : i32
        %dma_start3A_278 = arith.constant 3 : i32
        %dma_start3A_279 = arith.constant 0 : i32
        %dma_start3A_280 = tpu.memref_slice %arg20[%dma_start3A_278, %dma_start3A_279] : memref<6x128xi32, #tpu.memory_space<vmem>> -> memref<1x128xi32, #tpu.memory_space<vmem>>
        %dma_start3A_281 = tpu.memref_squeeze %dma_start3A_280 : memref<1x128xi32, #tpu.memory_space<vmem>> -> memref<128xi32, #tpu.memory_space<vmem>>
        %dma_start3A_282 = arith.constant 0 : i32
        %dma_start3A_283 = tpu.memref_slice %arg17[%dma_start3A_277, %dma_start3A_282] : memref<6x128xi32, #tpu.memory_space<vmem>> -> memref<1x128xi32, #tpu.memory_space<vmem>>
        %dma_start3A_284 = tpu.memref_squeeze %dma_start3A_283 : memref<1x128xi32, #tpu.memory_space<vmem>> -> memref<128xi32, #tpu.memory_space<vmem>>
        %dma_start3A_285 = arith.constant 0 : i32
        %dma_start3A_286 = tpu.memref_slice %arg3[%dma_start3A_285] : memref<16384xi32, #tpu.memory_space<hbm>> -> memref<16384xi32, #tpu.memory_space<hbm>>
        tpu.enqueue_indirect_dma source(%dma_start3A_286 : memref<16384xi32, #tpu.memory_space<hbm>>) target(%dma_start3A_281 : memref<128xi32, #tpu.memory_space<vmem>>) offsets(%dma_start3A_284 : memref<128xi32, #tpu.memory_space<vmem>>) semaphore(%arg22 : memref<!tpu.dma_semaphore, #tpu.memory_space<semaphore_mem>>)
      } else {
      }
      %gt3A_94 = arith.constant 4 : i32
      %gt3A_95 = arith.cmpi sgt, %select_n3A, %gt3A_94 : i32
      %convert_element_type3A_96 = arith.extui %gt3A_95 : i1 to i32
      %cond3A_97 = arith.constant 0 : i32
      %cond3A_98 = arith.cmpi ne, %convert_element_type3A_96, %cond3A_97 : i32
      scf.if %cond3A_98 {
        %get3A_169 = arith.constant 512 : index
        %get3A_170 = tpu.vector_load %arg14[%get3A_169] {strides = array<i32>} : memref<16576xi32, #tpu.memory_space<vmem>>, vector<16xi32>,
        %swap3A_171 = arith.constant 4 : i32
        %swap3A_172 = arith.index_cast %swap3A_171 : i32 to index
        %swap3A_173 = arith.constant 0 : index
        %swap3A_174 = tpu.vector_load %arg17[%swap3A_172, %swap3A_173] {strides = array<i32>} : memref<6x128xi32, #tpu.memory_space<vmem>>, vector<16xi32>,
        tpu.vector_store %arg17[%swap3A_172, %swap3A_173], %get3A_170 {strides = array<i32>} : memref<6x128xi32, #tpu.memory_space<vmem>>, vector<16xi32>,
        %get3A_175 = arith.constant 512 : index
        %get3A_176 = tpu.vector_load %arg15[%get3A_175] {strides = array<i32>} : memref<16576xi32, #tpu.memory_space<vmem>>, vector<16xi32>,
        %swap3A_177 = arith.constant 4 : i32
        %swap3A_178 = arith.index_cast %swap3A_177 : i32 to index
        %swap3A_179 = arith.constant 0 : index
        %swap3A_180 = tpu.vector_load %arg18[%swap3A_178, %swap3A_179] {strides = array<i32>} : memref<6x128xi32, #tpu.memory_space<vmem>>, vector<16xi32>,
        tpu.vector_store %arg18[%swap3A_178, %swap3A_179], %get3A_176 {strides = array<i32>} : memref<6x128xi32, #tpu.memory_space<vmem>>, vector<16xi32>,
        %get3A_181 = arith.constant 528 : index
        %get3A_182 = tpu.vector_load %arg14[%get3A_181] {strides = array<i32>} : memref<16576xi32, #tpu.memory_space<vmem>>, vector<16xi32>,
        %swap3A_183 = arith.constant 4 : i32
        %swap3A_184 = arith.index_cast %swap3A_183 : i32 to index
        %swap3A_185 = arith.constant 16 : index
        %swap3A_186 = tpu.vector_load %arg17[%swap3A_184, %swap3A_185] {strides = array<i32>} : memref<6x128xi32, #tpu.memory_space<vmem>>, vector<16xi32>,
        tpu.vector_store %arg17[%swap3A_184, %swap3A_185], %get3A_182 {strides = array<i32>} : memref<6x128xi32, #tpu.memory_space<vmem>>, vector<16xi32>,
        %get3A_187 = arith.constant 528 : index
        %get3A_188 = tpu.vector_load %arg15[%get3A_187] {strides = array<i32>} : memref<16576xi32, #tpu.memory_space<vmem>>, vector<16xi32>,
        %swap3A_189 = arith.constant 4 : i32
        %swap3A_190 = arith.index_cast %swap3A_189 : i32 to index
        %swap3A_191 = arith.constant 16 : index
        %swap3A_192 = tpu.vector_load %arg18[%swap3A_190, %swap3A_191] {strides = array<i32>} : memref<6x128xi32, #tpu.memory_space<vmem>>, vector<16xi32>,
        tpu.vector_store %arg18[%swap3A_190, %swap3A_191], %get3A_188 {strides = array<i32>} : memref<6x128xi32, #tpu.memory_space<vmem>>, vector<16xi32>,
        %get3A_193 = arith.constant 544 : index
        %get3A_194 = tpu.vector_load %arg14[%get3A_193] {strides = array<i32>} : memref<16576xi32, #tpu.memory_space<vmem>>, vector<16xi32>,
        %swap3A_195 = arith.constant 4 : i32
        %swap3A_196 = arith.index_cast %swap3A_195 : i32 to index
        %swap3A_197 = arith.constant 32 : index
        %swap3A_198 = tpu.vector_load %arg17[%swap3A_196, %swap3A_197] {strides = array<i32>} : memref<6x128xi32, #tpu.memory_space<vmem>>, vector<16xi32>,
        tpu.vector_store %arg17[%swap3A_196, %swap3A_197], %get3A_194 {strides = array<i32>} : memref<6x128xi32, #tpu.memory_space<vmem>>, vector<16xi32>,
        %get3A_199 = arith.constant 544 : index
        %get3A_200 = tpu.vector_load %arg15[%get3A_199] {strides = array<i32>} : memref<16576xi32, #tpu.memory_space<vmem>>, vector<16xi32>,
        %swap3A_201 = arith.constant 4 : i32
        %swap3A_202 = arith.index_cast %swap3A_201 : i32 to index
        %swap3A_203 = arith.constant 32 : index
        %swap3A_204 = tpu.vector_load %arg18[%swap3A_202, %swap3A_203] {strides = array<i32>} : memref<6x128xi32, #tpu.memory_space<vmem>>, vector<16xi32>,
        tpu.vector_store %arg18[%swap3A_202, %swap3A_203], %get3A_200 {strides = array<i32>} : memref<6x128xi32, #tpu.memory_space<vmem>>, vector<16xi32>,
        %get3A_205 = arith.constant 560 : index
        %get3A_206 = tpu.vector_load %arg14[%get3A_205] {strides = array<i32>} : memref<16576xi32, #tpu.memory_space<vmem>>, vector<16xi32>,
        %swap3A_207 = arith.constant 4 : i32
        %swap3A_208 = arith.index_cast %swap3A_207 : i32 to index
        %swap3A_209 = arith.constant 48 : index
        %swap3A_210 = tpu.vector_load %arg17[%swap3A_208, %swap3A_209] {strides = array<i32>} : memref<6x128xi32, #tpu.memory_space<vmem>>, vector<16xi32>,
        tpu.vector_store %arg17[%swap3A_208, %swap3A_209], %get3A_206 {strides = array<i32>} : memref<6x128xi32, #tpu.memory_space<vmem>>, vector<16xi32>,
        %get3A_211 = arith.constant 560 : index
        %get3A_212 = tpu.vector_load %arg15[%get3A_211] {strides = array<i32>} : memref<16576xi32, #tpu.memory_space<vmem>>, vector<16xi32>,
        %swap3A_213 = arith.constant 4 : i32
        %swap3A_214 = arith.index_cast %swap3A_213 : i32 to index
        %swap3A_215 = arith.constant 48 : index
        %swap3A_216 = tpu.vector_load %arg18[%swap3A_214, %swap3A_215] {strides = array<i32>} : memref<6x128xi32, #tpu.memory_space<vmem>>, vector<16xi32>,
        tpu.vector_store %arg18[%swap3A_214, %swap3A_215], %get3A_212 {strides = array<i32>} : memref<6x128xi32, #tpu.memory_space<vmem>>, vector<16xi32>,
        %get3A_217 = arith.constant 576 : index
        %get3A_218 = tpu.vector_load %arg14[%get3A_217] {strides = array<i32>} : memref<16576xi32, #tpu.memory_space<vmem>>, vector<16xi32>,
        %swap3A_219 = arith.constant 4 : i32
        %swap3A_220 = arith.index_cast %swap3A_219 : i32 to index
        %swap3A_221 = arith.constant 64 : index
        %swap3A_222 = tpu.vector_load %arg17[%swap3A_220, %swap3A_221] {strides = array<i32>} : memref<6x128xi32, #tpu.memory_space<vmem>>, vector<16xi32>,
        tpu.vector_store %arg17[%swap3A_220, %swap3A_221], %get3A_218 {strides = array<i32>} : memref<6x128xi32, #tpu.memory_space<vmem>>, vector<16xi32>,
        %get3A_223 = arith.constant 576 : index
        %get3A_224 = tpu.vector_load %arg15[%get3A_223] {strides = array<i32>} : memref<16576xi32, #tpu.memory_space<vmem>>, vector<16xi32>,
        %swap3A_225 = arith.constant 4 : i32
        %swap3A_226 = arith.index_cast %swap3A_225 : i32 to index
        %swap3A_227 = arith.constant 64 : index
        %swap3A_228 = tpu.vector_load %arg18[%swap3A_226, %swap3A_227] {strides = array<i32>} : memref<6x128xi32, #tpu.memory_space<vmem>>, vector<16xi32>,
        tpu.vector_store %arg18[%swap3A_226, %swap3A_227], %get3A_224 {strides = array<i32>} : memref<6x128xi32, #tpu.memory_space<vmem>>, vector<16xi32>,
        %get3A_229 = arith.constant 592 : index
        %get3A_230 = tpu.vector_load %arg14[%get3A_229] {strides = array<i32>} : memref<16576xi32, #tpu.memory_space<vmem>>, vector<16xi32>,
        %swap3A_231 = arith.constant 4 : i32
        %swap3A_232 = arith.index_cast %swap3A_231 : i32 to index
        %swap3A_233 = arith.constant 80 : index
        %swap3A_234 = tpu.vector_load %arg17[%swap3A_232, %swap3A_233] {strides = array<i32>} : memref<6x128xi32, #tpu.memory_space<vmem>>, vector<16xi32>,
        tpu.vector_store %arg17[%swap3A_232, %swap3A_233], %get3A_230 {strides = array<i32>} : memref<6x128xi32, #tpu.memory_space<vmem>>, vector<16xi32>,
        %get3A_235 = arith.constant 592 : index
        %get3A_236 = tpu.vector_load %arg15[%get3A_235] {strides = array<i32>} : memref<16576xi32, #tpu.memory_space<vmem>>, vector<16xi32>,
        %swap3A_237 = arith.constant 4 : i32
        %swap3A_238 = arith.index_cast %swap3A_237 : i32 to index
        %swap3A_239 = arith.constant 80 : index
        %swap3A_240 = tpu.vector_load %arg18[%swap3A_238, %swap3A_239] {strides = array<i32>} : memref<6x128xi32, #tpu.memory_space<vmem>>, vector<16xi32>,
        tpu.vector_store %arg18[%swap3A_238, %swap3A_239], %get3A_236 {strides = array<i32>} : memref<6x128xi32, #tpu.memory_space<vmem>>, vector<16xi32>,
        %get3A_241 = arith.constant 608 : index
        %get3A_242 = tpu.vector_load %arg14[%get3A_241] {strides = array<i32>} : memref<16576xi32, #tpu.memory_space<vmem>>, vector<16xi32>,
        %swap3A_243 = arith.constant 4 : i32
        %swap3A_244 = arith.index_cast %swap3A_243 : i32 to index
        %swap3A_245 = arith.constant 96 : index
        %swap3A_246 = tpu.vector_load %arg17[%swap3A_244, %swap3A_245] {strides = array<i32>} : memref<6x128xi32, #tpu.memory_space<vmem>>, vector<16xi32>,
        tpu.vector_store %arg17[%swap3A_244, %swap3A_245], %get3A_242 {strides = array<i32>} : memref<6x128xi32, #tpu.memory_space<vmem>>, vector<16xi32>,
        %get3A_247 = arith.constant 608 : index
        %get3A_248 = tpu.vector_load %arg15[%get3A_247] {strides = array<i32>} : memref<16576xi32, #tpu.memory_space<vmem>>, vector<16xi32>,
        %swap3A_249 = arith.constant 4 : i32
        %swap3A_250 = arith.index_cast %swap3A_249 : i32 to index
        %swap3A_251 = arith.constant 96 : index
        %swap3A_252 = tpu.vector_load %arg18[%swap3A_250, %swap3A_251] {strides = array<i32>} : memref<6x128xi32, #tpu.memory_space<vmem>>, vector<16xi32>,
        tpu.vector_store %arg18[%swap3A_250, %swap3A_251], %get3A_248 {strides = array<i32>} : memref<6x128xi32, #tpu.memory_space<vmem>>, vector<16xi32>,
        %get3A_253 = arith.constant 624 : index
        %get3A_254 = tpu.vector_load %arg14[%get3A_253] {strides = array<i32>} : memref<16576xi32, #tpu.memory_space<vmem>>, vector<16xi32>,
        %swap3A_255 = arith.constant 4 : i32
        %swap3A_256 = arith.index_cast %swap3A_255 : i32 to index
        %swap3A_257 = arith.constant 112 : index
        %swap3A_258 = tpu.vector_load %arg17[%swap3A_256, %swap3A_257] {strides = array<i32>} : memref<6x128xi32, #tpu.memory_space<vmem>>, vector<16xi32>,
        tpu.vector_store %arg17[%swap3A_256, %swap3A_257], %get3A_254 {strides = array<i32>} : memref<6x128xi32, #tpu.memory_space<vmem>>, vector<16xi32>,
        %get3A_259 = arith.constant 624 : index
        %get3A_260 = tpu.vector_load %arg15[%get3A_259] {strides = array<i32>} : memref<16576xi32, #tpu.memory_space<vmem>>, vector<16xi32>,
        %swap3A_261 = arith.constant 4 : i32
        %swap3A_262 = arith.index_cast %swap3A_261 : i32 to index
        %swap3A_263 = arith.constant 112 : index
        %swap3A_264 = tpu.vector_load %arg18[%swap3A_262, %swap3A_263] {strides = array<i32>} : memref<6x128xi32, #tpu.memory_space<vmem>>, vector<16xi32>,
        tpu.vector_store %arg18[%swap3A_262, %swap3A_263], %get3A_260 {strides = array<i32>} : memref<6x128xi32, #tpu.memory_space<vmem>>, vector<16xi32>,
        %dma_start3A_265 = arith.constant 4 : i32
        %dma_start3A_266 = arith.constant 4 : i32
        %dma_start3A_267 = arith.constant 0 : i32
        %dma_start3A_268 = arith.constant 0 : i32
        %dma_start3A_269 = tpu.memref_slice %arg19[%dma_start3A_266, %dma_start3A_267, %dma_start3A_268] : memref<6x128x32xf32, #tpu.memory_space<vmem>> -> memref<1x128x32xf32, #tpu.memory_space<vmem>>
        %dma_start3A_270 = tpu.memref_squeeze %dma_start3A_269 : memref<1x128x32xf32, #tpu.memory_space<vmem>> -> memref<128x32xf32, #tpu.memory_space<vmem>>
        %dma_start3A_271 = arith.constant 0 : i32
        %dma_start3A_272 = tpu.memref_slice %arg17[%dma_start3A_265, %dma_start3A_271] : memref<6x128xi32, #tpu.memory_space<vmem>> -> memref<1x128xi32, #tpu.memory_space<vmem>>
        %dma_start3A_273 = tpu.memref_squeeze %dma_start3A_272 : memref<1x128xi32, #tpu.memory_space<vmem>> -> memref<128xi32, #tpu.memory_space<vmem>>
        %dma_start3A_274 = arith.constant 0 : i32
        %dma_start3A_275 = arith.constant 0 : i32
        %dma_start3A_276 = tpu.memref_slice %arg2[%dma_start3A_274, %dma_start3A_275] : memref<16384x32xf32, #tpu.memory_space<hbm>> -> memref<16384x32xf32, #tpu.memory_space<hbm>>
        tpu.enqueue_indirect_dma source(%dma_start3A_276 : memref<16384x32xf32, #tpu.memory_space<hbm>>) target(%dma_start3A_270 : memref<128x32xf32, #tpu.memory_space<vmem>>) offsets(%dma_start3A_273 : memref<128xi32, #tpu.memory_space<vmem>>) semaphore(%arg22 : memref<!tpu.dma_semaphore, #tpu.memory_space<semaphore_mem>>)
        %dma_start3A_277 = arith.constant 4 : i32
        %dma_start3A_278 = arith.constant 4 : i32
        %dma_start3A_279 = arith.constant 0 : i32
        %dma_start3A_280 = tpu.memref_slice %arg20[%dma_start3A_278, %dma_start3A_279] : memref<6x128xi32, #tpu.memory_space<vmem>> -> memref<1x128xi32, #tpu.memory_space<vmem>>
        %dma_start3A_281 = tpu.memref_squeeze %dma_start3A_280 : memref<1x128xi32, #tpu.memory_space<vmem>> -> memref<128xi32, #tpu.memory_space<vmem>>
        %dma_start3A_282 = arith.constant 0 : i32
        %dma_start3A_283 = tpu.memref_slice %arg17[%dma_start3A_277, %dma_start3A_282] : memref<6x128xi32, #tpu.memory_space<vmem>> -> memref<1x128xi32, #tpu.memory_space<vmem>>
        %dma_start3A_284 = tpu.memref_squeeze %dma_start3A_283 : memref<1x128xi32, #tpu.memory_space<vmem>> -> memref<128xi32, #tpu.memory_space<vmem>>
        %dma_start3A_285 = arith.constant 0 : i32
        %dma_start3A_286 = tpu.memref_slice %arg3[%dma_start3A_285] : memref<16384xi32, #tpu.memory_space<hbm>> -> memref<16384xi32, #tpu.memory_space<hbm>>
        tpu.enqueue_indirect_dma source(%dma_start3A_286 : memref<16384xi32, #tpu.memory_space<hbm>>) target(%dma_start3A_281 : memref<128xi32, #tpu.memory_space<vmem>>) offsets(%dma_start3A_284 : memref<128xi32, #tpu.memory_space<vmem>>) semaphore(%arg22 : memref<!tpu.dma_semaphore, #tpu.memory_space<semaphore_mem>>)
      } else {
      }
      %gt3A_99 = arith.constant 5 : i32
      %gt3A_100 = arith.cmpi sgt, %select_n3A, %gt3A_99 : i32
      %convert_element_type3A_101 = arith.extui %gt3A_100 : i1 to i32
      %cond3A_102 = arith.constant 0 : i32
      %cond3A_103 = arith.cmpi ne, %convert_element_type3A_101, %cond3A_102 : i32
      scf.if %cond3A_103 {
        %get3A_169 = arith.constant 640 : index
        %get3A_170 = tpu.vector_load %arg14[%get3A_169] {strides = array<i32>} : memref<16576xi32, #tpu.memory_space<vmem>>, vector<16xi32>,
        %swap3A_171 = arith.constant 5 : i32
        %swap3A_172 = arith.index_cast %swap3A_171 : i32 to index
        %swap3A_173 = arith.constant 0 : index
        %swap3A_174 = tpu.vector_load %arg17[%swap3A_172, %swap3A_173] {strides = array<i32>} : memref<6x128xi32, #tpu.memory_space<vmem>>, vector<16xi32>,
        tpu.vector_store %arg17[%swap3A_172, %swap3A_173], %get3A_170 {strides = array<i32>} : memref<6x128xi32, #tpu.memory_space<vmem>>, vector<16xi32>,
        %get3A_175 = arith.constant 640 : index
        %get3A_176 = tpu.vector_load %arg15[%get3A_175] {strides = array<i32>} : memref<16576xi32, #tpu.memory_space<vmem>>, vector<16xi32>,
        %swap3A_177 = arith.constant 5 : i32
        %swap3A_178 = arith.index_cast %swap3A_177 : i32 to index
        %swap3A_179 = arith.constant 0 : index
        %swap3A_180 = tpu.vector_load %arg18[%swap3A_178, %swap3A_179] {strides = array<i32>} : memref<6x128xi32, #tpu.memory_space<vmem>>, vector<16xi32>,
        tpu.vector_store %arg18[%swap3A_178, %swap3A_179], %get3A_176 {strides = array<i32>} : memref<6x128xi32, #tpu.memory_space<vmem>>, vector<16xi32>,
        %get3A_181 = arith.constant 656 : index
        %get3A_182 = tpu.vector_load %arg14[%get3A_181] {strides = array<i32>} : memref<16576xi32, #tpu.memory_space<vmem>>, vector<16xi32>,
        %swap3A_183 = arith.constant 5 : i32
        %swap3A_184 = arith.index_cast %swap3A_183 : i32 to index
        %swap3A_185 = arith.constant 16 : index
        %swap3A_186 = tpu.vector_load %arg17[%swap3A_184, %swap3A_185] {strides = array<i32>} : memref<6x128xi32, #tpu.memory_space<vmem>>, vector<16xi32>,
        tpu.vector_store %arg17[%swap3A_184, %swap3A_185], %get3A_182 {strides = array<i32>} : memref<6x128xi32, #tpu.memory_space<vmem>>, vector<16xi32>,
        %get3A_187 = arith.constant 656 : index
        %get3A_188 = tpu.vector_load %arg15[%get3A_187] {strides = array<i32>} : memref<16576xi32, #tpu.memory_space<vmem>>, vector<16xi32>,
        %swap3A_189 = arith.constant 5 : i32
        %swap3A_190 = arith.index_cast %swap3A_189 : i32 to index
        %swap3A_191 = arith.constant 16 : index
        %swap3A_192 = tpu.vector_load %arg18[%swap3A_190, %swap3A_191] {strides = array<i32>} : memref<6x128xi32, #tpu.memory_space<vmem>>, vector<16xi32>,
        tpu.vector_store %arg18[%swap3A_190, %swap3A_191], %get3A_188 {strides = array<i32>} : memref<6x128xi32, #tpu.memory_space<vmem>>, vector<16xi32>,
        %get3A_193 = arith.constant 672 : index
        %get3A_194 = tpu.vector_load %arg14[%get3A_193] {strides = array<i32>} : memref<16576xi32, #tpu.memory_space<vmem>>, vector<16xi32>,
        %swap3A_195 = arith.constant 5 : i32
        %swap3A_196 = arith.index_cast %swap3A_195 : i32 to index
        %swap3A_197 = arith.constant 32 : index
        %swap3A_198 = tpu.vector_load %arg17[%swap3A_196, %swap3A_197] {strides = array<i32>} : memref<6x128xi32, #tpu.memory_space<vmem>>, vector<16xi32>,
        tpu.vector_store %arg17[%swap3A_196, %swap3A_197], %get3A_194 {strides = array<i32>} : memref<6x128xi32, #tpu.memory_space<vmem>>, vector<16xi32>,
        %get3A_199 = arith.constant 672 : index
        %get3A_200 = tpu.vector_load %arg15[%get3A_199] {strides = array<i32>} : memref<16576xi32, #tpu.memory_space<vmem>>, vector<16xi32>,
        %swap3A_201 = arith.constant 5 : i32
        %swap3A_202 = arith.index_cast %swap3A_201 : i32 to index
        %swap3A_203 = arith.constant 32 : index
        %swap3A_204 = tpu.vector_load %arg18[%swap3A_202, %swap3A_203] {strides = array<i32>} : memref<6x128xi32, #tpu.memory_space<vmem>>, vector<16xi32>,
        tpu.vector_store %arg18[%swap3A_202, %swap3A_203], %get3A_200 {strides = array<i32>} : memref<6x128xi32, #tpu.memory_space<vmem>>, vector<16xi32>,
        %get3A_205 = arith.constant 688 : index
        %get3A_206 = tpu.vector_load %arg14[%get3A_205] {strides = array<i32>} : memref<16576xi32, #tpu.memory_space<vmem>>, vector<16xi32>,
        %swap3A_207 = arith.constant 5 : i32
        %swap3A_208 = arith.index_cast %swap3A_207 : i32 to index
        %swap3A_209 = arith.constant 48 : index
        %swap3A_210 = tpu.vector_load %arg17[%swap3A_208, %swap3A_209] {strides = array<i32>} : memref<6x128xi32, #tpu.memory_space<vmem>>, vector<16xi32>,
        tpu.vector_store %arg17[%swap3A_208, %swap3A_209], %get3A_206 {strides = array<i32>} : memref<6x128xi32, #tpu.memory_space<vmem>>, vector<16xi32>,
        %get3A_211 = arith.constant 688 : index
        %get3A_212 = tpu.vector_load %arg15[%get3A_211] {strides = array<i32>} : memref<16576xi32, #tpu.memory_space<vmem>>, vector<16xi32>,
        %swap3A_213 = arith.constant 5 : i32
        %swap3A_214 = arith.index_cast %swap3A_213 : i32 to index
        %swap3A_215 = arith.constant 48 : index
        %swap3A_216 = tpu.vector_load %arg18[%swap3A_214, %swap3A_215] {strides = array<i32>} : memref<6x128xi32, #tpu.memory_space<vmem>>, vector<16xi32>,
        tpu.vector_store %arg18[%swap3A_214, %swap3A_215], %get3A_212 {strides = array<i32>} : memref<6x128xi32, #tpu.memory_space<vmem>>, vector<16xi32>,
        %get3A_217 = arith.constant 704 : index
        %get3A_218 = tpu.vector_load %arg14[%get3A_217] {strides = array<i32>} : memref<16576xi32, #tpu.memory_space<vmem>>, vector<16xi32>,
        %swap3A_219 = arith.constant 5 : i32
        %swap3A_220 = arith.index_cast %swap3A_219 : i32 to index
        %swap3A_221 = arith.constant 64 : index
        %swap3A_222 = tpu.vector_load %arg17[%swap3A_220, %swap3A_221] {strides = array<i32>} : memref<6x128xi32, #tpu.memory_space<vmem>>, vector<16xi32>,
        tpu.vector_store %arg17[%swap3A_220, %swap3A_221], %get3A_218 {strides = array<i32>} : memref<6x128xi32, #tpu.memory_space<vmem>>, vector<16xi32>,
        %get3A_223 = arith.constant 704 : index
        %get3A_224 = tpu.vector_load %arg15[%get3A_223] {strides = array<i32>} : memref<16576xi32, #tpu.memory_space<vmem>>, vector<16xi32>,
        %swap3A_225 = arith.constant 5 : i32
        %swap3A_226 = arith.index_cast %swap3A_225 : i32 to index
        %swap3A_227 = arith.constant 64 : index
        %swap3A_228 = tpu.vector_load %arg18[%swap3A_226, %swap3A_227] {strides = array<i32>} : memref<6x128xi32, #tpu.memory_space<vmem>>, vector<16xi32>,
        tpu.vector_store %arg18[%swap3A_226, %swap3A_227], %get3A_224 {strides = array<i32>} : memref<6x128xi32, #tpu.memory_space<vmem>>, vector<16xi32>,
        %get3A_229 = arith.constant 720 : index
        %get3A_230 = tpu.vector_load %arg14[%get3A_229] {strides = array<i32>} : memref<16576xi32, #tpu.memory_space<vmem>>, vector<16xi32>,
        %swap3A_231 = arith.constant 5 : i32
        %swap3A_232 = arith.index_cast %swap3A_231 : i32 to index
        %swap3A_233 = arith.constant 80 : index
        %swap3A_234 = tpu.vector_load %arg17[%swap3A_232, %swap3A_233] {strides = array<i32>} : memref<6x128xi32, #tpu.memory_space<vmem>>, vector<16xi32>,
        tpu.vector_store %arg17[%swap3A_232, %swap3A_233], %get3A_230 {strides = array<i32>} : memref<6x128xi32, #tpu.memory_space<vmem>>, vector<16xi32>,
        %get3A_235 = arith.constant 720 : index
        %get3A_236 = tpu.vector_load %arg15[%get3A_235] {strides = array<i32>} : memref<16576xi32, #tpu.memory_space<vmem>>, vector<16xi32>,
        %swap3A_237 = arith.constant 5 : i32
        %swap3A_238 = arith.index_cast %swap3A_237 : i32 to index
        %swap3A_239 = arith.constant 80 : index
        %swap3A_240 = tpu.vector_load %arg18[%swap3A_238, %swap3A_239] {strides = array<i32>} : memref<6x128xi32, #tpu.memory_space<vmem>>, vector<16xi32>,
        tpu.vector_store %arg18[%swap3A_238, %swap3A_239], %get3A_236 {strides = array<i32>} : memref<6x128xi32, #tpu.memory_space<vmem>>, vector<16xi32>,
        %get3A_241 = arith.constant 736 : index
        %get3A_242 = tpu.vector_load %arg14[%get3A_241] {strides = array<i32>} : memref<16576xi32, #tpu.memory_space<vmem>>, vector<16xi32>,
        %swap3A_243 = arith.constant 5 : i32
        %swap3A_244 = arith.index_cast %swap3A_243 : i32 to index
        %swap3A_245 = arith.constant 96 : index
        %swap3A_246 = tpu.vector_load %arg17[%swap3A_244, %swap3A_245] {strides = array<i32>} : memref<6x128xi32, #tpu.memory_space<vmem>>, vector<16xi32>,
        tpu.vector_store %arg17[%swap3A_244, %swap3A_245], %get3A_242 {strides = array<i32>} : memref<6x128xi32, #tpu.memory_space<vmem>>, vector<16xi32>,
        %get3A_247 = arith.constant 736 : index
        %get3A_248 = tpu.vector_load %arg15[%get3A_247] {strides = array<i32>} : memref<16576xi32, #tpu.memory_space<vmem>>, vector<16xi32>,
        %swap3A_249 = arith.constant 5 : i32
        %swap3A_250 = arith.index_cast %swap3A_249 : i32 to index
        %swap3A_251 = arith.constant 96 : index
        %swap3A_252 = tpu.vector_load %arg18[%swap3A_250, %swap3A_251] {strides = array<i32>} : memref<6x128xi32, #tpu.memory_space<vmem>>, vector<16xi32>,
        tpu.vector_store %arg18[%swap3A_250, %swap3A_251], %get3A_248 {strides = array<i32>} : memref<6x128xi32, #tpu.memory_space<vmem>>, vector<16xi32>,
        %get3A_253 = arith.constant 752 : index
        %get3A_254 = tpu.vector_load %arg14[%get3A_253] {strides = array<i32>} : memref<16576xi32, #tpu.memory_space<vmem>>, vector<16xi32>,
        %swap3A_255 = arith.constant 5 : i32
        %swap3A_256 = arith.index_cast %swap3A_255 : i32 to index
        %swap3A_257 = arith.constant 112 : index
        %swap3A_258 = tpu.vector_load %arg17[%swap3A_256, %swap3A_257] {strides = array<i32>} : memref<6x128xi32, #tpu.memory_space<vmem>>, vector<16xi32>,
        tpu.vector_store %arg17[%swap3A_256, %swap3A_257], %get3A_254 {strides = array<i32>} : memref<6x128xi32, #tpu.memory_space<vmem>>, vector<16xi32>,
        %get3A_259 = arith.constant 752 : index
        %get3A_260 = tpu.vector_load %arg15[%get3A_259] {strides = array<i32>} : memref<16576xi32, #tpu.memory_space<vmem>>, vector<16xi32>,
        %swap3A_261 = arith.constant 5 : i32
        %swap3A_262 = arith.index_cast %swap3A_261 : i32 to index
        %swap3A_263 = arith.constant 112 : index
        %swap3A_264 = tpu.vector_load %arg18[%swap3A_262, %swap3A_263] {strides = array<i32>} : memref<6x128xi32, #tpu.memory_space<vmem>>, vector<16xi32>,
        tpu.vector_store %arg18[%swap3A_262, %swap3A_263], %get3A_260 {strides = array<i32>} : memref<6x128xi32, #tpu.memory_space<vmem>>, vector<16xi32>,
        %dma_start3A_265 = arith.constant 5 : i32
        %dma_start3A_266 = arith.constant 5 : i32
        %dma_start3A_267 = arith.constant 0 : i32
        %dma_start3A_268 = arith.constant 0 : i32
        %dma_start3A_269 = tpu.memref_slice %arg19[%dma_start3A_266, %dma_start3A_267, %dma_start3A_268] : memref<6x128x32xf32, #tpu.memory_space<vmem>> -> memref<1x128x32xf32, #tpu.memory_space<vmem>>
        %dma_start3A_270 = tpu.memref_squeeze %dma_start3A_269 : memref<1x128x32xf32, #tpu.memory_space<vmem>> -> memref<128x32xf32, #tpu.memory_space<vmem>>
        %dma_start3A_271 = arith.constant 0 : i32
        %dma_start3A_272 = tpu.memref_slice %arg17[%dma_start3A_265, %dma_start3A_271] : memref<6x128xi32, #tpu.memory_space<vmem>> -> memref<1x128xi32, #tpu.memory_space<vmem>>
        %dma_start3A_273 = tpu.memref_squeeze %dma_start3A_272 : memref<1x128xi32, #tpu.memory_space<vmem>> -> memref<128xi32, #tpu.memory_space<vmem>>
        %dma_start3A_274 = arith.constant 0 : i32
        %dma_start3A_275 = arith.constant 0 : i32
        %dma_start3A_276 = tpu.memref_slice %arg2[%dma_start3A_274, %dma_start3A_275] : memref<16384x32xf32, #tpu.memory_space<hbm>> -> memref<16384x32xf32, #tpu.memory_space<hbm>>
        tpu.enqueue_indirect_dma source(%dma_start3A_276 : memref<16384x32xf32, #tpu.memory_space<hbm>>) target(%dma_start3A_270 : memref<128x32xf32, #tpu.memory_space<vmem>>) offsets(%dma_start3A_273 : memref<128xi32, #tpu.memory_space<vmem>>) semaphore(%arg22 : memref<!tpu.dma_semaphore, #tpu.memory_space<semaphore_mem>>)
        %dma_start3A_277 = arith.constant 5 : i32
        %dma_start3A_278 = arith.constant 5 : i32
        %dma_start3A_279 = arith.constant 0 : i32
        %dma_start3A_280 = tpu.memref_slice %arg20[%dma_start3A_278, %dma_start3A_279] : memref<6x128xi32, #tpu.memory_space<vmem>> -> memref<1x128xi32, #tpu.memory_space<vmem>>
        %dma_start3A_281 = tpu.memref_squeeze %dma_start3A_280 : memref<1x128xi32, #tpu.memory_space<vmem>> -> memref<128xi32, #tpu.memory_space<vmem>>
        %dma_start3A_282 = arith.constant 0 : i32
        %dma_start3A_283 = tpu.memref_slice %arg17[%dma_start3A_277, %dma_start3A_282] : memref<6x128xi32, #tpu.memory_space<vmem>> -> memref<1x128xi32, #tpu.memory_space<vmem>>
        %dma_start3A_284 = tpu.memref_squeeze %dma_start3A_283 : memref<1x128xi32, #tpu.memory_space<vmem>> -> memref<128xi32, #tpu.memory_space<vmem>>
        %dma_start3A_285 = arith.constant 0 : i32
        %dma_start3A_286 = tpu.memref_slice %arg3[%dma_start3A_285] : memref<16384xi32, #tpu.memory_space<hbm>> -> memref<16384xi32, #tpu.memory_space<hbm>>
        tpu.enqueue_indirect_dma source(%dma_start3A_286 : memref<16384xi32, #tpu.memory_space<hbm>>) target(%dma_start3A_281 : memref<128xi32, #tpu.memory_space<vmem>>) offsets(%dma_start3A_284 : memref<128xi32, #tpu.memory_space<vmem>>) semaphore(%arg22 : memref<!tpu.dma_semaphore, #tpu.memory_space<semaphore_mem>>)
      } else {
      }
      %gt3A_104 = arith.constant 0 : i32
      %gt3A_105 = arith.cmpi sgt, %select_n3A, %gt3A_104 : i32
      %convert_element_type3A_106 = arith.extui %gt3A_105 : i1 to i32
      %cond3A_107 = arith.constant 0 : i32
      %cond3A_108 = arith.cmpi ne, %convert_element_type3A_106, %cond3A_107 : i32
      scf.if %cond3A_108 {
        %dma_wait3A_169 = arith.constant 0 : i32
        %dma_wait3A_170 = arith.constant 0 : i32
        %dma_wait3A_171 = arith.constant 0 : i32
        %dma_wait3A_172 = arith.constant 0 : i32
        %dma_wait3A_173 = tpu.memref_slice %arg19[%dma_wait3A_170, %dma_wait3A_171, %dma_wait3A_172] : memref<6x128x32xf32, #tpu.memory_space<vmem>> -> memref<1x128x32xf32, #tpu.memory_space<vmem>>
        %dma_wait3A_174 = tpu.memref_squeeze %dma_wait3A_173 : memref<1x128x32xf32, #tpu.memory_space<vmem>> -> memref<128x32xf32, #tpu.memory_space<vmem>>
        %dma_wait3A_175 = arith.constant 0 : i32
        %dma_wait3A_176 = tpu.memref_slice %arg17[%dma_wait3A_169, %dma_wait3A_175] : memref<6x128xi32, #tpu.memory_space<vmem>> -> memref<1x128xi32, #tpu.memory_space<vmem>>
        %dma_wait3A_177 = tpu.memref_squeeze %dma_wait3A_176 : memref<1x128xi32, #tpu.memory_space<vmem>> -> memref<128xi32, #tpu.memory_space<vmem>>
        %dma_wait3A_178 = arith.constant 0 : i32
        %dma_wait3A_179 = arith.constant 0 : i32
        %dma_wait3A_180 = tpu.memref_slice %arg2[%dma_wait3A_178, %dma_wait3A_179] : memref<16384x32xf32, #tpu.memory_space<hbm>> -> memref<16384x32xf32, #tpu.memory_space<hbm>>
        tpu.wait_indirect_dma semaphore(%arg22 : memref<!tpu.dma_semaphore, #tpu.memory_space<semaphore_mem>>) src(%dma_wait3A_180 : memref<16384x32xf32, #tpu.memory_space<hbm>>) dst(%dma_wait3A_174 : memref<128x32xf32, #tpu.memory_space<vmem>>)
        %dma_wait3A_181 = arith.constant 0 : i32
        %dma_wait3A_182 = arith.constant 0 : i32
        %dma_wait3A_183 = arith.constant 0 : i32
        %dma_wait3A_184 = tpu.memref_slice %arg20[%dma_wait3A_182, %dma_wait3A_183] : memref<6x128xi32, #tpu.memory_space<vmem>> -> memref<1x128xi32, #tpu.memory_space<vmem>>
        %dma_wait3A_185 = tpu.memref_squeeze %dma_wait3A_184 : memref<1x128xi32, #tpu.memory_space<vmem>> -> memref<128xi32, #tpu.memory_space<vmem>>
        %dma_wait3A_186 = arith.constant 0 : i32
        %dma_wait3A_187 = tpu.memref_slice %arg17[%dma_wait3A_181, %dma_wait3A_186] : memref<6x128xi32, #tpu.memory_space<vmem>> -> memref<1x128xi32, #tpu.memory_space<vmem>>
        %dma_wait3A_188 = tpu.memref_squeeze %dma_wait3A_187 : memref<1x128xi32, #tpu.memory_space<vmem>> -> memref<128xi32, #tpu.memory_space<vmem>>
        %dma_wait3A_189 = arith.constant 0 : i32
        %dma_wait3A_190 = tpu.memref_slice %arg3[%dma_wait3A_189] : memref<16384xi32, #tpu.memory_space<hbm>> -> memref<16384xi32, #tpu.memory_space<hbm>>
        tpu.wait_indirect_dma semaphore(%arg22 : memref<!tpu.dma_semaphore, #tpu.memory_space<semaphore_mem>>) src(%dma_wait3A_190 : memref<16384xi32, #tpu.memory_space<hbm>>) dst(%dma_wait3A_185 : memref<128xi32, #tpu.memory_space<vmem>>)
        %dma_start3A_191 = arith.constant 0 : i32
        %dma_start3A_192 = arith.constant 0 : i32
        %dma_start3A_193 = arith.constant 0 : i32
        %dma_start3A_194 = arith.constant 0 : i32
        %dma_start3A_195 = tpu.memref_slice %arg19[%dma_start3A_191, %dma_start3A_193, %dma_start3A_194] : memref<6x128x32xf32, #tpu.memory_space<vmem>> -> memref<1x128x32xf32, #tpu.memory_space<vmem>>
        %dma_start3A_196 = tpu.memref_squeeze %dma_start3A_195 : memref<1x128x32xf32, #tpu.memory_space<vmem>> -> memref<128x32xf32, #tpu.memory_space<vmem>>
        %dma_start3A_197 = arith.constant 0 : i32
        %dma_start3A_198 = tpu.memref_slice %arg18[%dma_start3A_192, %dma_start3A_197] : memref<6x128xi32, #tpu.memory_space<vmem>> -> memref<1x128xi32, #tpu.memory_space<vmem>>
        %dma_start3A_199 = tpu.memref_squeeze %dma_start3A_198 : memref<1x128xi32, #tpu.memory_space<vmem>> -> memref<128xi32, #tpu.memory_space<vmem>>
        %dma_start3A_200 = arith.constant 0 : i32
        %dma_start3A_201 = arith.constant 0 : i32
        %dma_start3A_202 = tpu.memref_slice %arg11[%dma_start3A_200, %dma_start3A_201] : memref<1000000x32xf32, #tpu.memory_space<hbm>> -> memref<1000000x32xf32, #tpu.memory_space<hbm>>
        tpu.enqueue_indirect_dma source(%dma_start3A_196 : memref<128x32xf32, #tpu.memory_space<vmem>>) target(%dma_start3A_202 : memref<1000000x32xf32, #tpu.memory_space<hbm>>) offsets(%dma_start3A_199 : memref<128xi32, #tpu.memory_space<vmem>>) semaphore(%arg23 : memref<!tpu.dma_semaphore, #tpu.memory_space<semaphore_mem>>)
        %dma_start3A_203 = arith.constant 0 : i32
        %dma_start3A_204 = arith.constant 0 : i32
        %dma_start3A_205 = arith.constant 0 : i32
        %dma_start3A_206 = tpu.memref_slice %arg20[%dma_start3A_203, %dma_start3A_205] : memref<6x128xi32, #tpu.memory_space<vmem>> -> memref<1x128xi32, #tpu.memory_space<vmem>>
        %dma_start3A_207 = tpu.memref_squeeze %dma_start3A_206 : memref<1x128xi32, #tpu.memory_space<vmem>> -> memref<128xi32, #tpu.memory_space<vmem>>
        %dma_start3A_208 = arith.constant 0 : i32
        %dma_start3A_209 = tpu.memref_slice %arg18[%dma_start3A_204, %dma_start3A_208] : memref<6x128xi32, #tpu.memory_space<vmem>> -> memref<1x128xi32, #tpu.memory_space<vmem>>
        %dma_start3A_210 = tpu.memref_squeeze %dma_start3A_209 : memref<1x128xi32, #tpu.memory_space<vmem>> -> memref<128xi32, #tpu.memory_space<vmem>>
        %dma_start3A_211 = arith.constant 0 : i32
        %dma_start3A_212 = tpu.memref_slice %arg12[%dma_start3A_211] : memref<1000000xi32, #tpu.memory_space<hbm>> -> memref<1000000xi32, #tpu.memory_space<hbm>>
        tpu.enqueue_indirect_dma source(%dma_start3A_207 : memref<128xi32, #tpu.memory_space<vmem>>) target(%dma_start3A_212 : memref<1000000xi32, #tpu.memory_space<hbm>>) offsets(%dma_start3A_210 : memref<128xi32, #tpu.memory_space<vmem>>) semaphore(%arg23 : memref<!tpu.dma_semaphore, #tpu.memory_space<semaphore_mem>>)
        %dma_start3A_213 = arith.constant 0 : i32
        %dma_start3A_214 = arith.constant 0 : i32
        %dma_start3A_215 = tpu.memref_slice %arg18[%dma_start3A_213, %dma_start3A_214] : memref<6x128xi32, #tpu.memory_space<vmem>> -> memref<1x128xi32, #tpu.memory_space<vmem>>
        %dma_start3A_216 = tpu.memref_squeeze %dma_start3A_215 : memref<1x128xi32, #tpu.memory_space<vmem>> -> memref<128xi32, #tpu.memory_space<vmem>>
        %dma_start3A_217 = arith.constant 0 : i32
        %dma_start3A_218 = tpu.memref_slice %arg13[%dma_start3A_217] : memref<1000000xi32, #tpu.memory_space<hbm>> -> memref<1000000xi32, #tpu.memory_space<hbm>>
        tpu.enqueue_indirect_dma source(%arg21 : memref<128xi32, #tpu.memory_space<vmem>>) target(%dma_start3A_218 : memref<1000000xi32, #tpu.memory_space<hbm>>) offsets(%dma_start3A_216 : memref<128xi32, #tpu.memory_space<vmem>>) semaphore(%arg23 : memref<!tpu.dma_semaphore, #tpu.memory_space<semaphore_mem>>)
      } else {
      }
      %gt3A_109 = arith.constant 1 : i32
      %gt3A_110 = arith.cmpi sgt, %select_n3A, %gt3A_109 : i32
      %convert_element_type3A_111 = arith.extui %gt3A_110 : i1 to i32
      %cond3A_112 = arith.constant 0 : i32
      %cond3A_113 = arith.cmpi ne, %convert_element_type3A_111, %cond3A_112 : i32
      scf.if %cond3A_113 {
        %dma_wait3A_169 = arith.constant 1 : i32
        %dma_wait3A_170 = arith.constant 1 : i32
        %dma_wait3A_171 = arith.constant 0 : i32
        %dma_wait3A_172 = arith.constant 0 : i32
        %dma_wait3A_173 = tpu.memref_slice %arg19[%dma_wait3A_170, %dma_wait3A_171, %dma_wait3A_172] : memref<6x128x32xf32, #tpu.memory_space<vmem>> -> memref<1x128x32xf32, #tpu.memory_space<vmem>>
        %dma_wait3A_174 = tpu.memref_squeeze %dma_wait3A_173 : memref<1x128x32xf32, #tpu.memory_space<vmem>> -> memref<128x32xf32, #tpu.memory_space<vmem>>
        %dma_wait3A_175 = arith.constant 0 : i32
        %dma_wait3A_176 = tpu.memref_slice %arg17[%dma_wait3A_169, %dma_wait3A_175] : memref<6x128xi32, #tpu.memory_space<vmem>> -> memref<1x128xi32, #tpu.memory_space<vmem>>
        %dma_wait3A_177 = tpu.memref_squeeze %dma_wait3A_176 : memref<1x128xi32, #tpu.memory_space<vmem>> -> memref<128xi32, #tpu.memory_space<vmem>>
        %dma_wait3A_178 = arith.constant 0 : i32
        %dma_wait3A_179 = arith.constant 0 : i32
        %dma_wait3A_180 = tpu.memref_slice %arg2[%dma_wait3A_178, %dma_wait3A_179] : memref<16384x32xf32, #tpu.memory_space<hbm>> -> memref<16384x32xf32, #tpu.memory_space<hbm>>
        tpu.wait_indirect_dma semaphore(%arg22 : memref<!tpu.dma_semaphore, #tpu.memory_space<semaphore_mem>>) src(%dma_wait3A_180 : memref<16384x32xf32, #tpu.memory_space<hbm>>) dst(%dma_wait3A_174 : memref<128x32xf32, #tpu.memory_space<vmem>>)
        %dma_wait3A_181 = arith.constant 1 : i32
        %dma_wait3A_182 = arith.constant 1 : i32
        %dma_wait3A_183 = arith.constant 0 : i32
        %dma_wait3A_184 = tpu.memref_slice %arg20[%dma_wait3A_182, %dma_wait3A_183] : memref<6x128xi32, #tpu.memory_space<vmem>> -> memref<1x128xi32, #tpu.memory_space<vmem>>
        %dma_wait3A_185 = tpu.memref_squeeze %dma_wait3A_184 : memref<1x128xi32, #tpu.memory_space<vmem>> -> memref<128xi32, #tpu.memory_space<vmem>>
        %dma_wait3A_186 = arith.constant 0 : i32
        %dma_wait3A_187 = tpu.memref_slice %arg17[%dma_wait3A_181, %dma_wait3A_186] : memref<6x128xi32, #tpu.memory_space<vmem>> -> memref<1x128xi32, #tpu.memory_space<vmem>>
        %dma_wait3A_188 = tpu.memref_squeeze %dma_wait3A_187 : memref<1x128xi32, #tpu.memory_space<vmem>> -> memref<128xi32, #tpu.memory_space<vmem>>
        %dma_wait3A_189 = arith.constant 0 : i32
        %dma_wait3A_190 = tpu.memref_slice %arg3[%dma_wait3A_189] : memref<16384xi32, #tpu.memory_space<hbm>> -> memref<16384xi32, #tpu.memory_space<hbm>>
        tpu.wait_indirect_dma semaphore(%arg22 : memref<!tpu.dma_semaphore, #tpu.memory_space<semaphore_mem>>) src(%dma_wait3A_190 : memref<16384xi32, #tpu.memory_space<hbm>>) dst(%dma_wait3A_185 : memref<128xi32, #tpu.memory_space<vmem>>)
        %dma_start3A_191 = arith.constant 1 : i32
        %dma_start3A_192 = arith.constant 1 : i32
        %dma_start3A_193 = arith.constant 0 : i32
        %dma_start3A_194 = arith.constant 0 : i32
        %dma_start3A_195 = tpu.memref_slice %arg19[%dma_start3A_191, %dma_start3A_193, %dma_start3A_194] : memref<6x128x32xf32, #tpu.memory_space<vmem>> -> memref<1x128x32xf32, #tpu.memory_space<vmem>>
        %dma_start3A_196 = tpu.memref_squeeze %dma_start3A_195 : memref<1x128x32xf32, #tpu.memory_space<vmem>> -> memref<128x32xf32, #tpu.memory_space<vmem>>
        %dma_start3A_197 = arith.constant 0 : i32
        %dma_start3A_198 = tpu.memref_slice %arg18[%dma_start3A_192, %dma_start3A_197] : memref<6x128xi32, #tpu.memory_space<vmem>> -> memref<1x128xi32, #tpu.memory_space<vmem>>
        %dma_start3A_199 = tpu.memref_squeeze %dma_start3A_198 : memref<1x128xi32, #tpu.memory_space<vmem>> -> memref<128xi32, #tpu.memory_space<vmem>>
        %dma_start3A_200 = arith.constant 0 : i32
        %dma_start3A_201 = arith.constant 0 : i32
        %dma_start3A_202 = tpu.memref_slice %arg11[%dma_start3A_200, %dma_start3A_201] : memref<1000000x32xf32, #tpu.memory_space<hbm>> -> memref<1000000x32xf32, #tpu.memory_space<hbm>>
        tpu.enqueue_indirect_dma source(%dma_start3A_196 : memref<128x32xf32, #tpu.memory_space<vmem>>) target(%dma_start3A_202 : memref<1000000x32xf32, #tpu.memory_space<hbm>>) offsets(%dma_start3A_199 : memref<128xi32, #tpu.memory_space<vmem>>) semaphore(%arg23 : memref<!tpu.dma_semaphore, #tpu.memory_space<semaphore_mem>>)
        %dma_start3A_203 = arith.constant 1 : i32
        %dma_start3A_204 = arith.constant 1 : i32
        %dma_start3A_205 = arith.constant 0 : i32
        %dma_start3A_206 = tpu.memref_slice %arg20[%dma_start3A_203, %dma_start3A_205] : memref<6x128xi32, #tpu.memory_space<vmem>> -> memref<1x128xi32, #tpu.memory_space<vmem>>
        %dma_start3A_207 = tpu.memref_squeeze %dma_start3A_206 : memref<1x128xi32, #tpu.memory_space<vmem>> -> memref<128xi32, #tpu.memory_space<vmem>>
        %dma_start3A_208 = arith.constant 0 : i32
        %dma_start3A_209 = tpu.memref_slice %arg18[%dma_start3A_204, %dma_start3A_208] : memref<6x128xi32, #tpu.memory_space<vmem>> -> memref<1x128xi32, #tpu.memory_space<vmem>>
        %dma_start3A_210 = tpu.memref_squeeze %dma_start3A_209 : memref<1x128xi32, #tpu.memory_space<vmem>> -> memref<128xi32, #tpu.memory_space<vmem>>
        %dma_start3A_211 = arith.constant 0 : i32
        %dma_start3A_212 = tpu.memref_slice %arg12[%dma_start3A_211] : memref<1000000xi32, #tpu.memory_space<hbm>> -> memref<1000000xi32, #tpu.memory_space<hbm>>
        tpu.enqueue_indirect_dma source(%dma_start3A_207 : memref<128xi32, #tpu.memory_space<vmem>>) target(%dma_start3A_212 : memref<1000000xi32, #tpu.memory_space<hbm>>) offsets(%dma_start3A_210 : memref<128xi32, #tpu.memory_space<vmem>>) semaphore(%arg23 : memref<!tpu.dma_semaphore, #tpu.memory_space<semaphore_mem>>)
        %dma_start3A_213 = arith.constant 1 : i32
        %dma_start3A_214 = arith.constant 0 : i32
        %dma_start3A_215 = tpu.memref_slice %arg18[%dma_start3A_213, %dma_start3A_214] : memref<6x128xi32, #tpu.memory_space<vmem>> -> memref<1x128xi32, #tpu.memory_space<vmem>>
        %dma_start3A_216 = tpu.memref_squeeze %dma_start3A_215 : memref<1x128xi32, #tpu.memory_space<vmem>> -> memref<128xi32, #tpu.memory_space<vmem>>
        %dma_start3A_217 = arith.constant 0 : i32
        %dma_start3A_218 = tpu.memref_slice %arg13[%dma_start3A_217] : memref<1000000xi32, #tpu.memory_space<hbm>> -> memref<1000000xi32, #tpu.memory_space<hbm>>
        tpu.enqueue_indirect_dma source(%arg21 : memref<128xi32, #tpu.memory_space<vmem>>) target(%dma_start3A_218 : memref<1000000xi32, #tpu.memory_space<hbm>>) offsets(%dma_start3A_216 : memref<128xi32, #tpu.memory_space<vmem>>) semaphore(%arg23 : memref<!tpu.dma_semaphore, #tpu.memory_space<semaphore_mem>>)
      } else {
      }
      %gt3A_114 = arith.constant 2 : i32
      %gt3A_115 = arith.cmpi sgt, %select_n3A, %gt3A_114 : i32
      %convert_element_type3A_116 = arith.extui %gt3A_115 : i1 to i32
      %cond3A_117 = arith.constant 0 : i32
      %cond3A_118 = arith.cmpi ne, %convert_element_type3A_116, %cond3A_117 : i32
      scf.if %cond3A_118 {
        %dma_wait3A_169 = arith.constant 2 : i32
        %dma_wait3A_170 = arith.constant 2 : i32
        %dma_wait3A_171 = arith.constant 0 : i32
        %dma_wait3A_172 = arith.constant 0 : i32
        %dma_wait3A_173 = tpu.memref_slice %arg19[%dma_wait3A_170, %dma_wait3A_171, %dma_wait3A_172] : memref<6x128x32xf32, #tpu.memory_space<vmem>> -> memref<1x128x32xf32, #tpu.memory_space<vmem>>
        %dma_wait3A_174 = tpu.memref_squeeze %dma_wait3A_173 : memref<1x128x32xf32, #tpu.memory_space<vmem>> -> memref<128x32xf32, #tpu.memory_space<vmem>>
        %dma_wait3A_175 = arith.constant 0 : i32
        %dma_wait3A_176 = tpu.memref_slice %arg17[%dma_wait3A_169, %dma_wait3A_175] : memref<6x128xi32, #tpu.memory_space<vmem>> -> memref<1x128xi32, #tpu.memory_space<vmem>>
        %dma_wait3A_177 = tpu.memref_squeeze %dma_wait3A_176 : memref<1x128xi32, #tpu.memory_space<vmem>> -> memref<128xi32, #tpu.memory_space<vmem>>
        %dma_wait3A_178 = arith.constant 0 : i32
        %dma_wait3A_179 = arith.constant 0 : i32
        %dma_wait3A_180 = tpu.memref_slice %arg2[%dma_wait3A_178, %dma_wait3A_179] : memref<16384x32xf32, #tpu.memory_space<hbm>> -> memref<16384x32xf32, #tpu.memory_space<hbm>>
        tpu.wait_indirect_dma semaphore(%arg22 : memref<!tpu.dma_semaphore, #tpu.memory_space<semaphore_mem>>) src(%dma_wait3A_180 : memref<16384x32xf32, #tpu.memory_space<hbm>>) dst(%dma_wait3A_174 : memref<128x32xf32, #tpu.memory_space<vmem>>)
        %dma_wait3A_181 = arith.constant 2 : i32
        %dma_wait3A_182 = arith.constant 2 : i32
        %dma_wait3A_183 = arith.constant 0 : i32
        %dma_wait3A_184 = tpu.memref_slice %arg20[%dma_wait3A_182, %dma_wait3A_183] : memref<6x128xi32, #tpu.memory_space<vmem>> -> memref<1x128xi32, #tpu.memory_space<vmem>>
        %dma_wait3A_185 = tpu.memref_squeeze %dma_wait3A_184 : memref<1x128xi32, #tpu.memory_space<vmem>> -> memref<128xi32, #tpu.memory_space<vmem>>
        %dma_wait3A_186 = arith.constant 0 : i32
        %dma_wait3A_187 = tpu.memref_slice %arg17[%dma_wait3A_181, %dma_wait3A_186] : memref<6x128xi32, #tpu.memory_space<vmem>> -> memref<1x128xi32, #tpu.memory_space<vmem>>
        %dma_wait3A_188 = tpu.memref_squeeze %dma_wait3A_187 : memref<1x128xi32, #tpu.memory_space<vmem>> -> memref<128xi32, #tpu.memory_space<vmem>>
        %dma_wait3A_189 = arith.constant 0 : i32
        %dma_wait3A_190 = tpu.memref_slice %arg3[%dma_wait3A_189] : memref<16384xi32, #tpu.memory_space<hbm>> -> memref<16384xi32, #tpu.memory_space<hbm>>
        tpu.wait_indirect_dma semaphore(%arg22 : memref<!tpu.dma_semaphore, #tpu.memory_space<semaphore_mem>>) src(%dma_wait3A_190 : memref<16384xi32, #tpu.memory_space<hbm>>) dst(%dma_wait3A_185 : memref<128xi32, #tpu.memory_space<vmem>>)
        %dma_start3A_191 = arith.constant 2 : i32
        %dma_start3A_192 = arith.constant 2 : i32
        %dma_start3A_193 = arith.constant 0 : i32
        %dma_start3A_194 = arith.constant 0 : i32
        %dma_start3A_195 = tpu.memref_slice %arg19[%dma_start3A_191, %dma_start3A_193, %dma_start3A_194] : memref<6x128x32xf32, #tpu.memory_space<vmem>> -> memref<1x128x32xf32, #tpu.memory_space<vmem>>
        %dma_start3A_196 = tpu.memref_squeeze %dma_start3A_195 : memref<1x128x32xf32, #tpu.memory_space<vmem>> -> memref<128x32xf32, #tpu.memory_space<vmem>>
        %dma_start3A_197 = arith.constant 0 : i32
        %dma_start3A_198 = tpu.memref_slice %arg18[%dma_start3A_192, %dma_start3A_197] : memref<6x128xi32, #tpu.memory_space<vmem>> -> memref<1x128xi32, #tpu.memory_space<vmem>>
        %dma_start3A_199 = tpu.memref_squeeze %dma_start3A_198 : memref<1x128xi32, #tpu.memory_space<vmem>> -> memref<128xi32, #tpu.memory_space<vmem>>
        %dma_start3A_200 = arith.constant 0 : i32
        %dma_start3A_201 = arith.constant 0 : i32
        %dma_start3A_202 = tpu.memref_slice %arg11[%dma_start3A_200, %dma_start3A_201] : memref<1000000x32xf32, #tpu.memory_space<hbm>> -> memref<1000000x32xf32, #tpu.memory_space<hbm>>
        tpu.enqueue_indirect_dma source(%dma_start3A_196 : memref<128x32xf32, #tpu.memory_space<vmem>>) target(%dma_start3A_202 : memref<1000000x32xf32, #tpu.memory_space<hbm>>) offsets(%dma_start3A_199 : memref<128xi32, #tpu.memory_space<vmem>>) semaphore(%arg23 : memref<!tpu.dma_semaphore, #tpu.memory_space<semaphore_mem>>)
        %dma_start3A_203 = arith.constant 2 : i32
        %dma_start3A_204 = arith.constant 2 : i32
        %dma_start3A_205 = arith.constant 0 : i32
        %dma_start3A_206 = tpu.memref_slice %arg20[%dma_start3A_203, %dma_start3A_205] : memref<6x128xi32, #tpu.memory_space<vmem>> -> memref<1x128xi32, #tpu.memory_space<vmem>>
        %dma_start3A_207 = tpu.memref_squeeze %dma_start3A_206 : memref<1x128xi32, #tpu.memory_space<vmem>> -> memref<128xi32, #tpu.memory_space<vmem>>
        %dma_start3A_208 = arith.constant 0 : i32
        %dma_start3A_209 = tpu.memref_slice %arg18[%dma_start3A_204, %dma_start3A_208] : memref<6x128xi32, #tpu.memory_space<vmem>> -> memref<1x128xi32, #tpu.memory_space<vmem>>
        %dma_start3A_210 = tpu.memref_squeeze %dma_start3A_209 : memref<1x128xi32, #tpu.memory_space<vmem>> -> memref<128xi32, #tpu.memory_space<vmem>>
        %dma_start3A_211 = arith.constant 0 : i32
        %dma_start3A_212 = tpu.memref_slice %arg12[%dma_start3A_211] : memref<1000000xi32, #tpu.memory_space<hbm>> -> memref<1000000xi32, #tpu.memory_space<hbm>>
        tpu.enqueue_indirect_dma source(%dma_start3A_207 : memref<128xi32, #tpu.memory_space<vmem>>) target(%dma_start3A_212 : memref<1000000xi32, #tpu.memory_space<hbm>>) offsets(%dma_start3A_210 : memref<128xi32, #tpu.memory_space<vmem>>) semaphore(%arg23 : memref<!tpu.dma_semaphore, #tpu.memory_space<semaphore_mem>>)
        %dma_start3A_213 = arith.constant 2 : i32
        %dma_start3A_214 = arith.constant 0 : i32
        %dma_start3A_215 = tpu.memref_slice %arg18[%dma_start3A_213, %dma_start3A_214] : memref<6x128xi32, #tpu.memory_space<vmem>> -> memref<1x128xi32, #tpu.memory_space<vmem>>
        %dma_start3A_216 = tpu.memref_squeeze %dma_start3A_215 : memref<1x128xi32, #tpu.memory_space<vmem>> -> memref<128xi32, #tpu.memory_space<vmem>>
        %dma_start3A_217 = arith.constant 0 : i32
        %dma_start3A_218 = tpu.memref_slice %arg13[%dma_start3A_217] : memref<1000000xi32, #tpu.memory_space<hbm>> -> memref<1000000xi32, #tpu.memory_space<hbm>>
        tpu.enqueue_indirect_dma source(%arg21 : memref<128xi32, #tpu.memory_space<vmem>>) target(%dma_start3A_218 : memref<1000000xi32, #tpu.memory_space<hbm>>) offsets(%dma_start3A_216 : memref<128xi32, #tpu.memory_space<vmem>>) semaphore(%arg23 : memref<!tpu.dma_semaphore, #tpu.memory_space<semaphore_mem>>)
      } else {
      }
      %gt3A_119 = arith.constant 3 : i32
      %gt3A_120 = arith.cmpi sgt, %select_n3A, %gt3A_119 : i32
      %convert_element_type3A_121 = arith.extui %gt3A_120 : i1 to i32
      %cond3A_122 = arith.constant 0 : i32
      %cond3A_123 = arith.cmpi ne, %convert_element_type3A_121, %cond3A_122 : i32
      scf.if %cond3A_123 {
        %dma_wait3A_169 = arith.constant 3 : i32
        %dma_wait3A_170 = arith.constant 3 : i32
        %dma_wait3A_171 = arith.constant 0 : i32
        %dma_wait3A_172 = arith.constant 0 : i32
        %dma_wait3A_173 = tpu.memref_slice %arg19[%dma_wait3A_170, %dma_wait3A_171, %dma_wait3A_172] : memref<6x128x32xf32, #tpu.memory_space<vmem>> -> memref<1x128x32xf32, #tpu.memory_space<vmem>>
        %dma_wait3A_174 = tpu.memref_squeeze %dma_wait3A_173 : memref<1x128x32xf32, #tpu.memory_space<vmem>> -> memref<128x32xf32, #tpu.memory_space<vmem>>
        %dma_wait3A_175 = arith.constant 0 : i32
        %dma_wait3A_176 = tpu.memref_slice %arg17[%dma_wait3A_169, %dma_wait3A_175] : memref<6x128xi32, #tpu.memory_space<vmem>> -> memref<1x128xi32, #tpu.memory_space<vmem>>
        %dma_wait3A_177 = tpu.memref_squeeze %dma_wait3A_176 : memref<1x128xi32, #tpu.memory_space<vmem>> -> memref<128xi32, #tpu.memory_space<vmem>>
        %dma_wait3A_178 = arith.constant 0 : i32
        %dma_wait3A_179 = arith.constant 0 : i32
        %dma_wait3A_180 = tpu.memref_slice %arg2[%dma_wait3A_178, %dma_wait3A_179] : memref<16384x32xf32, #tpu.memory_space<hbm>> -> memref<16384x32xf32, #tpu.memory_space<hbm>>
        tpu.wait_indirect_dma semaphore(%arg22 : memref<!tpu.dma_semaphore, #tpu.memory_space<semaphore_mem>>) src(%dma_wait3A_180 : memref<16384x32xf32, #tpu.memory_space<hbm>>) dst(%dma_wait3A_174 : memref<128x32xf32, #tpu.memory_space<vmem>>)
        %dma_wait3A_181 = arith.constant 3 : i32
        %dma_wait3A_182 = arith.constant 3 : i32
        %dma_wait3A_183 = arith.constant 0 : i32
        %dma_wait3A_184 = tpu.memref_slice %arg20[%dma_wait3A_182, %dma_wait3A_183] : memref<6x128xi32, #tpu.memory_space<vmem>> -> memref<1x128xi32, #tpu.memory_space<vmem>>
        %dma_wait3A_185 = tpu.memref_squeeze %dma_wait3A_184 : memref<1x128xi32, #tpu.memory_space<vmem>> -> memref<128xi32, #tpu.memory_space<vmem>>
        %dma_wait3A_186 = arith.constant 0 : i32
        %dma_wait3A_187 = tpu.memref_slice %arg17[%dma_wait3A_181, %dma_wait3A_186] : memref<6x128xi32, #tpu.memory_space<vmem>> -> memref<1x128xi32, #tpu.memory_space<vmem>>
        %dma_wait3A_188 = tpu.memref_squeeze %dma_wait3A_187 : memref<1x128xi32, #tpu.memory_space<vmem>> -> memref<128xi32, #tpu.memory_space<vmem>>
        %dma_wait3A_189 = arith.constant 0 : i32
        %dma_wait3A_190 = tpu.memref_slice %arg3[%dma_wait3A_189] : memref<16384xi32, #tpu.memory_space<hbm>> -> memref<16384xi32, #tpu.memory_space<hbm>>
        tpu.wait_indirect_dma semaphore(%arg22 : memref<!tpu.dma_semaphore, #tpu.memory_space<semaphore_mem>>) src(%dma_wait3A_190 : memref<16384xi32, #tpu.memory_space<hbm>>) dst(%dma_wait3A_185 : memref<128xi32, #tpu.memory_space<vmem>>)
        %dma_start3A_191 = arith.constant 3 : i32
        %dma_start3A_192 = arith.constant 3 : i32
        %dma_start3A_193 = arith.constant 0 : i32
        %dma_start3A_194 = arith.constant 0 : i32
        %dma_start3A_195 = tpu.memref_slice %arg19[%dma_start3A_191, %dma_start3A_193, %dma_start3A_194] : memref<6x128x32xf32, #tpu.memory_space<vmem>> -> memref<1x128x32xf32, #tpu.memory_space<vmem>>
        %dma_start3A_196 = tpu.memref_squeeze %dma_start3A_195 : memref<1x128x32xf32, #tpu.memory_space<vmem>> -> memref<128x32xf32, #tpu.memory_space<vmem>>
        %dma_start3A_197 = arith.constant 0 : i32
        %dma_start3A_198 = tpu.memref_slice %arg18[%dma_start3A_192, %dma_start3A_197] : memref<6x128xi32, #tpu.memory_space<vmem>> -> memref<1x128xi32, #tpu.memory_space<vmem>>
        %dma_start3A_199 = tpu.memref_squeeze %dma_start3A_198 : memref<1x128xi32, #tpu.memory_space<vmem>> -> memref<128xi32, #tpu.memory_space<vmem>>
        %dma_start3A_200 = arith.constant 0 : i32
        %dma_start3A_201 = arith.constant 0 : i32
        %dma_start3A_202 = tpu.memref_slice %arg11[%dma_start3A_200, %dma_start3A_201] : memref<1000000x32xf32, #tpu.memory_space<hbm>> -> memref<1000000x32xf32, #tpu.memory_space<hbm>>
        tpu.enqueue_indirect_dma source(%dma_start3A_196 : memref<128x32xf32, #tpu.memory_space<vmem>>) target(%dma_start3A_202 : memref<1000000x32xf32, #tpu.memory_space<hbm>>) offsets(%dma_start3A_199 : memref<128xi32, #tpu.memory_space<vmem>>) semaphore(%arg23 : memref<!tpu.dma_semaphore, #tpu.memory_space<semaphore_mem>>)
        %dma_start3A_203 = arith.constant 3 : i32
        %dma_start3A_204 = arith.constant 3 : i32
        %dma_start3A_205 = arith.constant 0 : i32
        %dma_start3A_206 = tpu.memref_slice %arg20[%dma_start3A_203, %dma_start3A_205] : memref<6x128xi32, #tpu.memory_space<vmem>> -> memref<1x128xi32, #tpu.memory_space<vmem>>
        %dma_start3A_207 = tpu.memref_squeeze %dma_start3A_206 : memref<1x128xi32, #tpu.memory_space<vmem>> -> memref<128xi32, #tpu.memory_space<vmem>>
        %dma_start3A_208 = arith.constant 0 : i32
        %dma_start3A_209 = tpu.memref_slice %arg18[%dma_start3A_204, %dma_start3A_208] : memref<6x128xi32, #tpu.memory_space<vmem>> -> memref<1x128xi32, #tpu.memory_space<vmem>>
        %dma_start3A_210 = tpu.memref_squeeze %dma_start3A_209 : memref<1x128xi32, #tpu.memory_space<vmem>> -> memref<128xi32, #tpu.memory_space<vmem>>
        %dma_start3A_211 = arith.constant 0 : i32
        %dma_start3A_212 = tpu.memref_slice %arg12[%dma_start3A_211] : memref<1000000xi32, #tpu.memory_space<hbm>> -> memref<1000000xi32, #tpu.memory_space<hbm>>
        tpu.enqueue_indirect_dma source(%dma_start3A_207 : memref<128xi32, #tpu.memory_space<vmem>>) target(%dma_start3A_212 : memref<1000000xi32, #tpu.memory_space<hbm>>) offsets(%dma_start3A_210 : memref<128xi32, #tpu.memory_space<vmem>>) semaphore(%arg23 : memref<!tpu.dma_semaphore, #tpu.memory_space<semaphore_mem>>)
        %dma_start3A_213 = arith.constant 3 : i32
        %dma_start3A_214 = arith.constant 0 : i32
        %dma_start3A_215 = tpu.memref_slice %arg18[%dma_start3A_213, %dma_start3A_214] : memref<6x128xi32, #tpu.memory_space<vmem>> -> memref<1x128xi32, #tpu.memory_space<vmem>>
        %dma_start3A_216 = tpu.memref_squeeze %dma_start3A_215 : memref<1x128xi32, #tpu.memory_space<vmem>> -> memref<128xi32, #tpu.memory_space<vmem>>
        %dma_start3A_217 = arith.constant 0 : i32
        %dma_start3A_218 = tpu.memref_slice %arg13[%dma_start3A_217] : memref<1000000xi32, #tpu.memory_space<hbm>> -> memref<1000000xi32, #tpu.memory_space<hbm>>
        tpu.enqueue_indirect_dma source(%arg21 : memref<128xi32, #tpu.memory_space<vmem>>) target(%dma_start3A_218 : memref<1000000xi32, #tpu.memory_space<hbm>>) offsets(%dma_start3A_216 : memref<128xi32, #tpu.memory_space<vmem>>) semaphore(%arg23 : memref<!tpu.dma_semaphore, #tpu.memory_space<semaphore_mem>>)
      } else {
      }
      %gt3A_124 = arith.constant 4 : i32
      %gt3A_125 = arith.cmpi sgt, %select_n3A, %gt3A_124 : i32
      %convert_element_type3A_126 = arith.extui %gt3A_125 : i1 to i32
      %cond3A_127 = arith.constant 0 : i32
      %cond3A_128 = arith.cmpi ne, %convert_element_type3A_126, %cond3A_127 : i32
      scf.if %cond3A_128 {
        %dma_wait3A_169 = arith.constant 4 : i32
        %dma_wait3A_170 = arith.constant 4 : i32
        %dma_wait3A_171 = arith.constant 0 : i32
        %dma_wait3A_172 = arith.constant 0 : i32
        %dma_wait3A_173 = tpu.memref_slice %arg19[%dma_wait3A_170, %dma_wait3A_171, %dma_wait3A_172] : memref<6x128x32xf32, #tpu.memory_space<vmem>> -> memref<1x128x32xf32, #tpu.memory_space<vmem>>
        %dma_wait3A_174 = tpu.memref_squeeze %dma_wait3A_173 : memref<1x128x32xf32, #tpu.memory_space<vmem>> -> memref<128x32xf32, #tpu.memory_space<vmem>>
        %dma_wait3A_175 = arith.constant 0 : i32
        %dma_wait3A_176 = tpu.memref_slice %arg17[%dma_wait3A_169, %dma_wait3A_175] : memref<6x128xi32, #tpu.memory_space<vmem>> -> memref<1x128xi32, #tpu.memory_space<vmem>>
        %dma_wait3A_177 = tpu.memref_squeeze %dma_wait3A_176 : memref<1x128xi32, #tpu.memory_space<vmem>> -> memref<128xi32, #tpu.memory_space<vmem>>
        %dma_wait3A_178 = arith.constant 0 : i32
        %dma_wait3A_179 = arith.constant 0 : i32
        %dma_wait3A_180 = tpu.memref_slice %arg2[%dma_wait3A_178, %dma_wait3A_179] : memref<16384x32xf32, #tpu.memory_space<hbm>> -> memref<16384x32xf32, #tpu.memory_space<hbm>>
        tpu.wait_indirect_dma semaphore(%arg22 : memref<!tpu.dma_semaphore, #tpu.memory_space<semaphore_mem>>) src(%dma_wait3A_180 : memref<16384x32xf32, #tpu.memory_space<hbm>>) dst(%dma_wait3A_174 : memref<128x32xf32, #tpu.memory_space<vmem>>)
        %dma_wait3A_181 = arith.constant 4 : i32
        %dma_wait3A_182 = arith.constant 4 : i32
        %dma_wait3A_183 = arith.constant 0 : i32
        %dma_wait3A_184 = tpu.memref_slice %arg20[%dma_wait3A_182, %dma_wait3A_183] : memref<6x128xi32, #tpu.memory_space<vmem>> -> memref<1x128xi32, #tpu.memory_space<vmem>>
        %dma_wait3A_185 = tpu.memref_squeeze %dma_wait3A_184 : memref<1x128xi32, #tpu.memory_space<vmem>> -> memref<128xi32, #tpu.memory_space<vmem>>
        %dma_wait3A_186 = arith.constant 0 : i32
        %dma_wait3A_187 = tpu.memref_slice %arg17[%dma_wait3A_181, %dma_wait3A_186] : memref<6x128xi32, #tpu.memory_space<vmem>> -> memref<1x128xi32, #tpu.memory_space<vmem>>
        %dma_wait3A_188 = tpu.memref_squeeze %dma_wait3A_187 : memref<1x128xi32, #tpu.memory_space<vmem>> -> memref<128xi32, #tpu.memory_space<vmem>>
        %dma_wait3A_189 = arith.constant 0 : i32
        %dma_wait3A_190 = tpu.memref_slice %arg3[%dma_wait3A_189] : memref<16384xi32, #tpu.memory_space<hbm>> -> memref<16384xi32, #tpu.memory_space<hbm>>
        tpu.wait_indirect_dma semaphore(%arg22 : memref<!tpu.dma_semaphore, #tpu.memory_space<semaphore_mem>>) src(%dma_wait3A_190 : memref<16384xi32, #tpu.memory_space<hbm>>) dst(%dma_wait3A_185 : memref<128xi32, #tpu.memory_space<vmem>>)
        %dma_start3A_191 = arith.constant 4 : i32
        %dma_start3A_192 = arith.constant 4 : i32
        %dma_start3A_193 = arith.constant 0 : i32
        %dma_start3A_194 = arith.constant 0 : i32
        %dma_start3A_195 = tpu.memref_slice %arg19[%dma_start3A_191, %dma_start3A_193, %dma_start3A_194] : memref<6x128x32xf32, #tpu.memory_space<vmem>> -> memref<1x128x32xf32, #tpu.memory_space<vmem>>
        %dma_start3A_196 = tpu.memref_squeeze %dma_start3A_195 : memref<1x128x32xf32, #tpu.memory_space<vmem>> -> memref<128x32xf32, #tpu.memory_space<vmem>>
        %dma_start3A_197 = arith.constant 0 : i32
        %dma_start3A_198 = tpu.memref_slice %arg18[%dma_start3A_192, %dma_start3A_197] : memref<6x128xi32, #tpu.memory_space<vmem>> -> memref<1x128xi32, #tpu.memory_space<vmem>>
        %dma_start3A_199 = tpu.memref_squeeze %dma_start3A_198 : memref<1x128xi32, #tpu.memory_space<vmem>> -> memref<128xi32, #tpu.memory_space<vmem>>
        %dma_start3A_200 = arith.constant 0 : i32
        %dma_start3A_201 = arith.constant 0 : i32
        %dma_start3A_202 = tpu.memref_slice %arg11[%dma_start3A_200, %dma_start3A_201] : memref<1000000x32xf32, #tpu.memory_space<hbm>> -> memref<1000000x32xf32, #tpu.memory_space<hbm>>
        tpu.enqueue_indirect_dma source(%dma_start3A_196 : memref<128x32xf32, #tpu.memory_space<vmem>>) target(%dma_start3A_202 : memref<1000000x32xf32, #tpu.memory_space<hbm>>) offsets(%dma_start3A_199 : memref<128xi32, #tpu.memory_space<vmem>>) semaphore(%arg23 : memref<!tpu.dma_semaphore, #tpu.memory_space<semaphore_mem>>)
        %dma_start3A_203 = arith.constant 4 : i32
        %dma_start3A_204 = arith.constant 4 : i32
        %dma_start3A_205 = arith.constant 0 : i32
        %dma_start3A_206 = tpu.memref_slice %arg20[%dma_start3A_203, %dma_start3A_205] : memref<6x128xi32, #tpu.memory_space<vmem>> -> memref<1x128xi32, #tpu.memory_space<vmem>>
        %dma_start3A_207 = tpu.memref_squeeze %dma_start3A_206 : memref<1x128xi32, #tpu.memory_space<vmem>> -> memref<128xi32, #tpu.memory_space<vmem>>
        %dma_start3A_208 = arith.constant 0 : i32
        %dma_start3A_209 = tpu.memref_slice %arg18[%dma_start3A_204, %dma_start3A_208] : memref<6x128xi32, #tpu.memory_space<vmem>> -> memref<1x128xi32, #tpu.memory_space<vmem>>
        %dma_start3A_210 = tpu.memref_squeeze %dma_start3A_209 : memref<1x128xi32, #tpu.memory_space<vmem>> -> memref<128xi32, #tpu.memory_space<vmem>>
        %dma_start3A_211 = arith.constant 0 : i32
        %dma_start3A_212 = tpu.memref_slice %arg12[%dma_start3A_211] : memref<1000000xi32, #tpu.memory_space<hbm>> -> memref<1000000xi32, #tpu.memory_space<hbm>>
        tpu.enqueue_indirect_dma source(%dma_start3A_207 : memref<128xi32, #tpu.memory_space<vmem>>) target(%dma_start3A_212 : memref<1000000xi32, #tpu.memory_space<hbm>>) offsets(%dma_start3A_210 : memref<128xi32, #tpu.memory_space<vmem>>) semaphore(%arg23 : memref<!tpu.dma_semaphore, #tpu.memory_space<semaphore_mem>>)
        %dma_start3A_213 = arith.constant 4 : i32
        %dma_start3A_214 = arith.constant 0 : i32
        %dma_start3A_215 = tpu.memref_slice %arg18[%dma_start3A_213, %dma_start3A_214] : memref<6x128xi32, #tpu.memory_space<vmem>> -> memref<1x128xi32, #tpu.memory_space<vmem>>
        %dma_start3A_216 = tpu.memref_squeeze %dma_start3A_215 : memref<1x128xi32, #tpu.memory_space<vmem>> -> memref<128xi32, #tpu.memory_space<vmem>>
        %dma_start3A_217 = arith.constant 0 : i32
        %dma_start3A_218 = tpu.memref_slice %arg13[%dma_start3A_217] : memref<1000000xi32, #tpu.memory_space<hbm>> -> memref<1000000xi32, #tpu.memory_space<hbm>>
        tpu.enqueue_indirect_dma source(%arg21 : memref<128xi32, #tpu.memory_space<vmem>>) target(%dma_start3A_218 : memref<1000000xi32, #tpu.memory_space<hbm>>) offsets(%dma_start3A_216 : memref<128xi32, #tpu.memory_space<vmem>>) semaphore(%arg23 : memref<!tpu.dma_semaphore, #tpu.memory_space<semaphore_mem>>)
      } else {
      }
      %gt3A_129 = arith.constant 5 : i32
      %gt3A_130 = arith.cmpi sgt, %select_n3A, %gt3A_129 : i32
      %convert_element_type3A_131 = arith.extui %gt3A_130 : i1 to i32
      %cond3A_132 = arith.constant 0 : i32
      %cond3A_133 = arith.cmpi ne, %convert_element_type3A_131, %cond3A_132 : i32
      scf.if %cond3A_133 {
        %dma_wait3A_169 = arith.constant 5 : i32
        %dma_wait3A_170 = arith.constant 5 : i32
        %dma_wait3A_171 = arith.constant 0 : i32
        %dma_wait3A_172 = arith.constant 0 : i32
        %dma_wait3A_173 = tpu.memref_slice %arg19[%dma_wait3A_170, %dma_wait3A_171, %dma_wait3A_172] : memref<6x128x32xf32, #tpu.memory_space<vmem>> -> memref<1x128x32xf32, #tpu.memory_space<vmem>>
        %dma_wait3A_174 = tpu.memref_squeeze %dma_wait3A_173 : memref<1x128x32xf32, #tpu.memory_space<vmem>> -> memref<128x32xf32, #tpu.memory_space<vmem>>
        %dma_wait3A_175 = arith.constant 0 : i32
        %dma_wait3A_176 = tpu.memref_slice %arg17[%dma_wait3A_169, %dma_wait3A_175] : memref<6x128xi32, #tpu.memory_space<vmem>> -> memref<1x128xi32, #tpu.memory_space<vmem>>
        %dma_wait3A_177 = tpu.memref_squeeze %dma_wait3A_176 : memref<1x128xi32, #tpu.memory_space<vmem>> -> memref<128xi32, #tpu.memory_space<vmem>>
        %dma_wait3A_178 = arith.constant 0 : i32
        %dma_wait3A_179 = arith.constant 0 : i32
        %dma_wait3A_180 = tpu.memref_slice %arg2[%dma_wait3A_178, %dma_wait3A_179] : memref<16384x32xf32, #tpu.memory_space<hbm>> -> memref<16384x32xf32, #tpu.memory_space<hbm>>
        tpu.wait_indirect_dma semaphore(%arg22 : memref<!tpu.dma_semaphore, #tpu.memory_space<semaphore_mem>>) src(%dma_wait3A_180 : memref<16384x32xf32, #tpu.memory_space<hbm>>) dst(%dma_wait3A_174 : memref<128x32xf32, #tpu.memory_space<vmem>>)
        %dma_wait3A_181 = arith.constant 5 : i32
        %dma_wait3A_182 = arith.constant 5 : i32
        %dma_wait3A_183 = arith.constant 0 : i32
        %dma_wait3A_184 = tpu.memref_slice %arg20[%dma_wait3A_182, %dma_wait3A_183] : memref<6x128xi32, #tpu.memory_space<vmem>> -> memref<1x128xi32, #tpu.memory_space<vmem>>
        %dma_wait3A_185 = tpu.memref_squeeze %dma_wait3A_184 : memref<1x128xi32, #tpu.memory_space<vmem>> -> memref<128xi32, #tpu.memory_space<vmem>>
        %dma_wait3A_186 = arith.constant 0 : i32
        %dma_wait3A_187 = tpu.memref_slice %arg17[%dma_wait3A_181, %dma_wait3A_186] : memref<6x128xi32, #tpu.memory_space<vmem>> -> memref<1x128xi32, #tpu.memory_space<vmem>>
        %dma_wait3A_188 = tpu.memref_squeeze %dma_wait3A_187 : memref<1x128xi32, #tpu.memory_space<vmem>> -> memref<128xi32, #tpu.memory_space<vmem>>
        %dma_wait3A_189 = arith.constant 0 : i32
        %dma_wait3A_190 = tpu.memref_slice %arg3[%dma_wait3A_189] : memref<16384xi32, #tpu.memory_space<hbm>> -> memref<16384xi32, #tpu.memory_space<hbm>>
        tpu.wait_indirect_dma semaphore(%arg22 : memref<!tpu.dma_semaphore, #tpu.memory_space<semaphore_mem>>) src(%dma_wait3A_190 : memref<16384xi32, #tpu.memory_space<hbm>>) dst(%dma_wait3A_185 : memref<128xi32, #tpu.memory_space<vmem>>)
        %dma_start3A_191 = arith.constant 5 : i32
        %dma_start3A_192 = arith.constant 5 : i32
        %dma_start3A_193 = arith.constant 0 : i32
        %dma_start3A_194 = arith.constant 0 : i32
        %dma_start3A_195 = tpu.memref_slice %arg19[%dma_start3A_191, %dma_start3A_193, %dma_start3A_194] : memref<6x128x32xf32, #tpu.memory_space<vmem>> -> memref<1x128x32xf32, #tpu.memory_space<vmem>>
        %dma_start3A_196 = tpu.memref_squeeze %dma_start3A_195 : memref<1x128x32xf32, #tpu.memory_space<vmem>> -> memref<128x32xf32, #tpu.memory_space<vmem>>
        %dma_start3A_197 = arith.constant 0 : i32
        %dma_start3A_198 = tpu.memref_slice %arg18[%dma_start3A_192, %dma_start3A_197] : memref<6x128xi32, #tpu.memory_space<vmem>> -> memref<1x128xi32, #tpu.memory_space<vmem>>
        %dma_start3A_199 = tpu.memref_squeeze %dma_start3A_198 : memref<1x128xi32, #tpu.memory_space<vmem>> -> memref<128xi32, #tpu.memory_space<vmem>>
        %dma_start3A_200 = arith.constant 0 : i32
        %dma_start3A_201 = arith.constant 0 : i32
        %dma_start3A_202 = tpu.memref_slice %arg11[%dma_start3A_200, %dma_start3A_201] : memref<1000000x32xf32, #tpu.memory_space<hbm>> -> memref<1000000x32xf32, #tpu.memory_space<hbm>>
        tpu.enqueue_indirect_dma source(%dma_start3A_196 : memref<128x32xf32, #tpu.memory_space<vmem>>) target(%dma_start3A_202 : memref<1000000x32xf32, #tpu.memory_space<hbm>>) offsets(%dma_start3A_199 : memref<128xi32, #tpu.memory_space<vmem>>) semaphore(%arg23 : memref<!tpu.dma_semaphore, #tpu.memory_space<semaphore_mem>>)
        %dma_start3A_203 = arith.constant 5 : i32
        %dma_start3A_204 = arith.constant 5 : i32
        %dma_start3A_205 = arith.constant 0 : i32
        %dma_start3A_206 = tpu.memref_slice %arg20[%dma_start3A_203, %dma_start3A_205] : memref<6x128xi32, #tpu.memory_space<vmem>> -> memref<1x128xi32, #tpu.memory_space<vmem>>
        %dma_start3A_207 = tpu.memref_squeeze %dma_start3A_206 : memref<1x128xi32, #tpu.memory_space<vmem>> -> memref<128xi32, #tpu.memory_space<vmem>>
        %dma_start3A_208 = arith.constant 0 : i32
        %dma_start3A_209 = tpu.memref_slice %arg18[%dma_start3A_204, %dma_start3A_208] : memref<6x128xi32, #tpu.memory_space<vmem>> -> memref<1x128xi32, #tpu.memory_space<vmem>>
        %dma_start3A_210 = tpu.memref_squeeze %dma_start3A_209 : memref<1x128xi32, #tpu.memory_space<vmem>> -> memref<128xi32, #tpu.memory_space<vmem>>
        %dma_start3A_211 = arith.constant 0 : i32
        %dma_start3A_212 = tpu.memref_slice %arg12[%dma_start3A_211] : memref<1000000xi32, #tpu.memory_space<hbm>> -> memref<1000000xi32, #tpu.memory_space<hbm>>
        tpu.enqueue_indirect_dma source(%dma_start3A_207 : memref<128xi32, #tpu.memory_space<vmem>>) target(%dma_start3A_212 : memref<1000000xi32, #tpu.memory_space<hbm>>) offsets(%dma_start3A_210 : memref<128xi32, #tpu.memory_space<vmem>>) semaphore(%arg23 : memref<!tpu.dma_semaphore, #tpu.memory_space<semaphore_mem>>)
        %dma_start3A_213 = arith.constant 5 : i32
        %dma_start3A_214 = arith.constant 0 : i32
        %dma_start3A_215 = tpu.memref_slice %arg18[%dma_start3A_213, %dma_start3A_214] : memref<6x128xi32, #tpu.memory_space<vmem>> -> memref<1x128xi32, #tpu.memory_space<vmem>>
        %dma_start3A_216 = tpu.memref_squeeze %dma_start3A_215 : memref<1x128xi32, #tpu.memory_space<vmem>> -> memref<128xi32, #tpu.memory_space<vmem>>
        %dma_start3A_217 = arith.constant 0 : i32
        %dma_start3A_218 = tpu.memref_slice %arg13[%dma_start3A_217] : memref<1000000xi32, #tpu.memory_space<hbm>> -> memref<1000000xi32, #tpu.memory_space<hbm>>
        tpu.enqueue_indirect_dma source(%arg21 : memref<128xi32, #tpu.memory_space<vmem>>) target(%dma_start3A_218 : memref<1000000xi32, #tpu.memory_space<hbm>>) offsets(%dma_start3A_216 : memref<128xi32, #tpu.memory_space<vmem>>) semaphore(%arg23 : memref<!tpu.dma_semaphore, #tpu.memory_space<semaphore_mem>>)
      } else {
      }
      %gt3A_134 = arith.constant 0 : i32
      %gt3A_135 = arith.cmpi sgt, %select_n3A, %gt3A_134 : i32
      %convert_element_type3A_136 = arith.extui %gt3A_135 : i1 to i32
      %cond3A_137 = arith.constant 0 : i32
      %cond3A_138 = arith.cmpi ne, %convert_element_type3A_136, %cond3A_137 : i32
      scf.if %cond3A_138 {
        %dma_wait3A_169 = arith.constant 0 : i32
        %dma_wait3A_170 = arith.constant 0 : i32
        %dma_wait3A_171 = arith.constant 0 : i32
        %dma_wait3A_172 = arith.constant 0 : i32
        %dma_wait3A_173 = tpu.memref_slice %arg19[%dma_wait3A_169, %dma_wait3A_171, %dma_wait3A_172] : memref<6x128x32xf32, #tpu.memory_space<vmem>> -> memref<1x128x32xf32, #tpu.memory_space<vmem>>
        %dma_wait3A_174 = tpu.memref_squeeze %dma_wait3A_173 : memref<1x128x32xf32, #tpu.memory_space<vmem>> -> memref<128x32xf32, #tpu.memory_space<vmem>>
        %dma_wait3A_175 = arith.constant 0 : i32
        %dma_wait3A_176 = tpu.memref_slice %arg18[%dma_wait3A_170, %dma_wait3A_175] : memref<6x128xi32, #tpu.memory_space<vmem>> -> memref<1x128xi32, #tpu.memory_space<vmem>>
        %dma_wait3A_177 = tpu.memref_squeeze %dma_wait3A_176 : memref<1x128xi32, #tpu.memory_space<vmem>> -> memref<128xi32, #tpu.memory_space<vmem>>
        %dma_wait3A_178 = arith.constant 0 : i32
        %dma_wait3A_179 = arith.constant 0 : i32
        %dma_wait3A_180 = tpu.memref_slice %arg11[%dma_wait3A_178, %dma_wait3A_179] : memref<1000000x32xf32, #tpu.memory_space<hbm>> -> memref<1000000x32xf32, #tpu.memory_space<hbm>>
        tpu.wait_indirect_dma semaphore(%arg23 : memref<!tpu.dma_semaphore, #tpu.memory_space<semaphore_mem>>) src(%dma_wait3A_174 : memref<128x32xf32, #tpu.memory_space<vmem>>) dst(%dma_wait3A_180 : memref<1000000x32xf32, #tpu.memory_space<hbm>>)
        %dma_wait3A_181 = arith.constant 0 : i32
        %dma_wait3A_182 = arith.constant 0 : i32
        %dma_wait3A_183 = arith.constant 0 : i32
        %dma_wait3A_184 = tpu.memref_slice %arg20[%dma_wait3A_181, %dma_wait3A_183] : memref<6x128xi32, #tpu.memory_space<vmem>> -> memref<1x128xi32, #tpu.memory_space<vmem>>
        %dma_wait3A_185 = tpu.memref_squeeze %dma_wait3A_184 : memref<1x128xi32, #tpu.memory_space<vmem>> -> memref<128xi32, #tpu.memory_space<vmem>>
        %dma_wait3A_186 = arith.constant 0 : i32
        %dma_wait3A_187 = tpu.memref_slice %arg18[%dma_wait3A_182, %dma_wait3A_186] : memref<6x128xi32, #tpu.memory_space<vmem>> -> memref<1x128xi32, #tpu.memory_space<vmem>>
        %dma_wait3A_188 = tpu.memref_squeeze %dma_wait3A_187 : memref<1x128xi32, #tpu.memory_space<vmem>> -> memref<128xi32, #tpu.memory_space<vmem>>
        %dma_wait3A_189 = arith.constant 0 : i32
        %dma_wait3A_190 = tpu.memref_slice %arg12[%dma_wait3A_189] : memref<1000000xi32, #tpu.memory_space<hbm>> -> memref<1000000xi32, #tpu.memory_space<hbm>>
        tpu.wait_indirect_dma semaphore(%arg23 : memref<!tpu.dma_semaphore, #tpu.memory_space<semaphore_mem>>) src(%dma_wait3A_185 : memref<128xi32, #tpu.memory_space<vmem>>) dst(%dma_wait3A_190 : memref<1000000xi32, #tpu.memory_space<hbm>>)
        %dma_wait3A_191 = arith.constant 0 : i32
        %dma_wait3A_192 = arith.constant 0 : i32
        %dma_wait3A_193 = tpu.memref_slice %arg18[%dma_wait3A_191, %dma_wait3A_192] : memref<6x128xi32, #tpu.memory_space<vmem>> -> memref<1x128xi32, #tpu.memory_space<vmem>>
        %dma_wait3A_194 = tpu.memref_squeeze %dma_wait3A_193 : memref<1x128xi32, #tpu.memory_space<vmem>> -> memref<128xi32, #tpu.memory_space<vmem>>
        %dma_wait3A_195 = arith.constant 0 : i32
        %dma_wait3A_196 = tpu.memref_slice %arg13[%dma_wait3A_195] : memref<1000000xi32, #tpu.memory_space<hbm>> -> memref<1000000xi32, #tpu.memory_space<hbm>>
        tpu.wait_indirect_dma semaphore(%arg23 : memref<!tpu.dma_semaphore, #tpu.memory_space<semaphore_mem>>) src(%arg21 : memref<128xi32, #tpu.memory_space<vmem>>) dst(%dma_wait3A_196 : memref<1000000xi32, #tpu.memory_space<hbm>>)
      } else {
      }
      %gt3A_139 = arith.constant 1 : i32
      %gt3A_140 = arith.cmpi sgt, %select_n3A, %gt3A_139 : i32
      %convert_element_type3A_141 = arith.extui %gt3A_140 : i1 to i32
      %cond3A_142 = arith.constant 0 : i32
      %cond3A_143 = arith.cmpi ne, %convert_element_type3A_141, %cond3A_142 : i32
      scf.if %cond3A_143 {
        %dma_wait3A_169 = arith.constant 1 : i32
        %dma_wait3A_170 = arith.constant 1 : i32
        %dma_wait3A_171 = arith.constant 0 : i32
        %dma_wait3A_172 = arith.constant 0 : i32
        %dma_wait3A_173 = tpu.memref_slice %arg19[%dma_wait3A_169, %dma_wait3A_171, %dma_wait3A_172] : memref<6x128x32xf32, #tpu.memory_space<vmem>> -> memref<1x128x32xf32, #tpu.memory_space<vmem>>
        %dma_wait3A_174 = tpu.memref_squeeze %dma_wait3A_173 : memref<1x128x32xf32, #tpu.memory_space<vmem>> -> memref<128x32xf32, #tpu.memory_space<vmem>>
        %dma_wait3A_175 = arith.constant 0 : i32
        %dma_wait3A_176 = tpu.memref_slice %arg18[%dma_wait3A_170, %dma_wait3A_175] : memref<6x128xi32, #tpu.memory_space<vmem>> -> memref<1x128xi32, #tpu.memory_space<vmem>>
        %dma_wait3A_177 = tpu.memref_squeeze %dma_wait3A_176 : memref<1x128xi32, #tpu.memory_space<vmem>> -> memref<128xi32, #tpu.memory_space<vmem>>
        %dma_wait3A_178 = arith.constant 0 : i32
        %dma_wait3A_179 = arith.constant 0 : i32
        %dma_wait3A_180 = tpu.memref_slice %arg11[%dma_wait3A_178, %dma_wait3A_179] : memref<1000000x32xf32, #tpu.memory_space<hbm>> -> memref<1000000x32xf32, #tpu.memory_space<hbm>>
        tpu.wait_indirect_dma semaphore(%arg23 : memref<!tpu.dma_semaphore, #tpu.memory_space<semaphore_mem>>) src(%dma_wait3A_174 : memref<128x32xf32, #tpu.memory_space<vmem>>) dst(%dma_wait3A_180 : memref<1000000x32xf32, #tpu.memory_space<hbm>>)
        %dma_wait3A_181 = arith.constant 1 : i32
        %dma_wait3A_182 = arith.constant 1 : i32
        %dma_wait3A_183 = arith.constant 0 : i32
        %dma_wait3A_184 = tpu.memref_slice %arg20[%dma_wait3A_181, %dma_wait3A_183] : memref<6x128xi32, #tpu.memory_space<vmem>> -> memref<1x128xi32, #tpu.memory_space<vmem>>
        %dma_wait3A_185 = tpu.memref_squeeze %dma_wait3A_184 : memref<1x128xi32, #tpu.memory_space<vmem>> -> memref<128xi32, #tpu.memory_space<vmem>>
        %dma_wait3A_186 = arith.constant 0 : i32
        %dma_wait3A_187 = tpu.memref_slice %arg18[%dma_wait3A_182, %dma_wait3A_186] : memref<6x128xi32, #tpu.memory_space<vmem>> -> memref<1x128xi32, #tpu.memory_space<vmem>>
        %dma_wait3A_188 = tpu.memref_squeeze %dma_wait3A_187 : memref<1x128xi32, #tpu.memory_space<vmem>> -> memref<128xi32, #tpu.memory_space<vmem>>
        %dma_wait3A_189 = arith.constant 0 : i32
        %dma_wait3A_190 = tpu.memref_slice %arg12[%dma_wait3A_189] : memref<1000000xi32, #tpu.memory_space<hbm>> -> memref<1000000xi32, #tpu.memory_space<hbm>>
        tpu.wait_indirect_dma semaphore(%arg23 : memref<!tpu.dma_semaphore, #tpu.memory_space<semaphore_mem>>) src(%dma_wait3A_185 : memref<128xi32, #tpu.memory_space<vmem>>) dst(%dma_wait3A_190 : memref<1000000xi32, #tpu.memory_space<hbm>>)
        %dma_wait3A_191 = arith.constant 1 : i32
        %dma_wait3A_192 = arith.constant 0 : i32
        %dma_wait3A_193 = tpu.memref_slice %arg18[%dma_wait3A_191, %dma_wait3A_192] : memref<6x128xi32, #tpu.memory_space<vmem>> -> memref<1x128xi32, #tpu.memory_space<vmem>>
        %dma_wait3A_194 = tpu.memref_squeeze %dma_wait3A_193 : memref<1x128xi32, #tpu.memory_space<vmem>> -> memref<128xi32, #tpu.memory_space<vmem>>
        %dma_wait3A_195 = arith.constant 0 : i32
        %dma_wait3A_196 = tpu.memref_slice %arg13[%dma_wait3A_195] : memref<1000000xi32, #tpu.memory_space<hbm>> -> memref<1000000xi32, #tpu.memory_space<hbm>>
        tpu.wait_indirect_dma semaphore(%arg23 : memref<!tpu.dma_semaphore, #tpu.memory_space<semaphore_mem>>) src(%arg21 : memref<128xi32, #tpu.memory_space<vmem>>) dst(%dma_wait3A_196 : memref<1000000xi32, #tpu.memory_space<hbm>>)
      } else {
      }
      %gt3A_144 = arith.constant 2 : i32
      %gt3A_145 = arith.cmpi sgt, %select_n3A, %gt3A_144 : i32
      %convert_element_type3A_146 = arith.extui %gt3A_145 : i1 to i32
      %cond3A_147 = arith.constant 0 : i32
      %cond3A_148 = arith.cmpi ne, %convert_element_type3A_146, %cond3A_147 : i32
      scf.if %cond3A_148 {
        %dma_wait3A_169 = arith.constant 2 : i32
        %dma_wait3A_170 = arith.constant 2 : i32
        %dma_wait3A_171 = arith.constant 0 : i32
        %dma_wait3A_172 = arith.constant 0 : i32
        %dma_wait3A_173 = tpu.memref_slice %arg19[%dma_wait3A_169, %dma_wait3A_171, %dma_wait3A_172] : memref<6x128x32xf32, #tpu.memory_space<vmem>> -> memref<1x128x32xf32, #tpu.memory_space<vmem>>
        %dma_wait3A_174 = tpu.memref_squeeze %dma_wait3A_173 : memref<1x128x32xf32, #tpu.memory_space<vmem>> -> memref<128x32xf32, #tpu.memory_space<vmem>>
        %dma_wait3A_175 = arith.constant 0 : i32
        %dma_wait3A_176 = tpu.memref_slice %arg18[%dma_wait3A_170, %dma_wait3A_175] : memref<6x128xi32, #tpu.memory_space<vmem>> -> memref<1x128xi32, #tpu.memory_space<vmem>>
        %dma_wait3A_177 = tpu.memref_squeeze %dma_wait3A_176 : memref<1x128xi32, #tpu.memory_space<vmem>> -> memref<128xi32, #tpu.memory_space<vmem>>
        %dma_wait3A_178 = arith.constant 0 : i32
        %dma_wait3A_179 = arith.constant 0 : i32
        %dma_wait3A_180 = tpu.memref_slice %arg11[%dma_wait3A_178, %dma_wait3A_179] : memref<1000000x32xf32, #tpu.memory_space<hbm>> -> memref<1000000x32xf32, #tpu.memory_space<hbm>>
        tpu.wait_indirect_dma semaphore(%arg23 : memref<!tpu.dma_semaphore, #tpu.memory_space<semaphore_mem>>) src(%dma_wait3A_174 : memref<128x32xf32, #tpu.memory_space<vmem>>) dst(%dma_wait3A_180 : memref<1000000x32xf32, #tpu.memory_space<hbm>>)
        %dma_wait3A_181 = arith.constant 2 : i32
        %dma_wait3A_182 = arith.constant 2 : i32
        %dma_wait3A_183 = arith.constant 0 : i32
        %dma_wait3A_184 = tpu.memref_slice %arg20[%dma_wait3A_181, %dma_wait3A_183] : memref<6x128xi32, #tpu.memory_space<vmem>> -> memref<1x128xi32, #tpu.memory_space<vmem>>
        %dma_wait3A_185 = tpu.memref_squeeze %dma_wait3A_184 : memref<1x128xi32, #tpu.memory_space<vmem>> -> memref<128xi32, #tpu.memory_space<vmem>>
        %dma_wait3A_186 = arith.constant 0 : i32
        %dma_wait3A_187 = tpu.memref_slice %arg18[%dma_wait3A_182, %dma_wait3A_186] : memref<6x128xi32, #tpu.memory_space<vmem>> -> memref<1x128xi32, #tpu.memory_space<vmem>>
        %dma_wait3A_188 = tpu.memref_squeeze %dma_wait3A_187 : memref<1x128xi32, #tpu.memory_space<vmem>> -> memref<128xi32, #tpu.memory_space<vmem>>
        %dma_wait3A_189 = arith.constant 0 : i32
        %dma_wait3A_190 = tpu.memref_slice %arg12[%dma_wait3A_189] : memref<1000000xi32, #tpu.memory_space<hbm>> -> memref<1000000xi32, #tpu.memory_space<hbm>>
        tpu.wait_indirect_dma semaphore(%arg23 : memref<!tpu.dma_semaphore, #tpu.memory_space<semaphore_mem>>) src(%dma_wait3A_185 : memref<128xi32, #tpu.memory_space<vmem>>) dst(%dma_wait3A_190 : memref<1000000xi32, #tpu.memory_space<hbm>>)
        %dma_wait3A_191 = arith.constant 2 : i32
        %dma_wait3A_192 = arith.constant 0 : i32
        %dma_wait3A_193 = tpu.memref_slice %arg18[%dma_wait3A_191, %dma_wait3A_192] : memref<6x128xi32, #tpu.memory_space<vmem>> -> memref<1x128xi32, #tpu.memory_space<vmem>>
        %dma_wait3A_194 = tpu.memref_squeeze %dma_wait3A_193 : memref<1x128xi32, #tpu.memory_space<vmem>> -> memref<128xi32, #tpu.memory_space<vmem>>
        %dma_wait3A_195 = arith.constant 0 : i32
        %dma_wait3A_196 = tpu.memref_slice %arg13[%dma_wait3A_195] : memref<1000000xi32, #tpu.memory_space<hbm>> -> memref<1000000xi32, #tpu.memory_space<hbm>>
        tpu.wait_indirect_dma semaphore(%arg23 : memref<!tpu.dma_semaphore, #tpu.memory_space<semaphore_mem>>) src(%arg21 : memref<128xi32, #tpu.memory_space<vmem>>) dst(%dma_wait3A_196 : memref<1000000xi32, #tpu.memory_space<hbm>>)
      } else {
      }
      %gt3A_149 = arith.constant 3 : i32
      %gt3A_150 = arith.cmpi sgt, %select_n3A, %gt3A_149 : i32
      %convert_element_type3A_151 = arith.extui %gt3A_150 : i1 to i32
      %cond3A_152 = arith.constant 0 : i32
      %cond3A_153 = arith.cmpi ne, %convert_element_type3A_151, %cond3A_152 : i32
      scf.if %cond3A_153 {
        %dma_wait3A_169 = arith.constant 3 : i32
        %dma_wait3A_170 = arith.constant 3 : i32
        %dma_wait3A_171 = arith.constant 0 : i32
        %dma_wait3A_172 = arith.constant 0 : i32
        %dma_wait3A_173 = tpu.memref_slice %arg19[%dma_wait3A_169, %dma_wait3A_171, %dma_wait3A_172] : memref<6x128x32xf32, #tpu.memory_space<vmem>> -> memref<1x128x32xf32, #tpu.memory_space<vmem>>
        %dma_wait3A_174 = tpu.memref_squeeze %dma_wait3A_173 : memref<1x128x32xf32, #tpu.memory_space<vmem>> -> memref<128x32xf32, #tpu.memory_space<vmem>>
        %dma_wait3A_175 = arith.constant 0 : i32
        %dma_wait3A_176 = tpu.memref_slice %arg18[%dma_wait3A_170, %dma_wait3A_175] : memref<6x128xi32, #tpu.memory_space<vmem>> -> memref<1x128xi32, #tpu.memory_space<vmem>>
        %dma_wait3A_177 = tpu.memref_squeeze %dma_wait3A_176 : memref<1x128xi32, #tpu.memory_space<vmem>> -> memref<128xi32, #tpu.memory_space<vmem>>
        %dma_wait3A_178 = arith.constant 0 : i32
        %dma_wait3A_179 = arith.constant 0 : i32
        %dma_wait3A_180 = tpu.memref_slice %arg11[%dma_wait3A_178, %dma_wait3A_179] : memref<1000000x32xf32, #tpu.memory_space<hbm>> -> memref<1000000x32xf32, #tpu.memory_space<hbm>>
        tpu.wait_indirect_dma semaphore(%arg23 : memref<!tpu.dma_semaphore, #tpu.memory_space<semaphore_mem>>) src(%dma_wait3A_174 : memref<128x32xf32, #tpu.memory_space<vmem>>) dst(%dma_wait3A_180 : memref<1000000x32xf32, #tpu.memory_space<hbm>>)
        %dma_wait3A_181 = arith.constant 3 : i32
        %dma_wait3A_182 = arith.constant 3 : i32
        %dma_wait3A_183 = arith.constant 0 : i32
        %dma_wait3A_184 = tpu.memref_slice %arg20[%dma_wait3A_181, %dma_wait3A_183] : memref<6x128xi32, #tpu.memory_space<vmem>> -> memref<1x128xi32, #tpu.memory_space<vmem>>
        %dma_wait3A_185 = tpu.memref_squeeze %dma_wait3A_184 : memref<1x128xi32, #tpu.memory_space<vmem>> -> memref<128xi32, #tpu.memory_space<vmem>>
        %dma_wait3A_186 = arith.constant 0 : i32
        %dma_wait3A_187 = tpu.memref_slice %arg18[%dma_wait3A_182, %dma_wait3A_186] : memref<6x128xi32, #tpu.memory_space<vmem>> -> memref<1x128xi32, #tpu.memory_space<vmem>>
        %dma_wait3A_188 = tpu.memref_squeeze %dma_wait3A_187 : memref<1x128xi32, #tpu.memory_space<vmem>> -> memref<128xi32, #tpu.memory_space<vmem>>
        %dma_wait3A_189 = arith.constant 0 : i32
        %dma_wait3A_190 = tpu.memref_slice %arg12[%dma_wait3A_189] : memref<1000000xi32, #tpu.memory_space<hbm>> -> memref<1000000xi32, #tpu.memory_space<hbm>>
        tpu.wait_indirect_dma semaphore(%arg23 : memref<!tpu.dma_semaphore, #tpu.memory_space<semaphore_mem>>) src(%dma_wait3A_185 : memref<128xi32, #tpu.memory_space<vmem>>) dst(%dma_wait3A_190 : memref<1000000xi32, #tpu.memory_space<hbm>>)
        %dma_wait3A_191 = arith.constant 3 : i32
        %dma_wait3A_192 = arith.constant 0 : i32
        %dma_wait3A_193 = tpu.memref_slice %arg18[%dma_wait3A_191, %dma_wait3A_192] : memref<6x128xi32, #tpu.memory_space<vmem>> -> memref<1x128xi32, #tpu.memory_space<vmem>>
        %dma_wait3A_194 = tpu.memref_squeeze %dma_wait3A_193 : memref<1x128xi32, #tpu.memory_space<vmem>> -> memref<128xi32, #tpu.memory_space<vmem>>
        %dma_wait3A_195 = arith.constant 0 : i32
        %dma_wait3A_196 = tpu.memref_slice %arg13[%dma_wait3A_195] : memref<1000000xi32, #tpu.memory_space<hbm>> -> memref<1000000xi32, #tpu.memory_space<hbm>>
        tpu.wait_indirect_dma semaphore(%arg23 : memref<!tpu.dma_semaphore, #tpu.memory_space<semaphore_mem>>) src(%arg21 : memref<128xi32, #tpu.memory_space<vmem>>) dst(%dma_wait3A_196 : memref<1000000xi32, #tpu.memory_space<hbm>>)
      } else {
      }
      %gt3A_154 = arith.constant 4 : i32
      %gt3A_155 = arith.cmpi sgt, %select_n3A, %gt3A_154 : i32
      %convert_element_type3A_156 = arith.extui %gt3A_155 : i1 to i32
      %cond3A_157 = arith.constant 0 : i32
      %cond3A_158 = arith.cmpi ne, %convert_element_type3A_156, %cond3A_157 : i32
      scf.if %cond3A_158 {
        %dma_wait3A_169 = arith.constant 4 : i32
        %dma_wait3A_170 = arith.constant 4 : i32
        %dma_wait3A_171 = arith.constant 0 : i32
        %dma_wait3A_172 = arith.constant 0 : i32
        %dma_wait3A_173 = tpu.memref_slice %arg19[%dma_wait3A_169, %dma_wait3A_171, %dma_wait3A_172] : memref<6x128x32xf32, #tpu.memory_space<vmem>> -> memref<1x128x32xf32, #tpu.memory_space<vmem>>
        %dma_wait3A_174 = tpu.memref_squeeze %dma_wait3A_173 : memref<1x128x32xf32, #tpu.memory_space<vmem>> -> memref<128x32xf32, #tpu.memory_space<vmem>>
        %dma_wait3A_175 = arith.constant 0 : i32
        %dma_wait3A_176 = tpu.memref_slice %arg18[%dma_wait3A_170, %dma_wait3A_175] : memref<6x128xi32, #tpu.memory_space<vmem>> -> memref<1x128xi32, #tpu.memory_space<vmem>>
        %dma_wait3A_177 = tpu.memref_squeeze %dma_wait3A_176 : memref<1x128xi32, #tpu.memory_space<vmem>> -> memref<128xi32, #tpu.memory_space<vmem>>
        %dma_wait3A_178 = arith.constant 0 : i32
        %dma_wait3A_179 = arith.constant 0 : i32
        %dma_wait3A_180 = tpu.memref_slice %arg11[%dma_wait3A_178, %dma_wait3A_179] : memref<1000000x32xf32, #tpu.memory_space<hbm>> -> memref<1000000x32xf32, #tpu.memory_space<hbm>>
        tpu.wait_indirect_dma semaphore(%arg23 : memref<!tpu.dma_semaphore, #tpu.memory_space<semaphore_mem>>) src(%dma_wait3A_174 : memref<128x32xf32, #tpu.memory_space<vmem>>) dst(%dma_wait3A_180 : memref<1000000x32xf32, #tpu.memory_space<hbm>>)
        %dma_wait3A_181 = arith.constant 4 : i32
        %dma_wait3A_182 = arith.constant 4 : i32
        %dma_wait3A_183 = arith.constant 0 : i32
        %dma_wait3A_184 = tpu.memref_slice %arg20[%dma_wait3A_181, %dma_wait3A_183] : memref<6x128xi32, #tpu.memory_space<vmem>> -> memref<1x128xi32, #tpu.memory_space<vmem>>
        %dma_wait3A_185 = tpu.memref_squeeze %dma_wait3A_184 : memref<1x128xi32, #tpu.memory_space<vmem>> -> memref<128xi32, #tpu.memory_space<vmem>>
        %dma_wait3A_186 = arith.constant 0 : i32
        %dma_wait3A_187 = tpu.memref_slice %arg18[%dma_wait3A_182, %dma_wait3A_186] : memref<6x128xi32, #tpu.memory_space<vmem>> -> memref<1x128xi32, #tpu.memory_space<vmem>>
        %dma_wait3A_188 = tpu.memref_squeeze %dma_wait3A_187 : memref<1x128xi32, #tpu.memory_space<vmem>> -> memref<128xi32, #tpu.memory_space<vmem>>
        %dma_wait3A_189 = arith.constant 0 : i32
        %dma_wait3A_190 = tpu.memref_slice %arg12[%dma_wait3A_189] : memref<1000000xi32, #tpu.memory_space<hbm>> -> memref<1000000xi32, #tpu.memory_space<hbm>>
        tpu.wait_indirect_dma semaphore(%arg23 : memref<!tpu.dma_semaphore, #tpu.memory_space<semaphore_mem>>) src(%dma_wait3A_185 : memref<128xi32, #tpu.memory_space<vmem>>) dst(%dma_wait3A_190 : memref<1000000xi32, #tpu.memory_space<hbm>>)
        %dma_wait3A_191 = arith.constant 4 : i32
        %dma_wait3A_192 = arith.constant 0 : i32
        %dma_wait3A_193 = tpu.memref_slice %arg18[%dma_wait3A_191, %dma_wait3A_192] : memref<6x128xi32, #tpu.memory_space<vmem>> -> memref<1x128xi32, #tpu.memory_space<vmem>>
        %dma_wait3A_194 = tpu.memref_squeeze %dma_wait3A_193 : memref<1x128xi32, #tpu.memory_space<vmem>> -> memref<128xi32, #tpu.memory_space<vmem>>
        %dma_wait3A_195 = arith.constant 0 : i32
        %dma_wait3A_196 = tpu.memref_slice %arg13[%dma_wait3A_195] : memref<1000000xi32, #tpu.memory_space<hbm>> -> memref<1000000xi32, #tpu.memory_space<hbm>>
        tpu.wait_indirect_dma semaphore(%arg23 : memref<!tpu.dma_semaphore, #tpu.memory_space<semaphore_mem>>) src(%arg21 : memref<128xi32, #tpu.memory_space<vmem>>) dst(%dma_wait3A_196 : memref<1000000xi32, #tpu.memory_space<hbm>>)
      } else {
      }
      %gt3A_159 = arith.constant 5 : i32
      %gt3A_160 = arith.cmpi sgt, %select_n3A, %gt3A_159 : i32
      %convert_element_type3A_161 = arith.extui %gt3A_160 : i1 to i32
      %cond3A_162 = arith.constant 0 : i32
      %cond3A_163 = arith.cmpi ne, %convert_element_type3A_161, %cond3A_162 : i32
      scf.if %cond3A_163 {
        %dma_wait3A_169 = arith.constant 5 : i32
        %dma_wait3A_170 = arith.constant 5 : i32
        %dma_wait3A_171 = arith.constant 0 : i32
        %dma_wait3A_172 = arith.constant 0 : i32
        %dma_wait3A_173 = tpu.memref_slice %arg19[%dma_wait3A_169, %dma_wait3A_171, %dma_wait3A_172] : memref<6x128x32xf32, #tpu.memory_space<vmem>> -> memref<1x128x32xf32, #tpu.memory_space<vmem>>
        %dma_wait3A_174 = tpu.memref_squeeze %dma_wait3A_173 : memref<1x128x32xf32, #tpu.memory_space<vmem>> -> memref<128x32xf32, #tpu.memory_space<vmem>>
        %dma_wait3A_175 = arith.constant 0 : i32
        %dma_wait3A_176 = tpu.memref_slice %arg18[%dma_wait3A_170, %dma_wait3A_175] : memref<6x128xi32, #tpu.memory_space<vmem>> -> memref<1x128xi32, #tpu.memory_space<vmem>>
        %dma_wait3A_177 = tpu.memref_squeeze %dma_wait3A_176 : memref<1x128xi32, #tpu.memory_space<vmem>> -> memref<128xi32, #tpu.memory_space<vmem>>
        %dma_wait3A_178 = arith.constant 0 : i32
        %dma_wait3A_179 = arith.constant 0 : i32
        %dma_wait3A_180 = tpu.memref_slice %arg11[%dma_wait3A_178, %dma_wait3A_179] : memref<1000000x32xf32, #tpu.memory_space<hbm>> -> memref<1000000x32xf32, #tpu.memory_space<hbm>>
        tpu.wait_indirect_dma semaphore(%arg23 : memref<!tpu.dma_semaphore, #tpu.memory_space<semaphore_mem>>) src(%dma_wait3A_174 : memref<128x32xf32, #tpu.memory_space<vmem>>) dst(%dma_wait3A_180 : memref<1000000x32xf32, #tpu.memory_space<hbm>>)
        %dma_wait3A_181 = arith.constant 5 : i32
        %dma_wait3A_182 = arith.constant 5 : i32
        %dma_wait3A_183 = arith.constant 0 : i32
        %dma_wait3A_184 = tpu.memref_slice %arg20[%dma_wait3A_181, %dma_wait3A_183] : memref<6x128xi32, #tpu.memory_space<vmem>> -> memref<1x128xi32, #tpu.memory_space<vmem>>
        %dma_wait3A_185 = tpu.memref_squeeze %dma_wait3A_184 : memref<1x128xi32, #tpu.memory_space<vmem>> -> memref<128xi32, #tpu.memory_space<vmem>>
        %dma_wait3A_186 = arith.constant 0 : i32
        %dma_wait3A_187 = tpu.memref_slice %arg18[%dma_wait3A_182, %dma_wait3A_186] : memref<6x128xi32, #tpu.memory_space<vmem>> -> memref<1x128xi32, #tpu.memory_space<vmem>>
        %dma_wait3A_188 = tpu.memref_squeeze %dma_wait3A_187 : memref<1x128xi32, #tpu.memory_space<vmem>> -> memref<128xi32, #tpu.memory_space<vmem>>
        %dma_wait3A_189 = arith.constant 0 : i32
        %dma_wait3A_190 = tpu.memref_slice %arg12[%dma_wait3A_189] : memref<1000000xi32, #tpu.memory_space<hbm>> -> memref<1000000xi32, #tpu.memory_space<hbm>>
        tpu.wait_indirect_dma semaphore(%arg23 : memref<!tpu.dma_semaphore, #tpu.memory_space<semaphore_mem>>) src(%dma_wait3A_185 : memref<128xi32, #tpu.memory_space<vmem>>) dst(%dma_wait3A_190 : memref<1000000xi32, #tpu.memory_space<hbm>>)
        %dma_wait3A_191 = arith.constant 5 : i32
        %dma_wait3A_192 = arith.constant 0 : i32
        %dma_wait3A_193 = tpu.memref_slice %arg18[%dma_wait3A_191, %dma_wait3A_192] : memref<6x128xi32, #tpu.memory_space<vmem>> -> memref<1x128xi32, #tpu.memory_space<vmem>>
        %dma_wait3A_194 = tpu.memref_squeeze %dma_wait3A_193 : memref<1x128xi32, #tpu.memory_space<vmem>> -> memref<128xi32, #tpu.memory_space<vmem>>
        %dma_wait3A_195 = arith.constant 0 : i32
        %dma_wait3A_196 = tpu.memref_slice %arg13[%dma_wait3A_195] : memref<1000000xi32, #tpu.memory_space<hbm>> -> memref<1000000xi32, #tpu.memory_space<hbm>>
        tpu.wait_indirect_dma semaphore(%arg23 : memref<!tpu.dma_semaphore, #tpu.memory_space<semaphore_mem>>) src(%arg21 : memref<128xi32, #tpu.memory_space<vmem>>) dst(%dma_wait3A_196 : memref<1000000xi32, #tpu.memory_space<hbm>>)
      } else {
      }
      %gt3A_164 = arith.constant 6 : i32
      %gt3A_165 = arith.cmpi sgt, %select_n3A, %gt3A_164 : i32
      %convert_element_type3A_166 = arith.extui %gt3A_165 : i1 to i32
      %cond3A_167 = arith.constant 0 : i32
      %cond3A_168 = arith.cmpi ne, %convert_element_type3A_166, %cond3A_167 : i32
      scf.if %cond3A_168 {
        %while3A = arith.constant 0 : i32
        %while3A_169 = arith.constant 6 : i32
        %while3A_170 = arith.subi %select_n3A, %while3A_169 : i32
        %while3A_171 = arith.addi %while3A_169, %while3A_170 : i32
        %while3A_172 = arith.constant 1 : i32
        %while3A_173 = arith.divsi %while3A_170, %while3A_172 : i32
        %while3A_174 = arith.muli %while3A_173, %while3A_172 : i32
        %while3A_175 = arith.addi %while3A_169, %while3A_174 : i32
        %while3A_176 = arith.constant 1 : i32
        scf.for %while3A_178 = %while3A_169 to %while3A_175 step %while3A_176  : i32 {
          %mul3A_179 = arith.constant 128 : i32
          %mul3A_180 = arith.muli %while3A_178, %mul3A_179 : i32
          %add3A_181 = arith.constant 0 : i32
          %add3A_182 = arith.addi %mul3A_180, %add3A_181 : i32
          %get3A_183 = arith.index_cast %add3A_182 : i32 to index
          %get3A_184 = tpu.vector_load %arg14[%get3A_183] {strides = array<i32>} : memref<16576xi32, #tpu.memory_space<vmem>>, vector<16xi32>,
          %swap3A_185 = arith.constant 0 : i32
          %swap3A_186 = arith.index_cast %swap3A_185 : i32 to index
          %swap3A_187 = arith.constant 0 : index
          %swap3A_188 = tpu.vector_load %arg17[%swap3A_186, %swap3A_187] {strides = array<i32>} : memref<6x128xi32, #tpu.memory_space<vmem>>, vector<16xi32>,
          tpu.vector_store %arg17[%swap3A_186, %swap3A_187], %get3A_184 {strides = array<i32>} : memref<6x128xi32, #tpu.memory_space<vmem>>, vector<16xi32>,
          %mul3A_189 = arith.constant 128 : i32
          %mul3A_190 = arith.muli %while3A_178, %mul3A_189 : i32
          %add3A_191 = arith.constant 0 : i32
          %add3A_192 = arith.addi %mul3A_190, %add3A_191 : i32
          %get3A_193 = arith.index_cast %add3A_192 : i32 to index
          %get3A_194 = tpu.vector_load %arg15[%get3A_193] {strides = array<i32>} : memref<16576xi32, #tpu.memory_space<vmem>>, vector<16xi32>,
          %swap3A_195 = arith.constant 0 : i32
          %swap3A_196 = arith.index_cast %swap3A_195 : i32 to index
          %swap3A_197 = arith.constant 0 : index
          %swap3A_198 = tpu.vector_load %arg18[%swap3A_196, %swap3A_197] {strides = array<i32>} : memref<6x128xi32, #tpu.memory_space<vmem>>, vector<16xi32>,
          tpu.vector_store %arg18[%swap3A_196, %swap3A_197], %get3A_194 {strides = array<i32>} : memref<6x128xi32, #tpu.memory_space<vmem>>, vector<16xi32>,
          %mul3A_199 = arith.constant 128 : i32
          %mul3A_200 = arith.muli %while3A_178, %mul3A_199 : i32
          %add3A_201 = arith.constant 16 : i32
          %add3A_202 = arith.addi %mul3A_200, %add3A_201 : i32
          %get3A_203 = arith.index_cast %add3A_202 : i32 to index
          %get3A_204 = tpu.vector_load %arg14[%get3A_203] {strides = array<i32>} : memref<16576xi32, #tpu.memory_space<vmem>>, vector<16xi32>,
          %swap3A_205 = arith.constant 0 : i32
          %swap3A_206 = arith.index_cast %swap3A_205 : i32 to index
          %swap3A_207 = arith.constant 16 : index
          %swap3A_208 = tpu.vector_load %arg17[%swap3A_206, %swap3A_207] {strides = array<i32>} : memref<6x128xi32, #tpu.memory_space<vmem>>, vector<16xi32>,
          tpu.vector_store %arg17[%swap3A_206, %swap3A_207], %get3A_204 {strides = array<i32>} : memref<6x128xi32, #tpu.memory_space<vmem>>, vector<16xi32>,
          %mul3A_209 = arith.constant 128 : i32
          %mul3A_210 = arith.muli %while3A_178, %mul3A_209 : i32
          %add3A_211 = arith.constant 16 : i32
          %add3A_212 = arith.addi %mul3A_210, %add3A_211 : i32
          %get3A_213 = arith.index_cast %add3A_212 : i32 to index
          %get3A_214 = tpu.vector_load %arg15[%get3A_213] {strides = array<i32>} : memref<16576xi32, #tpu.memory_space<vmem>>, vector<16xi32>,
          %swap3A_215 = arith.constant 0 : i32
          %swap3A_216 = arith.index_cast %swap3A_215 : i32 to index
          %swap3A_217 = arith.constant 16 : index
          %swap3A_218 = tpu.vector_load %arg18[%swap3A_216, %swap3A_217] {strides = array<i32>} : memref<6x128xi32, #tpu.memory_space<vmem>>, vector<16xi32>,
          tpu.vector_store %arg18[%swap3A_216, %swap3A_217], %get3A_214 {strides = array<i32>} : memref<6x128xi32, #tpu.memory_space<vmem>>, vector<16xi32>,
          %mul3A_219 = arith.constant 128 : i32
          %mul3A_220 = arith.muli %while3A_178, %mul3A_219 : i32
          %add3A_221 = arith.constant 32 : i32
          %add3A_222 = arith.addi %mul3A_220, %add3A_221 : i32
          %get3A_223 = arith.index_cast %add3A_222 : i32 to index
          %get3A_224 = tpu.vector_load %arg14[%get3A_223] {strides = array<i32>} : memref<16576xi32, #tpu.memory_space<vmem>>, vector<16xi32>,
          %swap3A_225 = arith.constant 0 : i32
          %swap3A_226 = arith.index_cast %swap3A_225 : i32 to index
          %swap3A_227 = arith.constant 32 : index
          %swap3A_228 = tpu.vector_load %arg17[%swap3A_226, %swap3A_227] {strides = array<i32>} : memref<6x128xi32, #tpu.memory_space<vmem>>, vector<16xi32>,
          tpu.vector_store %arg17[%swap3A_226, %swap3A_227], %get3A_224 {strides = array<i32>} : memref<6x128xi32, #tpu.memory_space<vmem>>, vector<16xi32>,
          %mul3A_229 = arith.constant 128 : i32
          %mul3A_230 = arith.muli %while3A_178, %mul3A_229 : i32
          %add3A_231 = arith.constant 32 : i32
          %add3A_232 = arith.addi %mul3A_230, %add3A_231 : i32
          %get3A_233 = arith.index_cast %add3A_232 : i32 to index
          %get3A_234 = tpu.vector_load %arg15[%get3A_233] {strides = array<i32>} : memref<16576xi32, #tpu.memory_space<vmem>>, vector<16xi32>,
          %swap3A_235 = arith.constant 0 : i32
          %swap3A_236 = arith.index_cast %swap3A_235 : i32 to index
          %swap3A_237 = arith.constant 32 : index
          %swap3A_238 = tpu.vector_load %arg18[%swap3A_236, %swap3A_237] {strides = array<i32>} : memref<6x128xi32, #tpu.memory_space<vmem>>, vector<16xi32>,
          tpu.vector_store %arg18[%swap3A_236, %swap3A_237], %get3A_234 {strides = array<i32>} : memref<6x128xi32, #tpu.memory_space<vmem>>, vector<16xi32>,
          %mul3A_239 = arith.constant 128 : i32
          %mul3A_240 = arith.muli %while3A_178, %mul3A_239 : i32
          %add3A_241 = arith.constant 48 : i32
          %add3A_242 = arith.addi %mul3A_240, %add3A_241 : i32
          %get3A_243 = arith.index_cast %add3A_242 : i32 to index
          %get3A_244 = tpu.vector_load %arg14[%get3A_243] {strides = array<i32>} : memref<16576xi32, #tpu.memory_space<vmem>>, vector<16xi32>,
          %swap3A_245 = arith.constant 0 : i32
          %swap3A_246 = arith.index_cast %swap3A_245 : i32 to index
          %swap3A_247 = arith.constant 48 : index
          %swap3A_248 = tpu.vector_load %arg17[%swap3A_246, %swap3A_247] {strides = array<i32>} : memref<6x128xi32, #tpu.memory_space<vmem>>, vector<16xi32>,
          tpu.vector_store %arg17[%swap3A_246, %swap3A_247], %get3A_244 {strides = array<i32>} : memref<6x128xi32, #tpu.memory_space<vmem>>, vector<16xi32>,
          %mul3A_249 = arith.constant 128 : i32
          %mul3A_250 = arith.muli %while3A_178, %mul3A_249 : i32
          %add3A_251 = arith.constant 48 : i32
          %add3A_252 = arith.addi %mul3A_250, %add3A_251 : i32
          %get3A_253 = arith.index_cast %add3A_252 : i32 to index
          %get3A_254 = tpu.vector_load %arg15[%get3A_253] {strides = array<i32>} : memref<16576xi32, #tpu.memory_space<vmem>>, vector<16xi32>,
          %swap3A_255 = arith.constant 0 : i32
          %swap3A_256 = arith.index_cast %swap3A_255 : i32 to index
          %swap3A_257 = arith.constant 48 : index
          %swap3A_258 = tpu.vector_load %arg18[%swap3A_256, %swap3A_257] {strides = array<i32>} : memref<6x128xi32, #tpu.memory_space<vmem>>, vector<16xi32>,
          tpu.vector_store %arg18[%swap3A_256, %swap3A_257], %get3A_254 {strides = array<i32>} : memref<6x128xi32, #tpu.memory_space<vmem>>, vector<16xi32>,
          %mul3A_259 = arith.constant 128 : i32
          %mul3A_260 = arith.muli %while3A_178, %mul3A_259 : i32
          %add3A_261 = arith.constant 64 : i32
          %add3A_262 = arith.addi %mul3A_260, %add3A_261 : i32
          %get3A_263 = arith.index_cast %add3A_262 : i32 to index
          %get3A_264 = tpu.vector_load %arg14[%get3A_263] {strides = array<i32>} : memref<16576xi32, #tpu.memory_space<vmem>>, vector<16xi32>,
          %swap3A_265 = arith.constant 0 : i32
          %swap3A_266 = arith.index_cast %swap3A_265 : i32 to index
          %swap3A_267 = arith.constant 64 : index
          %swap3A_268 = tpu.vector_load %arg17[%swap3A_266, %swap3A_267] {strides = array<i32>} : memref<6x128xi32, #tpu.memory_space<vmem>>, vector<16xi32>,
          tpu.vector_store %arg17[%swap3A_266, %swap3A_267], %get3A_264 {strides = array<i32>} : memref<6x128xi32, #tpu.memory_space<vmem>>, vector<16xi32>,
          %mul3A_269 = arith.constant 128 : i32
          %mul3A_270 = arith.muli %while3A_178, %mul3A_269 : i32
          %add3A_271 = arith.constant 64 : i32
          %add3A_272 = arith.addi %mul3A_270, %add3A_271 : i32
          %get3A_273 = arith.index_cast %add3A_272 : i32 to index
          %get3A_274 = tpu.vector_load %arg15[%get3A_273] {strides = array<i32>} : memref<16576xi32, #tpu.memory_space<vmem>>, vector<16xi32>,
          %swap3A_275 = arith.constant 0 : i32
          %swap3A_276 = arith.index_cast %swap3A_275 : i32 to index
          %swap3A_277 = arith.constant 64 : index
          %swap3A_278 = tpu.vector_load %arg18[%swap3A_276, %swap3A_277] {strides = array<i32>} : memref<6x128xi32, #tpu.memory_space<vmem>>, vector<16xi32>,
          tpu.vector_store %arg18[%swap3A_276, %swap3A_277], %get3A_274 {strides = array<i32>} : memref<6x128xi32, #tpu.memory_space<vmem>>, vector<16xi32>,
          %mul3A_279 = arith.constant 128 : i32
          %mul3A_280 = arith.muli %while3A_178, %mul3A_279 : i32
          %add3A_281 = arith.constant 80 : i32
          %add3A_282 = arith.addi %mul3A_280, %add3A_281 : i32
          %get3A_283 = arith.index_cast %add3A_282 : i32 to index
          %get3A_284 = tpu.vector_load %arg14[%get3A_283] {strides = array<i32>} : memref<16576xi32, #tpu.memory_space<vmem>>, vector<16xi32>,
          %swap3A_285 = arith.constant 0 : i32
          %swap3A_286 = arith.index_cast %swap3A_285 : i32 to index
          %swap3A_287 = arith.constant 80 : index
          %swap3A_288 = tpu.vector_load %arg17[%swap3A_286, %swap3A_287] {strides = array<i32>} : memref<6x128xi32, #tpu.memory_space<vmem>>, vector<16xi32>,
          tpu.vector_store %arg17[%swap3A_286, %swap3A_287], %get3A_284 {strides = array<i32>} : memref<6x128xi32, #tpu.memory_space<vmem>>, vector<16xi32>,
          %mul3A_289 = arith.constant 128 : i32
          %mul3A_290 = arith.muli %while3A_178, %mul3A_289 : i32
          %add3A_291 = arith.constant 80 : i32
          %add3A_292 = arith.addi %mul3A_290, %add3A_291 : i32
          %get3A_293 = arith.index_cast %add3A_292 : i32 to index
          %get3A_294 = tpu.vector_load %arg15[%get3A_293] {strides = array<i32>} : memref<16576xi32, #tpu.memory_space<vmem>>, vector<16xi32>,
          %swap3A_295 = arith.constant 0 : i32
          %swap3A_296 = arith.index_cast %swap3A_295 : i32 to index
          %swap3A_297 = arith.constant 80 : index
          %swap3A_298 = tpu.vector_load %arg18[%swap3A_296, %swap3A_297] {strides = array<i32>} : memref<6x128xi32, #tpu.memory_space<vmem>>, vector<16xi32>,
          tpu.vector_store %arg18[%swap3A_296, %swap3A_297], %get3A_294 {strides = array<i32>} : memref<6x128xi32, #tpu.memory_space<vmem>>, vector<16xi32>,
          %mul3A_299 = arith.constant 128 : i32
          %mul3A_300 = arith.muli %while3A_178, %mul3A_299 : i32
          %add3A_301 = arith.constant 96 : i32
          %add3A_302 = arith.addi %mul3A_300, %add3A_301 : i32
          %get3A_303 = arith.index_cast %add3A_302 : i32 to index
          %get3A_304 = tpu.vector_load %arg14[%get3A_303] {strides = array<i32>} : memref<16576xi32, #tpu.memory_space<vmem>>, vector<16xi32>,
          %swap3A_305 = arith.constant 0 : i32
          %swap3A_306 = arith.index_cast %swap3A_305 : i32 to index
          %swap3A_307 = arith.constant 96 : index
          %swap3A_308 = tpu.vector_load %arg17[%swap3A_306, %swap3A_307] {strides = array<i32>} : memref<6x128xi32, #tpu.memory_space<vmem>>, vector<16xi32>,
          tpu.vector_store %arg17[%swap3A_306, %swap3A_307], %get3A_304 {strides = array<i32>} : memref<6x128xi32, #tpu.memory_space<vmem>>, vector<16xi32>,
          %mul3A_309 = arith.constant 128 : i32
          %mul3A_310 = arith.muli %while3A_178, %mul3A_309 : i32
          %add3A_311 = arith.constant 96 : i32
          %add3A_312 = arith.addi %mul3A_310, %add3A_311 : i32
          %get3A_313 = arith.index_cast %add3A_312 : i32 to index
          %get3A_314 = tpu.vector_load %arg15[%get3A_313] {strides = array<i32>} : memref<16576xi32, #tpu.memory_space<vmem>>, vector<16xi32>,
          %swap3A_315 = arith.constant 0 : i32
          %swap3A_316 = arith.index_cast %swap3A_315 : i32 to index
          %swap3A_317 = arith.constant 96 : index
          %swap3A_318 = tpu.vector_load %arg18[%swap3A_316, %swap3A_317] {strides = array<i32>} : memref<6x128xi32, #tpu.memory_space<vmem>>, vector<16xi32>,
          tpu.vector_store %arg18[%swap3A_316, %swap3A_317], %get3A_314 {strides = array<i32>} : memref<6x128xi32, #tpu.memory_space<vmem>>, vector<16xi32>,
          %mul3A_319 = arith.constant 128 : i32
          %mul3A_320 = arith.muli %while3A_178, %mul3A_319 : i32
          %add3A_321 = arith.constant 112 : i32
          %add3A_322 = arith.addi %mul3A_320, %add3A_321 : i32
          %get3A_323 = arith.index_cast %add3A_322 : i32 to index
          %get3A_324 = tpu.vector_load %arg14[%get3A_323] {strides = array<i32>} : memref<16576xi32, #tpu.memory_space<vmem>>, vector<16xi32>,
          %swap3A_325 = arith.constant 0 : i32
          %swap3A_326 = arith.index_cast %swap3A_325 : i32 to index
          %swap3A_327 = arith.constant 112 : index
          %swap3A_328 = tpu.vector_load %arg17[%swap3A_326, %swap3A_327] {strides = array<i32>} : memref<6x128xi32, #tpu.memory_space<vmem>>, vector<16xi32>,
          tpu.vector_store %arg17[%swap3A_326, %swap3A_327], %get3A_324 {strides = array<i32>} : memref<6x128xi32, #tpu.memory_space<vmem>>, vector<16xi32>,
          %mul3A_329 = arith.constant 128 : i32
          %mul3A_330 = arith.muli %while3A_178, %mul3A_329 : i32
          %add3A_331 = arith.constant 112 : i32
          %add3A_332 = arith.addi %mul3A_330, %add3A_331 : i32
          %get3A_333 = arith.index_cast %add3A_332 : i32 to index
          %get3A_334 = tpu.vector_load %arg15[%get3A_333] {strides = array<i32>} : memref<16576xi32, #tpu.memory_space<vmem>>, vector<16xi32>,
          %swap3A_335 = arith.constant 0 : i32
          %swap3A_336 = arith.index_cast %swap3A_335 : i32 to index
          %swap3A_337 = arith.constant 112 : index
          %swap3A_338 = tpu.vector_load %arg18[%swap3A_336, %swap3A_337] {strides = array<i32>} : memref<6x128xi32, #tpu.memory_space<vmem>>, vector<16xi32>,
          tpu.vector_store %arg18[%swap3A_336, %swap3A_337], %get3A_334 {strides = array<i32>} : memref<6x128xi32, #tpu.memory_space<vmem>>, vector<16xi32>,
          %dma_start3A_339 = arith.constant 0 : i32
          %dma_start3A_340 = arith.constant 0 : i32
          %dma_start3A_341 = arith.constant 0 : i32
          %dma_start3A_342 = arith.constant 0 : i32
          %dma_start3A_343 = tpu.memref_slice %arg19[%dma_start3A_340, %dma_start3A_341, %dma_start3A_342] : memref<6x128x32xf32, #tpu.memory_space<vmem>> -> memref<1x128x32xf32, #tpu.memory_space<vmem>>
          %dma_start3A_344 = tpu.memref_squeeze %dma_start3A_343 : memref<1x128x32xf32, #tpu.memory_space<vmem>> -> memref<128x32xf32, #tpu.memory_space<vmem>>
          %dma_start3A_345 = arith.constant 0 : i32
          %dma_start3A_346 = tpu.memref_slice %arg17[%dma_start3A_339, %dma_start3A_345] : memref<6x128xi32, #tpu.memory_space<vmem>> -> memref<1x128xi32, #tpu.memory_space<vmem>>
          %dma_start3A_347 = tpu.memref_squeeze %dma_start3A_346 : memref<1x128xi32, #tpu.memory_space<vmem>> -> memref<128xi32, #tpu.memory_space<vmem>>
          %dma_start3A_348 = arith.constant 0 : i32
          %dma_start3A_349 = arith.constant 0 : i32
          %dma_start3A_350 = tpu.memref_slice %arg2[%dma_start3A_348, %dma_start3A_349] : memref<16384x32xf32, #tpu.memory_space<hbm>> -> memref<16384x32xf32, #tpu.memory_space<hbm>>
          tpu.enqueue_indirect_dma source(%dma_start3A_350 : memref<16384x32xf32, #tpu.memory_space<hbm>>) target(%dma_start3A_344 : memref<128x32xf32, #tpu.memory_space<vmem>>) offsets(%dma_start3A_347 : memref<128xi32, #tpu.memory_space<vmem>>) semaphore(%arg22 : memref<!tpu.dma_semaphore, #tpu.memory_space<semaphore_mem>>)
          %dma_start3A_351 = arith.constant 0 : i32
          %dma_start3A_352 = arith.constant 0 : i32
          %dma_start3A_353 = arith.constant 0 : i32
          %dma_start3A_354 = tpu.memref_slice %arg20[%dma_start3A_352, %dma_start3A_353] : memref<6x128xi32, #tpu.memory_space<vmem>> -> memref<1x128xi32, #tpu.memory_space<vmem>>
          %dma_start3A_355 = tpu.memref_squeeze %dma_start3A_354 : memref<1x128xi32, #tpu.memory_space<vmem>> -> memref<128xi32, #tpu.memory_space<vmem>>
          %dma_start3A_356 = arith.constant 0 : i32
          %dma_start3A_357 = tpu.memref_slice %arg17[%dma_start3A_351, %dma_start3A_356] : memref<6x128xi32, #tpu.memory_space<vmem>> -> memref<1x128xi32, #tpu.memory_space<vmem>>
          %dma_start3A_358 = tpu.memref_squeeze %dma_start3A_357 : memref<1x128xi32, #tpu.memory_space<vmem>> -> memref<128xi32, #tpu.memory_space<vmem>>
          %dma_start3A_359 = arith.constant 0 : i32
          %dma_start3A_360 = tpu.memref_slice %arg3[%dma_start3A_359] : memref<16384xi32, #tpu.memory_space<hbm>> -> memref<16384xi32, #tpu.memory_space<hbm>>
          tpu.enqueue_indirect_dma source(%dma_start3A_360 : memref<16384xi32, #tpu.memory_space<hbm>>) target(%dma_start3A_355 : memref<128xi32, #tpu.memory_space<vmem>>) offsets(%dma_start3A_358 : memref<128xi32, #tpu.memory_space<vmem>>) semaphore(%arg22 : memref<!tpu.dma_semaphore, #tpu.memory_space<semaphore_mem>>)
          %dma_wait3A_361 = arith.constant 0 : i32
          %dma_wait3A_362 = arith.constant 0 : i32
          %dma_wait3A_363 = arith.constant 0 : i32
          %dma_wait3A_364 = arith.constant 0 : i32
          %dma_wait3A_365 = tpu.memref_slice %arg19[%dma_wait3A_362, %dma_wait3A_363, %dma_wait3A_364] : memref<6x128x32xf32, #tpu.memory_space<vmem>> -> memref<1x128x32xf32, #tpu.memory_space<vmem>>
          %dma_wait3A_366 = tpu.memref_squeeze %dma_wait3A_365 : memref<1x128x32xf32, #tpu.memory_space<vmem>> -> memref<128x32xf32, #tpu.memory_space<vmem>>
          %dma_wait3A_367 = arith.constant 0 : i32
          %dma_wait3A_368 = tpu.memref_slice %arg17[%dma_wait3A_361, %dma_wait3A_367] : memref<6x128xi32, #tpu.memory_space<vmem>> -> memref<1x128xi32, #tpu.memory_space<vmem>>
          %dma_wait3A_369 = tpu.memref_squeeze %dma_wait3A_368 : memref<1x128xi32, #tpu.memory_space<vmem>> -> memref<128xi32, #tpu.memory_space<vmem>>
          %dma_wait3A_370 = arith.constant 0 : i32
          %dma_wait3A_371 = arith.constant 0 : i32
          %dma_wait3A_372 = tpu.memref_slice %arg2[%dma_wait3A_370, %dma_wait3A_371] : memref<16384x32xf32, #tpu.memory_space<hbm>> -> memref<16384x32xf32, #tpu.memory_space<hbm>>
          tpu.wait_indirect_dma semaphore(%arg22 : memref<!tpu.dma_semaphore, #tpu.memory_space<semaphore_mem>>) src(%dma_wait3A_372 : memref<16384x32xf32, #tpu.memory_space<hbm>>) dst(%dma_wait3A_366 : memref<128x32xf32, #tpu.memory_space<vmem>>)
          %dma_wait3A_373 = arith.constant 0 : i32
          %dma_wait3A_374 = arith.constant 0 : i32
          %dma_wait3A_375 = arith.constant 0 : i32
          %dma_wait3A_376 = tpu.memref_slice %arg20[%dma_wait3A_374, %dma_wait3A_375] : memref<6x128xi32, #tpu.memory_space<vmem>> -> memref<1x128xi32, #tpu.memory_space<vmem>>
          %dma_wait3A_377 = tpu.memref_squeeze %dma_wait3A_376 : memref<1x128xi32, #tpu.memory_space<vmem>> -> memref<128xi32, #tpu.memory_space<vmem>>
          %dma_wait3A_378 = arith.constant 0 : i32
          %dma_wait3A_379 = tpu.memref_slice %arg17[%dma_wait3A_373, %dma_wait3A_378] : memref<6x128xi32, #tpu.memory_space<vmem>> -> memref<1x128xi32, #tpu.memory_space<vmem>>
          %dma_wait3A_380 = tpu.memref_squeeze %dma_wait3A_379 : memref<1x128xi32, #tpu.memory_space<vmem>> -> memref<128xi32, #tpu.memory_space<vmem>>
          %dma_wait3A_381 = arith.constant 0 : i32
          %dma_wait3A_382 = tpu.memref_slice %arg3[%dma_wait3A_381] : memref<16384xi32, #tpu.memory_space<hbm>> -> memref<16384xi32, #tpu.memory_space<hbm>>
          tpu.wait_indirect_dma semaphore(%arg22 : memref<!tpu.dma_semaphore, #tpu.memory_space<semaphore_mem>>) src(%dma_wait3A_382 : memref<16384xi32, #tpu.memory_space<hbm>>) dst(%dma_wait3A_377 : memref<128xi32, #tpu.memory_space<vmem>>)
          %dma_start3A_383 = arith.constant 0 : i32
          %dma_start3A_384 = arith.constant 0 : i32
          %dma_start3A_385 = arith.constant 0 : i32
          %dma_start3A_386 = arith.constant 0 : i32
          %dma_start3A_387 = tpu.memref_slice %arg19[%dma_start3A_383, %dma_start3A_385, %dma_start3A_386] : memref<6x128x32xf32, #tpu.memory_space<vmem>> -> memref<1x128x32xf32, #tpu.memory_space<vmem>>
          %dma_start3A_388 = tpu.memref_squeeze %dma_start3A_387 : memref<1x128x32xf32, #tpu.memory_space<vmem>> -> memref<128x32xf32, #tpu.memory_space<vmem>>
          %dma_start3A_389 = arith.constant 0 : i32
          %dma_start3A_390 = tpu.memref_slice %arg18[%dma_start3A_384, %dma_start3A_389] : memref<6x128xi32, #tpu.memory_space<vmem>> -> memref<1x128xi32, #tpu.memory_space<vmem>>
          %dma_start3A_391 = tpu.memref_squeeze %dma_start3A_390 : memref<1x128xi32, #tpu.memory_space<vmem>> -> memref<128xi32, #tpu.memory_space<vmem>>
          %dma_start3A_392 = arith.constant 0 : i32
          %dma_start3A_393 = arith.constant 0 : i32
          %dma_start3A_394 = tpu.memref_slice %arg11[%dma_start3A_392, %dma_start3A_393] : memref<1000000x32xf32, #tpu.memory_space<hbm>> -> memref<1000000x32xf32, #tpu.memory_space<hbm>>
          tpu.enqueue_indirect_dma source(%dma_start3A_388 : memref<128x32xf32, #tpu.memory_space<vmem>>) target(%dma_start3A_394 : memref<1000000x32xf32, #tpu.memory_space<hbm>>) offsets(%dma_start3A_391 : memref<128xi32, #tpu.memory_space<vmem>>) semaphore(%arg23 : memref<!tpu.dma_semaphore, #tpu.memory_space<semaphore_mem>>)
          %dma_start3A_395 = arith.constant 0 : i32
          %dma_start3A_396 = arith.constant 0 : i32
          %dma_start3A_397 = arith.constant 0 : i32
          %dma_start3A_398 = tpu.memref_slice %arg20[%dma_start3A_395, %dma_start3A_397] : memref<6x128xi32, #tpu.memory_space<vmem>> -> memref<1x128xi32, #tpu.memory_space<vmem>>
          %dma_start3A_399 = tpu.memref_squeeze %dma_start3A_398 : memref<1x128xi32, #tpu.memory_space<vmem>> -> memref<128xi32, #tpu.memory_space<vmem>>
          %dma_start3A_400 = arith.constant 0 : i32
          %dma_start3A_401 = tpu.memref_slice %arg18[%dma_start3A_396, %dma_start3A_400] : memref<6x128xi32, #tpu.memory_space<vmem>> -> memref<1x128xi32, #tpu.memory_space<vmem>>
          %dma_start3A_402 = tpu.memref_squeeze %dma_start3A_401 : memref<1x128xi32, #tpu.memory_space<vmem>> -> memref<128xi32, #tpu.memory_space<vmem>>
          %dma_start3A_403 = arith.constant 0 : i32
          %dma_start3A_404 = tpu.memref_slice %arg12[%dma_start3A_403] : memref<1000000xi32, #tpu.memory_space<hbm>> -> memref<1000000xi32, #tpu.memory_space<hbm>>
          tpu.enqueue_indirect_dma source(%dma_start3A_399 : memref<128xi32, #tpu.memory_space<vmem>>) target(%dma_start3A_404 : memref<1000000xi32, #tpu.memory_space<hbm>>) offsets(%dma_start3A_402 : memref<128xi32, #tpu.memory_space<vmem>>) semaphore(%arg23 : memref<!tpu.dma_semaphore, #tpu.memory_space<semaphore_mem>>)
          %dma_start3A_405 = arith.constant 0 : i32
          %dma_start3A_406 = arith.constant 0 : i32
          %dma_start3A_407 = tpu.memref_slice %arg18[%dma_start3A_405, %dma_start3A_406] : memref<6x128xi32, #tpu.memory_space<vmem>> -> memref<1x128xi32, #tpu.memory_space<vmem>>
          %dma_start3A_408 = tpu.memref_squeeze %dma_start3A_407 : memref<1x128xi32, #tpu.memory_space<vmem>> -> memref<128xi32, #tpu.memory_space<vmem>>
          %dma_start3A_409 = arith.constant 0 : i32
          %dma_start3A_410 = tpu.memref_slice %arg13[%dma_start3A_409] : memref<1000000xi32, #tpu.memory_space<hbm>> -> memref<1000000xi32, #tpu.memory_space<hbm>>
          tpu.enqueue_indirect_dma source(%arg21 : memref<128xi32, #tpu.memory_space<vmem>>) target(%dma_start3A_410 : memref<1000000xi32, #tpu.memory_space<hbm>>) offsets(%dma_start3A_408 : memref<128xi32, #tpu.memory_space<vmem>>) semaphore(%arg23 : memref<!tpu.dma_semaphore, #tpu.memory_space<semaphore_mem>>)
          %dma_wait3A_411 = arith.constant 0 : i32
          %dma_wait3A_412 = arith.constant 0 : i32
          %dma_wait3A_413 = arith.constant 0 : i32
          %dma_wait3A_414 = arith.constant 0 : i32
          %dma_wait3A_415 = tpu.memref_slice %arg19[%dma_wait3A_411, %dma_wait3A_413, %dma_wait3A_414] : memref<6x128x32xf32, #tpu.memory_space<vmem>> -> memref<1x128x32xf32, #tpu.memory_space<vmem>>
          %dma_wait3A_416 = tpu.memref_squeeze %dma_wait3A_415 : memref<1x128x32xf32, #tpu.memory_space<vmem>> -> memref<128x32xf32, #tpu.memory_space<vmem>>
          %dma_wait3A_417 = arith.constant 0 : i32
          %dma_wait3A_418 = tpu.memref_slice %arg18[%dma_wait3A_412, %dma_wait3A_417] : memref<6x128xi32, #tpu.memory_space<vmem>> -> memref<1x128xi32, #tpu.memory_space<vmem>>
          %dma_wait3A_419 = tpu.memref_squeeze %dma_wait3A_418 : memref<1x128xi32, #tpu.memory_space<vmem>> -> memref<128xi32, #tpu.memory_space<vmem>>
          %dma_wait3A_420 = arith.constant 0 : i32
          %dma_wait3A_421 = arith.constant 0 : i32
          %dma_wait3A_422 = tpu.memref_slice %arg11[%dma_wait3A_420, %dma_wait3A_421] : memref<1000000x32xf32, #tpu.memory_space<hbm>> -> memref<1000000x32xf32, #tpu.memory_space<hbm>>
          tpu.wait_indirect_dma semaphore(%arg23 : memref<!tpu.dma_semaphore, #tpu.memory_space<semaphore_mem>>) src(%dma_wait3A_416 : memref<128x32xf32, #tpu.memory_space<vmem>>) dst(%dma_wait3A_422 : memref<1000000x32xf32, #tpu.memory_space<hbm>>)
          %dma_wait3A_423 = arith.constant 0 : i32
          %dma_wait3A_424 = arith.constant 0 : i32
          %dma_wait3A_425 = arith.constant 0 : i32
          %dma_wait3A_426 = tpu.memref_slice %arg20[%dma_wait3A_423, %dma_wait3A_425] : memref<6x128xi32, #tpu.memory_space<vmem>> -> memref<1x128xi32, #tpu.memory_space<vmem>>
          %dma_wait3A_427 = tpu.memref_squeeze %dma_wait3A_426 : memref<1x128xi32, #tpu.memory_space<vmem>> -> memref<128xi32, #tpu.memory_space<vmem>>
          %dma_wait3A_428 = arith.constant 0 : i32
          %dma_wait3A_429 = tpu.memref_slice %arg18[%dma_wait3A_424, %dma_wait3A_428] : memref<6x128xi32, #tpu.memory_space<vmem>> -> memref<1x128xi32, #tpu.memory_space<vmem>>
          %dma_wait3A_430 = tpu.memref_squeeze %dma_wait3A_429 : memref<1x128xi32, #tpu.memory_space<vmem>> -> memref<128xi32, #tpu.memory_space<vmem>>
          %dma_wait3A_431 = arith.constant 0 : i32
          %dma_wait3A_432 = tpu.memref_slice %arg12[%dma_wait3A_431] : memref<1000000xi32, #tpu.memory_space<hbm>> -> memref<1000000xi32, #tpu.memory_space<hbm>>
          tpu.wait_indirect_dma semaphore(%arg23 : memref<!tpu.dma_semaphore, #tpu.memory_space<semaphore_mem>>) src(%dma_wait3A_427 : memref<128xi32, #tpu.memory_space<vmem>>) dst(%dma_wait3A_432 : memref<1000000xi32, #tpu.memory_space<hbm>>)
          %dma_wait3A_433 = arith.constant 0 : i32
          %dma_wait3A_434 = arith.constant 0 : i32
          %dma_wait3A_435 = tpu.memref_slice %arg18[%dma_wait3A_433, %dma_wait3A_434] : memref<6x128xi32, #tpu.memory_space<vmem>> -> memref<1x128xi32, #tpu.memory_space<vmem>>
          %dma_wait3A_436 = tpu.memref_squeeze %dma_wait3A_435 : memref<1x128xi32, #tpu.memory_space<vmem>> -> memref<128xi32, #tpu.memory_space<vmem>>
          %dma_wait3A_437 = arith.constant 0 : i32
          %dma_wait3A_438 = tpu.memref_slice %arg13[%dma_wait3A_437] : memref<1000000xi32, #tpu.memory_space<hbm>> -> memref<1000000xi32, #tpu.memory_space<hbm>>
          tpu.wait_indirect_dma semaphore(%arg23 : memref<!tpu.dma_semaphore, #tpu.memory_space<semaphore_mem>>) src(%arg21 : memref<128xi32, #tpu.memory_space<vmem>>) dst(%dma_wait3A_438 : memref<1000000xi32, #tpu.memory_space<hbm>>)
        }
        %while3A_177 = arith.constant 1 : i32
        scf.for %while3A_178 = %while3A_175 to %while3A_171 step %while3A_177  : i32 {
          %mul3A_179 = arith.constant 128 : i32
          %mul3A_180 = arith.muli %while3A_178, %mul3A_179 : i32
          %add3A_181 = arith.constant 0 : i32
          %add3A_182 = arith.addi %mul3A_180, %add3A_181 : i32
          %get3A_183 = arith.index_cast %add3A_182 : i32 to index
          %get3A_184 = tpu.vector_load %arg14[%get3A_183] {strides = array<i32>} : memref<16576xi32, #tpu.memory_space<vmem>>, vector<16xi32>,
          %swap3A_185 = arith.constant 0 : i32
          %swap3A_186 = arith.index_cast %swap3A_185 : i32 to index
          %swap3A_187 = arith.constant 0 : index
          %swap3A_188 = tpu.vector_load %arg17[%swap3A_186, %swap3A_187] {strides = array<i32>} : memref<6x128xi32, #tpu.memory_space<vmem>>, vector<16xi32>,
          tpu.vector_store %arg17[%swap3A_186, %swap3A_187], %get3A_184 {strides = array<i32>} : memref<6x128xi32, #tpu.memory_space<vmem>>, vector<16xi32>,
          %mul3A_189 = arith.constant 128 : i32
          %mul3A_190 = arith.muli %while3A_178, %mul3A_189 : i32
          %add3A_191 = arith.constant 0 : i32
          %add3A_192 = arith.addi %mul3A_190, %add3A_191 : i32
          %get3A_193 = arith.index_cast %add3A_192 : i32 to index
          %get3A_194 = tpu.vector_load %arg15[%get3A_193] {strides = array<i32>} : memref<16576xi32, #tpu.memory_space<vmem>>, vector<16xi32>,
          %swap3A_195 = arith.constant 0 : i32
          %swap3A_196 = arith.index_cast %swap3A_195 : i32 to index
          %swap3A_197 = arith.constant 0 : index
          %swap3A_198 = tpu.vector_load %arg18[%swap3A_196, %swap3A_197] {strides = array<i32>} : memref<6x128xi32, #tpu.memory_space<vmem>>, vector<16xi32>,
          tpu.vector_store %arg18[%swap3A_196, %swap3A_197], %get3A_194 {strides = array<i32>} : memref<6x128xi32, #tpu.memory_space<vmem>>, vector<16xi32>,
          %mul3A_199 = arith.constant 128 : i32
          %mul3A_200 = arith.muli %while3A_178, %mul3A_199 : i32
          %add3A_201 = arith.constant 16 : i32
          %add3A_202 = arith.addi %mul3A_200, %add3A_201 : i32
          %get3A_203 = arith.index_cast %add3A_202 : i32 to index
          %get3A_204 = tpu.vector_load %arg14[%get3A_203] {strides = array<i32>} : memref<16576xi32, #tpu.memory_space<vmem>>, vector<16xi32>,
          %swap3A_205 = arith.constant 0 : i32
          %swap3A_206 = arith.index_cast %swap3A_205 : i32 to index
          %swap3A_207 = arith.constant 16 : index
          %swap3A_208 = tpu.vector_load %arg17[%swap3A_206, %swap3A_207] {strides = array<i32>} : memref<6x128xi32, #tpu.memory_space<vmem>>, vector<16xi32>,
          tpu.vector_store %arg17[%swap3A_206, %swap3A_207], %get3A_204 {strides = array<i32>} : memref<6x128xi32, #tpu.memory_space<vmem>>, vector<16xi32>,
          %mul3A_209 = arith.constant 128 : i32
          %mul3A_210 = arith.muli %while3A_178, %mul3A_209 : i32
          %add3A_211 = arith.constant 16 : i32
          %add3A_212 = arith.addi %mul3A_210, %add3A_211 : i32
          %get3A_213 = arith.index_cast %add3A_212 : i32 to index
          %get3A_214 = tpu.vector_load %arg15[%get3A_213] {strides = array<i32>} : memref<16576xi32, #tpu.memory_space<vmem>>, vector<16xi32>,
          %swap3A_215 = arith.constant 0 : i32
          %swap3A_216 = arith.index_cast %swap3A_215 : i32 to index
          %swap3A_217 = arith.constant 16 : index
          %swap3A_218 = tpu.vector_load %arg18[%swap3A_216, %swap3A_217] {strides = array<i32>} : memref<6x128xi32, #tpu.memory_space<vmem>>, vector<16xi32>,
          tpu.vector_store %arg18[%swap3A_216, %swap3A_217], %get3A_214 {strides = array<i32>} : memref<6x128xi32, #tpu.memory_space<vmem>>, vector<16xi32>,
          %mul3A_219 = arith.constant 128 : i32
          %mul3A_220 = arith.muli %while3A_178, %mul3A_219 : i32
          %add3A_221 = arith.constant 32 : i32
          %add3A_222 = arith.addi %mul3A_220, %add3A_221 : i32
          %get3A_223 = arith.index_cast %add3A_222 : i32 to index
          %get3A_224 = tpu.vector_load %arg14[%get3A_223] {strides = array<i32>} : memref<16576xi32, #tpu.memory_space<vmem>>, vector<16xi32>,
          %swap3A_225 = arith.constant 0 : i32
          %swap3A_226 = arith.index_cast %swap3A_225 : i32 to index
          %swap3A_227 = arith.constant 32 : index
          %swap3A_228 = tpu.vector_load %arg17[%swap3A_226, %swap3A_227] {strides = array<i32>} : memref<6x128xi32, #tpu.memory_space<vmem>>, vector<16xi32>,
          tpu.vector_store %arg17[%swap3A_226, %swap3A_227], %get3A_224 {strides = array<i32>} : memref<6x128xi32, #tpu.memory_space<vmem>>, vector<16xi32>,
          %mul3A_229 = arith.constant 128 : i32
          %mul3A_230 = arith.muli %while3A_178, %mul3A_229 : i32
          %add3A_231 = arith.constant 32 : i32
          %add3A_232 = arith.addi %mul3A_230, %add3A_231 : i32
          %get3A_233 = arith.index_cast %add3A_232 : i32 to index
          %get3A_234 = tpu.vector_load %arg15[%get3A_233] {strides = array<i32>} : memref<16576xi32, #tpu.memory_space<vmem>>, vector<16xi32>,
          %swap3A_235 = arith.constant 0 : i32
          %swap3A_236 = arith.index_cast %swap3A_235 : i32 to index
          %swap3A_237 = arith.constant 32 : index
          %swap3A_238 = tpu.vector_load %arg18[%swap3A_236, %swap3A_237] {strides = array<i32>} : memref<6x128xi32, #tpu.memory_space<vmem>>, vector<16xi32>,
          tpu.vector_store %arg18[%swap3A_236, %swap3A_237], %get3A_234 {strides = array<i32>} : memref<6x128xi32, #tpu.memory_space<vmem>>, vector<16xi32>,
          %mul3A_239 = arith.constant 128 : i32
          %mul3A_240 = arith.muli %while3A_178, %mul3A_239 : i32
          %add3A_241 = arith.constant 48 : i32
          %add3A_242 = arith.addi %mul3A_240, %add3A_241 : i32
          %get3A_243 = arith.index_cast %add3A_242 : i32 to index
          %get3A_244 = tpu.vector_load %arg14[%get3A_243] {strides = array<i32>} : memref<16576xi32, #tpu.memory_space<vmem>>, vector<16xi32>,
          %swap3A_245 = arith.constant 0 : i32
          %swap3A_246 = arith.index_cast %swap3A_245 : i32 to index
          %swap3A_247 = arith.constant 48 : index
          %swap3A_248 = tpu.vector_load %arg17[%swap3A_246, %swap3A_247] {strides = array<i32>} : memref<6x128xi32, #tpu.memory_space<vmem>>, vector<16xi32>,
          tpu.vector_store %arg17[%swap3A_246, %swap3A_247], %get3A_244 {strides = array<i32>} : memref<6x128xi32, #tpu.memory_space<vmem>>, vector<16xi32>,
          %mul3A_249 = arith.constant 128 : i32
          %mul3A_250 = arith.muli %while3A_178, %mul3A_249 : i32
          %add3A_251 = arith.constant 48 : i32
          %add3A_252 = arith.addi %mul3A_250, %add3A_251 : i32
          %get3A_253 = arith.index_cast %add3A_252 : i32 to index
          %get3A_254 = tpu.vector_load %arg15[%get3A_253] {strides = array<i32>} : memref<16576xi32, #tpu.memory_space<vmem>>, vector<16xi32>,
          %swap3A_255 = arith.constant 0 : i32
          %swap3A_256 = arith.index_cast %swap3A_255 : i32 to index
          %swap3A_257 = arith.constant 48 : index
          %swap3A_258 = tpu.vector_load %arg18[%swap3A_256, %swap3A_257] {strides = array<i32>} : memref<6x128xi32, #tpu.memory_space<vmem>>, vector<16xi32>,
          tpu.vector_store %arg18[%swap3A_256, %swap3A_257], %get3A_254 {strides = array<i32>} : memref<6x128xi32, #tpu.memory_space<vmem>>, vector<16xi32>,
          %mul3A_259 = arith.constant 128 : i32
          %mul3A_260 = arith.muli %while3A_178, %mul3A_259 : i32
          %add3A_261 = arith.constant 64 : i32
          %add3A_262 = arith.addi %mul3A_260, %add3A_261 : i32
          %get3A_263 = arith.index_cast %add3A_262 : i32 to index
          %get3A_264 = tpu.vector_load %arg14[%get3A_263] {strides = array<i32>} : memref<16576xi32, #tpu.memory_space<vmem>>, vector<16xi32>,
          %swap3A_265 = arith.constant 0 : i32
          %swap3A_266 = arith.index_cast %swap3A_265 : i32 to index
          %swap3A_267 = arith.constant 64 : index
          %swap3A_268 = tpu.vector_load %arg17[%swap3A_266, %swap3A_267] {strides = array<i32>} : memref<6x128xi32, #tpu.memory_space<vmem>>, vector<16xi32>,
          tpu.vector_store %arg17[%swap3A_266, %swap3A_267], %get3A_264 {strides = array<i32>} : memref<6x128xi32, #tpu.memory_space<vmem>>, vector<16xi32>,
          %mul3A_269 = arith.constant 128 : i32
          %mul3A_270 = arith.muli %while3A_178, %mul3A_269 : i32
          %add3A_271 = arith.constant 64 : i32
          %add3A_272 = arith.addi %mul3A_270, %add3A_271 : i32
          %get3A_273 = arith.index_cast %add3A_272 : i32 to index
          %get3A_274 = tpu.vector_load %arg15[%get3A_273] {strides = array<i32>} : memref<16576xi32, #tpu.memory_space<vmem>>, vector<16xi32>,
          %swap3A_275 = arith.constant 0 : i32
          %swap3A_276 = arith.index_cast %swap3A_275 : i32 to index
          %swap3A_277 = arith.constant 64 : index
          %swap3A_278 = tpu.vector_load %arg18[%swap3A_276, %swap3A_277] {strides = array<i32>} : memref<6x128xi32, #tpu.memory_space<vmem>>, vector<16xi32>,
          tpu.vector_store %arg18[%swap3A_276, %swap3A_277], %get3A_274 {strides = array<i32>} : memref<6x128xi32, #tpu.memory_space<vmem>>, vector<16xi32>,
          %mul3A_279 = arith.constant 128 : i32
          %mul3A_280 = arith.muli %while3A_178, %mul3A_279 : i32
          %add3A_281 = arith.constant 80 : i32
          %add3A_282 = arith.addi %mul3A_280, %add3A_281 : i32
          %get3A_283 = arith.index_cast %add3A_282 : i32 to index
          %get3A_284 = tpu.vector_load %arg14[%get3A_283] {strides = array<i32>} : memref<16576xi32, #tpu.memory_space<vmem>>, vector<16xi32>,
          %swap3A_285 = arith.constant 0 : i32
          %swap3A_286 = arith.index_cast %swap3A_285 : i32 to index
          %swap3A_287 = arith.constant 80 : index
          %swap3A_288 = tpu.vector_load %arg17[%swap3A_286, %swap3A_287] {strides = array<i32>} : memref<6x128xi32, #tpu.memory_space<vmem>>, vector<16xi32>,
          tpu.vector_store %arg17[%swap3A_286, %swap3A_287], %get3A_284 {strides = array<i32>} : memref<6x128xi32, #tpu.memory_space<vmem>>, vector<16xi32>,
          %mul3A_289 = arith.constant 128 : i32
          %mul3A_290 = arith.muli %while3A_178, %mul3A_289 : i32
          %add3A_291 = arith.constant 80 : i32
          %add3A_292 = arith.addi %mul3A_290, %add3A_291 : i32
          %get3A_293 = arith.index_cast %add3A_292 : i32 to index
          %get3A_294 = tpu.vector_load %arg15[%get3A_293] {strides = array<i32>} : memref<16576xi32, #tpu.memory_space<vmem>>, vector<16xi32>,
          %swap3A_295 = arith.constant 0 : i32
          %swap3A_296 = arith.index_cast %swap3A_295 : i32 to index
          %swap3A_297 = arith.constant 80 : index
          %swap3A_298 = tpu.vector_load %arg18[%swap3A_296, %swap3A_297] {strides = array<i32>} : memref<6x128xi32, #tpu.memory_space<vmem>>, vector<16xi32>,
          tpu.vector_store %arg18[%swap3A_296, %swap3A_297], %get3A_294 {strides = array<i32>} : memref<6x128xi32, #tpu.memory_space<vmem>>, vector<16xi32>,
          %mul3A_299 = arith.constant 128 : i32
          %mul3A_300 = arith.muli %while3A_178, %mul3A_299 : i32
          %add3A_301 = arith.constant 96 : i32
          %add3A_302 = arith.addi %mul3A_300, %add3A_301 : i32
          %get3A_303 = arith.index_cast %add3A_302 : i32 to index
          %get3A_304 = tpu.vector_load %arg14[%get3A_303] {strides = array<i32>} : memref<16576xi32, #tpu.memory_space<vmem>>, vector<16xi32>,
          %swap3A_305 = arith.constant 0 : i32
          %swap3A_306 = arith.index_cast %swap3A_305 : i32 to index
          %swap3A_307 = arith.constant 96 : index
          %swap3A_308 = tpu.vector_load %arg17[%swap3A_306, %swap3A_307] {strides = array<i32>} : memref<6x128xi32, #tpu.memory_space<vmem>>, vector<16xi32>,
          tpu.vector_store %arg17[%swap3A_306, %swap3A_307], %get3A_304 {strides = array<i32>} : memref<6x128xi32, #tpu.memory_space<vmem>>, vector<16xi32>,
          %mul3A_309 = arith.constant 128 : i32
          %mul3A_310 = arith.muli %while3A_178, %mul3A_309 : i32
          %add3A_311 = arith.constant 96 : i32
          %add3A_312 = arith.addi %mul3A_310, %add3A_311 : i32
          %get3A_313 = arith.index_cast %add3A_312 : i32 to index
          %get3A_314 = tpu.vector_load %arg15[%get3A_313] {strides = array<i32>} : memref<16576xi32, #tpu.memory_space<vmem>>, vector<16xi32>,
          %swap3A_315 = arith.constant 0 : i32
          %swap3A_316 = arith.index_cast %swap3A_315 : i32 to index
          %swap3A_317 = arith.constant 96 : index
          %swap3A_318 = tpu.vector_load %arg18[%swap3A_316, %swap3A_317] {strides = array<i32>} : memref<6x128xi32, #tpu.memory_space<vmem>>, vector<16xi32>,
          tpu.vector_store %arg18[%swap3A_316, %swap3A_317], %get3A_314 {strides = array<i32>} : memref<6x128xi32, #tpu.memory_space<vmem>>, vector<16xi32>,
          %mul3A_319 = arith.constant 128 : i32
          %mul3A_320 = arith.muli %while3A_178, %mul3A_319 : i32
          %add3A_321 = arith.constant 112 : i32
          %add3A_322 = arith.addi %mul3A_320, %add3A_321 : i32
          %get3A_323 = arith.index_cast %add3A_322 : i32 to index
          %get3A_324 = tpu.vector_load %arg14[%get3A_323] {strides = array<i32>} : memref<16576xi32, #tpu.memory_space<vmem>>, vector<16xi32>,
          %swap3A_325 = arith.constant 0 : i32
          %swap3A_326 = arith.index_cast %swap3A_325 : i32 to index
          %swap3A_327 = arith.constant 112 : index
          %swap3A_328 = tpu.vector_load %arg17[%swap3A_326, %swap3A_327] {strides = array<i32>} : memref<6x128xi32, #tpu.memory_space<vmem>>, vector<16xi32>,
          tpu.vector_store %arg17[%swap3A_326, %swap3A_327], %get3A_324 {strides = array<i32>} : memref<6x128xi32, #tpu.memory_space<vmem>>, vector<16xi32>,
          %mul3A_329 = arith.constant 128 : i32
          %mul3A_330 = arith.muli %while3A_178, %mul3A_329 : i32
          %add3A_331 = arith.constant 112 : i32
          %add3A_332 = arith.addi %mul3A_330, %add3A_331 : i32
          %get3A_333 = arith.index_cast %add3A_332 : i32 to index
          %get3A_334 = tpu.vector_load %arg15[%get3A_333] {strides = array<i32>} : memref<16576xi32, #tpu.memory_space<vmem>>, vector<16xi32>,
          %swap3A_335 = arith.constant 0 : i32
          %swap3A_336 = arith.index_cast %swap3A_335 : i32 to index
          %swap3A_337 = arith.constant 112 : index
          %swap3A_338 = tpu.vector_load %arg18[%swap3A_336, %swap3A_337] {strides = array<i32>} : memref<6x128xi32, #tpu.memory_space<vmem>>, vector<16xi32>,
          tpu.vector_store %arg18[%swap3A_336, %swap3A_337], %get3A_334 {strides = array<i32>} : memref<6x128xi32, #tpu.memory_space<vmem>>, vector<16xi32>,
          %dma_start3A_339 = arith.constant 0 : i32
          %dma_start3A_340 = arith.constant 0 : i32
          %dma_start3A_341 = arith.constant 0 : i32
          %dma_start3A_342 = arith.constant 0 : i32
          %dma_start3A_343 = tpu.memref_slice %arg19[%dma_start3A_340, %dma_start3A_341, %dma_start3A_342] : memref<6x128x32xf32, #tpu.memory_space<vmem>> -> memref<1x128x32xf32, #tpu.memory_space<vmem>>
          %dma_start3A_344 = tpu.memref_squeeze %dma_start3A_343 : memref<1x128x32xf32, #tpu.memory_space<vmem>> -> memref<128x32xf32, #tpu.memory_space<vmem>>
          %dma_start3A_345 = arith.constant 0 : i32
          %dma_start3A_346 = tpu.memref_slice %arg17[%dma_start3A_339, %dma_start3A_345] : memref<6x128xi32, #tpu.memory_space<vmem>> -> memref<1x128xi32, #tpu.memory_space<vmem>>
          %dma_start3A_347 = tpu.memref_squeeze %dma_start3A_346 : memref<1x128xi32, #tpu.memory_space<vmem>> -> memref<128xi32, #tpu.memory_space<vmem>>
          %dma_start3A_348 = arith.constant 0 : i32
          %dma_start3A_349 = arith.constant 0 : i32
          %dma_start3A_350 = tpu.memref_slice %arg2[%dma_start3A_348, %dma_start3A_349] : memref<16384x32xf32, #tpu.memory_space<hbm>> -> memref<16384x32xf32, #tpu.memory_space<hbm>>
          tpu.enqueue_indirect_dma source(%dma_start3A_350 : memref<16384x32xf32, #tpu.memory_space<hbm>>) target(%dma_start3A_344 : memref<128x32xf32, #tpu.memory_space<vmem>>) offsets(%dma_start3A_347 : memref<128xi32, #tpu.memory_space<vmem>>) semaphore(%arg22 : memref<!tpu.dma_semaphore, #tpu.memory_space<semaphore_mem>>)
          %dma_start3A_351 = arith.constant 0 : i32
          %dma_start3A_352 = arith.constant 0 : i32
          %dma_start3A_353 = arith.constant 0 : i32
          %dma_start3A_354 = tpu.memref_slice %arg20[%dma_start3A_352, %dma_start3A_353] : memref<6x128xi32, #tpu.memory_space<vmem>> -> memref<1x128xi32, #tpu.memory_space<vmem>>
          %dma_start3A_355 = tpu.memref_squeeze %dma_start3A_354 : memref<1x128xi32, #tpu.memory_space<vmem>> -> memref<128xi32, #tpu.memory_space<vmem>>
          %dma_start3A_356 = arith.constant 0 : i32
          %dma_start3A_357 = tpu.memref_slice %arg17[%dma_start3A_351, %dma_start3A_356] : memref<6x128xi32, #tpu.memory_space<vmem>> -> memref<1x128xi32, #tpu.memory_space<vmem>>
          %dma_start3A_358 = tpu.memref_squeeze %dma_start3A_357 : memref<1x128xi32, #tpu.memory_space<vmem>> -> memref<128xi32, #tpu.memory_space<vmem>>
          %dma_start3A_359 = arith.constant 0 : i32
          %dma_start3A_360 = tpu.memref_slice %arg3[%dma_start3A_359] : memref<16384xi32, #tpu.memory_space<hbm>> -> memref<16384xi32, #tpu.memory_space<hbm>>
          tpu.enqueue_indirect_dma source(%dma_start3A_360 : memref<16384xi32, #tpu.memory_space<hbm>>) target(%dma_start3A_355 : memref<128xi32, #tpu.memory_space<vmem>>) offsets(%dma_start3A_358 : memref<128xi32, #tpu.memory_space<vmem>>) semaphore(%arg22 : memref<!tpu.dma_semaphore, #tpu.memory_space<semaphore_mem>>)
          %dma_wait3A_361 = arith.constant 0 : i32
          %dma_wait3A_362 = arith.constant 0 : i32
          %dma_wait3A_363 = arith.constant 0 : i32
          %dma_wait3A_364 = arith.constant 0 : i32
          %dma_wait3A_365 = tpu.memref_slice %arg19[%dma_wait3A_362, %dma_wait3A_363, %dma_wait3A_364] : memref<6x128x32xf32, #tpu.memory_space<vmem>> -> memref<1x128x32xf32, #tpu.memory_space<vmem>>
          %dma_wait3A_366 = tpu.memref_squeeze %dma_wait3A_365 : memref<1x128x32xf32, #tpu.memory_space<vmem>> -> memref<128x32xf32, #tpu.memory_space<vmem>>
          %dma_wait3A_367 = arith.constant 0 : i32
          %dma_wait3A_368 = tpu.memref_slice %arg17[%dma_wait3A_361, %dma_wait3A_367] : memref<6x128xi32, #tpu.memory_space<vmem>> -> memref<1x128xi32, #tpu.memory_space<vmem>>
          %dma_wait3A_369 = tpu.memref_squeeze %dma_wait3A_368 : memref<1x128xi32, #tpu.memory_space<vmem>> -> memref<128xi32, #tpu.memory_space<vmem>>
          %dma_wait3A_370 = arith.constant 0 : i32
          %dma_wait3A_371 = arith.constant 0 : i32
          %dma_wait3A_372 = tpu.memref_slice %arg2[%dma_wait3A_370, %dma_wait3A_371] : memref<16384x32xf32, #tpu.memory_space<hbm>> -> memref<16384x32xf32, #tpu.memory_space<hbm>>
          tpu.wait_indirect_dma semaphore(%arg22 : memref<!tpu.dma_semaphore, #tpu.memory_space<semaphore_mem>>) src(%dma_wait3A_372 : memref<16384x32xf32, #tpu.memory_space<hbm>>) dst(%dma_wait3A_366 : memref<128x32xf32, #tpu.memory_space<vmem>>)
          %dma_wait3A_373 = arith.constant 0 : i32
          %dma_wait3A_374 = arith.constant 0 : i32
          %dma_wait3A_375 = arith.constant 0 : i32
          %dma_wait3A_376 = tpu.memref_slice %arg20[%dma_wait3A_374, %dma_wait3A_375] : memref<6x128xi32, #tpu.memory_space<vmem>> -> memref<1x128xi32, #tpu.memory_space<vmem>>
          %dma_wait3A_377 = tpu.memref_squeeze %dma_wait3A_376 : memref<1x128xi32, #tpu.memory_space<vmem>> -> memref<128xi32, #tpu.memory_space<vmem>>
          %dma_wait3A_378 = arith.constant 0 : i32
          %dma_wait3A_379 = tpu.memref_slice %arg17[%dma_wait3A_373, %dma_wait3A_378] : memref<6x128xi32, #tpu.memory_space<vmem>> -> memref<1x128xi32, #tpu.memory_space<vmem>>
          %dma_wait3A_380 = tpu.memref_squeeze %dma_wait3A_379 : memref<1x128xi32, #tpu.memory_space<vmem>> -> memref<128xi32, #tpu.memory_space<vmem>>
          %dma_wait3A_381 = arith.constant 0 : i32
          %dma_wait3A_382 = tpu.memref_slice %arg3[%dma_wait3A_381] : memref<16384xi32, #tpu.memory_space<hbm>> -> memref<16384xi32, #tpu.memory_space<hbm>>
          tpu.wait_indirect_dma semaphore(%arg22 : memref<!tpu.dma_semaphore, #tpu.memory_space<semaphore_mem>>) src(%dma_wait3A_382 : memref<16384xi32, #tpu.memory_space<hbm>>) dst(%dma_wait3A_377 : memref<128xi32, #tpu.memory_space<vmem>>)
          %dma_start3A_383 = arith.constant 0 : i32
          %dma_start3A_384 = arith.constant 0 : i32
          %dma_start3A_385 = arith.constant 0 : i32
          %dma_start3A_386 = arith.constant 0 : i32
          %dma_start3A_387 = tpu.memref_slice %arg19[%dma_start3A_383, %dma_start3A_385, %dma_start3A_386] : memref<6x128x32xf32, #tpu.memory_space<vmem>> -> memref<1x128x32xf32, #tpu.memory_space<vmem>>
          %dma_start3A_388 = tpu.memref_squeeze %dma_start3A_387 : memref<1x128x32xf32, #tpu.memory_space<vmem>> -> memref<128x32xf32, #tpu.memory_space<vmem>>
          %dma_start3A_389 = arith.constant 0 : i32
          %dma_start3A_390 = tpu.memref_slice %arg18[%dma_start3A_384, %dma_start3A_389] : memref<6x128xi32, #tpu.memory_space<vmem>> -> memref<1x128xi32, #tpu.memory_space<vmem>>
          %dma_start3A_391 = tpu.memref_squeeze %dma_start3A_390 : memref<1x128xi32, #tpu.memory_space<vmem>> -> memref<128xi32, #tpu.memory_space<vmem>>
          %dma_start3A_392 = arith.constant 0 : i32
          %dma_start3A_393 = arith.constant 0 : i32
          %dma_start3A_394 = tpu.memref_slice %arg11[%dma_start3A_392, %dma_start3A_393] : memref<1000000x32xf32, #tpu.memory_space<hbm>> -> memref<1000000x32xf32, #tpu.memory_space<hbm>>
          tpu.enqueue_indirect_dma source(%dma_start3A_388 : memref<128x32xf32, #tpu.memory_space<vmem>>) target(%dma_start3A_394 : memref<1000000x32xf32, #tpu.memory_space<hbm>>) offsets(%dma_start3A_391 : memref<128xi32, #tpu.memory_space<vmem>>) semaphore(%arg23 : memref<!tpu.dma_semaphore, #tpu.memory_space<semaphore_mem>>)
          %dma_start3A_395 = arith.constant 0 : i32
          %dma_start3A_396 = arith.constant 0 : i32
          %dma_start3A_397 = arith.constant 0 : i32
          %dma_start3A_398 = tpu.memref_slice %arg20[%dma_start3A_395, %dma_start3A_397] : memref<6x128xi32, #tpu.memory_space<vmem>> -> memref<1x128xi32, #tpu.memory_space<vmem>>
          %dma_start3A_399 = tpu.memref_squeeze %dma_start3A_398 : memref<1x128xi32, #tpu.memory_space<vmem>> -> memref<128xi32, #tpu.memory_space<vmem>>
          %dma_start3A_400 = arith.constant 0 : i32
          %dma_start3A_401 = tpu.memref_slice %arg18[%dma_start3A_396, %dma_start3A_400] : memref<6x128xi32, #tpu.memory_space<vmem>> -> memref<1x128xi32, #tpu.memory_space<vmem>>
          %dma_start3A_402 = tpu.memref_squeeze %dma_start3A_401 : memref<1x128xi32, #tpu.memory_space<vmem>> -> memref<128xi32, #tpu.memory_space<vmem>>
          %dma_start3A_403 = arith.constant 0 : i32
          %dma_start3A_404 = tpu.memref_slice %arg12[%dma_start3A_403] : memref<1000000xi32, #tpu.memory_space<hbm>> -> memref<1000000xi32, #tpu.memory_space<hbm>>
          tpu.enqueue_indirect_dma source(%dma_start3A_399 : memref<128xi32, #tpu.memory_space<vmem>>) target(%dma_start3A_404 : memref<1000000xi32, #tpu.memory_space<hbm>>) offsets(%dma_start3A_402 : memref<128xi32, #tpu.memory_space<vmem>>) semaphore(%arg23 : memref<!tpu.dma_semaphore, #tpu.memory_space<semaphore_mem>>)
          %dma_start3A_405 = arith.constant 0 : i32
          %dma_start3A_406 = arith.constant 0 : i32
          %dma_start3A_407 = tpu.memref_slice %arg18[%dma_start3A_405, %dma_start3A_406] : memref<6x128xi32, #tpu.memory_space<vmem>> -> memref<1x128xi32, #tpu.memory_space<vmem>>
          %dma_start3A_408 = tpu.memref_squeeze %dma_start3A_407 : memref<1x128xi32, #tpu.memory_space<vmem>> -> memref<128xi32, #tpu.memory_space<vmem>>
          %dma_start3A_409 = arith.constant 0 : i32
          %dma_start3A_410 = tpu.memref_slice %arg13[%dma_start3A_409] : memref<1000000xi32, #tpu.memory_space<hbm>> -> memref<1000000xi32, #tpu.memory_space<hbm>>
          tpu.enqueue_indirect_dma source(%arg21 : memref<128xi32, #tpu.memory_space<vmem>>) target(%dma_start3A_410 : memref<1000000xi32, #tpu.memory_space<hbm>>) offsets(%dma_start3A_408 : memref<128xi32, #tpu.memory_space<vmem>>) semaphore(%arg23 : memref<!tpu.dma_semaphore, #tpu.memory_space<semaphore_mem>>)
          %dma_wait3A_411 = arith.constant 0 : i32
          %dma_wait3A_412 = arith.constant 0 : i32
          %dma_wait3A_413 = arith.constant 0 : i32
          %dma_wait3A_414 = arith.constant 0 : i32
          %dma_wait3A_415 = tpu.memref_slice %arg19[%dma_wait3A_411, %dma_wait3A_413, %dma_wait3A_414] : memref<6x128x32xf32, #tpu.memory_space<vmem>> -> memref<1x128x32xf32, #tpu.memory_space<vmem>>
          %dma_wait3A_416 = tpu.memref_squeeze %dma_wait3A_415 : memref<1x128x32xf32, #tpu.memory_space<vmem>> -> memref<128x32xf32, #tpu.memory_space<vmem>>
          %dma_wait3A_417 = arith.constant 0 : i32
          %dma_wait3A_418 = tpu.memref_slice %arg18[%dma_wait3A_412, %dma_wait3A_417] : memref<6x128xi32, #tpu.memory_space<vmem>> -> memref<1x128xi32, #tpu.memory_space<vmem>>
          %dma_wait3A_419 = tpu.memref_squeeze %dma_wait3A_418 : memref<1x128xi32, #tpu.memory_space<vmem>> -> memref<128xi32, #tpu.memory_space<vmem>>
          %dma_wait3A_420 = arith.constant 0 : i32
          %dma_wait3A_421 = arith.constant 0 : i32
          %dma_wait3A_422 = tpu.memref_slice %arg11[%dma_wait3A_420, %dma_wait3A_421] : memref<1000000x32xf32, #tpu.memory_space<hbm>> -> memref<1000000x32xf32, #tpu.memory_space<hbm>>
          tpu.wait_indirect_dma semaphore(%arg23 : memref<!tpu.dma_semaphore, #tpu.memory_space<semaphore_mem>>) src(%dma_wait3A_416 : memref<128x32xf32, #tpu.memory_space<vmem>>) dst(%dma_wait3A_422 : memref<1000000x32xf32, #tpu.memory_space<hbm>>)
          %dma_wait3A_423 = arith.constant 0 : i32
          %dma_wait3A_424 = arith.constant 0 : i32
          %dma_wait3A_425 = arith.constant 0 : i32
          %dma_wait3A_426 = tpu.memref_slice %arg20[%dma_wait3A_423, %dma_wait3A_425] : memref<6x128xi32, #tpu.memory_space<vmem>> -> memref<1x128xi32, #tpu.memory_space<vmem>>
          %dma_wait3A_427 = tpu.memref_squeeze %dma_wait3A_426 : memref<1x128xi32, #tpu.memory_space<vmem>> -> memref<128xi32, #tpu.memory_space<vmem>>
          %dma_wait3A_428 = arith.constant 0 : i32
          %dma_wait3A_429 = tpu.memref_slice %arg18[%dma_wait3A_424, %dma_wait3A_428] : memref<6x128xi32, #tpu.memory_space<vmem>> -> memref<1x128xi32, #tpu.memory_space<vmem>>
          %dma_wait3A_430 = tpu.memref_squeeze %dma_wait3A_429 : memref<1x128xi32, #tpu.memory_space<vmem>> -> memref<128xi32, #tpu.memory_space<vmem>>
          %dma_wait3A_431 = arith.constant 0 : i32
          %dma_wait3A_432 = tpu.memref_slice %arg12[%dma_wait3A_431] : memref<1000000xi32, #tpu.memory_space<hbm>> -> memref<1000000xi32, #tpu.memory_space<hbm>>
          tpu.wait_indirect_dma semaphore(%arg23 : memref<!tpu.dma_semaphore, #tpu.memory_space<semaphore_mem>>) src(%dma_wait3A_427 : memref<128xi32, #tpu.memory_space<vmem>>) dst(%dma_wait3A_432 : memref<1000000xi32, #tpu.memory_space<hbm>>)
          %dma_wait3A_433 = arith.constant 0 : i32
          %dma_wait3A_434 = arith.constant 0 : i32
          %dma_wait3A_435 = tpu.memref_slice %arg18[%dma_wait3A_433, %dma_wait3A_434] : memref<6x128xi32, #tpu.memory_space<vmem>> -> memref<1x128xi32, #tpu.memory_space<vmem>>
          %dma_wait3A_436 = tpu.memref_squeeze %dma_wait3A_435 : memref<1x128xi32, #tpu.memory_space<vmem>> -> memref<128xi32, #tpu.memory_space<vmem>>
          %dma_wait3A_437 = arith.constant 0 : i32
          %dma_wait3A_438 = tpu.memref_slice %arg13[%dma_wait3A_437] : memref<1000000xi32, #tpu.memory_space<hbm>> -> memref<1000000xi32, #tpu.memory_space<hbm>>
          tpu.wait_indirect_dma semaphore(%arg23 : memref<!tpu.dma_semaphore, #tpu.memory_space<semaphore_mem>>) src(%arg21 : memref<128xi32, #tpu.memory_space<vmem>>) dst(%dma_wait3A_438 : memref<1000000xi32, #tpu.memory_space<hbm>>)
        }
      } else {
      }
    } else {
    }
    return
  }
}

</mosaic_0001>

<sc_bundles>
// kernel: kernel.4.cloned.1.call-start
scs
__scs_entry_jumppad:
0x0: {  	(pc) =	sbr.rel $0x88, $3  }
0x1: {  	(tag) =	ssettag $0x0;
	lr =	simm.s32 $0x1  }
0x2: {  	[smem:$0x3F9A] =	sst lr;
	_ =	strace $0xD0000000  }
0x3: {  	_ = 	snop  }
0x4: {  	_ = 	snop  }
0x5: {  	_ = 	snop  }
0x6: {  	_ = 	snop  }
0x7: {  	_ = 	snop  }
__scs_overlays_trampoline_lowered:
0x8: {  	[smem:$0x3FA9] =	sst s0  }
0x9: {  	[smem:$0x3FAA] =	sst s1  }
0xa: {  	[smem:$0x3FAB] =	sst s2  }
0xb: {  	[smem:$0x3FAC] =	sst s3  }
0xc: {  	[smem:$0x3FAD] =	sst s4  }
0xd: {  	[smem:$0x3FAE] =	sst s5  }
0xe: {  	[smem:$0x3FAF] =	sst s6  }
0xf: {  	[smem:$0x3FB0] =	sst s7  }
0x10: {  	[smem:$0x3FB1] =	sst s8  }
0x11: {  	[smem:$0x3FB2] =	sst s9;
	s0 =	simm.s32 @!p0 $0x0  }
0x12: {  	s1 =	sld [smem:$0x3F98];
	s0 =	simm.s32 @p0 $0x1  }
0x13: {  	[smem:$0x3FB3] =	sst s0;
	s0 =	simm.s32 @!p1 $0x0  }
0x14: {  	s2 =	sld [smem:$0x3F97];
	s0 =	simm.s32 @p1 $0x1  }
0x15: {  	[smem:$0x3FB4] =	sst s0;
	s0 =	simm.s32 @!p2 $0x0  }
0x16: {  	s3 =	sld [smem:$0x3FDB];
	s0 =	simm.s32 @p2 $0x1  }
0x17: {  	s4 =	simm.s32 $0x1BF5;
	[smem:$0x3FB6] =	sst s0  }
0x18: {  	s0 =	sld [smem:$0x3F99];
	_ =	swait.ge [sflag:s4], $0x0  }
0x19: {  	s7 =	sld [smem:$0x3F9A]  }
0x1a: {  	s8 =	sadd.s32 $0xFFFFE003, lr  }
0x1b: {  	s9 =	sadd.s32 $0xFFFFFEF7, lr;
	s5 =	simm.s32 $0xFFFFFFFF;
	p2 =	slt.u32 s8, $0xFFFFF086  }
0x1c: {  	p1 =	slt.u32 s9, $0xF7A;
	s5 =	simm.s32 @!p2 $0x0  }
0x1d: {  	s5 =	simm.s32 @p1 $0x1;
	p0 =	seq.s32 s7, s2  }
0x1e: {  	s7 =	smul.u32 @!p0 $0xF7A, s2;
	p2 =	seq.s32 @!p0 s5, $0x0  }
0x1f: {  	s9 =	smul.u32 $0xF7A, s1;
	s8 =	simm.s32 @!p0 $0x1BF5;
	p2 =	por !p2, p0  }
0x20: {  	[sflag:s8] =	ssyncset.s32 @!p0 $0xFFFFF086;
	s6 =	sadd.s32 @!p0 s3, s7;
	s7 =	simm.s32 @!p0 $0x108  }
0x21: {  	s3 =	sadd.s32 s3, s9;
	s6 =	sadd.s32 @!p0 $0x88, s6;
	s7 =	simm.s32 @p2 $0x1082  }
0x22: {  	[simem:s7], [sflag:s8] =	dma.local @!p0 [hbm:s6], $0xF7A  }
0x23: {  	s9 =	sor.u32 $0xD0000000, s2;
	s6 =	simm.s32 $0x108;
	_ =	swait.ge @!p0 [sflag:s8], $0x0  }
0x24: {  	s3 =	sadd.s32 $0x88, s3;
	s6 =	simm.s32 @!p1 $0x1082;
	[sflag:s4] =	ssyncset.s32 $0xFFFFF086  }
0x25: {  	[simem:s6], [sflag:s4] =	dma.local [hbm:s3], $0xF7A  }
0x26: {  	[smem:$0x3F9A] =	sst s1;
	(tag) =	ssettag s2;
	_ =	strace s9  }
0x27: {  	s1 =	sld [smem:$0x3FAA]  }
0x28: {  	s2 =	sld [smem:$0x3FAB]  }
0x29: {  	s4 =	sld [smem:$0x3FAD]  }
0x2a: {  	p0 =	seq.s32 s5, $0x0;
	s5 =	sld [smem:$0x3FAE]  }
0x2b: {  	s6 =	sld [smem:$0x3FAF]  }
0x2c: {  	s7 =	sld [smem:$0x3FB0]  }
0x2d: {  	s3 =	simm.s32 $0x108;
	s8 =	sld [smem:$0x3FB1]  }
0x2e: {  	s3 =	simm.s32 @!p0 $0x1082;
	s9 =	sld [smem:$0x3FB2]  }
0x2f: {  	lr =	sadd.s32 s0, s3;
	s0 =	sld [smem:$0x3FA9]  }
0x30: {  	s3 =	sld [smem:$0x3FAC]  }
0x31: {  	[smem:$0x3FB5] =	sst s10  }
0x32: {  	s10 =	sld [smem:$0x3FB3];
	_ =	sdelay $0x3  }
0x33: {  	p0 =	seq.s32 s10, $0x1;
	s10 =	sld [smem:$0x3FB5];
	_ =	sdelay $0x3  }
0x34: {  	[smem:$0x3FB5] =	sst s10  }
0x35: {  	s10 =	sld [smem:$0x3FB4];
	_ =	sdelay $0x3  }
0x36: {  	p1 =	seq.s32 s10, $0x1;
	s10 =	sld [smem:$0x3FB5];
	_ =	sdelay $0x3  }
0x37: {  	[smem:$0x3FB5] =	sst s10  }
0x38: {  	s10 =	sld [smem:$0x3FB6]  }
0x39: {  	_ = 	snop;
	(pc) =	sbr.ind lr, $3  }
0x3a: {  	_ = 	snop  }
0x3b: {  	_ = 	snop  }
0x3c: {  	p2 =	seq.s32 s10, $0x1;
	s10 =	sld [smem:$0x3FB5]  }
0x3d: {  	_ =	shalt  }
0x3e: {  	_ =	shalt  }
0x3f: {  	_ =	shalt  }
0x40: {  	_ =	shalt  }
0x41: {  	_ =	shalt  }
0x42: {  	_ =	shalt  }
0x43: {  	_ =	shalt  }
0x44: {  	_ =	shalt  }
0x45: {  	_ =	shalt  }
0x46: {  	_ =	shalt  }
0x47: {  	_ =	shalt  }
0x48: {  	_ =	shalt  }
0x49: {  	_ =	shalt  }
0x4a: {  	_ =	shalt  }
0x4b: {  	_ =	shalt  }
0x4c: {  	_ =	shalt  }
0x4d: {  	_ =	shalt  }
0x4e: {  	_ =	shalt  }
0x4f: {  	_ =	shalt  }
0x50: {  	_ =	shalt  }
0x51: {  	_ =	shalt  }
0x52: {  	_ =	shalt  }
0x53: {  	_ =	shalt  }
0x54: {  	_ =	shalt  }
0x55: {  	_ =	shalt  }
0x56: {  	_ =	shalt  }
0x57: {  	_ =	shalt  }
0x58: {  	_ =	shalt  }
0x59: {  	_ =	shalt  }
0x5a: {  	_ =	shalt  }
0x5b: {  	_ =	shalt  }
0x5c: {  	_ =	shalt  }
0x5d: {  	_ =	shalt  }
0x5e: {  	_ =	shalt  }
0x5f: {  	_ =	shalt  }
0x60: {  	_ =	shalt  }
0x61: {  	_ =	shalt  }
0x62: {  	_ =	shalt  }
0x63: {  	_ =	shalt  }
0x64: {  	_ =	shalt  }
0x65: {  	_ =	shalt  }
0x66: {  	_ =	shalt  }
0x67: {  	_ =	shalt  }
0x68: {  	_ =	shalt  }
0x69: {  	_ =	shalt  }
0x6a: {  	_ =	shalt  }
0x6b: {  	_ =	shalt  }
0x6c: {  	_ =	shalt  }
0x6d: {  	_ =	shalt  }
0x6e: {  	_ =	shalt  }
0x6f: {  	_ =	shalt  }
0x70: {  	_ =	shalt  }
0x71: {  	_ =	shalt  }
0x72: {  	_ =	shalt  }
0x73: {  	_ =	shalt  }
0x74: {  	_ =	shalt  }
0x75: {  	_ =	shalt  }
0x76: {  	_ =	shalt  }
0x77: {  	_ =	shalt  }
0x78: {  	_ =	shalt  }
0x79: {  	_ =	shalt  }
0x7a: {  	_ =	shalt  }
0x7b: {  	_ =	shalt  }
0x7c: {  	_ =	shalt  }
0x7d: {  	_ =	shalt  }
0x7e: {  	_ =	shalt  }
0x7f: {  	_ =	shalt  }
0x80: {  	_ =	shalt  }
0x81: {  	_ =	shalt  }
0x82: {  	_ =	shalt  }
0x83: {  	_ =	shalt  }
0x84: {  	_ =	shalt  }
0x85: {  	_ =	shalt  }
0x86: {  	_ =	shalt  }
0x87: {  	_ =	shalt  }
.Lfunc_end0:
.L_simem_size_0:
called_computation.1_lowered:
.L_overlay_start_0:
0x88: {  	s2 =	sld [smem:$0x3FD9]  }
0x89: {  	s3 =	sld [smem:$0x3FFE];
	_ =	sdelay $0x1  }
0x8a: {  	s1 =	srdreg.scid  }
0x8b: {  	s0 =	sand.u32 $0x1, s1  }
0x8c: {  	s17 =	sshll.u32 s0, $0xA;
	s2 =	sadd.s32 s3, s2  }
0x8d: {  	s2 =	sadd.s32 s2, s17  }
0x8e: {  	[smem:$0x3FC1] =	sst s2  }
0x8f: {  	_ = 	snop  }
0x90: {  	s2 =	sld [smem:$0x3FC6];
	(tm) =	ssettm $0x1  }
0x91: {  	s18 =	sld [smem:$0x3FFB];
	_ =	sdelay $0x3  }
0x92: {  	_ =	strace s18  }
0x93: {  	s3 =	sld [smem:$0x3FFC];
	_ =	sdelay $0x3  }
0x94: {  	_ =	strace s3  }
0x95: {  	s3 =	sld [smem:$0x3FFD];
	_ =	sdelay $0x3  }
0x96: {  	_ =	strace s3  }
0x97: {  	_ =	strace $0x8FFFFFFF  }
0x98: {  	s19 =	sld [smem:$0x3FDB];
	_ =	sdelay $0x1  }
0x99: {  	s4 =	simm.s32 $_scs_section_size  }
0x9a: {  	s5 =	simm.s32 $_size__tile_overlayer_lowered;
	s6 =	simm.s32 $_tile_overlayer_lowered  }
0x9b: {  	s22 =	simm.s32 $0x1BFF;
	s21 =	sshll.u32 s6, $0x1;
	s3 =	sadd.s32 s4, s19  }
0x9c: {  	s7 =	simm.s32 $0x0;
	s20 =	sshll.u32 s5, $0x1;
	s5 =	sadd.s32 s21, s3  }
0x9d: {  	[timem:s7], [sflag:s22] =	dma.local [hbm:s5], s20  }
0x9e: {  	_ =	swait.ge [sflag:s22], s20  }
0x9f: {  	s4 =	ssub.s32 $0x0, s20;
	[sflag:s22] =	ssyncset.done $0x0  }
0xa0: {  	[sflag:s22] =	ssyncadd.s32 s4;
	_ =	sdelay $0x1  }
0xa1: {  	s23 =	simm.s32 $0x1B8B  }
0xa2: {  	_ =	swait.ge [sflag:s23], $0x1  }
0xa3: {  	[sflag:s23] =	ssyncset.done $0x0  }
0xa4: {  	s25 =	simm.s32 $0x1B8E;
	s24 =	sld [smem:$0x3FFE];
	[sflag:s23] =	ssyncadd.s32 $0xFFFFFFFF  }
0xa5: {  	s26 =	simm.s32 $execute0_lowered;
	[smem:$0x3FD2] =	sst s25  }
0xa6: {  	s5 =	sshll.u32 s26, $0x1;
	_ =	strace $0x80000046;
	[dreg:$0x1] =	wrdreg $0xFFFFFFFF  }
0xa7: {  	s28 =	simm.s32 $_size_execute0_lowered;
	s3 =	sadd.s32 s3, s5;
	[dreg:$0x0] =	wrdreg $0x0  }
0xa8: {  	s5 =	sshll.u32 s28, $0x1;
	[dreg:$0x2] =	wrdreg s3  }
0xa9: {  	[dreg:$0x3] =	wrdreg s5  }
0xaa: {  	[dreg:$0x4] =	wrdreg $0xC0  }
0xab: {  	_ =	task [dreg:s7], $0x5FFFF  }
0xac: {  	[dreg:$0x1] =	wrdreg $0xFFFFFFFF  }
0xad: {  	[dreg:$0x0] =	wrdreg $0x60  }
0xae: {  	[dreg:$0x2] =	wrdreg s2  }
0xaf: {  	[dreg:$0x3] =	wrdreg s24  }
0xb0: {  	[dreg:$0x4] =	wrdreg $0x9  }
0xb1: {  	_ =	task.clear_ibuf [dreg:s7], $0x5FFFF;
	_ =	strace $0x90000046  }
0xb2: {  	s29 =	simm.s32 $0x9;
	_ =	strace $0x80000048  }
0xb3: {  	_ =	swait.ge [sflag:s29], $0x1  }
0xb4: {  	[sflag:s29] =	ssyncadd.s32 $0xFFFFFFFF  }
0xb5: {  	_ =	strace $0x90000048  }
0xb6: {  	_ =	sfence  }
0xb7: {  	s30 =	sld [smem:$0x0];
	_ =	sdelay $0x2  }
0xb8: {  	s31 =	sshll.u32 s1, $0xD;
	s1 =	sshrl.u32 s1, $0x2  }
0xb9: {  	s3 =	sand.u32 $0x4000, s31;
	s1 =	sadd.s32 s1, s30  }
0xba: {  	s0 =	sor.u32 s3, s0;
	s1 =	sshll.u32 s1, $0x11  }
0xbb: {  	s0 =	sor.u32 s1, s0  }
0xbc: {  	s0 =	sadd.s32 $0x8F2B, s0  }
0xbd: {  	[sflag:s0] =	ssyncadd.remote.s32 $0x1  }
0xbe: {  	_ =	sfence.sel $0xFFFF  }
0xbf: {  	[dreg:$0x0] =	wrdreg $0xFFFFFFFF;
	(pc) =	sbr.abs _section_cstart, $3  }
0xc0: {  	[dreg:$0x1] =	wrdreg $0xFFFFFFFF  }
0xc1: {  	_ =	task.clear_ibuf [dreg:s7], $0x2FFFF;
	_ =	strace $0x9FFFFFFF  }
0xc2: {  	(tm) =	ssettm $0x7FFFFFFF  }
0xc3: {  	_ =	shalt  }
tec
execute0_lowered:
.L_overlay_start_1:
0x0: {  	(tag) =	ssettag $0x1  }
0x1: {  	v2 =	vimm.s32 $0x87654321;
	v1 =	vlaneseq.u32  }
0x2: {  	v3 =	vimm.s32 $0xFFEDCBA9;
	v4 =	vimm.s32 $0x98765432;
	v5 =	vimm.s32 $0xFFFEDCBA  }
0x3: {  	vm2 =	vmmov $0x7fff;
	vm3 =	vmmov $0x3fff;
	vm9 =	vcmask $0x1F00  }
0x4: {  	vm4 =	vcmask $0x2F20;
	vm0 =	vmmov $0x1fff;
	v10 =	vimm.s32 $0xF0F0E0D  }
0x5: {  	v11 =	vimm.s32 $0xFEDCBA98;
	vm1 =	vmmov $0xfff;
	vm5 =	vcmask $0x2320  }
0x6: {  	v17 =	vimm.s32 $0x0;
	vm7 =	vmmov $0x3ff;
	vm8 =	vmmov $0xff  }
0x7: {  	vm10 =	vmmov $0x7f;
	vm12 =	vcmask $0xF00;
	vm6 =	vmmov $0xf  }
0x8: {  	vm13 =	vcmask $0x300;
	v2 =	vunpack.c.l.s4.s8 v2;
	v3 =	vunpack.c.l.s4.s8 v3  }
0x9: {  	vm14 =	vmmov $0x1;
	v4 =	vunpack.c.l.s4.s8 v4;
	v5 =	vunpack.c.l.s4.s8 v5  }
0xa: {  	v19 =	vimm.s32 $0x0;
	v7 =	vunpack.c.0.s8.s32 v2;
	v12 =	vunpack.c.0.s8.s32 v3  }
0xb: {  	v2 =	vimm.s32 $0xA9876543;
	v8 =	vunpack.c.0.s8.s32 v4;
	v13 =	vunpack.c.0.s8.s32 v5  }
0xc: {  	v6 =	vmul.u32 $0xFFFFFFFF, v1;
	v16 =	vunpack.c.0.s8.s32 v10;
	v9 =	vunpack.c.l.s4.s8 v2  }
0xd: {  	v4 =	vcombine.low v7, v12;
	v5 =	vcombine.low v8, v13;
	v8 =	vimm.s32 $0xE0D0C0B  }
0xe: {  	v7 =	vimm.s32 $0xBA987654;
	v14 =	vunpack.c.0.s8.s32 v8;
	v8 =	vimm.s32 $0xCBA98765  }
0xf: {  	v10 =	vimm.s32 $0xEDCBA987;
	v7 =	vunpack.c.l.s4.s8 v7;
	v8 =	vunpack.c.l.s4.s8 v8  }
0x10: {  	v11 =	vunpack.c.l.s4.s8 v11;
	v3 =	vadd.s32 $0xFFFFFFFF, v6;
	v6 =	vunpack.c.0.s8.s32 v9  }
0x11: {  	v9 =	vimm.s32 $0xF0E0D0C;
	v7 =	vunpack.c.0.s8.s32 v7;
	v8 =	vunpack.c.0.s8.s32 v8  }
0x12: {  	s1 =	srdreg.scid;
	s0 =	stileid.u32;
	v10 =	vunpack.c.l.s4.s8 v10;
	v15 =	vunpack.c.0.s8.s32 v9;
	v6 =	vnsel vm9, $0xF, v6  }
0x13: {  	s4 =	sand.u32 $0x1, s1;
	s30 =	sshll.u32 s0, $0x1;
	v6 =	vsel vm4, v14, v6;
	v7 =	vnsel vm9, $0xF, v7;
	v8 =	vnsel vm9, $0xF, v8  }
0x14: {  	s6 =	rddreg [dreg:$0x1];
	s5 =	sor.u32 s4, s30;
	v7 =	vsel vm4, v15, v7;
	v8 =	vsel vm4, v16, v8;
	vm4 =	vmmov $0x7ff  }
0x15: {  	s2 =	rddreg [dreg:$0x2];
	s3 =	simm.s32 $0x0;
	s1 =	smul.u32 $0x7A12, s5;
	v9 =	vimm.s32 $0xDCBA9876;
	v17 =	vsel vm4, $0xFFFFFFFF, v17;
	vm4 =	vmmov $0x1f  }
0x16: {  	[smem:$0x7FF] =	sst s3;
	v11 =	vunpack.c.0.s8.s32 v11;
	v9 =	vunpack.c.l.s4.s8 v9;
	[tilespmem:$0x1FFA0] =	vst v17;
	v19 =	vsel vm4, $0xFFFFFFFF, v19  }
0x17: {  	v2 =	vimm.s32 $0x0;
	v0 =	vmov s1;
	s1 =	rddreg [dreg:$0x0];
	_ =	strace $0x80000047;
	[tilespmem:$0x1FFB0] =	vst v19;
	v19 =	vimm.s32 $0x0  }
0x18: {  	v10 =	vunpack.c.0.s8.s32 v10;
	v9 =	vunpack.c.0.s8.s32 v9;
	v19 =	vsel vm6, $0xFFFFFFFF, v19  }
0x19: {  	s9 =	simm.s32 $0x4000;
	v11 =	vnsel vm9, $0xF, v11;
	v12 =	vnsel vm9, $0xF, v12;
	[tilespmem:$0x1FFC0] =	vst v19;
	v19 =	vimm.s32 $0x0  }
0x1a: {  	s10 =	simm.s32 $0x1;
	s11 =	simm.s32 $0x10240;
	s7 =	smul.u32 $0x818, s5;
	v13 =	vnsel vm9, $0xF, v13;
	v9 =	vnsel vm9, $0xF, v9;
	v19 =	vsel vm0, $0xFFFFFFFF, v19  }
.Ltmp0:
0x1b: {  	s12 =	simm.s32 $0x80C0;
	s4 =	ssub.s32 $0x2, s4;
	v9 =	vsel vm5, $0xE, v9;
	vm5 =	vmmov $0x1ff;
	[tilespmem:$0x1FFD0] =	vst v19;
	v19 =	vimm.s32 $0x0;
	(pc) =	sbr.rel .LBB2_1-.Ltmp0, $4  }
0x1c: {  	s13 =	simm.s32 $0xC180;
	s14 =	simm.s32 $0x0;
	s31 =	sshrl.u32 s4, $0x1;
	v10 =	vnsel vm9, $0xF, v10;
	v14 =	vnsel vm12, $0xF, v14;
	v19 =	vsel vm5, $0xFFFFFFFF, v19  }
0x1d: {  	s5 =	sshll.u32 s5, $0x1;
	s8 =	ssub.s32 s4, s31;
	s7 =	sadd.s32 s7, s6;
	v15 =	vnsel vm12, $0xF, v15;
	vm9 =	vmmov $0x3f;
	[tilespmem:$0x1FFE0] =	vst v19;
	v19 =	vimm.s32 $0x0  }
0x1e: {  	s6 =	sadd.s32 s5, s6;
	s4 =	sadd.s32 $0x1800, s7;
	s5 =	sadd.s32 $0x11C00, s7;
	v16 =	vnsel vm12, $0xF, v16;
	v17 =	vimm.s32 $0xF;
	v19 =	vsel vm9, $0xFFFFFFFF, v19  }
0x1f: {  	s6 =	sadd.s32 $0x22000, s6;
	s7 =	smax.u32 s8, $0x1;
	s8 =	simm.s32 $0x2;
	vm12 =	vmmov $0x7;
	v18 =	vsel vm13, $0xE, v17;
	vm13 =	vmmov $0x3;
	[tilespmem:$0x1FFF0] =	vst v19  }
.LBB2_4:
0x20: {  	s15 =	simm.s32 $0x0  }
.LBB2_14:
0x21: {  	v19 =	vmov s15  }
0x22: {  	[tilespmem:$0x4000] =	vst v19  }
0x23: {  	[hbm4b:s4+s3] =	stream.linear.scatter [tilespmem:s12], [sflag:$0x1], $0x40C0, $0x38;
	[tilespmem:$0x17C58] =	vst v63  }
0x24: {  	_ = 	snop  }
0x25: {  	[hbm4b:s5+s3] =	stream.linear.scatter [tilespmem:s13], [sflag:$0x1], $0x40C0, $0x38;
	[tilespmem:$0x17C58] =	vst v63  }
0x26: {  	_ = 	snop  }
0x27: {  	[hbm4b:s6+s3] =	stream.linear.scatter [tilespmem:s9], [sflag:$0x1], $0x10, $0x38;
	[tilespmem:$0x17C58] =	vst v63  }
0x28: {  	_ =	swait.ge [sflag:s10], $0x40C0  }
0x29: {  	[sflag:s10] =	ssyncset.done $0x0  }
0x2a: {  	s14 =	sadd.s32 $0x1, s14;
	[sflag:s10] =	ssyncadd.s32 $0xFFFFBF40  }
0x2b: {  	p0 =	sne.s32 s14, s7;
	_ =	swait.ge [sflag:s10], $0x40C0  }
.Ltmp1:
0x2c: {  	[sflag:s10] =	ssyncset.done $0x0;
	(pc) =	sbr.rel @!p0 .LBB2_15-.Ltmp1, $4  }
0x2d: {  	[sflag:s10] =	ssyncadd.s32 $0xFFFFBF40  }
0x2e: {  	_ =	swait.ge [sflag:s10], $0x10  }
0x2f: {  	[sflag:s10] =	ssyncset.done $0x0  }
0x30: {  	[sflag:s10] =	ssyncadd.s32 $0xFFFFFFF0  }
.LBB2_1:
0x31: {  	[tilespmem:s3], [sflag:$0x2] =	stream.linear.gather [hbm4b:s1+s3], $0x4000, $0x38;
	[tilespmem:$0x17C58] =	vst v63  }
0x32: {  	_ =	swait.ge [sflag:s8], $0x4000  }
0x33: {  	[sflag:s8] =	ssyncset.done $0x0  }
0x34: {  	s15 =	simm.s32 $0x20;
	[sflag:s8] =	ssyncadd.s32 $0xFFFFC000  }
0x35: {  	v19 =	vld [tilespmem:s15+$0xFFFFFFE0];
	_ =	sdelay $0x4  }
0x36: {  	v19 =	vsub.s32 v19, v0  }
0x37: {  	vm15 =	vlt.u32 v19, $0x7A12  }
0x38: {  	v19 =	vsel vm15, $0x1, v2  }
0x39: {  	(xrf0) =	vadd.scan.msk.s32 $0xffff, v19;
	_ =	sdelay $0x2  }
0x3a: {  	v19 =	vmov s3  }
0x3b: {  	v19 =	vadd.s32 $0xFFFFFFFF, v19  }
0x3c: {  	v19 =	vbroadcast v19, $0x0  }
0x3d: {  	v20, _, _ =	vpop (xrf0)  }
0x3e: {  	v19 =	vadd.s32 v20, v19  }
0x3f: {  	(v2sf) =	vpush v20, $0xF;
	v19 =	vnsel vm15, $0x40BF, v19;
	_ =	sdelay $0x3  }
0x40: {  	v20 =	vor.u32 s3, v1  }
0x41: {  	[tilespmem:v19+s9+$0x0] =	vst.idx.msk $0xffff, v20  }
0x42: {  	v19 =	vld [tilespmem:s15+$0xFFFFFFF0];
	_ =	sdelay $0x4  }
0x43: {  	v19 =	vsub.s32 v19, v0  }
0x44: {  	vm15 =	vlt.u32 v19, $0x7A12  }
0x45: {  	v19 =	vsel vm15, $0x1, v2  }
0x46: {  	(xrf0) =	vadd.scan.msk.s32 $0xffff, v19  }
0x47: {  	s16 =	spop (v2sf)  }
0x48: {  	s16 =	sadd.s32 $0x0, s16  }
0x49: {  	v19 =	vmov s16  }
0x4a: {  	v19 =	vadd.s32 $0xFFFFFFFF, v19  }
0x4b: {  	v19 =	vbroadcast v19, $0x0  }
0x4c: {  	v20, _, _ =	vpop (xrf0)  }
0x4d: {  	v19 =	vadd.s32 v20, v19  }
0x4e: {  	(v2sf) =	vpush v20, $0xF;
	v19 =	vnsel vm15, $0x40BF, v19;
	_ =	sdelay $0x2  }
0x4f: {  	s17 =	simm.s32 $0x10  }
0x50: {  	v20 =	vor.u32 s17, v1  }
0x51: {  	[tilespmem:v19+s9+$0x0] =	vst.idx.msk $0xffff, v20  }
0x52: {  	v19 =	vld [tilespmem:s15+$0x0];
	_ =	sdelay $0x4  }
0x53: {  	v19 =	vsub.s32 v19, v0  }
0x54: {  	vm15 =	vlt.u32 v19, $0x7A12  }
0x55: {  	v19 =	vsel vm15, $0x1, v2  }
0x56: {  	(xrf0) =	vadd.scan.msk.s32 $0xffff, v19  }
0x57: {  	s28 =	spop (v2sf)  }
0x58: {  	s16 =	sadd.s32 s16, s28  }
0x59: {  	v19 =	vmov s16  }
0x5a: {  	v19 =	vadd.s32 $0xFFFFFFFF, v19  }
0x5b: {  	v19 =	vbroadcast v19, $0x0  }
0x5c: {  	v20, _, _ =	vpop (xrf0)  }
0x5d: {  	v19 =	vadd.s32 v20, v19  }
0x5e: {  	(v2sf) =	vpush v20, $0xF;
	v19 =	vnsel vm15, $0x40BF, v19;
	_ =	sdelay $0x2  }
0x5f: {  	s29 =	simm.s32 $0x20  }
0x60: {  	v20 =	vor.u32 s29, v1  }
0x61: {  	[tilespmem:v19+s9+$0x0] =	vst.idx.msk $0xffff, v20  }
0x62: {  	v19 =	vld [tilespmem:s15+$0x10];
	_ =	sdelay $0x4  }
0x63: {  	v19 =	vsub.s32 v19, v0  }
0x64: {  	vm15 =	vlt.u32 v19, $0x7A12  }
0x65: {  	v19 =	vsel vm15, $0x1, v2  }
0x66: {  	(xrf0) =	vadd.scan.msk.s32 $0xffff, v19  }
0x67: {  	s30 =	spop (v2sf)  }
0x68: {  	s18 =	sadd.s32 s16, s30  }
0x69: {  	v19 =	vmov s18  }
0x6a: {  	v19 =	vadd.s32 $0xFFFFFFFF, v19  }
0x6b: {  	v19 =	vbroadcast v19, $0x0  }
0x6c: {  	v20, _, _ =	vpop (xrf0)  }
0x6d: {  	v19 =	vadd.s32 v20, v19;
	(v2sf) =	vpush v20, $0xF  }
0x6e: {  	v19 =	vnsel vm15, $0x40BF, v19;
	_ =	sdelay $0x2  }
0x6f: {  	s31 =	simm.s32 $0x30  }
0x70: {  	v20 =	vor.u32 s31, v1  }
0x71: {  	s15 =	simm.s32 $0x60;
	[tilespmem:v19+s9+$0x0] =	vst.idx.msk $0xffff, v20  }
0x72: {  	v19 =	vld [tilespmem:s15+$0xFFFFFFE0];
	_ =	sdelay $0x4  }
0x73: {  	v19 =	vsub.s32 v19, v0  }
0x74: {  	vm15 =	vlt.u32 v19, $0x7A12  }
0x75: {  	v19 =	vsel vm15, $0x1, v2  }
0x76: {  	s17 =	simm.s32 $0x4;
	s16 =	simm.s32 $0x0;
	(xrf0) =	vadd.scan.msk.s32 $0xffff, v19;
	s19 =	spop (v2sf)  }
.LBB2_2:
0x77: {  	s17 =	sadd.s32 $0x4, s17;
	s18 =	sadd.s32 s18, s19;
	s16 =	sadd.s32 $0x40, s16  }
0x78: {  	p0 =	slt.u32 s17, $0x3FC;
	v19 =	vmov s18  }
0x79: {  	v19 =	vadd.s32 $0xFFFFFFFF, v19;
	_ =	sdelay $0x1  }
0x7a: {  	v19 =	vbroadcast v19, $0x0  }
0x7b: {  	v20, _, _ =	vpop (xrf0)  }
0x7c: {  	v19 =	vadd.s32 v20, v19;
	(v2sf) =	vpush v20, $0xF  }
0x7d: {  	v19 =	vnsel vm15, $0x40BF, v19;
	_ =	sdelay $0x3  }
0x7e: {  	v20 =	vor.u32 s16, v1  }
0x7f: {  	[tilespmem:v19+s9+$0x0] =	vst.idx.msk $0xffff, v20  }
0x80: {  	v19 =	vld [tilespmem:s15+$0xFFFFFFF0];
	_ =	sdelay $0x4  }
0x81: {  	v19 =	vsub.s32 v19, v0  }
0x82: {  	vm15 =	vlt.u32 v19, $0x7A12  }
0x83: {  	v19 =	vsel vm15, $0x1, v2  }
0x84: {  	s19 =	spop (v2sf);
	(xrf0) =	vadd.scan.msk.s32 $0xffff, v19  }
0x85: {  	s18 =	sadd.s32 s18, s19  }
0x86: {  	v19 =	vmov s18  }
0x87: {  	v19 =	vadd.s32 $0xFFFFFFFF, v19;
	_ =	sdelay $0x1  }
0x88: {  	v19 =	vbroadcast v19, $0x0  }
0x89: {  	v20, _, _ =	vpop (xrf0)  }
0x8a: {  	v19 =	vadd.s32 v20, v19;
	(v2sf) =	vpush v20, $0xF  }
0x8b: {  	v19 =	vnsel vm15, $0x40BF, v19;
	_ =	sdelay $0x2  }
0x8c: {  	s19 =	sadd.s32 $0x10, s16  }
0x8d: {  	v20 =	vor.u32 s19, v1  }
0x8e: {  	[tilespmem:v19+s9+$0x0] =	vst.idx.msk $0xffff, v20  }
0x8f: {  	v19 =	vld [tilespmem:s15+$0x0];
	_ =	sdelay $0x4  }
0x90: {  	v19 =	vsub.s32 v19, v0  }
0x91: {  	vm15 =	vlt.u32 v19, $0x7A12  }
0x92: {  	v19 =	vsel vm15, $0x1, v2  }
0x93: {  	s19 =	spop (v2sf);
	(xrf0) =	vadd.scan.msk.s32 $0xffff, v19  }
0x94: {  	s18 =	sadd.s32 s18, s19  }
0x95: {  	v19 =	vmov s18  }
0x96: {  	v19 =	vadd.s32 $0xFFFFFFFF, v19;
	_ =	sdelay $0x1  }
0x97: {  	v19 =	vbroadcast v19, $0x0  }
0x98: {  	v20, _, _ =	vpop (xrf0)  }
0x99: {  	v19 =	vadd.s32 v20, v19;
	(v2sf) =	vpush v20, $0xF  }
0x9a: {  	v19 =	vnsel vm15, $0x40BF, v19;
	_ =	sdelay $0x2  }
0x9b: {  	s19 =	sadd.s32 $0x20, s16  }
0x9c: {  	v20 =	vor.u32 s19, v1  }
0x9d: {  	[tilespmem:v19+s9+$0x0] =	vst.idx.msk $0xffff, v20  }
0x9e: {  	v19 =	vld [tilespmem:s15+$0x10];
	_ =	sdelay $0x4  }
0x9f: {  	v19 =	vsub.s32 v19, v0  }
0xa0: {  	vm15 =	vlt.u32 v19, $0x7A12  }
0xa1: {  	v19 =	vsel vm15, $0x1, v2  }
0xa2: {  	s19 =	spop (v2sf);
	(xrf0) =	vadd.scan.msk.s32 $0xffff, v19  }
0xa3: {  	s18 =	sadd.s32 s18, s19  }
0xa4: {  	v19 =	vmov s18  }
0xa5: {  	v19 =	vadd.s32 $0xFFFFFFFF, v19;
	_ =	sdelay $0x1  }
0xa6: {  	v19 =	vbroadcast v19, $0x0  }
0xa7: {  	v20, _, _ =	vpop (xrf0)  }
0xa8: {  	v19 =	vadd.s32 v20, v19;
	(v2sf) =	vpush v20, $0xF  }
0xa9: {  	v19 =	vnsel vm15, $0x40BF, v19;
	_ =	sdelay $0x2  }
0xaa: {  	s19 =	sadd.s32 $0x30, s16  }
0xab: {  	v20 =	vor.u32 s19, v1  }
0xac: {  	s15 =	sadd.s32 $0x40, s15;
	[tilespmem:v19+s9+$0x0] =	vst.idx.msk $0xffff, v20  }
0xad: {  	v19 =	vld [tilespmem:s15+$0xFFFFFFE0];
	_ =	sdelay $0x3  }
.Ltmp2:
0xae: {  	(pc) =	sbr.rel @p0 .LBB2_2-.Ltmp2, $4  }
0xaf: {  	v19 =	vsub.s32 v19, v0  }
0xb0: {  	vm15 =	vlt.u32 v19, $0x7A12  }
0xb1: {  	v19 =	vsel vm15, $0x1, v2  }
0xb2: {  	(xrf0) =	vadd.scan.msk.s32 $0xffff, v19;
	s19 =	spop (v2sf)  }
0xb3: {  	_ = 	snop  }
0xb4: {  	s17 =	sadd.s32 s18, s19  }
0xb5: {  	v19 =	vmov s17  }
0xb6: {  	v19 =	vadd.s32 $0xFFFFFFFF, v19  }
0xb7: {  	v19 =	vbroadcast v19, $0x0  }
0xb8: {  	v20, _, _ =	vpop (xrf0)  }
0xb9: {  	v19 =	vadd.s32 v20, v19  }
0xba: {  	(v2sf) =	vpush v20, $0xF;
	v19 =	vnsel vm15, $0x40BF, v19;
	_ =	sdelay $0x2  }
0xbb: {  	s16 =	sadd.s32 $0x40, s16  }
0xbc: {  	v20 =	vor.u32 s16, v1  }
0xbd: {  	[tilespmem:v19+s9+$0x0] =	vst.idx.msk $0xffff, v20  }
0xbe: {  	v19 =	vld [tilespmem:s15+$0xFFFFFFF0];
	_ =	sdelay $0x4  }
0xbf: {  	v19 =	vsub.s32 v19, v0  }
0xc0: {  	vm15 =	vlt.u32 v19, $0x7A12  }
0xc1: {  	v19 =	vsel vm15, $0x1, v2  }
0xc2: {  	(xrf0) =	vadd.scan.msk.s32 $0xffff, v19  }
0xc3: {  	s23 =	spop (v2sf)  }
0xc4: {  	s17 =	sadd.s32 s17, s23  }
0xc5: {  	v19 =	vmov s17  }
0xc6: {  	v19 =	vadd.s32 $0xFFFFFFFF, v19  }
0xc7: {  	v19 =	vbroadcast v19, $0x0  }
0xc8: {  	v20, _, _ =	vpop (xrf0)  }
0xc9: {  	v19 =	vadd.s32 v20, v19  }
0xca: {  	(v2sf) =	vpush v20, $0xF;
	v19 =	vnsel vm15, $0x40BF, v19;
	_ =	sdelay $0x2  }
0xcb: {  	s24 =	sadd.s32 $0x10, s16  }
0xcc: {  	v20 =	vor.u32 s24, v1  }
0xcd: {  	[tilespmem:v19+s9+$0x0] =	vst.idx.msk $0xffff, v20  }
0xce: {  	v19 =	vld [tilespmem:s15+$0x0];
	_ =	sdelay $0x4  }
0xcf: {  	v19 =	vsub.s32 v19, v0  }
0xd0: {  	vm15 =	vlt.u32 v19, $0x7A12  }
0xd1: {  	v19 =	vsel vm15, $0x1, v2  }
0xd2: {  	(xrf0) =	vadd.scan.msk.s32 $0xffff, v19  }
0xd3: {  	s25 =	spop (v2sf)  }
0xd4: {  	s17 =	sadd.s32 s17, s25  }
0xd5: {  	v19 =	vmov s17  }
0xd6: {  	v19 =	vadd.s32 $0xFFFFFFFF, v19  }
0xd7: {  	v19 =	vbroadcast v19, $0x0  }
0xd8: {  	v20, _, _ =	vpop (xrf0)  }
0xd9: {  	v19 =	vadd.s32 v20, v19  }
0xda: {  	v19 =	vnsel vm15, $0x40BF, v19;
	_ =	sdelay $0x2  }
0xdb: {  	s26 =	sadd.s32 $0x20, s16  }
0xdc: {  	v21 =	vor.u32 s26, v1  }
0xdd: {  	[tilespmem:v19+s9+$0x0] =	vst.idx.msk $0xffff, v21  }
0xde: {  	v19 =	vld [tilespmem:s15+$0x10];
	_ =	sdelay $0x4  }
0xdf: {  	v19 =	vsub.s32 v19, v0  }
0xe0: {  	vm15 =	vlt.u32 v19, $0x7A12  }
0xe1: {  	v19 =	vsel vm15, $0x1, v2  }
0xe2: {  	(xrf0) =	vadd.scan.msk.s32 $0xffff, v19;
	_ =	sdelay $0x5  }
0xe3: {  	(v2sf) =	vpush v20, $0xF;
	v19, _, _ =	vpop (xrf0)  }
0xe4: {  	(v2sf) =	vpush v19, $0xF;
	_ =	sdelay $0xd  }
0xe5: {  	s28 =	spop (v2sf)  }
0xe6: {  	s15 =	sadd.s32 s17, s28;
	s29 =	spop (v2sf)  }
0xe7: {  	v20 =	vmov s15;
	s15 =	sadd.s32 s15, s29  }
0xe8: {  	s17 =	sadd.s32 $0xF, s15  }
0xe9: {  	s30 =	sand.u32 $0xF, s17  }
0xea: {  	s31 =	sshra.s32 s17, $0x1F;
	p1 =	slt.s32 s17, $0x1;
	p0 =	sne.s32 s30, $0x0  }
0xeb: {  	v20 =	vadd.s32 $0xFFFFFFFF, v20;
	s18 =	sshrl.u32 s31, $0x1C;
	p0 =	por !p1, !p0  }
0xec: {  	v20 =	vbroadcast v20, $0x0;
	s17 =	sadd.s32 s18, s17;
	s18 =	simm.s32 $0x1;
	p0 =	por !p0, !p0  }
0xed: {  	s17 =	sshra.s32 s17, $0x4;
	s18 =	simm.s32 @!p0 $0x0  }
0xee: {  	v19 =	vadd.s32 v19, v20;
	s17 =	ssub.s32 s17, s18  }
0xef: {  	v19 =	vnsel vm15, $0x40BF, v19;
	p0 =	slt.s32 s17, $0x1  }
.Ltmp3:
0xf0: {  	_ = 	snop;
	(pc) =	sbr.rel @p0 .LBB2_4-.Ltmp3, $4  }
0xf1: {  	_ = 	snop  }
0xf2: {  	s16 =	sadd.s32 $0x30, s16  }
0xf3: {  	v20 =	vor.u32 s16, v1  }
0xf4: {  	[tilespmem:v19+s9+$0x0] =	vst.idx.msk $0xffff, v20  }
0xf5: {  	v20 =	vld [tilespmem:$0x1FFA0];
	_ =	sdelay $0x3  }
0xf6: {  	s16 =	simm.s32 $0x4000;
	v19 =	vmov s15;
	s15 =	simm.s32 $0x0;
	vm11 =	vmmov vm7  }
0xf7: {  	s18 =	simm.s32 $0x0;
	s19 =	simm.s32 $0x4000;
	s20 =	smov.u32 s17;
	vm9 =	vmmov vm1;
	vm5 =	vmmov vm4;
	vm7 =	vnez.u8 v20  }
.LBB2_6:
0xf8: {  	v20 =	vld [tilespmem:s19+$0x0];
	_ =	sdelay $0x4  }
0xf9: {  	vm15 =	vgt.s32 v20, $0x0  }
0xfa: {  	v20 =	vnsel vm15, $0x0, v20  }
0xfb: {  	v20 =	vmin.u32 v20, $0x3FFF;
	_ =	sdelay $0x4  }
0xfc: {  	v20 =	vld.idx.msk [tilespmem:v20+s15+$0x0], $0xffff;
	_ =	sdelay $0x3  }
0xfd: {  	v21 =	vor.u32 s18, v1  }
0xfe: {  	vm15 =	vge.s32 v21, v19;
	v20 =	vsub.s32 v20, v0  }
0xff: {  	v50 =	vld [tilespmem:$0x1FFD0];
	v22 =	vsel vm15, v3, v20  }
0x100: {  	v23 =	vperm.xlane v22, v4;
	v24 =	vperm.xlane v22, v5  }
0x101: {  	vm4 =	vmmov vm3;
	v48 =	vperm.xlane v22, v6  }
0x102: {  	v49 =	vperm.xlane v22, v7;
	vm0 =	veq.s32 v22, v23;
	vm1 =	veq.s32 v22, v24  }
0x103: {  	vm0 =	vmand vm0, vm2;
	vm1 =	vmand vm1, vm3;
	vm3 =	vmmov vm2  }
0x104: {  	vm2 =	veq.s32 v22, v48;
	vm0 =	vmor vm0, vm1;
	vm1 =	vnez.u8 v50  }
0x105: {  	v51 =	vperm.xlane v22, v8;
	vm1 =	vmand vm2, vm1  }
0x106: {  	v55 =	vld [tilespmem:$0x1FFE0];
	vm0 =	vmor vm0, vm1;
	vm1 =	veq.s32 v22, v49  }
0x107: {  	v52 =	vperm.xlane v22, v9;
	vm2 =	veq.s32 v22, v51;
	vm1 =	vmand vm1, vm9  }
0x108: {  	vm0 =	vmor vm0, vm1;
	vm1 =	vmand vm2, vm7  }
0x109: {  	v53 =	vperm.xlane v22, v10;
	vm0 =	vmor vm0, vm1;
	vm1 =	veq.s32 v22, v52  }
0x10a: {  	v54 =	vperm.xlane v22, v11;
	vm1 =	vmand vm1, vm11  }
0x10b: {  	v59 =	vld [tilespmem:$0x1FFF0];
	vm2 =	veq.s32 v22, v53;
	vm0 =	vmor vm0, vm1;
	vm1 =	vnez.u8 v55  }
0x10c: {  	v56 =	vperm.xlane v22, v12;
	vm1 =	vmand vm2, vm1  }
0x10d: {  	vm0 =	vmor vm0, vm1;
	vm1 =	veq.s32 v22, v54  }
0x10e: {  	v57 =	vperm.xlane v22, v13;
	vm2 =	veq.s32 v22, v56;
	vm1 =	vmand vm1, vm8  }
0x10f: {  	v58 =	vperm.xlane v22, v14;
	vm0 =	vmor vm0, vm1;
	vm1 =	vmand vm2, vm10  }
0x110: {  	vm2 =	vnez.u8 v59;
	vm0 =	vmor vm0, vm1;
	vm1 =	veq.s32 v22, v57  }
0x111: {  	v60 =	vperm.xlane v22, v15;
	vm1 =	vmand vm1, vm2;
	vm2 =	veq.s32 v22, v58  }
0x112: {  	v61 =	vperm.xlane v22, v16;
	vm0 =	vmor vm0, vm1;
	vm1 =	vmand vm2, vm5  }
0x113: {  	v62 =	vperm.xlane v22, v18;
	vm0 =	vmor vm0, vm1;
	vm1 =	veq.s32 v22, v60  }
0x114: {  	v63 =	vperm.xlane v22, v17;
	vm2 =	veq.s32 v22, v61;
	vm1 =	vmand vm1, vm6  }
0x115: {  	vm2 =	vmand vm2, vm12;
	vm0 =	vmor vm0, vm1;
	vm1 =	veq.s32 v22, v62  }
0x116: {  	vm0 =	vmor vm0, vm2;
	vm2 =	veq.s32 v22, v63;
	vm1 =	vmand vm1, vm13  }
0x117: {  	vm0 =	vmor vm0, vm1;
	vm1 =	vmand vm2, vm14  }
0x118: {  	vm0 =	vmor vm0, vm1  }
0x119: {  	vm0 =	vmor vm15, vm0  }
0x11a: {  	p0 =	sne.s32 s20, $0x1;
	v20 =	vsel vm0, $0x7A12, v20  }
.Ltmp4:
0x11b: {  	_ = 	snop;
	(pc) =	sbr.rel @p0 .LBB2_6-.Ltmp4, $2  }
0x11c: {  	_ =	sdelay $0x2  }
0x11d: {  	s19 =	sadd.s32 $0x10, s19;
	s18 =	sadd.s32 $0x10, s18;
	s20 =	sadd.s32 $0xFFFFFFFF, s20;
	vm2 =	vmmov vm3;
	vm3 =	vmmov vm4;
	[tilespmem:v20+s11+$0x0] =	vst.idx.msk $0xffff, v21  }
0x11e: {  	p1 =	sne.s32 s17, $0x1  }
.Ltmp5:
0x11f: {  	_ = 	snop;
	(pc) =	sbr.rel @!p1 .LBB2_8-.Ltmp5, $2  }
0x120: {  	_ =	sdelay $0x2  }
0x121: {  	vm15 =	vmmov vm11;
	vm6 =	vmmov vm9;
	v20 =	vld [tilespmem:s16+$0x0];
	s17 =	sadd.s32 $0xFFFFFFFF, s17;
	p0 =	por $0x0, $0x0  }
0x122: {  	_ =	sdelay $0x3  }
0x123: {  	vm0 =	vgt.s32 v20, $0x0  }
0x124: {  	v21 =	vnsel vm0, $0x0, v20  }
0x125: {  	v21 =	vmin.u32 v21, $0x3FFF;
	_ =	sdelay $0x4  }
0x126: {  	v21 =	vld.idx.msk [tilespmem:v21+s3+$0x0], $0xffff;
	_ =	sdelay $0x4  }
0x127: {  	v22 =	vsub.s32 v21, v0  }
0x128: {  	vm0 =	vgt.s32 v22, $0x0  }
0x129: {  	v23 =	vor.u32 s15, v1;
	v22 =	vnsel vm0, $0x0, v22  }
0x12a: {  	vm0 =	vlt.s32 v23, v19;
	v22 =	vmin.u32 v22, $0x7A12  }
0x12b: {  	v22 =	vnsel vm0, $0x7A12, v22;
	_ =	sdelay $0x4  }
0x12c: {  	v22 =	vld.idx.msk [tilespmem:v22+s11+$0x0], $0xffff;
	_ =	sdelay $0x4  }
0x12d: {  	vm1 =	veq.s32 v22, v23  }
0x12e: {  	vm0 =	vmand vm0, vm1  }
0x12f: {  	v22 =	vsel vm0, $0x1, v2  }
0x130: {  	(xrf0) =	vadd.scan.msk.s32 $0xffff, v22;
	_ =	sdelay $0x2  }
0x131: {  	v22 =	vmov s15  }
0x132: {  	v22 =	vadd.s32 $0xFFFFFFFF, v22  }
0x133: {  	v22 =	vbroadcast v22, $0x0  }
0x134: {  	v23, _, _ =	vpop (xrf0)  }
0x135: {  	v22 =	vadd.s32 v23, v22;
	(v2sf) =	vpush v23, $0xF  }
0x136: {  	v22 =	vnsel vm0, $0x40BF, v22;
	_ =	sdelay $0x1  }
0x137: {  	p1 =	sne.s32 s17, $0x1  }
.Ltmp6:
0x138: {  	_ = 	snop;
	(pc) =	sbr.rel @!p1 .LBB2_10-.Ltmp6, $4  }
0x139: {  	_ = 	snop  }
0x13a: {  	[tilespmem:v22+s12+$0x0] =	vst.idx.msk $0xffff, v20  }
0x13b: {  	s18 =	sadd.s32 $0x10, s16;
	s19 =	sadd.s32 $0xFFFFFFFF, s17;
	[tilespmem:v22+s13+$0x0] =	vst.idx.msk $0xffff, v21  }
0x13c: {  	p0 =	por $0x1, $0x1;
	s16 =	simm.s32 $0x0;
	s17 =	simm.s32 $0x0;
	v20 =	vld [tilespmem:s18+$0x0]  }
.LBB2_11:
0x13d: {  	p1 =	sne.s32 s19, $0x1;
	_ =	sdelay $0x3  }
0x13e: {  	vm0 =	vgt.s32 v20, $0x0  }
0x13f: {  	v21 =	vnsel vm0, $0x0, v20  }
0x140: {  	v21 =	vmin.u32 v21, $0x3FFF;
	s20 =	spop (v2sf)  }
0x141: {  	s16 =	sadd.s32 s16, s20  }
0x142: {  	v22 =	vmov s16  }
0x143: {  	v22 =	vadd.s32 $0xFFFFFFFF, v22  }
0x144: {  	v22 =	vbroadcast v22, $0x0  }
0x145: {  	v21 =	vld.idx.msk [tilespmem:v21+s3+$0x0], $0xffff;
	_ =	sdelay $0x5  }
0x146: {  	v23 =	vsub.s32 v21, v0  }
0x147: {  	s17 =	sadd.s32 $0x10, s17;
	vm0 =	vgt.s32 v23, $0x0  }
0x148: {  	v24 =	vor.u32 s17, v1;
	v23 =	vnsel vm0, $0x0, v23  }
0x149: {  	vm0 =	vlt.s32 v24, v19;
	v23 =	vmin.u32 v23, $0x7A12  }
0x14a: {  	v23 =	vnsel vm0, $0x7A12, v23;
	_ =	sdelay $0x4  }
0x14b: {  	v23 =	vld.idx.msk [tilespmem:v23+s11+$0x0], $0xffff;
	_ =	sdelay $0x5  }
0x14c: {  	vm1 =	veq.s32 v23, v24  }
0x14d: {  	vm0 =	vmand vm0, vm1  }
0x14e: {  	v23 =	vsel vm0, $0x1, v2  }
0x14f: {  	(xrf0) =	vadd.scan.msk.s32 $0xffff, v23;
	_ =	sdelay $0x5  }
0x150: {  	v23, _, _ =	vpop (xrf0)  }
0x151: {  	v22 =	vadd.s32 v23, v22;
	(v2sf) =	vpush v23, $0xF  }
0x152: {  	v22 =	vnsel vm0, $0x40BF, v22;
	_ =	sdelay $0x2  }
.Ltmp7:
0x153: {  	(pc) =	sbr.rel @p1 .LBB2_11-.Ltmp7, $4  }
0x154: {  	_ = 	snop  }
0x155: {  	[tilespmem:v22+s12+$0x0] =	vst.idx.msk $0xffff, v20  }
0x156: {  	s18 =	sadd.s32 $0x10, s18;
	[tilespmem:v22+s13+$0x0] =	vst.idx.msk $0xffff, v21  }
0x157: {  	s19 =	sadd.s32 $0xFFFFFFFF, s19;
	v20 =	vld [tilespmem:s18+$0x0]  }
0x158: {  	vm7 =	vmmov vm15  }
.LBB2_13:
0x159: {  	_ =	sdelay $0x2  }
0x15a: {  	vm0 =	vgt.s32 v20, $0x0  }
0x15b: {  	v21 =	vnsel vm0, $0x0, v20  }
0x15c: {  	v21 =	vmin.u32 v21, $0x3FFF;
	_ =	sdelay $0x4  }
0x15d: {  	v21 =	vld.idx.msk [tilespmem:v21+s3+$0x0], $0xffff;
	_ =	sdelay $0x4  }
0x15e: {  	s17 =	sadd.s32 @p0 $0x10, s17;
	v22 =	vsub.s32 v21, v0  }
0x15f: {  	s15 =	smov.u32 @p0 s17;
	vm0 =	vgt.s32 v22, $0x0  }
0x160: {  	v23 =	vor.u32 s15, v1;
	v22 =	vnsel vm0, $0x0, v22  }
0x161: {  	vm0 =	vlt.s32 v23, v19;
	v19 =	vmin.u32 v22, $0x7A12  }
0x162: {  	v19 =	vnsel vm0, $0x7A12, v19;
	_ =	sdelay $0x4  }
0x163: {  	v19 =	vld.idx.msk [tilespmem:v19+s11+$0x0], $0xffff;
	_ =	sdelay $0x4  }
0x164: {  	vm1 =	veq.s32 v19, v23  }
0x165: {  	vm0 =	vmand vm0, vm1  }
0x166: {  	v19 =	vsel vm0, $0x1, v2  }
0x167: {  	(xrf0) =	vadd.scan.msk.s32 $0xffff, v19;
	_ =	sdelay $0x5  }
0x168: {  	v19, _, _ =	vpop (xrf0)  }
0x169: {  	(v2sf) =	vpush v19, $0xF;
	_ =	sdelay $0x8  }
0x16a: {  	s15 =	spop @p0 (v2sf)  }
0x16b: {  	s15 =	sadd.s32 @p0 s16, s15;
	s16 =	simm.s32 $0x0  }
0x16c: {  	s16 =	smov.u32 @p0 s15  }
0x16d: {  	v63 =	vmov s16  }
0x16e: {  	v22 =	vadd.s32 $0xFFFFFFFF, v63  }
0x16f: {  	v22 =	vbroadcast v22, $0x0  }
0x170: {  	s31 =	spop (v2sf)  }
0x171: {  	v19 =	vadd.s32 v19, v22;
	s15 =	sadd.s32 s16, s31  }
0x172: {  	v19 =	vnsel vm0, $0x40BF, v19;
	p0 =	slt.s32 s15, $0x1  }
0x173: {  	s16 =	sadd.s32 @!p0 $0xFFFFFFFF, s15  }
0x174: {  	v22 =	vmov @!p0 s16;
	_ =	sdelay $0x2  }
0x175: {  	[tilespmem:v19+s12+$0x0] =	vst.idx.msk $0xffff, v20  }
0x176: {  	[tilespmem:v19+s13+$0x0] =	vst.idx.msk $0xffff, v21;
	s16 =	simm.s32 @!p0 $0x80C0  }
0x177: {  	v19 =	vld.idx.msk @!p0 [tilespmem:v22+s16+$0x0], $0xffff;
	s16 =	simm.s32 @!p0 $0xC180  }
0x178: {  	v20 =	vld.idx.msk @!p0 [tilespmem:v22+s16+$0x0], $0xffff;
	_ =	sdelay $0x3  }
0x179: {  	[tilespmem:s15+$0x80C0] =	vst @!p0 v19  }
0x17a: {  	s16 =	sand.u32 @!p0 $0x7FFFFFFF, s15;
	[tilespmem:s15+$0xC180] =	vst @!p0 v20  }
0x17b: {  	[tilespmem:s16+$0x80D0] =	vst @!p0 v19  }
0x17c: {  	[tilespmem:s16+$0x80E0] =	vst @!p0 v19  }
0x17d: {  	[tilespmem:s16+$0x80F0] =	vst @!p0 v19  }
0x17e: {  	[tilespmem:s16+$0x8100] =	vst @!p0 v19  }
0x17f: {  	[tilespmem:s16+$0x8110] =	vst @!p0 v19  }
0x180: {  	[tilespmem:s16+$0x8120] =	vst @!p0 v19  }
0x181: {  	[tilespmem:s16+$0x8130] =	vst @!p0 v19;
	v19 =	vld [tilespmem:$0x1FFB0];
	_ =	sdelay $0x3  }
0x182: {  	[tilespmem:s16+$0xC190] =	vst @!p0 v20  }
0x183: {  	[tilespmem:s16+$0xC1A0] =	vst @!p0 v20;
	vm4 =	vnez.u8 v19;
	v19 =	vld [tilespmem:$0x1FFC0]  }
.Ltmp8:
0x184: {  	[tilespmem:s16+$0xC1B0] =	vst @!p0 v20;
	(pc) =	sbr.rel .LBB2_14-.Ltmp8, $4  }
0x185: {  	[tilespmem:s16+$0xC1C0] =	vst @!p0 v20  }
0x186: {  	[tilespmem:s16+$0xC1D0] =	vst @!p0 v20  }
0x187: {  	[tilespmem:s16+$0xC1E0] =	vst @!p0 v20  }
0x188: {  	vm1 =	vmmov vm6;
	[tilespmem:s16+$0xC1F0] =	vst @!p0 v20;
	vm6 =	vnez.u8 v19  }
.LBB2_8:
.Ltmp9:
0x189: {  	(pc) =	sbr.rel .LBB2_13-.Ltmp9, $2  }
0x18a: {  	_ =	sdelay $0x2  }
0x18b: {  	s16 =	simm.s32 $0x0;
	s17 =	simm.s32 $0x0;
	vm7 =	vmmov vm15  }
.LBB2_10:
.Ltmp10:
0x18c: {  	(pc) =	sbr.rel .LBB2_13-.Ltmp10, $2  }
0x18d: {  	_ =	sdelay $0x2  }
0x18e: {  	s16 =	simm.s32 $0x0;
	s17 =	simm.s32 $0x0;
	vm7 =	vmmov vm15  }
.LBB2_15:
0x18f: {  	_ =	sfence.sel $0x180000  }
0x190: {  	[bflag:$0x0] =	sbarrier.arrive $0xFFFF  }
0x191: {  	p0 =	sne.s32 s0, $0x0;
	_ =	strace $0x90000047  }
0x192: {  	s0 =	sadd.s32 @!p0 $0x100000, s2;
	[bflag:$0x2] =	sbarrier.arrive $0xFFFF  }
0x193: {  	[sflag:s0] =	ssyncadd.tile.s32 @!p0 $0x1;
	_ =	shalt  }
.Lfunc_end2:
_tile_overlayer_lowered:
.L_overlay_start_2:
0x194: {  	(tag) =	ssettag $0x2  }
0x195: {  	s0 =	rddreg [dreg:$0x0];
	s2 =	stileid.u32  }
0x196: {  	s1 =	rddreg [dreg:$0x1];
	p0 =	sne.s32 s2, $0x0  }
0x197: {  	s3 =	rddreg [dreg:$0x2];
	[bflag:$0x3] =	sbarrier.arrive $0xFFFF;
	s2 =	simm.s32 @!p0 $0x1C02  }
0x198: {  	[timem:s3], [sflag:s2] =	dma.local @!p0 [hbm:s0], s1  }
0x199: {  	s0 =	simm.s32 @!p0 $0x2  }
0x19a: {  	_ =	swait.ge @!p0 [sflag:s0], s1  }
0x19b: {  	s1 =	ssub.s32 @!p0 $0x0, s1;
	[sflag:s0] =	ssyncset.done @!p0 $0x0  }
0x19c: {  	[sflag:s0] =	ssyncadd.s32 @!p0 s1  }
0x19d: {  	[bflag:$0x3] =	sbarrier.arrive $0xFFFF  }
0x19e: {  	_ =	shalt  }

// kernel: kernel.7.cloned.1.call-start
scs
__scs_entry_jumppad:
0x0: {  	(pc) =	sbr.rel $0x88, $3  }
0x1: {  	(tag) =	ssettag $0x0;
	lr =	simm.s32 $0x1  }
0x2: {  	[smem:$0x3F9A] =	sst lr;
	_ =	strace $0xD0000000  }
0x3: {  	_ = 	snop  }
0x4: {  	_ = 	snop  }
0x5: {  	_ = 	snop  }
0x6: {  	_ = 	snop  }
0x7: {  	_ = 	snop  }
__scs_overlays_trampoline_lowered:
0x8: {  	[smem:$0x3FA9] =	sst s0  }
0x9: {  	[smem:$0x3FAA] =	sst s1  }
0xa: {  	[smem:$0x3FAB] =	sst s2  }
0xb: {  	[smem:$0x3FAC] =	sst s3  }
0xc: {  	[smem:$0x3FAD] =	sst s4  }
0xd: {  	[smem:$0x3FAE] =	sst s5  }
0xe: {  	[smem:$0x3FAF] =	sst s6  }
0xf: {  	[smem:$0x3FB0] =	sst s7  }
0x10: {  	[smem:$0x3FB1] =	sst s8  }
0x11: {  	[smem:$0x3FB2] =	sst s9;
	s0 =	simm.s32 @!p0 $0x0  }
0x12: {  	s1 =	sld [smem:$0x3F98];
	s0 =	simm.s32 @p0 $0x1  }
0x13: {  	[smem:$0x3FB3] =	sst s0;
	s0 =	simm.s32 @!p1 $0x0  }
0x14: {  	s2 =	sld [smem:$0x3F97];
	s0 =	simm.s32 @p1 $0x1  }
0x15: {  	[smem:$0x3FB4] =	sst s0;
	s0 =	simm.s32 @!p2 $0x0  }
0x16: {  	s3 =	sld [smem:$0x3FDB];
	s0 =	simm.s32 @p2 $0x1  }
0x17: {  	s4 =	simm.s32 $0x1BF5;
	[smem:$0x3FB6] =	sst s0  }
0x18: {  	s0 =	sld [smem:$0x3F99];
	_ =	swait.ge [sflag:s4], $0x0  }
0x19: {  	s7 =	sld [smem:$0x3F9A]  }
0x1a: {  	s8 =	sadd.s32 $0xFFFFE003, lr  }
0x1b: {  	s9 =	sadd.s32 $0xFFFFFEF7, lr;
	s5 =	simm.s32 $0xFFFFFFFF;
	p2 =	slt.u32 s8, $0xFFFFF086  }
0x1c: {  	p1 =	slt.u32 s9, $0xF7A;
	s5 =	simm.s32 @!p2 $0x0  }
0x1d: {  	s5 =	simm.s32 @p1 $0x1;
	p0 =	seq.s32 s7, s2  }
0x1e: {  	s7 =	smul.u32 @!p0 $0xF7A, s2;
	p2 =	seq.s32 @!p0 s5, $0x0  }
0x1f: {  	s9 =	smul.u32 $0xF7A, s1;
	s8 =	simm.s32 @!p0 $0x1BF5;
	p2 =	por !p2, p0  }
0x20: {  	[sflag:s8] =	ssyncset.s32 @!p0 $0xFFFFF086;
	s6 =	sadd.s32 @!p0 s3, s7;
	s7 =	simm.s32 @!p0 $0x108  }
0x21: {  	s3 =	sadd.s32 s3, s9;
	s6 =	sadd.s32 @!p0 $0x88, s6;
	s7 =	simm.s32 @p2 $0x1082  }
0x22: {  	[simem:s7], [sflag:s8] =	dma.local @!p0 [hbm:s6], $0xF7A  }
0x23: {  	s9 =	sor.u32 $0xD0000000, s2;
	s6 =	simm.s32 $0x108;
	_ =	swait.ge @!p0 [sflag:s8], $0x0  }
0x24: {  	s3 =	sadd.s32 $0x88, s3;
	s6 =	simm.s32 @!p1 $0x1082;
	[sflag:s4] =	ssyncset.s32 $0xFFFFF086  }
0x25: {  	[simem:s6], [sflag:s4] =	dma.local [hbm:s3], $0xF7A  }
0x26: {  	[smem:$0x3F9A] =	sst s1;
	(tag) =	ssettag s2;
	_ =	strace s9  }
0x27: {  	s1 =	sld [smem:$0x3FAA]  }
0x28: {  	s2 =	sld [smem:$0x3FAB]  }
0x29: {  	s4 =	sld [smem:$0x3FAD]  }
0x2a: {  	p0 =	seq.s32 s5, $0x0;
	s5 =	sld [smem:$0x3FAE]  }
0x2b: {  	s6 =	sld [smem:$0x3FAF]  }
0x2c: {  	s7 =	sld [smem:$0x3FB0]  }
0x2d: {  	s3 =	simm.s32 $0x108;
	s8 =	sld [smem:$0x3FB1]  }
0x2e: {  	s3 =	simm.s32 @!p0 $0x1082;
	s9 =	sld [smem:$0x3FB2]  }
0x2f: {  	lr =	sadd.s32 s0, s3;
	s0 =	sld [smem:$0x3FA9]  }
0x30: {  	s3 =	sld [smem:$0x3FAC]  }
0x31: {  	[smem:$0x3FB5] =	sst s10  }
0x32: {  	s10 =	sld [smem:$0x3FB3];
	_ =	sdelay $0x3  }
0x33: {  	p0 =	seq.s32 s10, $0x1;
	s10 =	sld [smem:$0x3FB5];
	_ =	sdelay $0x3  }
0x34: {  	[smem:$0x3FB5] =	sst s10  }
0x35: {  	s10 =	sld [smem:$0x3FB4];
	_ =	sdelay $0x3  }
0x36: {  	p1 =	seq.s32 s10, $0x1;
	s10 =	sld [smem:$0x3FB5];
	_ =	sdelay $0x3  }
0x37: {  	[smem:$0x3FB5] =	sst s10  }
0x38: {  	s10 =	sld [smem:$0x3FB6]  }
0x39: {  	_ = 	snop;
	(pc) =	sbr.ind lr, $3  }
0x3a: {  	_ = 	snop  }
0x3b: {  	_ = 	snop  }
0x3c: {  	p2 =	seq.s32 s10, $0x1;
	s10 =	sld [smem:$0x3FB5]  }
0x3d: {  	_ =	shalt  }
0x3e: {  	_ =	shalt  }
0x3f: {  	_ =	shalt  }
0x40: {  	_ =	shalt  }
0x41: {  	_ =	shalt  }
0x42: {  	_ =	shalt  }
0x43: {  	_ =	shalt  }
0x44: {  	_ =	shalt  }
0x45: {  	_ =	shalt  }
0x46: {  	_ =	shalt  }
0x47: {  	_ =	shalt  }
0x48: {  	_ =	shalt  }
0x49: {  	_ =	shalt  }
0x4a: {  	_ =	shalt  }
0x4b: {  	_ =	shalt  }
0x4c: {  	_ =	shalt  }
0x4d: {  	_ =	shalt  }
0x4e: {  	_ =	shalt  }
0x4f: {  	_ =	shalt  }
0x50: {  	_ =	shalt  }
0x51: {  	_ =	shalt  }
0x52: {  	_ =	shalt  }
0x53: {  	_ =	shalt  }
0x54: {  	_ =	shalt  }
0x55: {  	_ =	shalt  }
0x56: {  	_ =	shalt  }
0x57: {  	_ =	shalt  }
0x58: {  	_ =	shalt  }
0x59: {  	_ =	shalt  }
0x5a: {  	_ =	shalt  }
0x5b: {  	_ =	shalt  }
0x5c: {  	_ =	shalt  }
0x5d: {  	_ =	shalt  }
0x5e: {  	_ =	shalt  }
0x5f: {  	_ =	shalt  }
0x60: {  	_ =	shalt  }
0x61: {  	_ =	shalt  }
0x62: {  	_ =	shalt  }
0x63: {  	_ =	shalt  }
0x64: {  	_ =	shalt  }
0x65: {  	_ =	shalt  }
0x66: {  	_ =	shalt  }
0x67: {  	_ =	shalt  }
0x68: {  	_ =	shalt  }
0x69: {  	_ =	shalt  }
0x6a: {  	_ =	shalt  }
0x6b: {  	_ =	shalt  }
0x6c: {  	_ =	shalt  }
0x6d: {  	_ =	shalt  }
0x6e: {  	_ =	shalt  }
0x6f: {  	_ =	shalt  }
0x70: {  	_ =	shalt  }
0x71: {  	_ =	shalt  }
0x72: {  	_ =	shalt  }
0x73: {  	_ =	shalt  }
0x74: {  	_ =	shalt  }
0x75: {  	_ =	shalt  }
0x76: {  	_ =	shalt  }
0x77: {  	_ =	shalt  }
0x78: {  	_ =	shalt  }
0x79: {  	_ =	shalt  }
0x7a: {  	_ =	shalt  }
0x7b: {  	_ =	shalt  }
0x7c: {  	_ =	shalt  }
0x7d: {  	_ =	shalt  }
0x7e: {  	_ =	shalt  }
0x7f: {  	_ =	shalt  }
0x80: {  	_ =	shalt  }
0x81: {  	_ =	shalt  }
0x82: {  	_ =	shalt  }
0x83: {  	_ =	shalt  }
0x84: {  	_ =	shalt  }
0x85: {  	_ =	shalt  }
0x86: {  	_ =	shalt  }
0x87: {  	_ =	shalt  }
.Lfunc_end0:
.L_simem_size_0:
called_computation.2_lowered:
.L_overlay_start_0:
0x88: {  	s2 =	sld [smem:$0x3FD9]  }
0x89: {  	s3 =	sld [smem:$0x3FFE];
	_ =	sdelay $0x1  }
0x8a: {  	s1 =	srdreg.scid  }
0x8b: {  	s0 =	sand.u32 $0x1, s1  }
0x8c: {  	s14 =	sshll.u32 s0, $0xA;
	s2 =	sadd.s32 s3, s2  }
0x8d: {  	s2 =	sadd.s32 s2, s14  }
0x8e: {  	[smem:$0x3FC1] =	sst s2  }
0x8f: {  	_ = 	snop  }
0x90: {  	s2 =	sld [smem:$0x3FD0];
	_ =	sdelay $0x2  }
0x91: {  	s4 =	simm.s32 $0xA;
	s5 =	simm.s32 $0x10;
	s15 =	sld [smem:$0x3FC8]  }
0x92: {  	[smem:s5], [sflag:s4] =	dma.local [hbm:s2], $0x1  }
0x93: {  	_ =	swait.eq [sflag:s4], $0x1  }
0x94: {  	s16 =	sld [smem:$0x10];
	[sflag:s4] =	ssyncset.done $0x0  }
0x95: {  	s17 =	sld [smem:$0x11];
	[sflag:s4] =	ssyncadd.s32 $0xFFFFFFFF  }
0x96: {  	s18 =	sld [smem:$0x12];
	(tm) =	ssettm $0x1  }
0x97: {  	s6 =	sld [smem:$0x3FFB];
	_ =	sdelay $0x3  }
0x98: {  	_ =	strace s6  }
0x99: {  	s6 =	sld [smem:$0x3FFC];
	_ =	sdelay $0x3  }
0x9a: {  	_ =	strace s6  }
0x9b: {  	s6 =	sld [smem:$0x3FFD];
	_ =	sdelay $0x3  }
0x9c: {  	_ =	strace s6  }
0x9d: {  	_ =	strace $0x8FFFFFFF  }
0x9e: {  	s19 =	sld [smem:$0x3FDB];
	_ =	sdelay $0x1  }
0x9f: {  	s7 =	simm.s32 $_scs_section_size  }
0xa0: {  	s8 =	simm.s32 $_size__tile_overlayer_lowered;
	s9 =	simm.s32 $_tile_overlayer_lowered  }
0xa1: {  	s22 =	simm.s32 $0x1BFF;
	s21 =	sshll.u32 s9, $0x1;
	s6 =	sadd.s32 s7, s19  }
0xa2: {  	s10 =	simm.s32 $0x0;
	s20 =	sshll.u32 s8, $0x1;
	s8 =	sadd.s32 s21, s6  }
0xa3: {  	[timem:s10], [sflag:s22] =	dma.local [hbm:s8], s20  }
0xa4: {  	_ =	swait.ge [sflag:s22], s20  }
0xa5: {  	s7 =	ssub.s32 $0x0, s20;
	[sflag:s22] =	ssyncset.done $0x0  }
0xa6: {  	[sflag:s22] =	ssyncadd.s32 s7;
	_ =	sdelay $0x1  }
0xa7: {  	s23 =	simm.s32 $0x1B8B  }
0xa8: {  	_ =	swait.ge [sflag:s23], $0x1  }
0xa9: {  	[sflag:s23] =	ssyncset.done $0x0  }
0xaa: {  	s25 =	simm.s32 $0x1B8E;
	s24 =	sld [smem:$0x3FFE];
	[sflag:s23] =	ssyncadd.s32 $0xFFFFFFFF  }
0xab: {  	s26 =	simm.s32 $execute0_lowered;
	[smem:$0x3FD2] =	sst s25  }
0xac: {  	s8 =	sshll.u32 s26, $0x1;
	_ =	strace $0x80000049;
	[dreg:$0x1] =	wrdreg $0xFFFFFFFF  }
0xad: {  	s28 =	simm.s32 $_size_execute0_lowered;
	s6 =	sadd.s32 s6, s8;
	[dreg:$0x0] =	wrdreg $0x0  }
0xae: {  	s8 =	sshll.u32 s28, $0x1;
	[dreg:$0x2] =	wrdreg s6  }
0xaf: {  	[dreg:$0x3] =	wrdreg s8  }
0xb0: {  	[dreg:$0x4] =	wrdreg $0xC0  }
0xb1: {  	_ =	task [dreg:s10], $0x5FFFF  }
0xb2: {  	[dreg:$0x1] =	wrdreg $0xFFFFFFFF  }
0xb3: {  	[dreg:$0x0] =	wrdreg $0x60  }
0xb4: {  	[dreg:$0x2] =	wrdreg s24  }
0xb5: {  	[dreg:$0x3] =	wrdreg s15  }
0xb6: {  	[dreg:$0x4] =	wrdreg s16  }
0xb7: {  	[dreg:$0x5] =	wrdreg s17  }
0xb8: {  	[dreg:$0x6] =	wrdreg s18  }
0xb9: {  	[dreg:$0x7] =	wrdreg $0x9  }
0xba: {  	_ =	task.clear_ibuf [dreg:s10], $0x8FFFF;
	_ =	strace $0x90000049  }
0xbb: {  	s29 =	simm.s32 $0x9;
	_ =	strace $0x8000004B  }
0xbc: {  	_ =	swait.ge [sflag:s29], $0x1  }
0xbd: {  	[sflag:s29] =	ssyncadd.s32 $0xFFFFFFFF  }
0xbe: {  	_ =	strace $0x9000004B  }
0xbf: {  	_ =	sfence  }
0xc0: {  	s30 =	sld [smem:$0x0];
	_ =	sdelay $0x2  }
0xc1: {  	s31 =	sshll.u32 s1, $0xD;
	s1 =	sshrl.u32 s1, $0x2  }
0xc2: {  	s3 =	sand.u32 $0x4000, s31;
	s1 =	sadd.s32 s1, s30  }
0xc3: {  	s0 =	sor.u32 s3, s0;
	s1 =	sshll.u32 s1, $0x11  }
0xc4: {  	s0 =	sor.u32 s1, s0  }
0xc5: {  	s0 =	sadd.s32 $0x8F2B, s0  }
0xc6: {  	[sflag:s0] =	ssyncadd.remote.s32 $0x1  }
0xc7: {  	_ =	sfence.sel $0xFFFF  }
0xc8: {  	[dreg:$0x0] =	wrdreg $0xFFFFFFFF;
	(pc) =	sbr.abs _section_cstart, $3  }
0xc9: {  	[dreg:$0x1] =	wrdreg $0xFFFFFFFF  }
0xca: {  	_ =	task.clear_ibuf [dreg:s10], $0x2FFFF;
	_ =	strace $0x9FFFFFFF  }
0xcb: {  	(tm) =	ssettm $0x7FFFFFFF  }
tec
execute0_lowered:
.L_overlay_start_1:
0x0: {  	(tag) =	ssettag $0x1  }
0x1: {  	s0 =	rddreg [dreg:$0x0]  }
0x2: {  	s1 =	rddreg [dreg:$0x1]  }
0x3: {  	s2 =	rddreg [dreg:$0x2]  }
0x4: {  	s4 =	rddreg [dreg:$0x3]  }
0x5: {  	s5 =	rddreg [dreg:$0x4];
	s3 =	srdreg.scid  }
0x6: {  	s7 =	stileid.u32;
	s6 =	simm.s32 $0x0;
	s13 =	simm.s32 $0x40C0  }
0x7: {  	s14 =	simm.s32 $0x8180;
	s15 =	simm.s32 $0xEA90;
	s16 =	simm.s32 $0x3  }
0x8: {  	s17 =	simm.s32 $0x1;
	s18 =	simm.s32 $0x80;
	s19 =	simm.s32 $0x8190  }
0x9: {  	s20 =	simm.s32 $0x8790;
	s21 =	simm.s32 $0xE790;
	s25 =	simm.s32 $0x8490  }
0xa: {  	s28 =	simm.s32 $0x8710;
	s3 =	sand.u32 $0x1, s3;
	s7 =	sshll.u32 s7, $0x1  }
0xb: {  	s29 =	simm.s32 $0x8510;
	s31 =	simm.s32 $0x0;
	s9 =	sor.u32 s3, s7  }
0xc: {  	[smem:$0x7FF] =	sst s6;
	s8 =	sadd.s32 $0x32200, s0;
	s10 =	smul.u32 $0x818, s9  }
.Ltmp0:
0xd: {  	_ =	strace $0x8000004A;
	s3 =	ssub.s32 $0x2, s3;
	(pc) =	sbr.rel .LBB2_1-.Ltmp0, $4  }
0xe: {  	s7 =	sadd.s32 $0x22200, s0;
	s9 =	sshll.u32 s9, $0x1;
	s30 =	sshrl.u32 s3, $0x1  }
0xf: {  	s3 =	ssub.s32 s3, s30;
	s10 =	sadd.s32 s10, s0;
	s0 =	sadd.s32 s9, s0  }
0x10: {  	s12 =	smax.u32 s3, $0x1;
	s3 =	simm.s32 $0x8690;
	s9 =	sadd.s32 $0x1800, s10  }
0x11: {  	s10 =	sadd.s32 $0x11C00, s10;
	s11 =	sadd.s32 $0x22000, s0;
	s0 =	simm.s32 $0x2  }
.LBB2_28:
0x12: {  	[sflag:s0] =	ssyncadd.s32 $0xFFFFFF80  }
.LBB2_29:
0x13: {  	s31 =	sadd.s32 $0x1, s31  }
0x14: {  	p0 =	sne.s32 s31, s12  }
.Ltmp1:
0x15: {  	_ = 	snop;
	(pc) =	sbr.rel @!p0 .LBB2_30-.Ltmp1, $1  }
0x16: {  	_ =	sdelay $0x3  }
.LBB2_1:
0x17: {  	[tilespmem:s6], [sflag:$0x1] =	stream.linear.gather [hbm4b:s9+s6], $0x40C0, $0x38;
	[tilespmem:$0xEB10] =	vst v63  }
0x18: {  	_ = 	snop  }
0x19: {  	[tilespmem:s13], [sflag:$0x1] =	stream.linear.gather [hbm4b:s10+s6], $0x40C0, $0x38;
	[tilespmem:$0xEB10] =	vst v63  }
0x1a: {  	_ = 	snop  }
0x1b: {  	[tilespmem:s14], [sflag:$0x1] =	stream.linear.gather [hbm4b:s11+s6], $0x10, $0x38;
	[tilespmem:$0xEB10] =	vst v63  }
0x1c: {  	_ = 	snop  }
0x1d: {  	[tilespmem:s15], [sflag:$0x3] =	stream.linear.gather [hbm4b:s8+s6], $0x10, $0x38;
	[tilespmem:$0xEB10] =	vst v63  }
0x1e: {  	_ =	swait.ge [sflag:s16], $0x10  }
0x1f: {  	[sflag:s16] =	ssyncset.done $0x0  }
0x20: {  	[sflag:s16] =	ssyncadd.s32 $0xFFFFFFF0  }
0x21: {  	v0 =	vld [tilespmem:$0xEA90];
	_ =	sdelay $0x4  }
0x22: {  	[tilespmem:$0xEAA0] =	vst v0  }
0x23: {  	[tilespmem:$0xEAB0] =	vst v0  }
0x24: {  	[tilespmem:$0xEAC0] =	vst v0  }
0x25: {  	[tilespmem:$0xEAD0] =	vst v0  }
0x26: {  	[tilespmem:$0xEAE0] =	vst v0  }
0x27: {  	[tilespmem:$0xEAF0] =	vst v0  }
0x28: {  	[tilespmem:$0xEB00] =	vst v0  }
0x29: {  	_ =	swait.ge [sflag:s17], $0x40C0  }
0x2a: {  	[sflag:s17] =	ssyncset.done $0x0  }
0x2b: {  	[sflag:s17] =	ssyncadd.s32 $0xFFFFBF40  }
0x2c: {  	_ =	swait.ge [sflag:s17], $0x40C0  }
0x2d: {  	[sflag:s17] =	ssyncset.done $0x0  }
0x2e: {  	[sflag:s17] =	ssyncadd.s32 $0xFFFFBF40  }
0x2f: {  	_ =	swait.ge [sflag:s17], $0x10  }
0x30: {  	[sflag:s17] =	ssyncset.done $0x0  }
0x31: {  	[sflag:s17] =	ssyncadd.s32 $0xFFFFFFF0  }
0x32: {  	v63 =	vld [tilespmem:$0x8180];
	_ =	sdelay $0x4  }
0x33: {  	v0 =	vxor.u32 $0x80000000, v63  }
0x34: {  	(xrf0) =	vmax.scan.msk.u32 $0xffff, v0;
	_ =	sdelay $0x5  }
0x35: {  	v0, _, _ =	vpop (xrf0)  }
0x36: {  	(v2sf) =	vpush v0, $0xF;
	_ =	sdelay $0xe  }
0x37: {  	s22 =	spop (v2sf)  }
0x38: {  	p0 =	slt.u32 s22, $0x80000001  }
0x39: {  	s22 =	sadd.s32 @!p0 $0x8000007F, s22  }
0x3a: {  	s23 =	sand.u32 @!p0 $0x7F, s22  }
0x3b: {  	p1 =	slt.s32 @!p0 s22, $0x0;
	p2 =	sne.s32 @!p0 s23, $0x0  }
0x3c: {  	s23 =	sshra.s32 @!p0 s22, $0x1F;
	p1 =	por @!p0 !p1, !p2  }
0x3d: {  	s23 =	sshrl.u32 @!p0 s23, $0x19;
	p1 =	por @!p0 !p1, !p1  }
0x3e: {  	s22 =	sadd.s32 @!p0 s23, s22;
	s23 =	simm.s32 @!p0 $0x1;
	p2 =	por !p1, p0  }
0x3f: {  	s22 =	sshra.s32 @!p0 s22, $0x7;
	s23 =	simm.s32 @p2 $0x0  }
0x40: {  	s23 =	ssub.s32 @!p0 s22, s23  }
0x41: {  	p1 =	slt.s32 @!p0 s23, $0x1  }
0x42: {  	p1 =	por p0, p1  }
.Ltmp2:
0x43: {  	_ = 	snop;
	(pc) =	sbr.rel @p1 .LBB2_29-.Ltmp2, $1  }
0x44: {  	_ =	sdelay $0x3  }
0x45: {  	v0 =	vld [tilespmem:$0x0]  }
0x46: {  	v1 =	vld [tilespmem:$0x40C0]  }
0x47: {  	v2 =	vld [tilespmem:$0x10]  }
0x48: {  	v3 =	vld [tilespmem:$0x40D0]  }
0x49: {  	v4 =	vld [tilespmem:$0x20]  }
0x4a: {  	v53 =	vld [tilespmem:$0x40E0];
	[tilespmem:$0x8190] =	vst v0  }
0x4b: {  	v54 =	vld [tilespmem:$0x30];
	[tilespmem:$0x8490] =	vst v1  }
0x4c: {  	v55 =	vld [tilespmem:$0x40F0];
	[tilespmem:$0x81A0] =	vst v2  }
0x4d: {  	v56 =	vld [tilespmem:$0x40];
	[tilespmem:$0x84A0] =	vst v3  }
0x4e: {  	v57 =	vld [tilespmem:$0x4100];
	[tilespmem:$0x81B0] =	vst v4  }
0x4f: {  	v58 =	vld [tilespmem:$0x50];
	[tilespmem:$0x84B0] =	vst v53  }
0x50: {  	v59 =	vld [tilespmem:$0x4110];
	[tilespmem:$0x81C0] =	vst v54  }
0x51: {  	v60 =	vld [tilespmem:$0x60];
	[tilespmem:$0x84C0] =	vst v55  }
0x52: {  	v61 =	vld [tilespmem:$0x4120];
	[tilespmem:$0x81D0] =	vst v56  }
0x53: {  	v62 =	vld [tilespmem:$0x70];
	[tilespmem:$0x84D0] =	vst v57  }
0x54: {  	v63 =	vld [tilespmem:$0x4130];
	[tilespmem:$0x81E0] =	vst v58  }
0x55: {  	[tilespmem:$0x84E0] =	vst v59  }
0x56: {  	[tilespmem:$0x81F0] =	vst v60  }
0x57: {  	[tilespmem:$0x84F0] =	vst v61  }
0x58: {  	[tilespmem:$0x8200] =	vst v62  }
0x59: {  	s24 =	simm.s32 @!p2 $0x0;
	[tilespmem:$0x8500] =	vst v63  }
0x5a: {  	[tilespmem:s20], [sflag:$0x1] =	stream.indirect.gather [hbm4b:s7+s18], $0x20, s19, s18, $0xb8;
	[tilespmem:$0xEB10] =	vst v63  }
0x5b: {  	s24 =	simm.s32 @p2 $0x1;
	p2 =	seq.s32 s23, $0x1  }
0x5c: {  	[tilespmem:s21], [sflag:$0x1] =	stream.indirect.gather [hbm4b:s1+s18], $0x1, s19, s18, $0xb8;
	[tilespmem:$0xEB10] =	vst v63  }
0x5d: {  	v0 =	vld @!p2 [tilespmem:$0x80]  }
0x5e: {  	v1 =	vld @!p2 [tilespmem:$0x4140]  }
0x5f: {  	v2 =	vld @!p2 [tilespmem:$0x90]  }
0x60: {  	v3 =	vld @!p2 [tilespmem:$0x4150]  }
0x61: {  	v4 =	vld @!p2 [tilespmem:$0xA0]  }
0x62: {  	[tilespmem:$0x8210] =	vst @!p2 v0;
	v0 =	vld @!p2 [tilespmem:$0x4160]  }
0x63: {  	[tilespmem:$0x8510] =	vst @!p2 v1;
	v1 =	vld @!p2 [tilespmem:$0xB0]  }
0x64: {  	[tilespmem:$0x8220] =	vst @!p2 v2;
	v2 =	vld @!p2 [tilespmem:$0x4170]  }
0x65: {  	[tilespmem:$0x8520] =	vst @!p2 v3;
	v3 =	vld @!p2 [tilespmem:$0xC0]  }
0x66: {  	[tilespmem:$0x8230] =	vst @!p2 v4;
	v4 =	vld @!p2 [tilespmem:$0x4180]  }
0x67: {  	[tilespmem:$0x8530] =	vst @!p2 v0;
	v0 =	vld @!p2 [tilespmem:$0xD0]  }
0x68: {  	[tilespmem:$0x8240] =	vst @!p2 v1;
	v1 =	vld @!p2 [tilespmem:$0x4190]  }
0x69: {  	[tilespmem:$0x8540] =	vst @!p2 v2;
	v2 =	vld @!p2 [tilespmem:$0xE0]  }
0x6a: {  	[tilespmem:$0x8250] =	vst @!p2 v3;
	v3 =	vld @!p2 [tilespmem:$0x41A0]  }
0x6b: {  	[tilespmem:$0x8550] =	vst @!p2 v4;
	v4 =	vld @!p2 [tilespmem:$0xF0]  }
0x6c: {  	[tilespmem:$0x8260] =	vst @!p2 v0;
	v0 =	vld @!p2 [tilespmem:$0x41B0]  }
0x6d: {  	[tilespmem:$0x8560] =	vst @!p2 v1  }
0x6e: {  	[tilespmem:$0x8270] =	vst @!p2 v2  }
0x6f: {  	[tilespmem:$0x8570] =	vst @!p2 v3  }
0x70: {  	[smem:$0x7FD] =	sst s24;
	s24 =	simm.s32 @!p2 $0x80;
	[tilespmem:$0x8280] =	vst @!p2 v4  }
0x71: {  	s26 =	simm.s32 @!p2 $0x8210;
	s30 =	simm.s32 @!p2 $0x9790;
	p1 =	slt.u32 @!p2 s23, $0x3;
	[tilespmem:$0x8580] =	vst @!p2 v0  }
0x72: {  	[tilespmem:s30], [sflag:$0x1] =	stream.indirect.gather @!p2 [hbm4b:s7+s24], $0x20, s26, s24, $0xb8;
	[tilespmem:$0xEB10] =	vst v63  }
0x73: {  	p4 =	por p2, p1;
	s30 =	simm.s32 @!p2 $0xE810  }
0x74: {  	[tilespmem:s30], [sflag:$0x1] =	stream.indirect.gather @!p2 [hbm4b:s1+s24], $0x1, s26, s24, $0xb8;
	[tilespmem:$0xEB10] =	vst v63  }
0x75: {  	v0 =	vld @!p4 [tilespmem:$0x100]  }
0x76: {  	v1 =	vld @!p4 [tilespmem:$0x41C0]  }
0x77: {  	v2 =	vld @!p4 [tilespmem:$0x110]  }
0x78: {  	v3 =	vld @!p4 [tilespmem:$0x41D0]  }
0x79: {  	v4 =	vld @!p4 [tilespmem:$0x120]  }
0x7a: {  	[tilespmem:$0x8290] =	vst @!p4 v0;
	v0 =	vld @!p4 [tilespmem:$0x41E0]  }
0x7b: {  	[tilespmem:$0x8590] =	vst @!p4 v1;
	v1 =	vld @!p4 [tilespmem:$0x130]  }
0x7c: {  	[tilespmem:$0x82A0] =	vst @!p4 v2;
	v2 =	vld @!p4 [tilespmem:$0x41F0]  }
0x7d: {  	[tilespmem:$0x85A0] =	vst @!p4 v3;
	v3 =	vld @!p4 [tilespmem:$0x140]  }
0x7e: {  	[tilespmem:$0x82B0] =	vst @!p4 v4;
	v4 =	vld @!p4 [tilespmem:$0x4200]  }
0x7f: {  	[tilespmem:$0x85B0] =	vst @!p4 v0;
	v0 =	vld @!p4 [tilespmem:$0x150]  }
0x80: {  	[tilespmem:$0x82C0] =	vst @!p4 v1;
	v1 =	vld @!p4 [tilespmem:$0x4210]  }
0x81: {  	[tilespmem:$0x85C0] =	vst @!p4 v2;
	v2 =	vld @!p4 [tilespmem:$0x160]  }
0x82: {  	[tilespmem:$0x82D0] =	vst @!p4 v3;
	v3 =	vld @!p4 [tilespmem:$0x4220]  }
0x83: {  	[tilespmem:$0x85D0] =	vst @!p4 v4;
	v4 =	vld @!p4 [tilespmem:$0x170]  }
0x84: {  	[tilespmem:$0x82E0] =	vst @!p4 v0;
	v0 =	vld @!p4 [tilespmem:$0x4230]  }
0x85: {  	[tilespmem:$0x85E0] =	vst @!p4 v1  }
0x86: {  	[tilespmem:$0x82F0] =	vst @!p4 v2  }
0x87: {  	[tilespmem:$0x85F0] =	vst @!p4 v3  }
0x88: {  	p1 =	seq.s32 @!p4 s23, $0x3;
	[tilespmem:$0x8300] =	vst @!p4 v4  }
0x89: {  	s24 =	simm.s32 @!p4 $0x80;
	s26 =	simm.s32 @!p4 $0x8290;
	s30 =	simm.s32 @!p4 $0xA790;
	[tilespmem:$0x8600] =	vst @!p4 v0  }
0x8a: {  	[tilespmem:s30], [sflag:$0x1] =	stream.indirect.gather @!p4 [hbm4b:s7+s24], $0x20, s26, s24, $0xb8;
	[tilespmem:$0xEB10] =	vst v63  }
0x8b: {  	p5 =	por p4, p1;
	s30 =	simm.s32 @!p4 $0xE890  }
0x8c: {  	[tilespmem:s30], [sflag:$0x1] =	stream.indirect.gather @!p4 [hbm4b:s1+s24], $0x1, s26, s24, $0xb8;
	[tilespmem:$0xEB10] =	vst v63  }
0x8d: {  	v0 =	vld @!p5 [tilespmem:$0x180]  }
0x8e: {  	v1 =	vld @!p5 [tilespmem:$0x4240]  }
0x8f: {  	v2 =	vld @!p5 [tilespmem:$0x190]  }
0x90: {  	v3 =	vld @!p5 [tilespmem:$0x4250]  }
0x91: {  	v4 =	vld @!p5 [tilespmem:$0x1A0]  }
0x92: {  	[tilespmem:$0x8310] =	vst @!p5 v0;
	v0 =	vld @!p5 [tilespmem:$0x4260]  }
0x93: {  	[tilespmem:$0x8610] =	vst @!p5 v1;
	v1 =	vld @!p5 [tilespmem:$0x1B0]  }
0x94: {  	[tilespmem:$0x8320] =	vst @!p5 v2;
	v2 =	vld @!p5 [tilespmem:$0x4270]  }
0x95: {  	[tilespmem:$0x8620] =	vst @!p5 v3;
	v3 =	vld @!p5 [tilespmem:$0x1C0]  }
0x96: {  	[tilespmem:$0x8330] =	vst @!p5 v4;
	v4 =	vld @!p5 [tilespmem:$0x4280]  }
0x97: {  	[tilespmem:$0x8630] =	vst @!p5 v0;
	v0 =	vld @!p5 [tilespmem:$0x1D0]  }
0x98: {  	[tilespmem:$0x8340] =	vst @!p5 v1;
	v1 =	vld @!p5 [tilespmem:$0x4290]  }
0x99: {  	[tilespmem:$0x8640] =	vst @!p5 v2;
	v2 =	vld @!p5 [tilespmem:$0x1E0]  }
0x9a: {  	[tilespmem:$0x8350] =	vst @!p5 v3;
	v3 =	vld @!p5 [tilespmem:$0x42A0]  }
0x9b: {  	[tilespmem:$0x8650] =	vst @!p5 v4;
	v4 =	vld @!p5 [tilespmem:$0x1F0]  }
0x9c: {  	[tilespmem:$0x8360] =	vst @!p5 v0;
	v0 =	vld @!p5 [tilespmem:$0x42B0]  }
0x9d: {  	[tilespmem:$0x8660] =	vst @!p5 v1  }
0x9e: {  	p1 =	slt.u32 @!p5 s23, $0x5;
	[tilespmem:$0x8370] =	vst @!p5 v2  }
0x9f: {  	p1 =	por p5, p1;
	[tilespmem:$0x8670] =	vst @!p5 v3  }
.Ltmp3:
0xa0: {  	[tilespmem:$0x8380] =	vst @!p5 v4;
	(pc) =	sbr.rel @p1 .LBB2_3-.Ltmp3, $4  }
0xa1: {  	s24 =	simm.s32 @!p5 $0x80;
	s26 =	simm.s32 @!p5 $0x8310;
	s30 =	simm.s32 @!p5 $0xB790;
	[tilespmem:$0x8680] =	vst @!p5 v0  }
0xa2: {  	[tilespmem:s30], [sflag:$0x1] =	stream.indirect.gather @!p5 [hbm4b:s7+s24], $0x20, s26, s24, $0xb8;
	[tilespmem:$0xEB10] =	vst v63  }
0xa3: {  	s30 =	simm.s32 @!p5 $0xE910  }
0xa4: {  	[tilespmem:s30], [sflag:$0x1] =	stream.indirect.gather @!p5 [hbm4b:s1+s24], $0x1, s26, s24, $0xb8;
	[tilespmem:$0xEB10] =	vst v63  }
0xa5: {  	v0 =	vld [tilespmem:$0x200]  }
0xa6: {  	v1 =	vld [tilespmem:$0x42C0]  }
0xa7: {  	v2 =	vld [tilespmem:$0x210]  }
0xa8: {  	v3 =	vld [tilespmem:$0x42D0]  }
0xa9: {  	v4 =	vld [tilespmem:$0x220]  }
0xaa: {  	v53 =	vld [tilespmem:$0x42E0];
	[tilespmem:$0x8390] =	vst v0  }
0xab: {  	v54 =	vld [tilespmem:$0x230];
	[tilespmem:$0x8690] =	vst v1  }
0xac: {  	v55 =	vld [tilespmem:$0x42F0];
	[tilespmem:$0x83A0] =	vst v2  }
0xad: {  	v56 =	vld [tilespmem:$0x240];
	[tilespmem:$0x86A0] =	vst v3  }
0xae: {  	v57 =	vld [tilespmem:$0x4300];
	[tilespmem:$0x83B0] =	vst v4  }
0xaf: {  	v58 =	vld [tilespmem:$0x250];
	[tilespmem:$0x86B0] =	vst v53  }
0xb0: {  	v59 =	vld [tilespmem:$0x4310];
	[tilespmem:$0x83C0] =	vst v54  }
0xb1: {  	v60 =	vld [tilespmem:$0x260];
	[tilespmem:$0x86C0] =	vst v55  }
0xb2: {  	v61 =	vld [tilespmem:$0x4320];
	[tilespmem:$0x83D0] =	vst v56  }
0xb3: {  	v62 =	vld [tilespmem:$0x270];
	[tilespmem:$0x86D0] =	vst v57  }
0xb4: {  	v63 =	vld [tilespmem:$0x4330];
	[tilespmem:$0x83E0] =	vst v58  }
0xb5: {  	[tilespmem:$0x86E0] =	vst v59  }
0xb6: {  	[tilespmem:$0x83F0] =	vst v60  }
0xb7: {  	[tilespmem:$0x86F0] =	vst v61  }
0xb8: {  	[tilespmem:$0x8400] =	vst v62  }
0xb9: {  	s24 =	simm.s32 $0x8390;
	s26 =	simm.s32 $0xC790;
	[tilespmem:$0x8700] =	vst v63  }
0xba: {  	[tilespmem:s26], [sflag:$0x1] =	stream.indirect.gather [hbm4b:s7+s18], $0x20, s24, s18, $0xb8;
	[tilespmem:$0xEB10] =	vst v63  }
0xbb: {  	s30 =	simm.s32 $0xE990;
	p4 =	seq.s32 s23, $0x5  }
0xbc: {  	[tilespmem:s30], [sflag:$0x1] =	stream.indirect.gather [hbm4b:s1+s18], $0x1, s24, s18, $0xb8;
	[tilespmem:$0xEB10] =	vst v63  }
0xbd: {  	v0 =	vld @!p4 [tilespmem:$0x280]  }
0xbe: {  	v1 =	vld @!p4 [tilespmem:$0x4340]  }
0xbf: {  	v2 =	vld @!p4 [tilespmem:$0x290]  }
0xc0: {  	v3 =	vld @!p4 [tilespmem:$0x4350]  }
0xc1: {  	v4 =	vld @!p4 [tilespmem:$0x2A0]  }
0xc2: {  	[tilespmem:$0x8410] =	vst @!p4 v0;
	v0 =	vld @!p4 [tilespmem:$0x4360]  }
0xc3: {  	[tilespmem:$0x8710] =	vst @!p4 v1;
	v1 =	vld @!p4 [tilespmem:$0x2B0]  }
0xc4: {  	[tilespmem:$0x8420] =	vst @!p4 v2;
	v2 =	vld @!p4 [tilespmem:$0x4370]  }
0xc5: {  	[tilespmem:$0x8720] =	vst @!p4 v3;
	v3 =	vld @!p4 [tilespmem:$0x2C0]  }
0xc6: {  	[tilespmem:$0x8430] =	vst @!p4 v4;
	v4 =	vld @!p4 [tilespmem:$0x4380]  }
0xc7: {  	[tilespmem:$0x8730] =	vst @!p4 v0;
	v0 =	vld @!p4 [tilespmem:$0x2D0]  }
0xc8: {  	[tilespmem:$0x8440] =	vst @!p4 v1;
	v1 =	vld @!p4 [tilespmem:$0x4390]  }
0xc9: {  	[tilespmem:$0x8740] =	vst @!p4 v2;
	v2 =	vld @!p4 [tilespmem:$0x2E0]  }
0xca: {  	[tilespmem:$0x8450] =	vst @!p4 v3;
	v3 =	vld @!p4 [tilespmem:$0x43A0]  }
0xcb: {  	[tilespmem:$0x8750] =	vst @!p4 v4;
	v4 =	vld @!p4 [tilespmem:$0x2F0]  }
0xcc: {  	[tilespmem:$0x8460] =	vst @!p4 v0;
	v0 =	vld @!p4 [tilespmem:$0x43B0]  }
0xcd: {  	[tilespmem:$0x8760] =	vst @!p4 v1  }
0xce: {  	[tilespmem:$0x8470] =	vst @!p4 v2  }
0xcf: {  	[tilespmem:$0x8770] =	vst @!p4 v3  }
0xd0: {  	p1 =	por $0x1, $0x1;
	p5 =	por @!p4 $0x1, $0x1;
	[tilespmem:$0x8480] =	vst @!p4 v4  }
0xd1: {  	s26 =	simm.s32 @!p4 $0x8410;
	s24 =	simm.s32 @!p4 $0x80;
	s30 =	simm.s32 @!p4 $0xD790;
	[tilespmem:$0x8780] =	vst @!p4 v0  }
0xd2: {  	[tilespmem:s30], [sflag:$0x1] =	stream.indirect.gather @!p4 [hbm4b:s7+s24], $0x20, s26, s24, $0xb8;
	[tilespmem:$0xEB10] =	vst v63  }
.Ltmp4:
0xd3: {  	p1 =	por @!p4 p5, p5;
	s30 =	simm.s32 @!p4 $0xEA10;
	(pc) =	sbr.rel .LBB2_5-.Ltmp4, $4  }
0xd4: {  	[tilespmem:s30], [sflag:$0x1] =	stream.indirect.gather @!p4 [hbm4b:s1+s24], $0x1, s26, s24, $0xb8;
	[tilespmem:$0xEB10] =	vst v63  }
0xd5: {  	p3 =	por $0x1, $0x1;
	p6 =	por $0x1, $0x1;
	s24 =	simm.s32 @!p1 $0x0  }
0xd6: {  	p3 =	por @!p4 p5, p5;
	s24 =	simm.s32 @p1 $0x1;
	p1 =	por $0x0, $0x0  }
0xd7: {  	p6 =	por @!p4 p5, p5;
	[smem:$0x7FC] =	sst s24;
	p1 =	por @!p4 p5, p5  }
.LBB2_3:
0xd8: {  	p1 =	por @!p2 $0x0, $0x0;
	p3 =	por $0x0, $0x0;
	s24 =	simm.s32 @!p0 $0x0  }
0xd9: {  	p6 =	por @!p4 $0x0, $0x0;
	p3 =	por @!p2 p1, p1;
	s24 =	simm.s32 @p0 $0x1  }
0xda: {  	p0 =	por @!p5 $0x0, $0x0;
	p1 =	por p3, p3;
	[smem:$0x7FB] =	sst s24  }
0xdb: {  	p1 =	por @!p4 p6, p6;
	p6 =	por @!p4 $0x1, $0x1;
	s24 =	sld [smem:$0x7FB]  }
0xdc: {  	p3 =	por @!p4 p6, p6;
	p4 =	por @!p5 $0x1, $0x1;
	p6 =	por p1, p1  }
0xdd: {  	p3 =	por @!p5 p4, p4;
	p6 =	por @!p5 p4, p4;
	p4 =	por p1, p1  }
0xde: {  	p4 =	por @!p5 p0, p0  }
0xdf: {  	p0 =	seq.s32 s24, $0x1;
	s24 =	simm.s32 @!p4 $0x0  }
0xe0: {  	s24 =	simm.s32 @p4 $0x1;
	p4 =	por @!p5 $0x0, $0x0  }
0xe1: {  	[smem:$0x7FC] =	sst s24;
	p1 =	por @!p5 p4, p4  }
.LBB2_5:
0xe2: {  	_ =	swait.ge [sflag:s17], $0x1000  }
0xe3: {  	[sflag:s17] =	ssyncset.done $0x0  }
0xe4: {  	[sflag:s17] =	ssyncadd.s32 $0xFFFFF000  }
0xe5: {  	_ =	swait.ge [sflag:s17], $0x80  }
0xe6: {  	[sflag:s17] =	ssyncset.done $0x0  }
0xe7: {  	[sflag:s17] =	ssyncadd.s32 $0xFFFFFF80  }
0xe8: {  	[hbm4b:s2+s18] =	stream.indirect.scatter [tilespmem:s20], [sflag:$0x2], $0x20, s25, s18, $0xb8;
	[tilespmem:$0xEB10] =	vst v63  }
.Ltmp5:
0xe9: {  	_ = 	snop;
	(pc) =	sbr.rel @!p2 .LBB2_6-.Ltmp5, $4  }
0xea: {  	_ = 	snop  }
0xeb: {  	[hbm4b:s4+s18] =	stream.indirect.scatter [tilespmem:s21], [sflag:$0x2], $0x1, s25, s18, $0xb8;
	[tilespmem:$0xEB10] =	vst v63  }
0xec: {  	_ = 	snop  }
0xed: {  	[hbm4b:s5+s18] =	stream.indirect.scatter [tilespmem:s15], [sflag:$0x2], $0x1, s25, s18, $0xb8;
	[tilespmem:$0xEB10] =	vst v63  }
.Ltmp6:
0xee: {  	(pc) =	sbr.rel @p3 .LBB2_11-.Ltmp6, $1  }
0xef: {  	_ =	sdelay $0x3  }
.LBB2_7:
.Ltmp7:
0xf0: {  	(pc) =	sbr.rel @!p6 .LBB2_8-.Ltmp7, $2  }
0xf1: {  	_ =	sdelay $0x2  }
0xf2: {  	p4 =	por $0x0, $0x0  }
.LBB2_12:
0xf3: {  	_ =	swait.ge [sflag:s17], $0x1000  }
0xf4: {  	[sflag:s17] =	ssyncset.done $0x0  }
0xf5: {  	[sflag:s17] =	ssyncadd.s32 $0xFFFFF000  }
0xf6: {  	_ =	swait.ge [sflag:s17], $0x80  }
0xf7: {  	[sflag:s17] =	ssyncset.done $0x0  }
0xf8: {  	s24 =	simm.s32 $0x8610;
	s26 =	simm.s32 $0xB790;
	[sflag:s17] =	ssyncadd.s32 $0xFFFFFF80  }
0xf9: {  	[hbm4b:s2+s18] =	stream.indirect.scatter [tilespmem:s26], [sflag:$0x2], $0x20, s24, s18, $0xb8;
	[tilespmem:$0xEB10] =	vst v63  }
0xfa: {  	s30 =	simm.s32 $0xE910  }
0xfb: {  	[hbm4b:s4+s18] =	stream.indirect.scatter [tilespmem:s30], [sflag:$0x2], $0x1, s24, s18, $0xb8;
	[tilespmem:$0xEB10] =	vst v63  }
0xfc: {  	s30 =	sld [smem:$0x7FC];
	_ =	sdelay $0x2  }
0xfd: {  	p3 =	seq.s32 s30, $0x1  }
.Ltmp8:
0xfe: {  	_ = 	snop;
	(pc) =	sbr.rel @p3 .LBB2_13-.Ltmp8, $3  }
0xff: {  	_ =	sdelay $0x1  }
0x100: {  	p6 =	por $0x1, $0x1  }
0x101: {  	[hbm4b:s5+s18] =	stream.indirect.scatter [tilespmem:s15], [sflag:$0x2], $0x1, s24, s18, $0xb8;
	[tilespmem:$0xEB10] =	vst v63  }
.LBB2_9:
.Ltmp9:
0x102: {  	(pc) =	sbr.rel @!p1 .LBB2_15-.Ltmp9, $2  }
0x103: {  	_ =	sdelay $0x2  }
0x104: {  	p3 =	por $0x0, $0x0;
	p5 =	por $0x0, $0x0  }
.LBB2_14:
0x105: {  	_ =	swait.ge [sflag:s17], $0x1000  }
0x106: {  	[sflag:s17] =	ssyncset.done $0x0  }
0x107: {  	[sflag:s17] =	ssyncadd.s32 $0xFFFFF000  }
0x108: {  	_ =	swait.ge [sflag:s17], $0x80  }
0x109: {  	[sflag:s17] =	ssyncset.done $0x0  }
0x10a: {  	s24 =	simm.s32 $0xD790;
	[sflag:s17] =	ssyncadd.s32 $0xFFFFFF80  }
0x10b: {  	[hbm4b:s2+s18] =	stream.indirect.scatter [tilespmem:s24], [sflag:$0x2], $0x20, s28, s18, $0xb8;
	[tilespmem:$0xEB10] =	vst v63  }
0x10c: {  	s30 =	simm.s32 $0xEA10  }
0x10d: {  	[hbm4b:s4+s18] =	stream.indirect.scatter [tilespmem:s30], [sflag:$0x2], $0x1, s28, s18, $0xb8;
	[tilespmem:$0xEB10] =	vst v63  }
0x10e: {  	p5 =	por $0x1, $0x1  }
0x10f: {  	[hbm4b:s5+s18] =	stream.indirect.scatter [tilespmem:s15], [sflag:$0x2], $0x1, s28, s18, $0xb8;
	[tilespmem:$0xEB10] =	vst v63  }
.LBB2_15:
0x110: {  	_ =	swait.ge [sflag:s0], $0x1000  }
0x111: {  	[sflag:s0] =	ssyncset.done $0x0  }
0x112: {  	[sflag:s0] =	ssyncadd.s32 $0xFFFFF000  }
0x113: {  	_ =	swait.ge [sflag:s0], $0x80  }
.Ltmp10:
0x114: {  	[sflag:s0] =	ssyncset.done $0x0;
	(pc) =	sbr.rel @!p2 .LBB2_16-.Ltmp10, $4  }
0x115: {  	[sflag:s0] =	ssyncadd.s32 $0xFFFFFF80  }
0x116: {  	_ =	swait.ge [sflag:s0], $0x80  }
0x117: {  	[sflag:s0] =	ssyncset.done $0x0  }
0x118: {  	[sflag:s0] =	ssyncadd.s32 $0xFFFFFF80  }
.Ltmp11:
0x119: {  	(pc) =	sbr.rel @p4 .LBB2_21-.Ltmp11, $1  }
0x11a: {  	_ =	sdelay $0x3  }
.LBB2_17:
.Ltmp12:
0x11b: {  	(pc) =	sbr.rel @!p6 .LBB2_18-.Ltmp12, $2  }
0x11c: {  	s24 =	sld [smem:$0x7FD];
	_ =	sdelay $0x2  }
0x11d: {  	p2 =	seq.s32 s24, $0x1  }
.LBB2_22:
0x11e: {  	_ =	swait.ge [sflag:s0], $0x1000  }
0x11f: {  	[sflag:s0] =	ssyncset.done $0x0  }
0x120: {  	[sflag:s0] =	ssyncadd.s32 $0xFFFFF000  }
0x121: {  	_ =	swait.ge [sflag:s0], $0x80  }
.Ltmp13:
0x122: {  	[sflag:s0] =	ssyncset.done $0x0;
	(pc) =	sbr.rel @p3 .LBB2_23-.Ltmp13, $4  }
0x123: {  	[sflag:s0] =	ssyncadd.s32 $0xFFFFFF80  }
0x124: {  	_ =	swait.ge [sflag:s0], $0x80  }
0x125: {  	[sflag:s0] =	ssyncset.done $0x0  }
0x126: {  	[sflag:s0] =	ssyncadd.s32 $0xFFFFFF80  }
.LBB2_19:
.Ltmp14:
0x127: {  	(pc) =	sbr.rel @!p5 .LBB2_25-.Ltmp14, $1  }
0x128: {  	_ =	sdelay $0x3  }
.LBB2_24:
0x129: {  	_ =	swait.ge [sflag:s0], $0x1000  }
0x12a: {  	[sflag:s0] =	ssyncset.done $0x0  }
0x12b: {  	[sflag:s0] =	ssyncadd.s32 $0xFFFFF000  }
0x12c: {  	_ =	swait.ge [sflag:s0], $0x80  }
0x12d: {  	[sflag:s0] =	ssyncset.done $0x0  }
0x12e: {  	[sflag:s0] =	ssyncadd.s32 $0xFFFFFF80  }
0x12f: {  	_ =	swait.ge [sflag:s0], $0x80  }
0x130: {  	[sflag:s0] =	ssyncset.done $0x0  }
0x131: {  	[sflag:s0] =	ssyncadd.s32 $0xFFFFFF80  }
.LBB2_25:
0x132: {  	p1 =	slt.u32 s23, $0x7  }
.Ltmp15:
0x133: {  	_ = 	snop;
	(pc) =	sbr.rel @p1 .LBB2_29-.Ltmp15, $1  }
0x134: {  	_ =	sdelay $0x3  }
0x135: {  	s23 =	simm.s32 $0x370  }
0x136: {  	v0 =	vld [tilespmem:s23+$0xFFFFFF90];
	_ =	sdelay $0x4  }
0x137: {  	s24 =	simm.s32 $0x4430;
	[tilespmem:$0x8190] =	vst v0  }
0x138: {  	v0 =	vld [tilespmem:s24+$0xFFFFFF90];
	_ =	sdelay $0x4  }
0x139: {  	[tilespmem:$0x8490] =	vst v0  }
0x13a: {  	v0 =	vld [tilespmem:s23+$0xFFFFFFA0];
	_ =	sdelay $0x4  }
0x13b: {  	[tilespmem:$0x81A0] =	vst v0  }
0x13c: {  	v0 =	vld [tilespmem:s24+$0xFFFFFFA0];
	_ =	sdelay $0x4  }
0x13d: {  	[tilespmem:$0x84A0] =	vst v0  }
0x13e: {  	v0 =	vld [tilespmem:s23+$0xFFFFFFB0];
	_ =	sdelay $0x4  }
0x13f: {  	[tilespmem:$0x81B0] =	vst v0  }
0x140: {  	v0 =	vld [tilespmem:s24+$0xFFFFFFB0];
	_ =	sdelay $0x4  }
0x141: {  	[tilespmem:$0x84B0] =	vst v0  }
0x142: {  	v0 =	vld [tilespmem:s23+$0xFFFFFFC0];
	_ =	sdelay $0x4  }
0x143: {  	[tilespmem:$0x81C0] =	vst v0  }
0x144: {  	v0 =	vld [tilespmem:s24+$0xFFFFFFC0];
	_ =	sdelay $0x4  }
0x145: {  	[tilespmem:$0x84C0] =	vst v0  }
0x146: {  	v0 =	vld [tilespmem:s23+$0xFFFFFFD0];
	_ =	sdelay $0x4  }
0x147: {  	[tilespmem:$0x81D0] =	vst v0  }
0x148: {  	v0 =	vld [tilespmem:s24+$0xFFFFFFD0];
	_ =	sdelay $0x4  }
0x149: {  	[tilespmem:$0x84D0] =	vst v0  }
0x14a: {  	v0 =	vld [tilespmem:s23+$0xFFFFFFE0];
	_ =	sdelay $0x4  }
0x14b: {  	[tilespmem:$0x81E0] =	vst v0  }
0x14c: {  	v0 =	vld [tilespmem:s24+$0xFFFFFFE0];
	_ =	sdelay $0x4  }
0x14d: {  	[tilespmem:$0x84E0] =	vst v0  }
0x14e: {  	v0 =	vld [tilespmem:s23+$0xFFFFFFF0];
	_ =	sdelay $0x4  }
0x14f: {  	[tilespmem:$0x81F0] =	vst v0  }
0x150: {  	v0 =	vld [tilespmem:s24+$0xFFFFFFF0];
	_ =	sdelay $0x4  }
0x151: {  	[tilespmem:$0x84F0] =	vst v0  }
0x152: {  	v0 =	vld [tilespmem:s23+$0x0];
	_ =	sdelay $0x4  }
0x153: {  	[tilespmem:$0x8200] =	vst v0  }
0x154: {  	v0 =	vld [tilespmem:s24+$0x0];
	_ =	sdelay $0x4  }
0x155: {  	[tilespmem:$0x8500] =	vst v0  }
0x156: {  	[tilespmem:s20], [sflag:$0x1] =	stream.indirect.gather [hbm4b:s7+s18], $0x20, s19, s18, $0xb8;
	[tilespmem:$0xEB10] =	vst v63  }
0x157: {  	_ = 	snop  }
0x158: {  	[tilespmem:s21], [sflag:$0x1] =	stream.indirect.gather [hbm4b:s1+s18], $0x1, s19, s18, $0xb8;
	[tilespmem:$0xEB10] =	vst v63  }
0x159: {  	_ =	swait.ge [sflag:s17], $0x1000  }
0x15a: {  	[sflag:s17] =	ssyncset.done $0x0  }
0x15b: {  	[sflag:s17] =	ssyncadd.s32 $0xFFFFF000  }
0x15c: {  	_ =	swait.ge [sflag:s17], $0x80  }
0x15d: {  	[sflag:s17] =	ssyncset.done $0x0  }
0x15e: {  	[sflag:s17] =	ssyncadd.s32 $0xFFFFFF80  }
0x15f: {  	[hbm4b:s2+s18] =	stream.indirect.scatter [tilespmem:s20], [sflag:$0x2], $0x20, s25, s18, $0xb8;
	[tilespmem:$0xEB10] =	vst v63  }
0x160: {  	s26 =	simm.s32 @!p0 $0xFFFFFFFF  }
0x161: {  	[hbm4b:s4+s18] =	stream.indirect.scatter [tilespmem:s21], [sflag:$0x2], $0x1, s25, s18, $0xb8;
	[tilespmem:$0xEB10] =	vst v63  }
0x162: {  	s26 =	simm.s32 @p2 $0x0  }
0x163: {  	[hbm4b:s5+s18] =	stream.indirect.scatter [tilespmem:s15], [sflag:$0x2], $0x1, s25, s18, $0xb8;
	[tilespmem:$0xEB10] =	vst v63  }
0x164: {  	s22 =	sadd.s32 s26, s22;
	_ =	swait.ge [sflag:s0], $0x1000  }
0x165: {  	s22 =	sadd.s32 $0xFFFFFFFA, s22;
	[sflag:s0] =	ssyncset.done $0x0  }
0x166: {  	p0 =	sne.s32 s22, $0x1;
	[sflag:s0] =	ssyncadd.s32 $0xFFFFF000  }
.Ltmp16:
0x167: {  	_ =	swait.ge [sflag:s0], $0x80;
	(pc) =	sbr.rel @!p0 .LBB2_28-.Ltmp16, $4  }
0x168: {  	[sflag:s0] =	ssyncset.done $0x0  }
0x169: {  	[sflag:s0] =	ssyncadd.s32 $0xFFFFFF80  }
0x16a: {  	_ =	swait.ge [sflag:s0], $0x80  }
0x16b: {  	s22 =	sadd.s32 $0xFFFFFFFF, s22;
	[sflag:s0] =	ssyncset.done $0x0  }
.LBB2_27:
0x16c: {  	[sflag:s0] =	ssyncadd.s32 $0xFFFFFF80;
	s23 =	sadd.s32 $0x80, s23;
	s24 =	sadd.s32 $0x80, s24  }
0x16d: {  	p0 =	sne.s32 s22, $0x1;
	s22 =	sadd.s32 $0xFFFFFFFF, s22;
	v0 =	vld [tilespmem:s23+$0xFFFFFF90];
	_ =	sdelay $0x4  }
0x16e: {  	[tilespmem:$0x8190] =	vst v0  }
0x16f: {  	v0 =	vld [tilespmem:s24+$0xFFFFFF90];
	_ =	sdelay $0x4  }
0x170: {  	[tilespmem:$0x8490] =	vst v0  }
0x171: {  	v0 =	vld [tilespmem:s23+$0xFFFFFFA0];
	_ =	sdelay $0x4  }
0x172: {  	[tilespmem:$0x81A0] =	vst v0  }
0x173: {  	v0 =	vld [tilespmem:s24+$0xFFFFFFA0];
	_ =	sdelay $0x4  }
0x174: {  	[tilespmem:$0x84A0] =	vst v0  }
0x175: {  	v0 =	vld [tilespmem:s23+$0xFFFFFFB0];
	_ =	sdelay $0x4  }
0x176: {  	[tilespmem:$0x81B0] =	vst v0  }
0x177: {  	v0 =	vld [tilespmem:s24+$0xFFFFFFB0];
	_ =	sdelay $0x4  }
0x178: {  	[tilespmem:$0x84B0] =	vst v0  }
0x179: {  	v0 =	vld [tilespmem:s23+$0xFFFFFFC0];
	_ =	sdelay $0x4  }
0x17a: {  	[tilespmem:$0x81C0] =	vst v0  }
0x17b: {  	v0 =	vld [tilespmem:s24+$0xFFFFFFC0];
	_ =	sdelay $0x4  }
0x17c: {  	[tilespmem:$0x84C0] =	vst v0  }
0x17d: {  	v0 =	vld [tilespmem:s23+$0xFFFFFFD0];
	_ =	sdelay $0x4  }
0x17e: {  	[tilespmem:$0x81D0] =	vst v0  }
0x17f: {  	v0 =	vld [tilespmem:s24+$0xFFFFFFD0];
	_ =	sdelay $0x4  }
0x180: {  	[tilespmem:$0x84D0] =	vst v0  }
0x181: {  	v0 =	vld [tilespmem:s23+$0xFFFFFFE0];
	_ =	sdelay $0x4  }
0x182: {  	[tilespmem:$0x81E0] =	vst v0  }
0x183: {  	v0 =	vld [tilespmem:s24+$0xFFFFFFE0];
	_ =	sdelay $0x4  }
0x184: {  	[tilespmem:$0x84E0] =	vst v0  }
0x185: {  	v0 =	vld [tilespmem:s23+$0xFFFFFFF0];
	_ =	sdelay $0x4  }
0x186: {  	[tilespmem:$0x81F0] =	vst v0  }
0x187: {  	v0 =	vld [tilespmem:s24+$0xFFFFFFF0];
	_ =	sdelay $0x4  }
0x188: {  	[tilespmem:$0x84F0] =	vst v0  }
0x189: {  	v0 =	vld [tilespmem:s23+$0x0];
	_ =	sdelay $0x4  }
0x18a: {  	[tilespmem:$0x8200] =	vst v0  }
0x18b: {  	v0 =	vld [tilespmem:s24+$0x0];
	_ =	sdelay $0x4  }
0x18c: {  	[tilespmem:$0x8500] =	vst v0  }
0x18d: {  	[tilespmem:s20], [sflag:$0x1] =	stream.indirect.gather [hbm4b:s7+s18], $0x20, s19, s18, $0xb8;
	[tilespmem:$0xEB10] =	vst v63  }
0x18e: {  	_ = 	snop  }
0x18f: {  	[tilespmem:s21], [sflag:$0x1] =	stream.indirect.gather [hbm4b:s1+s18], $0x1, s19, s18, $0xb8;
	[tilespmem:$0xEB10] =	vst v63  }
0x190: {  	_ =	swait.ge [sflag:s17], $0x1000  }
0x191: {  	[sflag:s17] =	ssyncset.done $0x0  }
0x192: {  	[sflag:s17] =	ssyncadd.s32 $0xFFFFF000  }
0x193: {  	_ =	swait.ge [sflag:s17], $0x80  }
0x194: {  	[sflag:s17] =	ssyncset.done $0x0  }
0x195: {  	[sflag:s17] =	ssyncadd.s32 $0xFFFFFF80  }
0x196: {  	[hbm4b:s2+s18] =	stream.indirect.scatter [tilespmem:s20], [sflag:$0x2], $0x20, s25, s18, $0xb8;
	[tilespmem:$0xEB10] =	vst v63  }
0x197: {  	_ = 	snop  }
0x198: {  	[hbm4b:s4+s18] =	stream.indirect.scatter [tilespmem:s21], [sflag:$0x2], $0x1, s25, s18, $0xb8;
	[tilespmem:$0xEB10] =	vst v63  }
0x199: {  	_ = 	snop  }
0x19a: {  	[hbm4b:s5+s18] =	stream.indirect.scatter [tilespmem:s15], [sflag:$0x2], $0x1, s25, s18, $0xb8;
	[tilespmem:$0xEB10] =	vst v63  }
0x19b: {  	_ =	swait.ge [sflag:s0], $0x1000  }
0x19c: {  	[sflag:s0] =	ssyncset.done $0x0  }
0x19d: {  	[sflag:s0] =	ssyncadd.s32 $0xFFFFF000  }
.Ltmp17:
0x19e: {  	_ =	swait.ge [sflag:s0], $0x80;
	(pc) =	sbr.rel @p0 .LBB2_27-.Ltmp17, $4  }
0x19f: {  	[sflag:s0] =	ssyncset.done $0x0  }
0x1a0: {  	[sflag:s0] =	ssyncadd.s32 $0xFFFFFF80  }
0x1a1: {  	_ =	swait.ge [sflag:s0], $0x80  }
0x1a2: {  	[sflag:s0] =	ssyncset.done $0x0  }
.Ltmp18:
0x1a3: {  	_ = 	snop;
	(pc) =	sbr.rel .LBB2_28-.Ltmp18, $1  }
0x1a4: {  	_ =	sdelay $0x3  }
.LBB2_6:
0x1a5: {  	_ =	swait.ge [sflag:s17], $0x1000  }
0x1a6: {  	[sflag:s17] =	ssyncset.done $0x0  }
0x1a7: {  	[sflag:s17] =	ssyncadd.s32 $0xFFFFF000  }
0x1a8: {  	_ =	swait.ge [sflag:s17], $0x80  }
0x1a9: {  	[sflag:s17] =	ssyncset.done $0x0  }
0x1aa: {  	s24 =	simm.s32 $0x9790;
	[sflag:s17] =	ssyncadd.s32 $0xFFFFFF80  }
0x1ab: {  	[hbm4b:s2+s18] =	stream.indirect.scatter [tilespmem:s24], [sflag:$0x2], $0x20, s29, s18, $0xb8;
	[tilespmem:$0xEB10] =	vst v63  }
.Ltmp19:
0x1ac: {  	_ = 	snop;
	(pc) =	sbr.rel @!p3 .LBB2_7-.Ltmp19, $4  }
0x1ad: {  	s30 =	simm.s32 $0xE810  }
0x1ae: {  	[hbm4b:s4+s18] =	stream.indirect.scatter [tilespmem:s30], [sflag:$0x2], $0x1, s29, s18, $0xb8;
	[tilespmem:$0xEB10] =	vst v63  }
0x1af: {  	_ = 	snop  }
0x1b0: {  	[hbm4b:s5+s18] =	stream.indirect.scatter [tilespmem:s15], [sflag:$0x2], $0x1, s29, s18, $0xb8;
	[tilespmem:$0xEB10] =	vst v63  }
.LBB2_11:
0x1b1: {  	_ =	swait.ge [sflag:s17], $0x1000  }
0x1b2: {  	[sflag:s17] =	ssyncset.done $0x0  }
0x1b3: {  	[sflag:s17] =	ssyncadd.s32 $0xFFFFF000  }
0x1b4: {  	_ =	swait.ge [sflag:s17], $0x80  }
0x1b5: {  	[sflag:s17] =	ssyncset.done $0x0  }
0x1b6: {  	s24 =	simm.s32 $0x8590;
	s26 =	simm.s32 $0xA790;
	[sflag:s17] =	ssyncadd.s32 $0xFFFFFF80  }
0x1b7: {  	[hbm4b:s2+s18] =	stream.indirect.scatter [tilespmem:s26], [sflag:$0x2], $0x20, s24, s18, $0xb8;
	[tilespmem:$0xEB10] =	vst v63  }
.Ltmp20:
0x1b8: {  	_ = 	snop;
	(pc) =	sbr.rel @p6 .LBB2_12-.Ltmp20, $4  }
0x1b9: {  	s30 =	simm.s32 $0xE890  }
0x1ba: {  	[hbm4b:s4+s18] =	stream.indirect.scatter [tilespmem:s30], [sflag:$0x2], $0x1, s24, s18, $0xb8;
	[tilespmem:$0xEB10] =	vst v63  }
0x1bb: {  	p4 =	por $0x1, $0x1  }
0x1bc: {  	[hbm4b:s5+s18] =	stream.indirect.scatter [tilespmem:s15], [sflag:$0x2], $0x1, s24, s18, $0xb8;
	[tilespmem:$0xEB10] =	vst v63  }
.LBB2_8:
0x1bd: {  	s24 =	sld [smem:$0x7FC];
	_ =	sdelay $0x2  }
0x1be: {  	p3 =	seq.s32 s24, $0x1  }
.Ltmp21:
0x1bf: {  	_ = 	snop;
	(pc) =	sbr.rel @!p3 .LBB2_9-.Ltmp21, $2  }
0x1c0: {  	_ =	sdelay $0x2  }
0x1c1: {  	p6 =	por $0x0, $0x0  }
.LBB2_13:
0x1c2: {  	_ =	swait.ge [sflag:s17], $0x1000  }
0x1c3: {  	[sflag:s17] =	ssyncset.done $0x0  }
0x1c4: {  	[sflag:s17] =	ssyncadd.s32 $0xFFFFF000  }
0x1c5: {  	_ =	swait.ge [sflag:s17], $0x80  }
0x1c6: {  	[sflag:s17] =	ssyncset.done $0x0  }
0x1c7: {  	s24 =	simm.s32 $0xC790;
	[sflag:s17] =	ssyncadd.s32 $0xFFFFFF80  }
0x1c8: {  	[hbm4b:s2+s18] =	stream.indirect.scatter [tilespmem:s24], [sflag:$0x2], $0x20, s3, s18, $0xb8;
	[tilespmem:$0xEB10] =	vst v63  }
.Ltmp22:
0x1c9: {  	_ = 	snop;
	(pc) =	sbr.rel @!p1 .LBB2_15-.Ltmp22, $4  }
.Ltmp23:
0x1ca: {  	s30 =	simm.s32 $0xE990;
	(pc) =	sbr.rel @p1 .LBB2_14-.Ltmp23, $4  }
0x1cb: {  	[hbm4b:s4+s18] =	stream.indirect.scatter [tilespmem:s30], [sflag:$0x2], $0x1, s3, s18, $0xb8;
	[tilespmem:$0xEB10] =	vst v63  }
0x1cc: {  	p5 =	por $0x0, $0x0;
	p3 =	por $0x1, $0x1  }
0x1cd: {  	[hbm4b:s5+s18] =	stream.indirect.scatter [tilespmem:s15], [sflag:$0x2], $0x1, s3, s18, $0xb8;
	[tilespmem:$0xEB10] =	vst v63  }
0x1ce: {  	_ = 	snop  }
.LBB2_16:
0x1cf: {  	_ =	swait.ge [sflag:s0], $0x1000  }
0x1d0: {  	[sflag:s0] =	ssyncset.done $0x0  }
0x1d1: {  	[sflag:s0] =	ssyncadd.s32 $0xFFFFF000  }
0x1d2: {  	_ =	swait.ge [sflag:s0], $0x80  }
.Ltmp24:
0x1d3: {  	[sflag:s0] =	ssyncset.done $0x0;
	(pc) =	sbr.rel @!p4 .LBB2_17-.Ltmp24, $4  }
0x1d4: {  	[sflag:s0] =	ssyncadd.s32 $0xFFFFFF80  }
0x1d5: {  	_ =	swait.ge [sflag:s0], $0x80  }
0x1d6: {  	[sflag:s0] =	ssyncset.done $0x0  }
0x1d7: {  	[sflag:s0] =	ssyncadd.s32 $0xFFFFFF80  }
.LBB2_21:
0x1d8: {  	_ =	swait.ge [sflag:s0], $0x1000  }
0x1d9: {  	[sflag:s0] =	ssyncset.done $0x0  }
0x1da: {  	[sflag:s0] =	ssyncadd.s32 $0xFFFFF000  }
0x1db: {  	_ =	swait.ge [sflag:s0], $0x80  }
0x1dc: {  	[sflag:s0] =	ssyncset.done $0x0  }
0x1dd: {  	[sflag:s0] =	ssyncadd.s32 $0xFFFFFF80  }
.Ltmp25:
0x1de: {  	_ =	swait.ge [sflag:s0], $0x80;
	(pc) =	sbr.rel @p6 .LBB2_22-.Ltmp25, $3  }
0x1df: {  	s24 =	sld [smem:$0x7FD];
	_ =	sdelay $0x1  }
0x1e0: {  	[sflag:s0] =	ssyncset.done $0x0  }
0x1e1: {  	[sflag:s0] =	ssyncadd.s32 $0xFFFFFF80;
	p2 =	seq.s32 s24, $0x1  }
.LBB2_18:
.Ltmp26:
0x1e2: {  	(pc) =	sbr.rel @!p3 .LBB2_19-.Ltmp26, $1  }
0x1e3: {  	_ =	sdelay $0x3  }
.LBB2_23:
0x1e4: {  	_ =	swait.ge [sflag:s0], $0x1000  }
0x1e5: {  	[sflag:s0] =	ssyncset.done $0x0  }
0x1e6: {  	[sflag:s0] =	ssyncadd.s32 $0xFFFFF000  }
0x1e7: {  	_ =	swait.ge [sflag:s0], $0x80  }
.Ltmp27:
0x1e8: {  	[sflag:s0] =	ssyncset.done $0x0;
	(pc) =	sbr.rel @!p5 .LBB2_25-.Ltmp27, $4  }
.Ltmp28:
0x1e9: {  	[sflag:s0] =	ssyncadd.s32 $0xFFFFFF80;
	(pc) =	sbr.rel @p5 .LBB2_24-.Ltmp28, $4  }
0x1ea: {  	_ =	swait.ge [sflag:s0], $0x80  }
0x1eb: {  	[sflag:s0] =	ssyncset.done $0x0  }
0x1ec: {  	[sflag:s0] =	ssyncadd.s32 $0xFFFFFF80  }
0x1ed: {  	_ = 	snop  }
.LBB2_30:
0x1ee: {  	_ =	sfence.sel $0x180000  }
0x1ef: {  	[bflag:$0x0] =	sbarrier.arrive $0xFFFF  }
0x1f0: {  	_ =	strace $0x9000004A  }
0x1f1: {  	s0 =	stileid.u32;
	[bflag:$0x2] =	sbarrier.arrive $0xFFFF  }
0x1f2: {  	p0 =	sne.s32 s0, $0x0;
	s0 =	rddreg [dreg:$0x5]  }
0x1f3: {  	s0 =	sadd.s32 @!p0 $0x100000, s0  }
0x1f4: {  	[sflag:s0] =	ssyncadd.tile.s32 @!p0 $0x1;
	_ =	shalt  }
.Lfunc_end2:
_tile_overlayer_lowered:
.L_overlay_start_2:
0x1f5: {  	(tag) =	ssettag $0x2  }
0x1f6: {  	s0 =	rddreg [dreg:$0x0];
	s2 =	stileid.u32  }
0x1f7: {  	s1 =	rddreg [dreg:$0x1];
	p0 =	sne.s32 s2, $0x0  }
0x1f8: {  	s3 =	rddreg [dreg:$0x2];
	[bflag:$0x3] =	sbarrier.arrive $0xFFFF;
	s2 =	simm.s32 @!p0 $0x1C03  }
0x1f9: {  	[timem:s3], [sflag:s2] =	dma.local @!p0 [hbm:s0], s1  }
0x1fa: {  	s0 =	simm.s32 @!p0 $0x3  }
0x1fb: {  	_ =	swait.ge @!p0 [sflag:s0], s1  }
0x1fc: {  	s1 =	ssub.s32 @!p0 $0x0, s1;
	[sflag:s0] =	ssyncset.done @!p0 $0x0  }
0x1fd: {  	[sflag:s0] =	ssyncadd.s32 @!p0 s1  }
0x1fe: {  	[bflag:$0x3] =	sbarrier.arrive $0xFFFF  }
0x1ff: {  	_ =	shalt  }

// kernel: sparse-core-data-format-call.cloned.1.call-start
scs
called_computation_lowered:
.L_overlay_start_0:
0x0: {  	s2 =	sld [smem:$0x3FD9]  }
0x1: {  	s3 =	sld [smem:$0x3FFE];
	_ =	sdelay $0x1  }
0x2: {  	s1 =	srdreg.scid  }
0x3: {  	s0 =	sand.u32 $0x1, s1  }
0x4: {  	s15 =	sshll.u32 s0, $0xA;
	s2 =	sadd.s32 s3, s2  }
0x5: {  	s2 =	sadd.s32 s2, s15  }
0x6: {  	[smem:$0x3FC1] =	sst s2  }
0x7: {  	_ = 	snop  }
0x8: {  	s2 =	sld [smem:$0x3FD0];
	_ =	sdelay $0x2  }
0x9: {  	s16 =	simm.s32 $0xA;
	s4 =	simm.s32 $0x10  }
0xa: {  	[smem:s4], [sflag:s16] =	dma.local [hbm:s2], $0x1  }
0xb: {  	_ =	swait.eq [sflag:s16], $0x1  }
0xc: {  	[sflag:s16] =	ssyncset.done $0x0  }
0xd: {  	[sflag:s16] =	ssyncadd.s32 $0xFFFFFFFF  }
0xe: {  	s17 =	sld [smem:$0x10];
	(tm) =	ssettm $0x1  }
0xf: {  	s18 =	sld [smem:$0x3FFB];
	_ =	sdelay $0x3  }
0x10: {  	_ =	strace s18  }
0x11: {  	s3 =	sld [smem:$0x3FFC];
	_ =	sdelay $0x3  }
0x12: {  	_ =	strace s3  }
0x13: {  	s3 =	sld [smem:$0x3FFD];
	_ =	sdelay $0x3  }
0x14: {  	_ =	strace s3  }
0x15: {  	_ =	strace $0x8FFFFFFF  }
0x16: {  	s19 =	sld [smem:$0x3FDB];
	_ =	sdelay $0x1  }
0x17: {  	s20 =	simm.s32 $_scs_section_size  }
0x18: {  	s5 =	simm.s32 $_size__tile_overlayer_lowered;
	s6 =	simm.s32 $_tile_overlayer_lowered  }
0x19: {  	s23 =	simm.s32 $0x1BFF;
	s22 =	sshll.u32 s6, $0x1;
	s3 =	sadd.s32 s20, s19  }
0x1a: {  	s7 =	simm.s32 $0x0;
	s21 =	sshll.u32 s5, $0x1;
	s5 =	sadd.s32 s22, s3  }
0x1b: {  	[timem:s7], [sflag:s23] =	dma.local [hbm:s5], s21  }
0x1c: {  	_ =	swait.ge [sflag:s23], s21  }
0x1d: {  	s4 =	ssub.s32 $0x0, s21;
	[sflag:s23] =	ssyncset.done $0x0  }
0x1e: {  	[sflag:s23] =	ssyncadd.s32 s4;
	_ =	sdelay $0x1  }
0x1f: {  	s24 =	simm.s32 $0x1B8B  }
0x20: {  	_ =	swait.ge [sflag:s24], $0x1  }
0x21: {  	[sflag:s24] =	ssyncset.done $0x0  }
0x22: {  	s26 =	simm.s32 $0x1B8E;
	s25 =	sld [smem:$0x3FFE];
	[sflag:s24] =	ssyncadd.s32 $0xFFFFFFFF  }
0x23: {  	s27 =	simm.s32 $execute0_lowered;
	[smem:$0x3FD2] =	sst s26  }
0x24: {  	s5 =	sshll.u32 s27, $0x1;
	_ =	strace $0x8000004C;
	[dreg:$0x1] =	wrdreg $0xFFFFFFFF  }
0x25: {  	s28 =	simm.s32 $_size_execute0_lowered;
	s3 =	sadd.s32 s3, s5;
	[dreg:$0x0] =	wrdreg $0x0  }
0x26: {  	s5 =	sshll.u32 s28, $0x1;
	[dreg:$0x2] =	wrdreg s3  }
0x27: {  	[dreg:$0x3] =	wrdreg s5  }
0x28: {  	[dreg:$0x4] =	wrdreg $0xC0  }
0x29: {  	_ =	task [dreg:s7], $0x5FFFF  }
0x2a: {  	[dreg:$0x1] =	wrdreg $0xFFFFFFFF  }
0x2b: {  	[dreg:$0x0] =	wrdreg $0x60  }
0x2c: {  	[dreg:$0x2] =	wrdreg s25  }
0x2d: {  	[dreg:$0x3] =	wrdreg s17  }
0x2e: {  	[dreg:$0x4] =	wrdreg $0x9  }
0x2f: {  	_ =	task.clear_ibuf [dreg:s7], $0x5FFFF;
	_ =	strace $0x9000004C  }
0x30: {  	s29 =	simm.s32 $0x9;
	_ =	strace $0x8000004E  }
0x31: {  	_ =	swait.ge [sflag:s29], $0x1  }
0x32: {  	[sflag:s29] =	ssyncadd.s32 $0xFFFFFFFF  }
0x33: {  	_ =	strace $0x9000004E  }
0x34: {  	_ =	sfence  }
0x35: {  	s30 =	sld [smem:$0x0];
	_ =	sdelay $0x2  }
0x36: {  	s31 =	sshll.u32 s1, $0xD;
	s1 =	sshrl.u32 s1, $0x2  }
0x37: {  	s3 =	sand.u32 $0x4000, s31;
	s1 =	sadd.s32 s1, s30  }
0x38: {  	s0 =	sor.u32 s3, s0;
	s1 =	sshll.u32 s1, $0x11  }
0x39: {  	s0 =	sor.u32 s1, s0  }
0x3a: {  	s0 =	sadd.s32 $0x8F2B, s0  }
0x3b: {  	[sflag:s0] =	ssyncadd.remote.s32 $0x1  }
0x3c: {  	_ =	sfence.sel $0xFFFF  }
0x3d: {  	[dreg:$0x0] =	wrdreg $0xFFFFFFFF;
	(pc) =	sbr.abs _section_cstart, $3  }
0x3e: {  	[dreg:$0x1] =	wrdreg $0xFFFFFFFF  }
0x3f: {  	_ =	task.clear_ibuf [dreg:s7], $0x2FFFF;
	_ =	strace $0x9FFFFFFF  }
0x40: {  	(tm) =	ssettm $0x7FFFFFFF  }
0x41: {  	_ =	shalt  }
tec
execute0_lowered:
.L_overlay_start_1:
0x0: {  	(tag) =	ssettag $0x1  }
0x1: {  	s4 =	rddreg [dreg:$0x0]  }
0x2: {  	s0 =	srdreg.scid;
	s2 =	rddreg [dreg:$0x1]  }
0x3: {  	s1 =	stileid.u32;
	s5 =	simm.s32 $0x1;
	s0 =	sshll.u32 s0, $0x4  }
0x4: {  	s7 =	simm.s32 $0x2;
	s11 =	simm.s32 $0x0;
	s3 =	sand.u32 $0x10, s0  }
.Ltmp0:
0x5: {  	p0 =	por $0x0, $0x0;
	s3 =	sor.u32 s1, s3;
	(pc) =	sbr.rel .LBB1_1-.Ltmp0, $4  }
0x6: {  	s8 =	simm.s32 $0x7A1400;
	s10 =	simm.s32 $0x0;
	s3 =	sshll.u32 s3, $0x7  }
0x7: {  	s0 =	rddreg [dreg:$0x2];
	_ =	strace $0x8000004D;
	s6 =	ssub.s32 $0xF4200, s3  }
0x8: {  	s4 =	sadd.s32 $0x1800, s4;
	[sflag:s5] =	ssyncpa.u1 $0x0;
	s6 =	sshrl.u32 s6, $0xC  }
0x9: {  	[sflag:s7] =	ssyncpa.u1 $0x0;
	s9 =	smov.u32 s3;
	s7 =	sadd.s32 $0x2, s6  }
.LBB1_5:
0xa: {  	s13 =	sadd.s32 $0x1000, s9  }
0xb: {  	p2 =	sgt.s32 s13, $0xF423F  }
0xc: {  	s13 =	smov.u32 @p2 s3;
	p2 =	sne.s32 s10, s7  }
.Ltmp1:
0xd: {  	p1 =	slt.u32 s10, $0x2;
	(pc) =	sbr.rel @!p2 .LBB1_6-.Ltmp1, $4  }
0xe: {  	s12 =	simm.s32 @!p1 $0x2  }
0xf: {  	s14 =	sadd.s32 $0x1, s10;
	_ =	swait.ge @!p1 [sflag:s12], $0x1000  }
0x10: {  	s11 =	smov.u32 s9;
	p0 =	por !p0, !p0;
	[sflag:s12] =	ssyncset.done @!p1 $0x0  }
0x11: {  	s10 =	smov.u32 s14;
	s9 =	smov.u32 s13;
	[sflag:s12] =	ssyncadd.s32 @!p1 $0xFFFFF000  }
.LBB1_1:
0x12: {  	p1 =	sgt.u32 s10, s6  }
0x13: {  	s13 =	smov.u32 s9;
	p2 =	sgt.s32 @!p1 s9, $0xF41C0  }
0x14: {  	s12 =	sand.u32 @!p1 $0x1FFFFFF, s9;
	s14 =	sshra.s32 @!p1 s9, $0x1F;
	p2 =	por !p2, p1  }
0x15: {  	s15 =	smulhi.u32 @!p1 $0x218DEF5, s12;
	s14 =	sand.u32 @!p1 s14, s9;
	s13 =	simm.s32 @p2 $0xF41C0  }
0x16: {  	s13 =	ssub.s32 @!p1 s13, s14  }
0x17: {  	s14 =	sshrl.u32 @!p1 s15, $0xD;
	s13 =	sadd.s32 @!p1 $0xFFF0BE40, s13  }
0x18: {  	s15 =	sxor.u32 @!p1 $0xFFFFFFFF, s10;
	s14 =	smul.u32 @!p1 $0xF4240, s14;
	s16 =	sshll.u32 @!p1 s13, $0x7  }
0x19: {  	s15 =	sshll.u32 @!p1 s15, $0xC;
	p2 =	sgt.s32 @!p1 s13, $0x7F;
	s13 =	ssub.s32 @!p1 $0x4000, s16  }
0x1a: {  	s12 =	ssub.s32 @!p1 s12, s14;
	p2 =	por !p2, p1;
	s14 =	sand.u32 @!p1 $0x1000, s15  }
0x1b: {  	s15 =	simm.s32 @!p1 $0x20;
	s13 =	sshrl.u32 @!p1 s13, $0x2;
	s12 =	sshll.u32 @!p1 s12, $0x4  }
0x1c: {  	s16 =	simm.s32 @!p1 $0x80;
	s13 =	simm.s32 @!p2 $0x0;
	s12 =	sadd.s32 @!p1 s4, s12  }
0x1d: {  	[tilespmem:s14], [sflag:$0x1] =	stream.strided.gather @!p1 [hbm4b:s12+s15], s13, s16, s15, $0x38;
	[tilespmem:$0x4040] =	vst v63  }
0x1e: {  	p1 =	seq.s32 s10, $0x0  }
0x1f: {  	p2 =	sge.u32 @!p1 s10, s7  }
0x20: {  	p1 =	por p1, p2  }
.Ltmp2:
0x21: {  	_ = 	snop;
	(pc) =	sbr.rel @p1 .LBB1_5-.Ltmp2, $1  }
0x22: {  	_ =	sdelay $0x3  }
0x23: {  	p1 =	sgt.s32 s11, $0xF41C0;
	s12 =	smov.u32 s11;
	s13 =	sshra.s32 s11, $0x1F  }
0x24: {  	s12 =	simm.s32 @!p1 $0xF41C0;
	s13 =	sand.u32 s13, s11  }
0x25: {  	s12 =	ssub.s32 s12, s13  }
0x26: {  	s12 =	sadd.s32 $0xFFF0BE40, s12  }
0x27: {  	s28 =	sshll.u32 s12, $0x7  }
0x28: {  	s13 =	ssub.s32 $0x4000, s28  }
0x29: {  	p1 =	sgt.s32 s12, $0x7F;
	s12 =	sshrl.u32 s13, $0x2  }
0x2a: {  	s13 =	simm.s32 $0x1;
	s12 =	simm.s32 @p1 $0x0  }
0x2b: {  	s13 =	simm.s32 @!p0 $0x0;
	_ =	swait.ge [sflag:s5], s12  }
0x2c: {  	s14 =	sshll.u32 s13, $0xC;
	s12 =	ssub.s32 $0x0, s12;
	[sflag:s5] =	ssyncset.done $0x0  }
0x2d: {  	s16 =	sor.u32 $0x10, s14;
	[sflag:s5] =	ssyncadd.s32 s12  }
0x2e: {  	s29 =	smul.u32 $0x4080, s13;
	v1 =	vld [tilespmem:s16+$0x0]  }
0x2f: {  	s30 =	sand.u32 $0x1, s10;
	v0 =	vld [tilespmem:s16+$0xFFFFFFF0]  }
0x30: {  	s13 =	smul.u32 $0x4080, s30;
	s12 =	sshrl.u32 s29, $0x2  }
0x31: {  	s14 =	sor.u32 $0x2000, s12  }
0x32: {  	s31 =	sshrl.u32 s13, $0x2;
	s13 =	sadd.s32 $0x0, s14  }
0x33: {  	s15 =	simm.s32 $0x4;
	s12 =	sor.u32 $0x2000, s31;
	s16 =	sadd.s32 $0x20, s16;
	[tilespmem:s13+$0x810 ss:$0x81] =	vst.msk $0xffff, v1  }
.LBB1_3:
0x34: {  	v1 =	vld [tilespmem:s16+$0x0];
	p1 =	sne.s32 s15, $0x1FC;
	[tilespmem:s13+$0x0 ss:$0x81] =	vst.msk $0xffff, v0;
	s13 =	smov.u32 s15;
	s15 =	sadd.s32 $0x4, s15  }
.Ltmp3:
0x35: {  	v0 =	vld [tilespmem:s16+$0xFFFFFFF0];
	(pc) =	sbr.rel @p1 .LBB1_3-.Ltmp3, $4  }
0x36: {  	_ = 	snop  }
0x37: {  	s13 =	sshra.s32 s13, $0x2  }
0x38: {  	s13 =	sadd.s32 s13, s14  }
0x39: {  	s16 =	sadd.s32 $0x20, s16;
	[tilespmem:s13+$0x810 ss:$0x81] =	vst.msk $0xffff, v1  }
0x3a: {  	s14 =	sshll.u32 s11, $0x3  }
0x3b: {  	s30 =	sand.u32 $0x7F, s11;
	s14 =	sand.u32 $0xFFFFFC00, s14  }
0x3c: {  	s11 =	sor.u32 s30, s14  }
0x3d: {  	s15 =	smulhi.u32 $0x218D6287, s11;
	_ =	sdelay $0x1  }
0x3e: {  	s14 =	smulhi.u32 $0x218D6287, s14;
	s15 =	sshrl.u32 s15, $0x11  }
0x3f: {  	s15 =	smul.u32 $0xF4280, s15  }
0x40: {  	s14 =	sshrl.u32 s14, $0x11  }
.Ltmp4:
0x41: {  	s14 =	sand.u32 $0x1F, s14;
	s11 =	ssub.s32 s11, s15;
	(pc) =	sbr.rel .LBB1_5-.Ltmp4, $4  }
0x42: {  	s14 =	smul.u32 $0x1E850, s14;
	s15 =	sshrl.u32 s11, $0x3;
	s11 =	sand.u32 $0x7, s11  }
0x43: {  	s15 =	sadd.s32 s2, s15;
	s11 =	sshll.u32 s11, $0x12  }
0x44: {  	[tilespmem:s13+$0x0 ss:$0x81] =	vst.msk $0xffff, v0;
	s31 =	sadd.s32 s14, s15;
	s11 =	sor.u32 $0x400, s11  }
0x45: {  	[hbm4b:s31+s11] =	stream.strided.scatter [tilespmem:s12], [sflag:$0x2], $0x1000, s8, s11, $0x20;
	[tilespmem:$0x4040] =	vst v63  }
.LBB1_6:
0x46: {  	_ =	sfence.sel $0x180000  }
0x47: {  	s2 =	simm.s32 $0x1;
	[bflag:$0x0] =	sbarrier.arrive $0xFFFF  }
0x48: {  	s31 =	simm.s32 $0x2;
	[sflag:s2] =	ssyncpa.u1 $0x1  }
0x49: {  	[sflag:s31] =	ssyncpa.u1 $0x1  }
0x4a: {  	p0 =	sne.s32 s1, $0x0;
	_ =	strace $0x9000004D  }
0x4b: {  	s0 =	sadd.s32 @!p0 $0x100000, s0;
	[bflag:$0x2] =	sbarrier.arrive $0xFFFF  }
0x4c: {  	[sflag:s0] =	ssyncadd.tile.s32 @!p0 $0x1;
	_ =	shalt  }
.Lfunc_end1:
_tile_overlayer_lowered:
.L_overlay_start_2:
0x4d: {  	(tag) =	ssettag $0x2  }
0x4e: {  	s0 =	rddreg [dreg:$0x0];
	s2 =	stileid.u32  }
0x4f: {  	s1 =	rddreg [dreg:$0x1];
	p0 =	sne.s32 s2, $0x0  }
0x50: {  	s3 =	rddreg [dreg:$0x2];
	[bflag:$0x3] =	sbarrier.arrive $0xFFFF;
	s2 =	simm.s32 @!p0 $0x1C01  }
0x51: {  	[timem:s3], [sflag:s2] =	dma.local @!p0 [hbm:s0], s1  }
0x52: {  	s0 =	simm.s32 @!p0 $0x1  }
0x53: {  	_ =	swait.ge @!p0 [sflag:s0], s1  }
0x54: {  	s1 =	ssub.s32 @!p0 $0x0, s1;
	[sflag:s0] =	ssyncset.done @!p0 $0x0  }
0x55: {  	[sflag:s0] =	ssyncadd.s32 @!p0 s1  }
0x56: {  	[bflag:$0x3] =	sbarrier.arrive $0xFFFF  }
0x57: {  	_ =	shalt  }

</sc_bundles>
